<compile_context>
chip_gen: v7x
topology: tpu7x:2x2x1
jax: 0.10.2.dev20260603
libtpu: 0.0.44.dev20260713+nightly
codegen_flags: <defaults>
</compile_context>

<pallas_src>
import functools

import jax
import jax.numpy as jnp
from jax import lax
from jax.experimental import pallas as pl
from jax.experimental.pallas import tpu as pltpu
from jax.experimental.pallas import tpu_sc as plsc

_N = 10000
_E = 320000
_D = 128

_DW = 144
_B = 40
_NW = 32
_EPW = _E // _NW
_NBLK = _EPW // _B
_NPAD = 10240
_RPS = _NPAD // 16


def _proj_body(x_ref, ws_ref, wd_ref, ps_ref, pd_ref):
    x = x_ref[...]
    ps_ref[...] = jnp.dot(x, ws_ref[...], preferred_element_type=jnp.float32)
    pd_ref[...] = jnp.dot(x, wd_ref[...], preferred_element_type=jnp.float32)


def _project(meta_xs, w_src, w_dst):
    blk = 1000
    wspec = pl.BlockSpec((_D, 2 * _D), lambda i: (0, 0))
    ospec = pl.BlockSpec((blk, 2 * _D), lambda i: (i, 0))
    return pl.pallas_call(
        _proj_body,
        grid=(_N // blk,),
        in_specs=[pl.BlockSpec((blk, _D), lambda i: (i, 0)), wspec, wspec],
        out_specs=[ospec, ospec],
        out_shape=[
            jax.ShapeDtypeStruct((_N, 2 * _D), jnp.float32),
            jax.ShapeDtypeStruct((_N, 2 * _D), jnp.float32),
        ],
    )(meta_xs, w_src, w_dst)


def _edge_body(ef_ref, we_ref, be_ref, out_ref):
    out_ref[...] = (
        jnp.dot(ef_ref[...], we_ref[...], preferred_element_type=jnp.float32)
        + be_ref[...]
    )


def _edge_mlp(edge_feature, w_e, b_e):
    blk = 2000
    return pl.pallas_call(
        _edge_body,
        grid=(_E // blk,),
        in_specs=[
            pl.BlockSpec((blk, _D), lambda i: (i, 0)),
            pl.BlockSpec((_D, 2 * _D), lambda i: (0, 0)),
            pl.BlockSpec((1, 2 * _D), lambda i: (0, 0)),
        ],
        out_specs=pl.BlockSpec((blk, 2 * _D), lambda i: (i, 0)),
        out_shape=jax.ShapeDtypeStruct((_E, 2 * _D), jnp.float32),
    )(edge_feature, w_e, b_e)


_BB = 16
_NBLK2 = _EPW // _BB
_PAIRS = (_NBLK2 - 1) // 2


def _sc_msg_body(psrc, pdst, eb, srci, dsti, zrows, cntdep, out_sum,
                 sidx, didx, eb0, eb1, ps0, ps1, pd0, pd1, mg0, mg1,
                 sc0, sc1, acc, sg0, sg1, ss0, ss1):
    del cntdep
    c = lax.axis_index("c")
    s = lax.axis_index("s")
    wid = s * 2 + c

    ebufs = (eb0, eb1)
    psbs = (ps0, ps1)
    pdbs = (pd0, pd1)
    mgbs = (mg0, mg1)
    scidx = (sc0, sc1)
    sgs = (sg0, sg1)
    sss = (ss0, ss1)

    pltpu.sync_copy(zrows.at[pl.ds(s * _RPS, _RPS)],
                    acc.at[pl.ds(s * _RPS, _RPS)])
    plsc.subcore_barrier()

    base_e = wid * _EPW
    pltpu.sync_copy(srci.at[pl.ds(base_e, _EPW)], sidx)
    pltpu.sync_copy(dsti.at[pl.ds(base_e, _EPW)], didx)

    def issue(b, st):
        pltpu.async_copy(eb.at[pl.ds(base_e + b * _BB, _BB)], ebufs[st],
                         sgs[st])
        pltpu.async_copy(psrc.at[sidx.at[pl.ds(b * _BB, _BB)]], psbs[st],
                         sgs[st])
        pltpu.async_copy(pdst.at[didx.at[pl.ds(b * _BB, _BB)]], pdbs[st],
                         sgs[st])

    def wait_gathers(st):
        pltpu.make_async_copy(eb.at[pl.ds(0, _BB)], ebufs[st], sgs[st]).wait()
        pltpu.make_async_copy(psrc.at[pl.ds(0, _BB)], psbs[st],
                              sgs[st]).wait()
        pltpu.make_async_copy(psrc.at[pl.ds(0, _BB)], pdbs[st],
                              sgs[st]).wait()

    def drain_scatter(st):
        pltpu.make_async_copy(zrows.at[pl.ds(0, _BB)], mgbs[st],
                              sss[st]).wait()

    def compute(st):
        @plsc.parallel_loop(0, _BB, unroll=2)
        def do_edge(e):
            for j in range(8):
                o = j * 16
                g = (psbs[st][e, pl.ds(o, 16)] + pdbs[st][e, pl.ds(o, 16)]
                     + ebufs[st][e, pl.ds(o, 16)])
                v = (psbs[st][e, pl.ds(o + _D, 16)]
                     + pdbs[st][e, pl.ds(o + _D, 16)]
                     + ebufs[st][e, pl.ds(o + _D, 16)])
                mgbs[st][e, pl.ds(o, 16)] = v / (1.0 + jnp.exp(-g))

    def scatter(b, st):
        scidx[st][...] = sidx[pl.ds(b * _BB, _BB)]
        pltpu.async_copy(mgbs[st], acc.at[scidx[st]], sss[st], add=True)

    issue(0, 0)

    def pair(m, carry):
        b0 = 2 * m
        b1 = b0 + 1
        issue(b1, 1)
        wait_gathers(0)

        @pl.when(m >= 1)
        def _():
            drain_scatter(0)

        compute(0)
        scatter(b0, 0)
        issue(b0 + 2, 0)
        wait_gathers(1)

        @pl.when(m >= 1)
        def _():
            drain_scatter(1)

        compute(1)
        scatter(b1, 1)
        return carry

    lax.fori_loop(0, _PAIRS, pair, 0)
    wait_gathers(0)
    drain_scatter(0)
    compute(0)
    scatter(_NBLK2 - 1, 0)
    drain_scatter(0)
    drain_scatter(1)

    plsc.subcore_barrier()
    pltpu.sync_copy(acc.at[pl.ds(s * _RPS, _RPS)],
                    out_sum.at[pl.ds(c * _NPAD + s * _RPS, _RPS)])


def _sc_msg(psrc, pdst, eb, src, dst, zrows, cntdep):
    mesh = plsc.VectorSubcoreMesh(core_axis_name="c", subcore_axis_name="s")
    fn = functools.partial(
        pl.kernel,
        mesh=mesh,
        out_type=jax.ShapeDtypeStruct((2 * _NPAD, _D), jnp.float32),
        scratch_types=[
            pltpu.VMEM((_EPW,), jnp.int32),
            pltpu.VMEM((_EPW,), jnp.int32),
            pltpu.VMEM((_BB, 2 * _D), jnp.float32),
            pltpu.VMEM((_BB, 2 * _D), jnp.float32),
            pltpu.VMEM((_BB, 2 * _D), jnp.float32),
            pltpu.VMEM((_BB, 2 * _D), jnp.float32),
            pltpu.VMEM((_BB, 2 * _D), jnp.float32),
            pltpu.VMEM((_BB, 2 * _D), jnp.float32),
            pltpu.VMEM((_BB, _D), jnp.float32),
            pltpu.VMEM((_BB, _D), jnp.float32),
            pltpu.VMEM((_BB,), jnp.int32),
            pltpu.VMEM((_BB,), jnp.int32),
            pltpu.VMEM_SHARED((_NPAD, _D), jnp.float32),
            pltpu.SemaphoreType.DMA,
            pltpu.SemaphoreType.DMA,
            pltpu.SemaphoreType.DMA,
            pltpu.SemaphoreType.DMA,
        ],
    )(_sc_msg_body)
    return fn(psrc, pdst, eb, src, dst, zrows, cntdep)


def _sc_cnt_body(srci, zrows, out_cnt,
                 sidx, mg0, mg1, sc0, sc1, acc, ss0, ss1):
    c = lax.axis_index("c")
    s = lax.axis_index("s")
    wid = s * 2 + c

    mgbs = (mg0, mg1)
    scidx = (sc0, sc1)
    sss = (ss0, ss1)

    pltpu.sync_copy(zrows.at[pl.ds(s * _RPS, _RPS)],
                    acc.at[pl.ds(s * _RPS, _RPS)])

    base_e = wid * _EPW
    pltpu.sync_copy(srci.at[pl.ds(base_e, _EPW)], sidx)

    ones16 = jnp.ones((16,), jnp.float32)

    def fill_ones(e, carry):
        for j in range(8):
            mg0[e, pl.ds(j * 16, 16)] = ones16
            mg1[e, pl.ds(j * 16, 16)] = ones16
        return carry

    lax.fori_loop(0, _BB, fill_ones, 0)
    plsc.subcore_barrier()

    def drain_scatter(st):
        pltpu.make_async_copy(zrows.at[pl.ds(0, _BB)], mgbs[st],
                              sss[st]).wait()

    def scatter(b, st):
        scidx[st][...] = sidx[pl.ds(b * _BB, _BB)]
        pltpu.async_copy(mgbs[st], acc.at[scidx[st]], sss[st], add=True)

    def pair2(m, carry):
        @pl.when(m >= 1)
        def _():
            drain_scatter(0)
            drain_scatter(1)

        scatter(2 * m, 0)
        scatter(2 * m + 1, 1)
        return carry

    lax.fori_loop(0, _PAIRS, pair2, 0)
    drain_scatter(0)
    scatter(_NBLK2 - 1, 0)
    drain_scatter(0)
    drain_scatter(1)
    plsc.subcore_barrier()
    pltpu.sync_copy(acc.at[pl.ds(s * _RPS, _RPS)],
                    out_cnt.at[pl.ds(c * _NPAD + s * _RPS, _RPS)])


def _sc_cnt(src, zrows):
    mesh = plsc.VectorSubcoreMesh(core_axis_name="c", subcore_axis_name="s")
    fn = functools.partial(
        pl.kernel,
        mesh=mesh,
        out_type=jax.ShapeDtypeStruct((2 * _NPAD, _D), jnp.float32),
        scratch_types=[
            pltpu.VMEM((_EPW,), jnp.int32),
            pltpu.VMEM((_BB, _D), jnp.float32),
            pltpu.VMEM((_BB, _D), jnp.float32),
            pltpu.VMEM((_BB,), jnp.int32),
            pltpu.VMEM((_BB,), jnp.int32),
            pltpu.VMEM_SHARED((_NPAD, _D), jnp.float32),
            pltpu.SemaphoreType.DMA,
            pltpu.SemaphoreType.DMA,
        ],
    )(_sc_cnt_body)
    return fn(src, zrows)


def _node_body(p0_ref, p1_ref, c0_ref, c1_ref, x_ref, co_ref, gs_ref,
               wg_ref, wgl_ref, bg_ref, wv_ref, wvl_ref, bv_ref,
               gamma_ref, beta_ref, out_ref):
    sums = p0_ref[...] + p1_ref[...]
    cnt = c0_ref[:, :1] + c1_ref[:, :1]
    agg = jnp.where(cnt > 0, sums / jnp.maximum(cnt, 1.0), 0.0)
    cat = jnp.concatenate([x_ref[...], agg, co_ref[...]], axis=1)
    gsb = gs_ref[...]
    g = (jnp.dot(cat, wg_ref[...], preferred_element_type=jnp.float32)
         + gsb * wgl_ref[...] + bg_ref[...])
    v = (jnp.dot(cat, wv_ref[...], preferred_element_type=jnp.float32)
         + gsb * wvl_ref[...] + bv_ref[...])
    node = jax.nn.sigmoid(g) * v
    mu = jnp.mean(node, axis=-1, keepdims=True)
    var = jnp.mean((node - mu) ** 2, axis=-1, keepdims=True)
    out_ref[...] = ((node - mu) / jnp.sqrt(var + 1e-5) * gamma_ref[...]
                    + beta_ref[...])


def _node_stage(p0, p1, c0, c1, meta_xs, coords, gs2, wg_cat, wg_last, bg2,
                wv_cat, wv_last, bv2, gamma2, beta2):
    blk = 1000
    nb = _N // blk
    return pl.pallas_call(
        _node_body,
        grid=(nb,),
        in_specs=[
            pl.BlockSpec((blk, _D), lambda i: (i, 0)),
            pl.BlockSpec((blk, _D), lambda i: (i, 0)),
            pl.BlockSpec((blk, _D), lambda i: (i, 0)),
            pl.BlockSpec((blk, _D), lambda i: (i, 0)),
            pl.BlockSpec((blk, _D), lambda i: (i, 0)),
            pl.BlockSpec((blk, _D), lambda i: (i, 0)),
            pl.BlockSpec((blk, 1), lambda i: (i, 0)),
            pl.BlockSpec((3 * _D, _D), lambda i: (0, 0)),
            pl.BlockSpec((1, _D), lambda i: (0, 0)),
            pl.BlockSpec((1, _D), lambda i: (0, 0)),
            pl.BlockSpec((3 * _D, _D), lambda i: (0, 0)),
            pl.BlockSpec((1, _D), lambda i: (0, 0)),
            pl.BlockSpec((1, _D), lambda i: (0, 0)),
            pl.BlockSpec((1, _D), lambda i: (0, 0)),
            pl.BlockSpec((1, _D), lambda i: (0, 0)),
        ],
        out_specs=pl.BlockSpec((blk, _D), lambda i: (i, 0)),
        out_shape=jax.ShapeDtypeStruct((_N, _D), jnp.float32),
    )(p0, p1, c0, c1, meta_xs, coords, gs2, wg_cat, wg_last, bg2,
      wv_cat, wv_last, bv2, gamma2, beta2)


def kernel(meta_xs, edge_index, edge_feature, global_state, cells, coords,
           Wg_b, bg_b, Wv_b, bv_b, Wg_n, bg_n, Wv_n, bv_n, gamma, beta):
    del cells
    w_src = jnp.concatenate([Wg_b[:_D], Wv_b[:_D]], axis=1)
    w_dst = jnp.concatenate([Wg_b[_D:2 * _D], Wv_b[_D:2 * _D]], axis=1)

    w_e = jnp.concatenate([Wg_b[2 * _D:], Wv_b[2 * _D:]], axis=1)
    b_e = jnp.concatenate([bg_b, bv_b]).reshape(1, 2 * _D)
    src = edge_index[0]
    dst = edge_index[1]
    zrows = jnp.zeros((_NPAD, _D), jnp.float32)
    cnts = _sc_cnt(src, zrows)
    psrc, pdst = _project(meta_xs, w_src, w_dst)
    eb = _edge_mlp(edge_feature, w_e, b_e)
    sums = _sc_msg(psrc, pdst, eb, src, dst, zrows, cnts)

    gs2 = global_state.reshape(_N, 1)
    p0 = lax.slice(sums, (0, 0), (_N, _D))
    p1 = lax.slice(sums, (_NPAD, 0), (_NPAD + _N, _D))
    c0 = lax.slice(cnts, (0, 0), (_N, _D))
    c1 = lax.slice(cnts, (_NPAD, 0), (_NPAD + _N, _D))
    return _node_stage(
        p0, p1, c0, c1, meta_xs, coords, gs2,
        Wg_n[:3 * _D], Wg_n[3 * _D:].reshape(1, _D), bg_n.reshape(1, _D),
        Wv_n[:3 * _D], Wv_n[3 * _D:].reshape(1, _D), bv_n.reshape(1, _D),
        gamma.reshape(1, _D), beta.reshape(1, _D),
    )

# --- scband reference (transcript-rebuilt; emitter-appended) ---
"""Pipeline reference for scband-general-conv-10239202034065 (READ-ONLY COPY).

The authoritative reference and input builder live on the scoring server;
editing this copy changes nothing except your own understanding.
"""

import jax, jax.numpy as jnp
import numpy as np

N = 10000
E = 320000
D = 128

def gated_mlp(x, Wg, bg, Wv, bv):
    # GatedMLP(in_dim, out_dim): sigmoid-gated linear projection
    return jax.nn.sigmoid(x @ Wg + bg) * (x @ Wv + bv)

def layer_norm(x, gamma, beta, eps=1e-5):
    mu = jnp.mean(x, axis=-1, keepdims=True)
    var = jnp.mean((x - mu) ** 2, axis=-1, keepdims=True)
    return (x - mu) / jnp.sqrt(var + eps) * gamma + beta

def setup_inputs(seed: int = 0):
    key = jax.random.key(seed)
    ks = jax.random.split(key, 12)
    s = 0.05
    return {
        "meta_xs": jax.random.normal(ks[0], (N, D), jnp.float32),
        "edge_index": jax.random.randint(ks[1], (2, E), 0, N, dtype=jnp.int32),
        "edge_feature": jax.random.normal(ks[2], (E, D), jnp.float32),
        "global_state": jax.random.normal(ks[3], (N,), jnp.float32),
        "cells": jax.random.normal(ks[4], (N,), jnp.float32),
        "coords": jax.random.normal(ks[5], (N, D), jnp.float32),
        "Wg_b": jax.random.normal(ks[6], (3 * D, D), jnp.float32) * s,
        "bg_b": jnp.zeros((D,), jnp.float32),
        "Wv_b": jax.random.normal(ks[7], (3 * D, D), jnp.float32) * s,
        "bv_b": jnp.zeros((D,), jnp.float32),
        "Wg_n": jax.random.normal(ks[8], (3 * D + 1, D), jnp.float32) * s,
        "bg_n": jnp.zeros((D,), jnp.float32),
        "Wv_n": jax.random.normal(ks[9], (3 * D + 1, D), jnp.float32) * s,
        "bv_n": jnp.zeros((D,), jnp.float32),
        "gamma": jnp.ones((D,), jnp.float32),
        "beta": jnp.zeros((D,), jnp.float32),
    }

def reference(meta_xs, edge_index, edge_feature, global_state, cells, coords,
              Wg_b, bg_b, Wv_b, bv_b, Wg_n, bg_n, Wv_n, bv_n, gamma, beta):
    # graphtype == 'crystal' path of Convolution.message
    src = edge_index[0]
    dst = edge_index[1]
    xi = jnp.take(meta_xs, src, axis=0)       # node_inp_i[edge_index_i]
    xj = jnp.take(meta_xs, dst, axis=0)       # node_inp_j[edge_index_j]
    concat_edge = jnp.concatenate([xi, xj, edge_feature], axis=1)
    concat_edge = gated_mlp(concat_edge, Wg_b, bg_b, Wv_b, bv_b)  # bond_linears
    # average_edge_vector: scatter_mean by src, nan -> 0
    summed = jax.ops.segment_sum(concat_edge, src, num_segments=N)
    cnt = jax.ops.segment_sum(jnp.ones((E,), jnp.float32), src, num_segments=N)
    agg = jnp.where(cnt[:, None] > 0, summed / jnp.maximum(cnt[:, None], 1.0), 0.0)
    gs = global_state.reshape(-1, 1)
    # cells reshaped in torch code but unused in the crystal concat
    concat_node = jnp.concatenate([meta_xs, agg, coords, gs], axis=1)
    node = gated_mlp(concat_node, Wg_n, bg_n, Wv_n, bv_n)  # node_linears
    node = layer_norm(node, gamma, beta)
    return node

if __name__ == "__main__":
    import jax
    _d = setup_inputs()
    print(jax.jit(kernel)(*tuple(_d.values())))

</pallas_src>

<mosaic_0001>
#map = affine_map<(d0, d1) -> (0, 0)>
#map1 = affine_map<(d0, d1) -> (0)>
module attributes {stable_mosaic.version = 14 : i64} {
  func.func @_sc_msg_body(%arg0: i32, %arg1: i32, %arg2: memref<10000x256xf32, #tpu.memory_space<hbm>>, %arg3: memref<10000x256xf32, #tpu.memory_space<hbm>>, %arg4: memref<320000x256xf32, #tpu.memory_space<hbm>>, %arg5: memref<320000xi32, #tpu.memory_space<hbm>>, %arg6: memref<320000xi32, #tpu.memory_space<hbm>>, %arg7: memref<10240x128xf32, #tpu.memory_space<hbm>>, %arg8: memref<20480x128xf32, #tpu.memory_space<hbm>>, %arg9: memref<20480x128xf32, #tpu.memory_space<hbm>>, %arg10: memref<10000xi32, #tpu.memory_space<vmem>>, %arg11: memref<10000xi32, #tpu.memory_space<vmem>>, %arg12: memref<16x256xf32, #tpu.memory_space<vmem>>, %arg13: memref<16x256xf32, #tpu.memory_space<vmem>>, %arg14: memref<16x256xf32, #tpu.memory_space<vmem>>, %arg15: memref<16x256xf32, #tpu.memory_space<vmem>>, %arg16: memref<16x256xf32, #tpu.memory_space<vmem>>, %arg17: memref<16x256xf32, #tpu.memory_space<vmem>>, %arg18: memref<16x128xf32, #tpu.memory_space<vmem>>, %arg19: memref<16x128xf32, #tpu.memory_space<vmem>>, %arg20: memref<16xi32, #tpu.memory_space<vmem>>, %arg21: memref<16xi32, #tpu.memory_space<vmem>>, %arg22: memref<10240x128xf32, #tpu.memory_space<vmem_shared>>, %arg23: memref<!tpu.dma_semaphore, #tpu.memory_space<semaphore_mem>>, %arg24: memref<!tpu.dma_semaphore, #tpu.memory_space<semaphore_mem>>, %arg25: memref<!tpu.dma_semaphore, #tpu.memory_space<semaphore_mem>>, %arg26: memref<!tpu.dma_semaphore, #tpu.memory_space<semaphore_mem>>) attributes {dimension_semantics = [#tpu.dimension_semantics<core_parallel>, #tpu.dimension_semantics<subcore_parallel>], iteration_bounds = array<i64: 2, 16>, scalar_prefetch = 0 : i64, scratch_operands = 17 : i64, tpu.core_type = #tpu.core_type<sc_vector_subcore>, window_params = [{transform_indices = #map}, {transform_indices = #map}, {transform_indices = #map}, {transform_indices = #map1}, {transform_indices = #map1}, {transform_indices = #map}, {transform_indices = #map}, {transform_indices = #map}]} {
    %mul3A = arith.constant 2 : i32
    %mul3A_0 = arith.muli %arg1, %mul3A : i32
    %add3A = arith.addi %mul3A_0, %arg0 : i32
    %mul3A_1 = arith.constant 640 : i32
    %mul3A_2 = arith.muli %arg1, %mul3A_1 : i32
    %mul3A_3 = arith.constant 640 : i32
    %mul3A_4 = arith.muli %arg1, %mul3A_3 : i32
    "tpu.region"() ({
      %run_scoped3A = tpu.sem_alloc : memref<!tpu.dma_semaphore, #tpu.memory_space<semaphore_mem>>
      %dma_start3A_80 = arith.constant 0 : i32
      %dma_start3A_81 = tpu.memref_slice %arg22[%mul3A_4, %dma_start3A_80] : memref<10240x128xf32, #tpu.memory_space<vmem_shared>> -> memref<640x128xf32, #tpu.memory_space<vmem_shared>>
      %dma_start3A_82 = arith.constant 0 : i32
      %dma_start3A_83 = tpu.memref_slice %arg7[%mul3A_2, %dma_start3A_82] : memref<10240x128xf32, #tpu.memory_space<hbm>> -> memref<640x128xf32, #tpu.memory_space<hbm>>
      tpu.enqueue_dma source(%dma_start3A_83 : memref<640x128xf32, #tpu.memory_space<hbm>>) target(%dma_start3A_81 : memref<640x128xf32, #tpu.memory_space<vmem_shared>>) target_semaphore(%run_scoped3A : memref<!tpu.dma_semaphore, #tpu.memory_space<semaphore_mem>>)
      %dma_wait3A_84 = arith.constant 0 : i32
      %dma_wait3A_85 = tpu.memref_slice %arg22[%mul3A_4, %dma_wait3A_84] : memref<10240x128xf32, #tpu.memory_space<vmem_shared>> -> memref<640x128xf32, #tpu.memory_space<vmem_shared>>
      %dma_wait3A_86 = arith.constant 0 : i32
      %dma_wait3A_87 = tpu.memref_slice %arg7[%mul3A_2, %dma_wait3A_86] : memref<10240x128xf32, #tpu.memory_space<hbm>> -> memref<640x128xf32, #tpu.memory_space<hbm>>
      tpu.wait_dma2 semaphore(%run_scoped3A : memref<!tpu.dma_semaphore, #tpu.memory_space<semaphore_mem>>) src(%dma_wait3A_87 : memref<640x128xf32, #tpu.memory_space<hbm>>) dst(%dma_wait3A_85 : memref<640x128xf32, #tpu.memory_space<vmem_shared>>)
      tpu.yield
    }) : () -> ()
    %barrier3A = arith.constant 0 : index
    tpu.barrier barrier_id(%barrier3A)
    %mul3A_5 = arith.constant 10000 : i32
    %mul3A_6 = arith.muli %add3A, %mul3A_5 : i32
    "tpu.region"() ({
      %run_scoped3A = tpu.sem_alloc : memref<!tpu.dma_semaphore, #tpu.memory_space<semaphore_mem>>
      %dma_start3A_80 = tpu.memref_slice %arg5[%mul3A_6] : memref<320000xi32, #tpu.memory_space<hbm>> -> memref<10000xi32, #tpu.memory_space<hbm>>
      %dma_start3A_81 = tpu.memref_slice %arg5[%mul3A_6] : memref<320000xi32, #tpu.memory_space<hbm>> -> memref<10000xi32, #tpu.memory_space<hbm>>
      tpu.enqueue_dma source(%dma_start3A_81 : memref<10000xi32, #tpu.memory_space<hbm>>) target(%arg10 : memref<10000xi32, #tpu.memory_space<vmem>>) target_semaphore(%run_scoped3A : memref<!tpu.dma_semaphore, #tpu.memory_space<semaphore_mem>>)
      %dma_wait3A_82 = tpu.memref_slice %arg5[%mul3A_6] : memref<320000xi32, #tpu.memory_space<hbm>> -> memref<10000xi32, #tpu.memory_space<hbm>>
      %dma_wait3A_83 = tpu.memref_slice %arg5[%mul3A_6] : memref<320000xi32, #tpu.memory_space<hbm>> -> memref<10000xi32, #tpu.memory_space<hbm>>
      tpu.wait_dma2 semaphore(%run_scoped3A : memref<!tpu.dma_semaphore, #tpu.memory_space<semaphore_mem>>) src(%dma_wait3A_83 : memref<10000xi32, #tpu.memory_space<hbm>>) dst(%arg10 : memref<10000xi32, #tpu.memory_space<vmem>>)
      tpu.yield
    }) : () -> ()
    "tpu.region"() ({
      %run_scoped3A = tpu.sem_alloc : memref<!tpu.dma_semaphore, #tpu.memory_space<semaphore_mem>>
      %dma_start3A_80 = tpu.memref_slice %arg6[%mul3A_6] : memref<320000xi32, #tpu.memory_space<hbm>> -> memref<10000xi32, #tpu.memory_space<hbm>>
      %dma_start3A_81 = tpu.memref_slice %arg6[%mul3A_6] : memref<320000xi32, #tpu.memory_space<hbm>> -> memref<10000xi32, #tpu.memory_space<hbm>>
      tpu.enqueue_dma source(%dma_start3A_81 : memref<10000xi32, #tpu.memory_space<hbm>>) target(%arg11 : memref<10000xi32, #tpu.memory_space<vmem>>) target_semaphore(%run_scoped3A : memref<!tpu.dma_semaphore, #tpu.memory_space<semaphore_mem>>)
      %dma_wait3A_82 = tpu.memref_slice %arg6[%mul3A_6] : memref<320000xi32, #tpu.memory_space<hbm>> -> memref<10000xi32, #tpu.memory_space<hbm>>
      %dma_wait3A_83 = tpu.memref_slice %arg6[%mul3A_6] : memref<320000xi32, #tpu.memory_space<hbm>> -> memref<10000xi32, #tpu.memory_space<hbm>>
      tpu.wait_dma2 semaphore(%run_scoped3A : memref<!tpu.dma_semaphore, #tpu.memory_space<semaphore_mem>>) src(%dma_wait3A_83 : memref<10000xi32, #tpu.memory_space<hbm>>) dst(%arg11 : memref<10000xi32, #tpu.memory_space<vmem>>)
      tpu.yield
    }) : () -> ()
    %add3A_7 = arith.constant 0 : i32
    %add3A_8 = arith.addi %mul3A_6, %add3A_7 : i32
    %dma_start3A = arith.constant 0 : i32
    %dma_start3A_9 = tpu.memref_slice %arg4[%add3A_8, %dma_start3A] : memref<320000x256xf32, #tpu.memory_space<hbm>> -> memref<16x256xf32, #tpu.memory_space<hbm>>
    %dma_start3A_10 = arith.constant 0 : i32
    %dma_start3A_11 = tpu.memref_slice %arg4[%add3A_8, %dma_start3A_10] : memref<320000x256xf32, #tpu.memory_space<hbm>> -> memref<16x256xf32, #tpu.memory_space<hbm>>
    tpu.enqueue_dma source(%dma_start3A_11 : memref<16x256xf32, #tpu.memory_space<hbm>>) target(%arg12 : memref<16x256xf32, #tpu.memory_space<vmem>>) target_semaphore(%arg23 : memref<!tpu.dma_semaphore, #tpu.memory_space<semaphore_mem>>)
    %dma_start3A_12 = arith.constant 0 : i32
    %dma_start3A_13 = tpu.memref_slice %arg10[%dma_start3A_12] : memref<10000xi32, #tpu.memory_space<vmem>> -> memref<16xi32, #tpu.memory_space<vmem>>
    %dma_start3A_14 = arith.constant 0 : i32
    %dma_start3A_15 = arith.constant 0 : i32
    %dma_start3A_16 = tpu.memref_slice %arg2[%dma_start3A_14, %dma_start3A_15] : memref<10000x256xf32, #tpu.memory_space<hbm>> -> memref<10000x256xf32, #tpu.memory_space<hbm>>
    tpu.enqueue_indirect_dma source(%dma_start3A_16 : memref<10000x256xf32, #tpu.memory_space<hbm>>) target(%arg14 : memref<16x256xf32, #tpu.memory_space<vmem>>) offsets(%dma_start3A_13 : memref<16xi32, #tpu.memory_space<vmem>>) semaphore(%arg23 : memref<!tpu.dma_semaphore, #tpu.memory_space<semaphore_mem>>)
    %dma_start3A_17 = arith.constant 0 : i32
    %dma_start3A_18 = tpu.memref_slice %arg11[%dma_start3A_17] : memref<10000xi32, #tpu.memory_space<vmem>> -> memref<16xi32, #tpu.memory_space<vmem>>
    %dma_start3A_19 = arith.constant 0 : i32
    %dma_start3A_20 = arith.constant 0 : i32
    %dma_start3A_21 = tpu.memref_slice %arg3[%dma_start3A_19, %dma_start3A_20] : memref<10000x256xf32, #tpu.memory_space<hbm>> -> memref<10000x256xf32, #tpu.memory_space<hbm>>
    tpu.enqueue_indirect_dma source(%dma_start3A_21 : memref<10000x256xf32, #tpu.memory_space<hbm>>) target(%arg16 : memref<16x256xf32, #tpu.memory_space<vmem>>) offsets(%dma_start3A_18 : memref<16xi32, #tpu.memory_space<vmem>>) semaphore(%arg23 : memref<!tpu.dma_semaphore, #tpu.memory_space<semaphore_mem>>)
    %scan3A = arith.constant 0 : i32
    %scan3A_22 = arith.constant 0 : i32
    %scan3A_23 = arith.constant 312 : i32
    %scan3A_24 = arith.addi %scan3A_22, %scan3A_23 : i32
    %scan3A_25 = arith.constant 1 : i32
    scf.for %scan3A_80 = %scan3A_22 to %scan3A_24 step %scan3A_25  : i32 {
      %mul3A_81 = arith.constant 2 : i32
      %mul3A_82 = arith.muli %mul3A_81, %scan3A_80 : i32
      %add3A_83 = arith.constant 1 : i32
      %add3A_84 = arith.addi %mul3A_82, %add3A_83 : i32
      %mul3A_85 = arith.constant 16 : i32
      %mul3A_86 = arith.muli %add3A_84, %mul3A_85 : i32
      %add3A_87 = arith.addi %mul3A_6, %mul3A_86 : i32
      %dma_start3A_88 = arith.constant 0 : i32
      %dma_start3A_89 = tpu.memref_slice %arg4[%add3A_87, %dma_start3A_88] : memref<320000x256xf32, #tpu.memory_space<hbm>> -> memref<16x256xf32, #tpu.memory_space<hbm>>
      %dma_start3A_90 = arith.constant 0 : i32
      %dma_start3A_91 = tpu.memref_slice %arg4[%add3A_87, %dma_start3A_90] : memref<320000x256xf32, #tpu.memory_space<hbm>> -> memref<16x256xf32, #tpu.memory_space<hbm>>
      tpu.enqueue_dma source(%dma_start3A_91 : memref<16x256xf32, #tpu.memory_space<hbm>>) target(%arg13 : memref<16x256xf32, #tpu.memory_space<vmem>>) target_semaphore(%arg24 : memref<!tpu.dma_semaphore, #tpu.memory_space<semaphore_mem>>)
      %mul3A_92 = arith.constant 16 : i32
      %mul3A_93 = arith.muli %add3A_84, %mul3A_92 : i32
      %dma_start3A_94 = tpu.memref_slice %arg10[%mul3A_93] : memref<10000xi32, #tpu.memory_space<vmem>> -> memref<16xi32, #tpu.memory_space<vmem>>
      %dma_start3A_95 = arith.constant 0 : i32
      %dma_start3A_96 = arith.constant 0 : i32
      %dma_start3A_97 = tpu.memref_slice %arg2[%dma_start3A_95, %dma_start3A_96] : memref<10000x256xf32, #tpu.memory_space<hbm>> -> memref<10000x256xf32, #tpu.memory_space<hbm>>
      tpu.enqueue_indirect_dma source(%dma_start3A_97 : memref<10000x256xf32, #tpu.memory_space<hbm>>) target(%arg15 : memref<16x256xf32, #tpu.memory_space<vmem>>) offsets(%dma_start3A_94 : memref<16xi32, #tpu.memory_space<vmem>>) semaphore(%arg24 : memref<!tpu.dma_semaphore, #tpu.memory_space<semaphore_mem>>)
      %mul3A_98 = arith.constant 16 : i32
      %mul3A_99 = arith.muli %add3A_84, %mul3A_98 : i32
      %dma_start3A_100 = tpu.memref_slice %arg11[%mul3A_99] : memref<10000xi32, #tpu.memory_space<vmem>> -> memref<16xi32, #tpu.memory_space<vmem>>
      %dma_start3A_101 = arith.constant 0 : i32
      %dma_start3A_102 = arith.constant 0 : i32
      %dma_start3A_103 = tpu.memref_slice %arg3[%dma_start3A_101, %dma_start3A_102] : memref<10000x256xf32, #tpu.memory_space<hbm>> -> memref<10000x256xf32, #tpu.memory_space<hbm>>
      tpu.enqueue_indirect_dma source(%dma_start3A_103 : memref<10000x256xf32, #tpu.memory_space<hbm>>) target(%arg17 : memref<16x256xf32, #tpu.memory_space<vmem>>) offsets(%dma_start3A_100 : memref<16xi32, #tpu.memory_space<vmem>>) semaphore(%arg24 : memref<!tpu.dma_semaphore, #tpu.memory_space<semaphore_mem>>)
      %dma_wait3A_104 = arith.constant 0 : i32
      %dma_wait3A_105 = arith.constant 0 : i32
      %dma_wait3A_106 = tpu.memref_slice %arg4[%dma_wait3A_104, %dma_wait3A_105] : memref<320000x256xf32, #tpu.memory_space<hbm>> -> memref<16x256xf32, #tpu.memory_space<hbm>>
      %dma_wait3A_107 = arith.constant 0 : i32
      %dma_wait3A_108 = arith.constant 0 : i32
      %dma_wait3A_109 = tpu.memref_slice %arg4[%dma_wait3A_107, %dma_wait3A_108] : memref<320000x256xf32, #tpu.memory_space<hbm>> -> memref<16x256xf32, #tpu.memory_space<hbm>>
      tpu.wait_dma2 semaphore(%arg23 : memref<!tpu.dma_semaphore, #tpu.memory_space<semaphore_mem>>) src(%dma_wait3A_109 : memref<16x256xf32, #tpu.memory_space<hbm>>) dst(%arg12 : memref<16x256xf32, #tpu.memory_space<vmem>>)
      %dma_wait3A_110 = arith.constant 0 : i32
      %dma_wait3A_111 = arith.constant 0 : i32
      %dma_wait3A_112 = tpu.memref_slice %arg2[%dma_wait3A_110, %dma_wait3A_111] : memref<10000x256xf32, #tpu.memory_space<hbm>> -> memref<16x256xf32, #tpu.memory_space<hbm>>
      %dma_wait3A_113 = arith.constant 0 : i32
      %dma_wait3A_114 = arith.constant 0 : i32
      %dma_wait3A_115 = tpu.memref_slice %arg2[%dma_wait3A_113, %dma_wait3A_114] : memref<10000x256xf32, #tpu.memory_space<hbm>> -> memref<16x256xf32, #tpu.memory_space<hbm>>
      tpu.wait_dma2 semaphore(%arg23 : memref<!tpu.dma_semaphore, #tpu.memory_space<semaphore_mem>>) src(%dma_wait3A_115 : memref<16x256xf32, #tpu.memory_space<hbm>>) dst(%arg14 : memref<16x256xf32, #tpu.memory_space<vmem>>)
      %dma_wait3A_116 = arith.constant 0 : i32
      %dma_wait3A_117 = arith.constant 0 : i32
      %dma_wait3A_118 = tpu.memref_slice %arg2[%dma_wait3A_116, %dma_wait3A_117] : memref<10000x256xf32, #tpu.memory_space<hbm>> -> memref<16x256xf32, #tpu.memory_space<hbm>>
      %dma_wait3A_119 = arith.constant 0 : i32
      %dma_wait3A_120 = arith.constant 0 : i32
      %dma_wait3A_121 = tpu.memref_slice %arg2[%dma_wait3A_119, %dma_wait3A_120] : memref<10000x256xf32, #tpu.memory_space<hbm>> -> memref<16x256xf32, #tpu.memory_space<hbm>>
      tpu.wait_dma2 semaphore(%arg23 : memref<!tpu.dma_semaphore, #tpu.memory_space<semaphore_mem>>) src(%dma_wait3A_121 : memref<16x256xf32, #tpu.memory_space<hbm>>) dst(%arg16 : memref<16x256xf32, #tpu.memory_space<vmem>>)
      %ge3A = arith.constant 1 : i32
      %ge3A_122 = arith.cmpi sge, %scan3A_80, %ge3A : i32
      %convert_element_type3A = arith.extui %ge3A_122 : i1 to i32
      %cond3A = arith.constant 0 : i32
      %cond3A_123 = arith.cmpi ne, %convert_element_type3A, %cond3A : i32
      scf.if %cond3A_123 {
        %dma_wait3A_198 = arith.constant 0 : i32
        %dma_wait3A_199 = arith.constant 0 : i32
        %dma_wait3A_200 = tpu.memref_slice %arg7[%dma_wait3A_198, %dma_wait3A_199] : memref<10240x128xf32, #tpu.memory_space<hbm>> -> memref<16x128xf32, #tpu.memory_space<hbm>>
        %dma_wait3A_201 = arith.constant 0 : i32
        %dma_wait3A_202 = arith.constant 0 : i32
        %dma_wait3A_203 = tpu.memref_slice %arg7[%dma_wait3A_201, %dma_wait3A_202] : memref<10240x128xf32, #tpu.memory_space<hbm>> -> memref<16x128xf32, #tpu.memory_space<hbm>>
        tpu.wait_dma2 semaphore(%arg25 : memref<!tpu.dma_semaphore, #tpu.memory_space<semaphore_mem>>) src(%dma_wait3A_203 : memref<16x128xf32, #tpu.memory_space<hbm>>) dst(%arg18 : memref<16x128xf32, #tpu.memory_space<vmem>>)
      } else {
      }
      %parallel_loop3A_124 = arith.constant 0 : i32
      %parallel_loop3A_125 = arith.constant 16 : i32
      %parallel_loop3A_126 = arith.constant 1 : i32
      scf.for %parallel_loop3A_198 = %parallel_loop3A_124 to %parallel_loop3A_125 step %parallel_loop3A_126  : i32 {
        %parallel_loop3A_199 = arith.index_cast %parallel_loop3A_198 : i32 to index
        %parallel_loop3A_200 = arith.constant 0 : index
        %parallel_loop3A_201 = tpu.vector_load %arg14[%parallel_loop3A_199, %parallel_loop3A_200] {strides = array<i32>} : memref<16x256xf32, #tpu.memory_space<vmem>>, vector<1x16xf32>,
        %parallel_loop3A_202 = vector.shape_cast %parallel_loop3A_201 : vector<1x16xf32> to vector<16xf32>
        %parallel_loop3A_203 = arith.index_cast %parallel_loop3A_198 : i32 to index
        %parallel_loop3A_204 = arith.constant 0 : index
        %parallel_loop3A_205 = tpu.vector_load %arg16[%parallel_loop3A_203, %parallel_loop3A_204] {strides = array<i32>} : memref<16x256xf32, #tpu.memory_space<vmem>>, vector<1x16xf32>,
        %parallel_loop3A_206 = vector.shape_cast %parallel_loop3A_205 : vector<1x16xf32> to vector<16xf32>
        %parallel_loop3A_207 = arith.addf %parallel_loop3A_202, %parallel_loop3A_206 : vector<16xf32>
        %parallel_loop3A_208 = arith.index_cast %parallel_loop3A_198 : i32 to index
        %parallel_loop3A_209 = arith.constant 0 : index
        %parallel_loop3A_210 = tpu.vector_load %arg12[%parallel_loop3A_208, %parallel_loop3A_209] {strides = array<i32>} : memref<16x256xf32, #tpu.memory_space<vmem>>, vector<1x16xf32>,
        %parallel_loop3A_211 = vector.shape_cast %parallel_loop3A_210 : vector<1x16xf32> to vector<16xf32>
        %parallel_loop3A_212 = arith.addf %parallel_loop3A_207, %parallel_loop3A_211 : vector<16xf32>
        %parallel_loop3A_213 = arith.index_cast %parallel_loop3A_198 : i32 to index
        %parallel_loop3A_214 = arith.constant 128 : index
        %parallel_loop3A_215 = tpu.vector_load %arg14[%parallel_loop3A_213, %parallel_loop3A_214] {strides = array<i32>} : memref<16x256xf32, #tpu.memory_space<vmem>>, vector<1x16xf32>,
        %parallel_loop3A_216 = vector.shape_cast %parallel_loop3A_215 : vector<1x16xf32> to vector<16xf32>
        %parallel_loop3A_217 = arith.index_cast %parallel_loop3A_198 : i32 to index
        %parallel_loop3A_218 = arith.constant 128 : index
        %parallel_loop3A_219 = tpu.vector_load %arg16[%parallel_loop3A_217, %parallel_loop3A_218] {strides = array<i32>} : memref<16x256xf32, #tpu.memory_space<vmem>>, vector<1x16xf32>,
        %parallel_loop3A_220 = vector.shape_cast %parallel_loop3A_219 : vector<1x16xf32> to vector<16xf32>
        %parallel_loop3A_221 = arith.addf %parallel_loop3A_216, %parallel_loop3A_220 : vector<16xf32>
        %parallel_loop3A_222 = arith.index_cast %parallel_loop3A_198 : i32 to index
        %parallel_loop3A_223 = arith.constant 128 : index
        %parallel_loop3A_224 = tpu.vector_load %arg12[%parallel_loop3A_222, %parallel_loop3A_223] {strides = array<i32>} : memref<16x256xf32, #tpu.memory_space<vmem>>, vector<1x16xf32>,
        %parallel_loop3A_225 = vector.shape_cast %parallel_loop3A_224 : vector<1x16xf32> to vector<16xf32>
        %parallel_loop3A_226 = arith.addf %parallel_loop3A_221, %parallel_loop3A_225 : vector<16xf32>
        %parallel_loop3A_227 = arith.constant 0.000000e+00 : f32
        %parallel_loop3A_228 = vector.broadcast %parallel_loop3A_227 : f32 to vector<16xf32>
        %parallel_loop3A_229 = arith.subf %parallel_loop3A_228, %parallel_loop3A_212 : vector<16xf32>
        %parallel_loop3A_230 = math.exp %parallel_loop3A_229 : vector<16xf32>
        %parallel_loop3A_231 = arith.constant 1.000000e+00 : f32
        %parallel_loop3A_232 = vector.broadcast %parallel_loop3A_231 : f32 to vector<16xf32>
        %parallel_loop3A_233 = arith.addf %parallel_loop3A_232, %parallel_loop3A_230 : vector<16xf32>
        %parallel_loop3A_234 = arith.divf %parallel_loop3A_226, %parallel_loop3A_233 : vector<16xf32>
        %parallel_loop3A_235 = arith.index_cast %parallel_loop3A_198 : i32 to index
        %parallel_loop3A_236 = arith.constant 0 : index
        %parallel_loop3A_237 = tpu.vector_load %arg18[%parallel_loop3A_235, %parallel_loop3A_236] {strides = array<i32>} : memref<16x128xf32, #tpu.memory_space<vmem>>, vector<1x16xf32>,
        %parallel_loop3A_238 = vector.shape_cast %parallel_loop3A_237 : vector<1x16xf32> to vector<16xf32>
        %parallel_loop3A_239 = vector.shape_cast %parallel_loop3A_234 : vector<16xf32> to vector<1x16xf32>
        tpu.vector_store %arg18[%parallel_loop3A_235, %parallel_loop3A_236], %parallel_loop3A_239 {strides = array<i32>} : memref<16x128xf32, #tpu.memory_space<vmem>>, vector<1x16xf32>,
        %parallel_loop3A_240 = arith.index_cast %parallel_loop3A_198 : i32 to index
        %parallel_loop3A_241 = arith.constant 16 : index
        %parallel_loop3A_242 = tpu.vector_load %arg14[%parallel_loop3A_240, %parallel_loop3A_241] {strides = array<i32>} : memref<16x256xf32, #tpu.memory_space<vmem>>, vector<1x16xf32>,
        %parallel_loop3A_243 = vector.shape_cast %parallel_loop3A_242 : vector<1x16xf32> to vector<16xf32>
        %parallel_loop3A_244 = arith.index_cast %parallel_loop3A_198 : i32 to index
        %parallel_loop3A_245 = arith.constant 16 : index
        %parallel_loop3A_246 = tpu.vector_load %arg16[%parallel_loop3A_244, %parallel_loop3A_245] {strides = array<i32>} : memref<16x256xf32, #tpu.memory_space<vmem>>, vector<1x16xf32>,
        %parallel_loop3A_247 = vector.shape_cast %parallel_loop3A_246 : vector<1x16xf32> to vector<16xf32>
        %parallel_loop3A_248 = arith.addf %parallel_loop3A_243, %parallel_loop3A_247 : vector<16xf32>
        %parallel_loop3A_249 = arith.index_cast %parallel_loop3A_198 : i32 to index
        %parallel_loop3A_250 = arith.constant 16 : index
        %parallel_loop3A_251 = tpu.vector_load %arg12[%parallel_loop3A_249, %parallel_loop3A_250] {strides = array<i32>} : memref<16x256xf32, #tpu.memory_space<vmem>>, vector<1x16xf32>,
        %parallel_loop3A_252 = vector.shape_cast %parallel_loop3A_251 : vector<1x16xf32> to vector<16xf32>
        %parallel_loop3A_253 = arith.addf %parallel_loop3A_248, %parallel_loop3A_252 : vector<16xf32>
        %parallel_loop3A_254 = arith.index_cast %parallel_loop3A_198 : i32 to index
        %parallel_loop3A_255 = arith.constant 144 : index
        %parallel_loop3A_256 = tpu.vector_load %arg14[%parallel_loop3A_254, %parallel_loop3A_255] {strides = array<i32>} : memref<16x256xf32, #tpu.memory_space<vmem>>, vector<1x16xf32>,
        %parallel_loop3A_257 = vector.shape_cast %parallel_loop3A_256 : vector<1x16xf32> to vector<16xf32>
        %parallel_loop3A_258 = arith.index_cast %parallel_loop3A_198 : i32 to index
        %parallel_loop3A_259 = arith.constant 144 : index
        %parallel_loop3A_260 = tpu.vector_load %arg16[%parallel_loop3A_258, %parallel_loop3A_259] {strides = array<i32>} : memref<16x256xf32, #tpu.memory_space<vmem>>, vector<1x16xf32>,
        %parallel_loop3A_261 = vector.shape_cast %parallel_loop3A_260 : vector<1x16xf32> to vector<16xf32>
        %parallel_loop3A_262 = arith.addf %parallel_loop3A_257, %parallel_loop3A_261 : vector<16xf32>
        %parallel_loop3A_263 = arith.index_cast %parallel_loop3A_198 : i32 to index
        %parallel_loop3A_264 = arith.constant 144 : index
        %parallel_loop3A_265 = tpu.vector_load %arg12[%parallel_loop3A_263, %parallel_loop3A_264] {strides = array<i32>} : memref<16x256xf32, #tpu.memory_space<vmem>>, vector<1x16xf32>,
        %parallel_loop3A_266 = vector.shape_cast %parallel_loop3A_265 : vector<1x16xf32> to vector<16xf32>
        %parallel_loop3A_267 = arith.addf %parallel_loop3A_262, %parallel_loop3A_266 : vector<16xf32>
        %parallel_loop3A_268 = arith.constant 0.000000e+00 : f32
        %parallel_loop3A_269 = vector.broadcast %parallel_loop3A_268 : f32 to vector<16xf32>
        %parallel_loop3A_270 = arith.subf %parallel_loop3A_269, %parallel_loop3A_253 : vector<16xf32>
        %parallel_loop3A_271 = math.exp %parallel_loop3A_270 : vector<16xf32>
        %parallel_loop3A_272 = arith.constant 1.000000e+00 : f32
        %parallel_loop3A_273 = vector.broadcast %parallel_loop3A_272 : f32 to vector<16xf32>
        %parallel_loop3A_274 = arith.addf %parallel_loop3A_273, %parallel_loop3A_271 : vector<16xf32>
        %parallel_loop3A_275 = arith.divf %parallel_loop3A_267, %parallel_loop3A_274 : vector<16xf32>
        %parallel_loop3A_276 = arith.index_cast %parallel_loop3A_198 : i32 to index
        %parallel_loop3A_277 = arith.constant 16 : index
        %parallel_loop3A_278 = tpu.vector_load %arg18[%parallel_loop3A_276, %parallel_loop3A_277] {strides = array<i32>} : memref<16x128xf32, #tpu.memory_space<vmem>>, vector<1x16xf32>,
        %parallel_loop3A_279 = vector.shape_cast %parallel_loop3A_278 : vector<1x16xf32> to vector<16xf32>
        %parallel_loop3A_280 = vector.shape_cast %parallel_loop3A_275 : vector<16xf32> to vector<1x16xf32>
        tpu.vector_store %arg18[%parallel_loop3A_276, %parallel_loop3A_277], %parallel_loop3A_280 {strides = array<i32>} : memref<16x128xf32, #tpu.memory_space<vmem>>, vector<1x16xf32>,
        %parallel_loop3A_281 = arith.index_cast %parallel_loop3A_198 : i32 to index
        %parallel_loop3A_282 = arith.constant 32 : index
        %parallel_loop3A_283 = tpu.vector_load %arg14[%parallel_loop3A_281, %parallel_loop3A_282] {strides = array<i32>} : memref<16x256xf32, #tpu.memory_space<vmem>>, vector<1x16xf32>,
        %parallel_loop3A_284 = vector.shape_cast %parallel_loop3A_283 : vector<1x16xf32> to vector<16xf32>
        %parallel_loop3A_285 = arith.index_cast %parallel_loop3A_198 : i32 to index
        %parallel_loop3A_286 = arith.constant 32 : index
        %parallel_loop3A_287 = tpu.vector_load %arg16[%parallel_loop3A_285, %parallel_loop3A_286] {strides = array<i32>} : memref<16x256xf32, #tpu.memory_space<vmem>>, vector<1x16xf32>,
        %parallel_loop3A_288 = vector.shape_cast %parallel_loop3A_287 : vector<1x16xf32> to vector<16xf32>
        %parallel_loop3A_289 = arith.addf %parallel_loop3A_284, %parallel_loop3A_288 : vector<16xf32>
        %parallel_loop3A_290 = arith.index_cast %parallel_loop3A_198 : i32 to index
        %parallel_loop3A_291 = arith.constant 32 : index
        %parallel_loop3A_292 = tpu.vector_load %arg12[%parallel_loop3A_290, %parallel_loop3A_291] {strides = array<i32>} : memref<16x256xf32, #tpu.memory_space<vmem>>, vector<1x16xf32>,
        %parallel_loop3A_293 = vector.shape_cast %parallel_loop3A_292 : vector<1x16xf32> to vector<16xf32>
        %parallel_loop3A_294 = arith.addf %parallel_loop3A_289, %parallel_loop3A_293 : vector<16xf32>
        %parallel_loop3A_295 = arith.index_cast %parallel_loop3A_198 : i32 to index
        %parallel_loop3A_296 = arith.constant 160 : index
        %parallel_loop3A_297 = tpu.vector_load %arg14[%parallel_loop3A_295, %parallel_loop3A_296] {strides = array<i32>} : memref<16x256xf32, #tpu.memory_space<vmem>>, vector<1x16xf32>,
        %parallel_loop3A_298 = vector.shape_cast %parallel_loop3A_297 : vector<1x16xf32> to vector<16xf32>
        %parallel_loop3A_299 = arith.index_cast %parallel_loop3A_198 : i32 to index
        %parallel_loop3A_300 = arith.constant 160 : index
        %parallel_loop3A_301 = tpu.vector_load %arg16[%parallel_loop3A_299, %parallel_loop3A_300] {strides = array<i32>} : memref<16x256xf32, #tpu.memory_space<vmem>>, vector<1x16xf32>,
        %parallel_loop3A_302 = vector.shape_cast %parallel_loop3A_301 : vector<1x16xf32> to vector<16xf32>
        %parallel_loop3A_303 = arith.addf %parallel_loop3A_298, %parallel_loop3A_302 : vector<16xf32>
        %parallel_loop3A_304 = arith.index_cast %parallel_loop3A_198 : i32 to index
        %parallel_loop3A_305 = arith.constant 160 : index
        %parallel_loop3A_306 = tpu.vector_load %arg12[%parallel_loop3A_304, %parallel_loop3A_305] {strides = array<i32>} : memref<16x256xf32, #tpu.memory_space<vmem>>, vector<1x16xf32>,
        %parallel_loop3A_307 = vector.shape_cast %parallel_loop3A_306 : vector<1x16xf32> to vector<16xf32>
        %parallel_loop3A_308 = arith.addf %parallel_loop3A_303, %parallel_loop3A_307 : vector<16xf32>
        %parallel_loop3A_309 = arith.constant 0.000000e+00 : f32
        %parallel_loop3A_310 = vector.broadcast %parallel_loop3A_309 : f32 to vector<16xf32>
        %parallel_loop3A_311 = arith.subf %parallel_loop3A_310, %parallel_loop3A_294 : vector<16xf32>
        %parallel_loop3A_312 = math.exp %parallel_loop3A_311 : vector<16xf32>
        %parallel_loop3A_313 = arith.constant 1.000000e+00 : f32
        %parallel_loop3A_314 = vector.broadcast %parallel_loop3A_313 : f32 to vector<16xf32>
        %parallel_loop3A_315 = arith.addf %parallel_loop3A_314, %parallel_loop3A_312 : vector<16xf32>
        %parallel_loop3A_316 = arith.divf %parallel_loop3A_308, %parallel_loop3A_315 : vector<16xf32>
        %parallel_loop3A_317 = arith.index_cast %parallel_loop3A_198 : i32 to index
        %parallel_loop3A_318 = arith.constant 32 : index
        %parallel_loop3A_319 = tpu.vector_load %arg18[%parallel_loop3A_317, %parallel_loop3A_318] {strides = array<i32>} : memref<16x128xf32, #tpu.memory_space<vmem>>, vector<1x16xf32>,
        %parallel_loop3A_320 = vector.shape_cast %parallel_loop3A_319 : vector<1x16xf32> to vector<16xf32>
        %parallel_loop3A_321 = vector.shape_cast %parallel_loop3A_316 : vector<16xf32> to vector<1x16xf32>
        tpu.vector_store %arg18[%parallel_loop3A_317, %parallel_loop3A_318], %parallel_loop3A_321 {strides = array<i32>} : memref<16x128xf32, #tpu.memory_space<vmem>>, vector<1x16xf32>,
        %parallel_loop3A_322 = arith.index_cast %parallel_loop3A_198 : i32 to index
        %parallel_loop3A_323 = arith.constant 48 : index
        %parallel_loop3A_324 = tpu.vector_load %arg14[%parallel_loop3A_322, %parallel_loop3A_323] {strides = array<i32>} : memref<16x256xf32, #tpu.memory_space<vmem>>, vector<1x16xf32>,
        %parallel_loop3A_325 = vector.shape_cast %parallel_loop3A_324 : vector<1x16xf32> to vector<16xf32>
        %parallel_loop3A_326 = arith.index_cast %parallel_loop3A_198 : i32 to index
        %parallel_loop3A_327 = arith.constant 48 : index
        %parallel_loop3A_328 = tpu.vector_load %arg16[%parallel_loop3A_326, %parallel_loop3A_327] {strides = array<i32>} : memref<16x256xf32, #tpu.memory_space<vmem>>, vector<1x16xf32>,
        %parallel_loop3A_329 = vector.shape_cast %parallel_loop3A_328 : vector<1x16xf32> to vector<16xf32>
        %parallel_loop3A_330 = arith.addf %parallel_loop3A_325, %parallel_loop3A_329 : vector<16xf32>
        %parallel_loop3A_331 = arith.index_cast %parallel_loop3A_198 : i32 to index
        %parallel_loop3A_332 = arith.constant 48 : index
        %parallel_loop3A_333 = tpu.vector_load %arg12[%parallel_loop3A_331, %parallel_loop3A_332] {strides = array<i32>} : memref<16x256xf32, #tpu.memory_space<vmem>>, vector<1x16xf32>,
        %parallel_loop3A_334 = vector.shape_cast %parallel_loop3A_333 : vector<1x16xf32> to vector<16xf32>
        %parallel_loop3A_335 = arith.addf %parallel_loop3A_330, %parallel_loop3A_334 : vector<16xf32>
        %parallel_loop3A_336 = arith.index_cast %parallel_loop3A_198 : i32 to index
        %parallel_loop3A_337 = arith.constant 176 : index
        %parallel_loop3A_338 = tpu.vector_load %arg14[%parallel_loop3A_336, %parallel_loop3A_337] {strides = array<i32>} : memref<16x256xf32, #tpu.memory_space<vmem>>, vector<1x16xf32>,
        %parallel_loop3A_339 = vector.shape_cast %parallel_loop3A_338 : vector<1x16xf32> to vector<16xf32>
        %parallel_loop3A_340 = arith.index_cast %parallel_loop3A_198 : i32 to index
        %parallel_loop3A_341 = arith.constant 176 : index
        %parallel_loop3A_342 = tpu.vector_load %arg16[%parallel_loop3A_340, %parallel_loop3A_341] {strides = array<i32>} : memref<16x256xf32, #tpu.memory_space<vmem>>, vector<1x16xf32>,
        %parallel_loop3A_343 = vector.shape_cast %parallel_loop3A_342 : vector<1x16xf32> to vector<16xf32>
        %parallel_loop3A_344 = arith.addf %parallel_loop3A_339, %parallel_loop3A_343 : vector<16xf32>
        %parallel_loop3A_345 = arith.index_cast %parallel_loop3A_198 : i32 to index
        %parallel_loop3A_346 = arith.constant 176 : index
        %parallel_loop3A_347 = tpu.vector_load %arg12[%parallel_loop3A_345, %parallel_loop3A_346] {strides = array<i32>} : memref<16x256xf32, #tpu.memory_space<vmem>>, vector<1x16xf32>,
        %parallel_loop3A_348 = vector.shape_cast %parallel_loop3A_347 : vector<1x16xf32> to vector<16xf32>
        %parallel_loop3A_349 = arith.addf %parallel_loop3A_344, %parallel_loop3A_348 : vector<16xf32>
        %parallel_loop3A_350 = arith.constant 0.000000e+00 : f32
        %parallel_loop3A_351 = vector.broadcast %parallel_loop3A_350 : f32 to vector<16xf32>
        %parallel_loop3A_352 = arith.subf %parallel_loop3A_351, %parallel_loop3A_335 : vector<16xf32>
        %parallel_loop3A_353 = math.exp %parallel_loop3A_352 : vector<16xf32>
        %parallel_loop3A_354 = arith.constant 1.000000e+00 : f32
        %parallel_loop3A_355 = vector.broadcast %parallel_loop3A_354 : f32 to vector<16xf32>
        %parallel_loop3A_356 = arith.addf %parallel_loop3A_355, %parallel_loop3A_353 : vector<16xf32>
        %parallel_loop3A_357 = arith.divf %parallel_loop3A_349, %parallel_loop3A_356 : vector<16xf32>
        %parallel_loop3A_358 = arith.index_cast %parallel_loop3A_198 : i32 to index
        %parallel_loop3A_359 = arith.constant 48 : index
        %parallel_loop3A_360 = tpu.vector_load %arg18[%parallel_loop3A_358, %parallel_loop3A_359] {strides = array<i32>} : memref<16x128xf32, #tpu.memory_space<vmem>>, vector<1x16xf32>,
        %parallel_loop3A_361 = vector.shape_cast %parallel_loop3A_360 : vector<1x16xf32> to vector<16xf32>
        %parallel_loop3A_362 = vector.shape_cast %parallel_loop3A_357 : vector<16xf32> to vector<1x16xf32>
        tpu.vector_store %arg18[%parallel_loop3A_358, %parallel_loop3A_359], %parallel_loop3A_362 {strides = array<i32>} : memref<16x128xf32, #tpu.memory_space<vmem>>, vector<1x16xf32>,
        %parallel_loop3A_363 = arith.index_cast %parallel_loop3A_198 : i32 to index
        %parallel_loop3A_364 = arith.constant 64 : index
        %parallel_loop3A_365 = tpu.vector_load %arg14[%parallel_loop3A_363, %parallel_loop3A_364] {strides = array<i32>} : memref<16x256xf32, #tpu.memory_space<vmem>>, vector<1x16xf32>,
        %parallel_loop3A_366 = vector.shape_cast %parallel_loop3A_365 : vector<1x16xf32> to vector<16xf32>
        %parallel_loop3A_367 = arith.index_cast %parallel_loop3A_198 : i32 to index
        %parallel_loop3A_368 = arith.constant 64 : index
        %parallel_loop3A_369 = tpu.vector_load %arg16[%parallel_loop3A_367, %parallel_loop3A_368] {strides = array<i32>} : memref<16x256xf32, #tpu.memory_space<vmem>>, vector<1x16xf32>,
        %parallel_loop3A_370 = vector.shape_cast %parallel_loop3A_369 : vector<1x16xf32> to vector<16xf32>
        %parallel_loop3A_371 = arith.addf %parallel_loop3A_366, %parallel_loop3A_370 : vector<16xf32>
        %parallel_loop3A_372 = arith.index_cast %parallel_loop3A_198 : i32 to index
        %parallel_loop3A_373 = arith.constant 64 : index
        %parallel_loop3A_374 = tpu.vector_load %arg12[%parallel_loop3A_372, %parallel_loop3A_373] {strides = array<i32>} : memref<16x256xf32, #tpu.memory_space<vmem>>, vector<1x16xf32>,
        %parallel_loop3A_375 = vector.shape_cast %parallel_loop3A_374 : vector<1x16xf32> to vector<16xf32>
        %parallel_loop3A_376 = arith.addf %parallel_loop3A_371, %parallel_loop3A_375 : vector<16xf32>
        %parallel_loop3A_377 = arith.index_cast %parallel_loop3A_198 : i32 to index
        %parallel_loop3A_378 = arith.constant 192 : index
        %parallel_loop3A_379 = tpu.vector_load %arg14[%parallel_loop3A_377, %parallel_loop3A_378] {strides = array<i32>} : memref<16x256xf32, #tpu.memory_space<vmem>>, vector<1x16xf32>,
        %parallel_loop3A_380 = vector.shape_cast %parallel_loop3A_379 : vector<1x16xf32> to vector<16xf32>
        %parallel_loop3A_381 = arith.index_cast %parallel_loop3A_198 : i32 to index
        %parallel_loop3A_382 = arith.constant 192 : index
        %parallel_loop3A_383 = tpu.vector_load %arg16[%parallel_loop3A_381, %parallel_loop3A_382] {strides = array<i32>} : memref<16x256xf32, #tpu.memory_space<vmem>>, vector<1x16xf32>,
        %parallel_loop3A_384 = vector.shape_cast %parallel_loop3A_383 : vector<1x16xf32> to vector<16xf32>
        %parallel_loop3A_385 = arith.addf %parallel_loop3A_380, %parallel_loop3A_384 : vector<16xf32>
        %parallel_loop3A_386 = arith.index_cast %parallel_loop3A_198 : i32 to index
        %parallel_loop3A_387 = arith.constant 192 : index
        %parallel_loop3A_388 = tpu.vector_load %arg12[%parallel_loop3A_386, %parallel_loop3A_387] {strides = array<i32>} : memref<16x256xf32, #tpu.memory_space<vmem>>, vector<1x16xf32>,
        %parallel_loop3A_389 = vector.shape_cast %parallel_loop3A_388 : vector<1x16xf32> to vector<16xf32>
        %parallel_loop3A_390 = arith.addf %parallel_loop3A_385, %parallel_loop3A_389 : vector<16xf32>
        %parallel_loop3A_391 = arith.constant 0.000000e+00 : f32
        %parallel_loop3A_392 = vector.broadcast %parallel_loop3A_391 : f32 to vector<16xf32>
        %parallel_loop3A_393 = arith.subf %parallel_loop3A_392, %parallel_loop3A_376 : vector<16xf32>
        %parallel_loop3A_394 = math.exp %parallel_loop3A_393 : vector<16xf32>
        %parallel_loop3A_395 = arith.constant 1.000000e+00 : f32
        %parallel_loop3A_396 = vector.broadcast %parallel_loop3A_395 : f32 to vector<16xf32>
        %parallel_loop3A_397 = arith.addf %parallel_loop3A_396, %parallel_loop3A_394 : vector<16xf32>
        %parallel_loop3A_398 = arith.divf %parallel_loop3A_390, %parallel_loop3A_397 : vector<16xf32>
        %parallel_loop3A_399 = arith.index_cast %parallel_loop3A_198 : i32 to index
        %parallel_loop3A_400 = arith.constant 64 : index
        %parallel_loop3A_401 = tpu.vector_load %arg18[%parallel_loop3A_399, %parallel_loop3A_400] {strides = array<i32>} : memref<16x128xf32, #tpu.memory_space<vmem>>, vector<1x16xf32>,
        %parallel_loop3A_402 = vector.shape_cast %parallel_loop3A_401 : vector<1x16xf32> to vector<16xf32>
        %parallel_loop3A_403 = vector.shape_cast %parallel_loop3A_398 : vector<16xf32> to vector<1x16xf32>
        tpu.vector_store %arg18[%parallel_loop3A_399, %parallel_loop3A_400], %parallel_loop3A_403 {strides = array<i32>} : memref<16x128xf32, #tpu.memory_space<vmem>>, vector<1x16xf32>,
        %parallel_loop3A_404 = arith.index_cast %parallel_loop3A_198 : i32 to index
        %parallel_loop3A_405 = arith.constant 80 : index
        %parallel_loop3A_406 = tpu.vector_load %arg14[%parallel_loop3A_404, %parallel_loop3A_405] {strides = array<i32>} : memref<16x256xf32, #tpu.memory_space<vmem>>, vector<1x16xf32>,
        %parallel_loop3A_407 = vector.shape_cast %parallel_loop3A_406 : vector<1x16xf32> to vector<16xf32>
        %parallel_loop3A_408 = arith.index_cast %parallel_loop3A_198 : i32 to index
        %parallel_loop3A_409 = arith.constant 80 : index
        %parallel_loop3A_410 = tpu.vector_load %arg16[%parallel_loop3A_408, %parallel_loop3A_409] {strides = array<i32>} : memref<16x256xf32, #tpu.memory_space<vmem>>, vector<1x16xf32>,
        %parallel_loop3A_411 = vector.shape_cast %parallel_loop3A_410 : vector<1x16xf32> to vector<16xf32>
        %parallel_loop3A_412 = arith.addf %parallel_loop3A_407, %parallel_loop3A_411 : vector<16xf32>
        %parallel_loop3A_413 = arith.index_cast %parallel_loop3A_198 : i32 to index
        %parallel_loop3A_414 = arith.constant 80 : index
        %parallel_loop3A_415 = tpu.vector_load %arg12[%parallel_loop3A_413, %parallel_loop3A_414] {strides = array<i32>} : memref<16x256xf32, #tpu.memory_space<vmem>>, vector<1x16xf32>,
        %parallel_loop3A_416 = vector.shape_cast %parallel_loop3A_415 : vector<1x16xf32> to vector<16xf32>
        %parallel_loop3A_417 = arith.addf %parallel_loop3A_412, %parallel_loop3A_416 : vector<16xf32>
        %parallel_loop3A_418 = arith.index_cast %parallel_loop3A_198 : i32 to index
        %parallel_loop3A_419 = arith.constant 208 : index
        %parallel_loop3A_420 = tpu.vector_load %arg14[%parallel_loop3A_418, %parallel_loop3A_419] {strides = array<i32>} : memref<16x256xf32, #tpu.memory_space<vmem>>, vector<1x16xf32>,
        %parallel_loop3A_421 = vector.shape_cast %parallel_loop3A_420 : vector<1x16xf32> to vector<16xf32>
        %parallel_loop3A_422 = arith.index_cast %parallel_loop3A_198 : i32 to index
        %parallel_loop3A_423 = arith.constant 208 : index
        %parallel_loop3A_424 = tpu.vector_load %arg16[%parallel_loop3A_422, %parallel_loop3A_423] {strides = array<i32>} : memref<16x256xf32, #tpu.memory_space<vmem>>, vector<1x16xf32>,
        %parallel_loop3A_425 = vector.shape_cast %parallel_loop3A_424 : vector<1x16xf32> to vector<16xf32>
        %parallel_loop3A_426 = arith.addf %parallel_loop3A_421, %parallel_loop3A_425 : vector<16xf32>
        %parallel_loop3A_427 = arith.index_cast %parallel_loop3A_198 : i32 to index
        %parallel_loop3A_428 = arith.constant 208 : index
        %parallel_loop3A_429 = tpu.vector_load %arg12[%parallel_loop3A_427, %parallel_loop3A_428] {strides = array<i32>} : memref<16x256xf32, #tpu.memory_space<vmem>>, vector<1x16xf32>,
        %parallel_loop3A_430 = vector.shape_cast %parallel_loop3A_429 : vector<1x16xf32> to vector<16xf32>
        %parallel_loop3A_431 = arith.addf %parallel_loop3A_426, %parallel_loop3A_430 : vector<16xf32>
        %parallel_loop3A_432 = arith.constant 0.000000e+00 : f32
        %parallel_loop3A_433 = vector.broadcast %parallel_loop3A_432 : f32 to vector<16xf32>
        %parallel_loop3A_434 = arith.subf %parallel_loop3A_433, %parallel_loop3A_417 : vector<16xf32>
        %parallel_loop3A_435 = math.exp %parallel_loop3A_434 : vector<16xf32>
        %parallel_loop3A_436 = arith.constant 1.000000e+00 : f32
        %parallel_loop3A_437 = vector.broadcast %parallel_loop3A_436 : f32 to vector<16xf32>
        %parallel_loop3A_438 = arith.addf %parallel_loop3A_437, %parallel_loop3A_435 : vector<16xf32>
        %parallel_loop3A_439 = arith.divf %parallel_loop3A_431, %parallel_loop3A_438 : vector<16xf32>
        %parallel_loop3A_440 = arith.index_cast %parallel_loop3A_198 : i32 to index
        %parallel_loop3A_441 = arith.constant 80 : index
        %parallel_loop3A_442 = tpu.vector_load %arg18[%parallel_loop3A_440, %parallel_loop3A_441] {strides = array<i32>} : memref<16x128xf32, #tpu.memory_space<vmem>>, vector<1x16xf32>,
        %parallel_loop3A_443 = vector.shape_cast %parallel_loop3A_442 : vector<1x16xf32> to vector<16xf32>
        %parallel_loop3A_444 = vector.shape_cast %parallel_loop3A_439 : vector<16xf32> to vector<1x16xf32>
        tpu.vector_store %arg18[%parallel_loop3A_440, %parallel_loop3A_441], %parallel_loop3A_444 {strides = array<i32>} : memref<16x128xf32, #tpu.memory_space<vmem>>, vector<1x16xf32>,
        %parallel_loop3A_445 = arith.index_cast %parallel_loop3A_198 : i32 to index
        %parallel_loop3A_446 = arith.constant 96 : index
        %parallel_loop3A_447 = tpu.vector_load %arg14[%parallel_loop3A_445, %parallel_loop3A_446] {strides = array<i32>} : memref<16x256xf32, #tpu.memory_space<vmem>>, vector<1x16xf32>,
        %parallel_loop3A_448 = vector.shape_cast %parallel_loop3A_447 : vector<1x16xf32> to vector<16xf32>
        %parallel_loop3A_449 = arith.index_cast %parallel_loop3A_198 : i32 to index
        %parallel_loop3A_450 = arith.constant 96 : index
        %parallel_loop3A_451 = tpu.vector_load %arg16[%parallel_loop3A_449, %parallel_loop3A_450] {strides = array<i32>} : memref<16x256xf32, #tpu.memory_space<vmem>>, vector<1x16xf32>,
        %parallel_loop3A_452 = vector.shape_cast %parallel_loop3A_451 : vector<1x16xf32> to vector<16xf32>
        %parallel_loop3A_453 = arith.addf %parallel_loop3A_448, %parallel_loop3A_452 : vector<16xf32>
        %parallel_loop3A_454 = arith.index_cast %parallel_loop3A_198 : i32 to index
        %parallel_loop3A_455 = arith.constant 96 : index
        %parallel_loop3A_456 = tpu.vector_load %arg12[%parallel_loop3A_454, %parallel_loop3A_455] {strides = array<i32>} : memref<16x256xf32, #tpu.memory_space<vmem>>, vector<1x16xf32>,
        %parallel_loop3A_457 = vector.shape_cast %parallel_loop3A_456 : vector<1x16xf32> to vector<16xf32>
        %parallel_loop3A_458 = arith.addf %parallel_loop3A_453, %parallel_loop3A_457 : vector<16xf32>
        %parallel_loop3A_459 = arith.index_cast %parallel_loop3A_198 : i32 to index
        %parallel_loop3A_460 = arith.constant 224 : index
        %parallel_loop3A_461 = tpu.vector_load %arg14[%parallel_loop3A_459, %parallel_loop3A_460] {strides = array<i32>} : memref<16x256xf32, #tpu.memory_space<vmem>>, vector<1x16xf32>,
        %parallel_loop3A_462 = vector.shape_cast %parallel_loop3A_461 : vector<1x16xf32> to vector<16xf32>
        %parallel_loop3A_463 = arith.index_cast %parallel_loop3A_198 : i32 to index
        %parallel_loop3A_464 = arith.constant 224 : index
        %parallel_loop3A_465 = tpu.vector_load %arg16[%parallel_loop3A_463, %parallel_loop3A_464] {strides = array<i32>} : memref<16x256xf32, #tpu.memory_space<vmem>>, vector<1x16xf32>,
        %parallel_loop3A_466 = vector.shape_cast %parallel_loop3A_465 : vector<1x16xf32> to vector<16xf32>
        %parallel_loop3A_467 = arith.addf %parallel_loop3A_462, %parallel_loop3A_466 : vector<16xf32>
        %parallel_loop3A_468 = arith.index_cast %parallel_loop3A_198 : i32 to index
        %parallel_loop3A_469 = arith.constant 224 : index
        %parallel_loop3A_470 = tpu.vector_load %arg12[%parallel_loop3A_468, %parallel_loop3A_469] {strides = array<i32>} : memref<16x256xf32, #tpu.memory_space<vmem>>, vector<1x16xf32>,
        %parallel_loop3A_471 = vector.shape_cast %parallel_loop3A_470 : vector<1x16xf32> to vector<16xf32>
        %parallel_loop3A_472 = arith.addf %parallel_loop3A_467, %parallel_loop3A_471 : vector<16xf32>
        %parallel_loop3A_473 = arith.constant 0.000000e+00 : f32
        %parallel_loop3A_474 = vector.broadcast %parallel_loop3A_473 : f32 to vector<16xf32>
        %parallel_loop3A_475 = arith.subf %parallel_loop3A_474, %parallel_loop3A_458 : vector<16xf32>
        %parallel_loop3A_476 = math.exp %parallel_loop3A_475 : vector<16xf32>
        %parallel_loop3A_477 = arith.constant 1.000000e+00 : f32
        %parallel_loop3A_478 = vector.broadcast %parallel_loop3A_477 : f32 to vector<16xf32>
        %parallel_loop3A_479 = arith.addf %parallel_loop3A_478, %parallel_loop3A_476 : vector<16xf32>
        %parallel_loop3A_480 = arith.divf %parallel_loop3A_472, %parallel_loop3A_479 : vector<16xf32>
        %parallel_loop3A_481 = arith.index_cast %parallel_loop3A_198 : i32 to index
        %parallel_loop3A_482 = arith.constant 96 : index
        %parallel_loop3A_483 = tpu.vector_load %arg18[%parallel_loop3A_481, %parallel_loop3A_482] {strides = array<i32>} : memref<16x128xf32, #tpu.memory_space<vmem>>, vector<1x16xf32>,
        %parallel_loop3A_484 = vector.shape_cast %parallel_loop3A_483 : vector<1x16xf32> to vector<16xf32>
        %parallel_loop3A_485 = vector.shape_cast %parallel_loop3A_480 : vector<16xf32> to vector<1x16xf32>
        tpu.vector_store %arg18[%parallel_loop3A_481, %parallel_loop3A_482], %parallel_loop3A_485 {strides = array<i32>} : memref<16x128xf32, #tpu.memory_space<vmem>>, vector<1x16xf32>,
        %parallel_loop3A_486 = arith.index_cast %parallel_loop3A_198 : i32 to index
        %parallel_loop3A_487 = arith.constant 112 : index
        %parallel_loop3A_488 = tpu.vector_load %arg14[%parallel_loop3A_486, %parallel_loop3A_487] {strides = array<i32>} : memref<16x256xf32, #tpu.memory_space<vmem>>, vector<1x16xf32>,
        %parallel_loop3A_489 = vector.shape_cast %parallel_loop3A_488 : vector<1x16xf32> to vector<16xf32>
        %parallel_loop3A_490 = arith.index_cast %parallel_loop3A_198 : i32 to index
        %parallel_loop3A_491 = arith.constant 112 : index
        %parallel_loop3A_492 = tpu.vector_load %arg16[%parallel_loop3A_490, %parallel_loop3A_491] {strides = array<i32>} : memref<16x256xf32, #tpu.memory_space<vmem>>, vector<1x16xf32>,
        %parallel_loop3A_493 = vector.shape_cast %parallel_loop3A_492 : vector<1x16xf32> to vector<16xf32>
        %parallel_loop3A_494 = arith.addf %parallel_loop3A_489, %parallel_loop3A_493 : vector<16xf32>
        %parallel_loop3A_495 = arith.index_cast %parallel_loop3A_198 : i32 to index
        %parallel_loop3A_496 = arith.constant 112 : index
        %parallel_loop3A_497 = tpu.vector_load %arg12[%parallel_loop3A_495, %parallel_loop3A_496] {strides = array<i32>} : memref<16x256xf32, #tpu.memory_space<vmem>>, vector<1x16xf32>,
        %parallel_loop3A_498 = vector.shape_cast %parallel_loop3A_497 : vector<1x16xf32> to vector<16xf32>
        %parallel_loop3A_499 = arith.addf %parallel_loop3A_494, %parallel_loop3A_498 : vector<16xf32>
        %parallel_loop3A_500 = arith.index_cast %parallel_loop3A_198 : i32 to index
        %parallel_loop3A_501 = arith.constant 240 : index
        %parallel_loop3A_502 = tpu.vector_load %arg14[%parallel_loop3A_500, %parallel_loop3A_501] {strides = array<i32>} : memref<16x256xf32, #tpu.memory_space<vmem>>, vector<1x16xf32>,
        %parallel_loop3A_503 = vector.shape_cast %parallel_loop3A_502 : vector<1x16xf32> to vector<16xf32>
        %parallel_loop3A_504 = arith.index_cast %parallel_loop3A_198 : i32 to index
        %parallel_loop3A_505 = arith.constant 240 : index
        %parallel_loop3A_506 = tpu.vector_load %arg16[%parallel_loop3A_504, %parallel_loop3A_505] {strides = array<i32>} : memref<16x256xf32, #tpu.memory_space<vmem>>, vector<1x16xf32>,
        %parallel_loop3A_507 = vector.shape_cast %parallel_loop3A_506 : vector<1x16xf32> to vector<16xf32>
        %parallel_loop3A_508 = arith.addf %parallel_loop3A_503, %parallel_loop3A_507 : vector<16xf32>
        %parallel_loop3A_509 = arith.index_cast %parallel_loop3A_198 : i32 to index
        %parallel_loop3A_510 = arith.constant 240 : index
        %parallel_loop3A_511 = tpu.vector_load %arg12[%parallel_loop3A_509, %parallel_loop3A_510] {strides = array<i32>} : memref<16x256xf32, #tpu.memory_space<vmem>>, vector<1x16xf32>,
        %parallel_loop3A_512 = vector.shape_cast %parallel_loop3A_511 : vector<1x16xf32> to vector<16xf32>
        %parallel_loop3A_513 = arith.addf %parallel_loop3A_508, %parallel_loop3A_512 : vector<16xf32>
        %parallel_loop3A_514 = arith.constant 0.000000e+00 : f32
        %parallel_loop3A_515 = vector.broadcast %parallel_loop3A_514 : f32 to vector<16xf32>
        %parallel_loop3A_516 = arith.subf %parallel_loop3A_515, %parallel_loop3A_499 : vector<16xf32>
        %parallel_loop3A_517 = math.exp %parallel_loop3A_516 : vector<16xf32>
        %parallel_loop3A_518 = arith.constant 1.000000e+00 : f32
        %parallel_loop3A_519 = vector.broadcast %parallel_loop3A_518 : f32 to vector<16xf32>
        %parallel_loop3A_520 = arith.addf %parallel_loop3A_519, %parallel_loop3A_517 : vector<16xf32>
        %parallel_loop3A_521 = arith.divf %parallel_loop3A_513, %parallel_loop3A_520 : vector<16xf32>
        %parallel_loop3A_522 = arith.index_cast %parallel_loop3A_198 : i32 to index
        %parallel_loop3A_523 = arith.constant 112 : index
        %parallel_loop3A_524 = tpu.vector_load %arg18[%parallel_loop3A_522, %parallel_loop3A_523] {strides = array<i32>} : memref<16x128xf32, #tpu.memory_space<vmem>>, vector<1x16xf32>,
        %parallel_loop3A_525 = vector.shape_cast %parallel_loop3A_524 : vector<1x16xf32> to vector<16xf32>
        %parallel_loop3A_526 = vector.shape_cast %parallel_loop3A_521 : vector<16xf32> to vector<1x16xf32>
        tpu.vector_store %arg18[%parallel_loop3A_522, %parallel_loop3A_523], %parallel_loop3A_526 {strides = array<i32>} : memref<16x128xf32, #tpu.memory_space<vmem>>, vector<1x16xf32>,
      } {sc.loop_unroll_factor = 2 : i64, sc.parallel_access}
      %mul3A_127 = arith.constant 16 : i32
      %mul3A_128 = arith.muli %mul3A_82, %mul3A_127 : i32
      %get3A_129 = arith.index_cast %mul3A_128 : i32 to index
      %get3A_130 = tpu.vector_load %arg10[%get3A_129] {strides = array<i32>} : memref<10000xi32, #tpu.memory_space<vmem>>, vector<16xi32>,
      %get3A_131 = vector.shape_cast %get3A_130 : vector<16xi32> to vector<16xi32>
      %swap3A_132 = arith.constant 0 : index
      %swap3A_133 = tpu.vector_load %arg20[%swap3A_132] {strides = array<i32>} : memref<16xi32, #tpu.memory_space<vmem>>, vector<16xi32>,
      %swap3A_134 = vector.shape_cast %swap3A_133 : vector<16xi32> to vector<16xi32>
      %swap3A_135 = vector.shape_cast %get3A_131 : vector<16xi32> to vector<16xi32>
      tpu.vector_store %arg20[%swap3A_132], %swap3A_135 {strides = array<i32>} : memref<16xi32, #tpu.memory_space<vmem>>, vector<16xi32>,
      %dma_start3A_136 = arith.constant 0 : i32
      %dma_start3A_137 = arith.constant 0 : i32
      %dma_start3A_138 = tpu.memref_slice %arg22[%dma_start3A_136, %dma_start3A_137] : memref<10240x128xf32, #tpu.memory_space<vmem_shared>> -> memref<10240x128xf32, #tpu.memory_space<vmem_shared>>
      tpu.enqueue_indirect_dma source(%arg18 : memref<16x128xf32, #tpu.memory_space<vmem>>) target(%dma_start3A_138 : memref<10240x128xf32, #tpu.memory_space<vmem_shared>>) offsets(%arg20 : memref<16xi32, #tpu.memory_space<vmem>>) semaphore(%arg25 : memref<!tpu.dma_semaphore, #tpu.memory_space<semaphore_mem>>) {add = true}
      %add3A_139 = arith.constant 2 : i32
      %add3A_140 = arith.addi %mul3A_82, %add3A_139 : i32
      %mul3A_141 = arith.constant 16 : i32
      %mul3A_142 = arith.muli %add3A_140, %mul3A_141 : i32
      %add3A_143 = arith.addi %mul3A_6, %mul3A_142 : i32
      %dma_start3A_144 = arith.constant 0 : i32
      %dma_start3A_145 = tpu.memref_slice %arg4[%add3A_143, %dma_start3A_144] : memref<320000x256xf32, #tpu.memory_space<hbm>> -> memref<16x256xf32, #tpu.memory_space<hbm>>
      %dma_start3A_146 = arith.constant 0 : i32
      %dma_start3A_147 = tpu.memref_slice %arg4[%add3A_143, %dma_start3A_146] : memref<320000x256xf32, #tpu.memory_space<hbm>> -> memref<16x256xf32, #tpu.memory_space<hbm>>
      tpu.enqueue_dma source(%dma_start3A_147 : memref<16x256xf32, #tpu.memory_space<hbm>>) target(%arg12 : memref<16x256xf32, #tpu.memory_space<vmem>>) target_semaphore(%arg23 : memref<!tpu.dma_semaphore, #tpu.memory_space<semaphore_mem>>)
      %mul3A_148 = arith.constant 16 : i32
      %mul3A_149 = arith.muli %add3A_140, %mul3A_148 : i32
      %dma_start3A_150 = tpu.memref_slice %arg10[%mul3A_149] : memref<10000xi32, #tpu.memory_space<vmem>> -> memref<16xi32, #tpu.memory_space<vmem>>
      %dma_start3A_151 = arith.constant 0 : i32
      %dma_start3A_152 = arith.constant 0 : i32
      %dma_start3A_153 = tpu.memref_slice %arg2[%dma_start3A_151, %dma_start3A_152] : memref<10000x256xf32, #tpu.memory_space<hbm>> -> memref<10000x256xf32, #tpu.memory_space<hbm>>
      tpu.enqueue_indirect_dma source(%dma_start3A_153 : memref<10000x256xf32, #tpu.memory_space<hbm>>) target(%arg14 : memref<16x256xf32, #tpu.memory_space<vmem>>) offsets(%dma_start3A_150 : memref<16xi32, #tpu.memory_space<vmem>>) semaphore(%arg23 : memref<!tpu.dma_semaphore, #tpu.memory_space<semaphore_mem>>)
      %mul3A_154 = arith.constant 16 : i32
      %mul3A_155 = arith.muli %add3A_140, %mul3A_154 : i32
      %dma_start3A_156 = tpu.memref_slice %arg11[%mul3A_155] : memref<10000xi32, #tpu.memory_space<vmem>> -> memref<16xi32, #tpu.memory_space<vmem>>
      %dma_start3A_157 = arith.constant 0 : i32
      %dma_start3A_158 = arith.constant 0 : i32
      %dma_start3A_159 = tpu.memref_slice %arg3[%dma_start3A_157, %dma_start3A_158] : memref<10000x256xf32, #tpu.memory_space<hbm>> -> memref<10000x256xf32, #tpu.memory_space<hbm>>
      tpu.enqueue_indirect_dma source(%dma_start3A_159 : memref<10000x256xf32, #tpu.memory_space<hbm>>) target(%arg16 : memref<16x256xf32, #tpu.memory_space<vmem>>) offsets(%dma_start3A_156 : memref<16xi32, #tpu.memory_space<vmem>>) semaphore(%arg23 : memref<!tpu.dma_semaphore, #tpu.memory_space<semaphore_mem>>)
      %dma_wait3A_160 = arith.constant 0 : i32
      %dma_wait3A_161 = arith.constant 0 : i32
      %dma_wait3A_162 = tpu.memref_slice %arg4[%dma_wait3A_160, %dma_wait3A_161] : memref<320000x256xf32, #tpu.memory_space<hbm>> -> memref<16x256xf32, #tpu.memory_space<hbm>>
      %dma_wait3A_163 = arith.constant 0 : i32
      %dma_wait3A_164 = arith.constant 0 : i32
      %dma_wait3A_165 = tpu.memref_slice %arg4[%dma_wait3A_163, %dma_wait3A_164] : memref<320000x256xf32, #tpu.memory_space<hbm>> -> memref<16x256xf32, #tpu.memory_space<hbm>>
      tpu.wait_dma2 semaphore(%arg24 : memref<!tpu.dma_semaphore, #tpu.memory_space<semaphore_mem>>) src(%dma_wait3A_165 : memref<16x256xf32, #tpu.memory_space<hbm>>) dst(%arg13 : memref<16x256xf32, #tpu.memory_space<vmem>>)
      %dma_wait3A_166 = arith.constant 0 : i32
      %dma_wait3A_167 = arith.constant 0 : i32
      %dma_wait3A_168 = tpu.memref_slice %arg2[%dma_wait3A_166, %dma_wait3A_167] : memref<10000x256xf32, #tpu.memory_space<hbm>> -> memref<16x256xf32, #tpu.memory_space<hbm>>
      %dma_wait3A_169 = arith.constant 0 : i32
      %dma_wait3A_170 = arith.constant 0 : i32
      %dma_wait3A_171 = tpu.memref_slice %arg2[%dma_wait3A_169, %dma_wait3A_170] : memref<10000x256xf32, #tpu.memory_space<hbm>> -> memref<16x256xf32, #tpu.memory_space<hbm>>
      tpu.wait_dma2 semaphore(%arg24 : memref<!tpu.dma_semaphore, #tpu.memory_space<semaphore_mem>>) src(%dma_wait3A_171 : memref<16x256xf32, #tpu.memory_space<hbm>>) dst(%arg15 : memref<16x256xf32, #tpu.memory_space<vmem>>)
      %dma_wait3A_172 = arith.constant 0 : i32
      %dma_wait3A_173 = arith.constant 0 : i32
      %dma_wait3A_174 = tpu.memref_slice %arg2[%dma_wait3A_172, %dma_wait3A_173] : memref<10000x256xf32, #tpu.memory_space<hbm>> -> memref<16x256xf32, #tpu.memory_space<hbm>>
      %dma_wait3A_175 = arith.constant 0 : i32
      %dma_wait3A_176 = arith.constant 0 : i32
      %dma_wait3A_177 = tpu.memref_slice %arg2[%dma_wait3A_175, %dma_wait3A_176] : memref<10000x256xf32, #tpu.memory_space<hbm>> -> memref<16x256xf32, #tpu.memory_space<hbm>>
      tpu.wait_dma2 semaphore(%arg24 : memref<!tpu.dma_semaphore, #tpu.memory_space<semaphore_mem>>) src(%dma_wait3A_177 : memref<16x256xf32, #tpu.memory_space<hbm>>) dst(%arg17 : memref<16x256xf32, #tpu.memory_space<vmem>>)
      %ge3A_178 = arith.constant 1 : i32
      %ge3A_179 = arith.cmpi sge, %scan3A_80, %ge3A_178 : i32
      %convert_element_type3A_180 = arith.extui %ge3A_179 : i1 to i32
      %cond3A_181 = arith.constant 0 : i32
      %cond3A_182 = arith.cmpi ne, %convert_element_type3A_180, %cond3A_181 : i32
      scf.if %cond3A_182 {
        %dma_wait3A_198 = arith.constant 0 : i32
        %dma_wait3A_199 = arith.constant 0 : i32
        %dma_wait3A_200 = tpu.memref_slice %arg7[%dma_wait3A_198, %dma_wait3A_199] : memref<10240x128xf32, #tpu.memory_space<hbm>> -> memref<16x128xf32, #tpu.memory_space<hbm>>
        %dma_wait3A_201 = arith.constant 0 : i32
        %dma_wait3A_202 = arith.constant 0 : i32
        %dma_wait3A_203 = tpu.memref_slice %arg7[%dma_wait3A_201, %dma_wait3A_202] : memref<10240x128xf32, #tpu.memory_space<hbm>> -> memref<16x128xf32, #tpu.memory_space<hbm>>
        tpu.wait_dma2 semaphore(%arg26 : memref<!tpu.dma_semaphore, #tpu.memory_space<semaphore_mem>>) src(%dma_wait3A_203 : memref<16x128xf32, #tpu.memory_space<hbm>>) dst(%arg19 : memref<16x128xf32, #tpu.memory_space<vmem>>)
      } else {
      }
      %parallel_loop3A_183 = arith.constant 0 : i32
      %parallel_loop3A_184 = arith.constant 16 : i32
      %parallel_loop3A_185 = arith.constant 1 : i32
      scf.for %parallel_loop3A_198 = %parallel_loop3A_183 to %parallel_loop3A_184 step %parallel_loop3A_185  : i32 {
        %parallel_loop3A_199 = arith.index_cast %parallel_loop3A_198 : i32 to index
        %parallel_loop3A_200 = arith.constant 0 : index
        %parallel_loop3A_201 = tpu.vector_load %arg15[%parallel_loop3A_199, %parallel_loop3A_200] {strides = array<i32>} : memref<16x256xf32, #tpu.memory_space<vmem>>, vector<1x16xf32>,
        %parallel_loop3A_202 = vector.shape_cast %parallel_loop3A_201 : vector<1x16xf32> to vector<16xf32>
        %parallel_loop3A_203 = arith.index_cast %parallel_loop3A_198 : i32 to index
        %parallel_loop3A_204 = arith.constant 0 : index
        %parallel_loop3A_205 = tpu.vector_load %arg17[%parallel_loop3A_203, %parallel_loop3A_204] {strides = array<i32>} : memref<16x256xf32, #tpu.memory_space<vmem>>, vector<1x16xf32>,
        %parallel_loop3A_206 = vector.shape_cast %parallel_loop3A_205 : vector<1x16xf32> to vector<16xf32>
        %parallel_loop3A_207 = arith.addf %parallel_loop3A_202, %parallel_loop3A_206 : vector<16xf32>
        %parallel_loop3A_208 = arith.index_cast %parallel_loop3A_198 : i32 to index
        %parallel_loop3A_209 = arith.constant 0 : index
        %parallel_loop3A_210 = tpu.vector_load %arg13[%parallel_loop3A_208, %parallel_loop3A_209] {strides = array<i32>} : memref<16x256xf32, #tpu.memory_space<vmem>>, vector<1x16xf32>,
        %parallel_loop3A_211 = vector.shape_cast %parallel_loop3A_210 : vector<1x16xf32> to vector<16xf32>
        %parallel_loop3A_212 = arith.addf %parallel_loop3A_207, %parallel_loop3A_211 : vector<16xf32>
        %parallel_loop3A_213 = arith.index_cast %parallel_loop3A_198 : i32 to index
        %parallel_loop3A_214 = arith.constant 128 : index
        %parallel_loop3A_215 = tpu.vector_load %arg15[%parallel_loop3A_213, %parallel_loop3A_214] {strides = array<i32>} : memref<16x256xf32, #tpu.memory_space<vmem>>, vector<1x16xf32>,
        %parallel_loop3A_216 = vector.shape_cast %parallel_loop3A_215 : vector<1x16xf32> to vector<16xf32>
        %parallel_loop3A_217 = arith.index_cast %parallel_loop3A_198 : i32 to index
        %parallel_loop3A_218 = arith.constant 128 : index
        %parallel_loop3A_219 = tpu.vector_load %arg17[%parallel_loop3A_217, %parallel_loop3A_218] {strides = array<i32>} : memref<16x256xf32, #tpu.memory_space<vmem>>, vector<1x16xf32>,
        %parallel_loop3A_220 = vector.shape_cast %parallel_loop3A_219 : vector<1x16xf32> to vector<16xf32>
        %parallel_loop3A_221 = arith.addf %parallel_loop3A_216, %parallel_loop3A_220 : vector<16xf32>
        %parallel_loop3A_222 = arith.index_cast %parallel_loop3A_198 : i32 to index
        %parallel_loop3A_223 = arith.constant 128 : index
        %parallel_loop3A_224 = tpu.vector_load %arg13[%parallel_loop3A_222, %parallel_loop3A_223] {strides = array<i32>} : memref<16x256xf32, #tpu.memory_space<vmem>>, vector<1x16xf32>,
        %parallel_loop3A_225 = vector.shape_cast %parallel_loop3A_224 : vector<1x16xf32> to vector<16xf32>
        %parallel_loop3A_226 = arith.addf %parallel_loop3A_221, %parallel_loop3A_225 : vector<16xf32>
        %parallel_loop3A_227 = arith.constant 0.000000e+00 : f32
        %parallel_loop3A_228 = vector.broadcast %parallel_loop3A_227 : f32 to vector<16xf32>
        %parallel_loop3A_229 = arith.subf %parallel_loop3A_228, %parallel_loop3A_212 : vector<16xf32>
        %parallel_loop3A_230 = math.exp %parallel_loop3A_229 : vector<16xf32>
        %parallel_loop3A_231 = arith.constant 1.000000e+00 : f32
        %parallel_loop3A_232 = vector.broadcast %parallel_loop3A_231 : f32 to vector<16xf32>
        %parallel_loop3A_233 = arith.addf %parallel_loop3A_232, %parallel_loop3A_230 : vector<16xf32>
        %parallel_loop3A_234 = arith.divf %parallel_loop3A_226, %parallel_loop3A_233 : vector<16xf32>
        %parallel_loop3A_235 = arith.index_cast %parallel_loop3A_198 : i32 to index
        %parallel_loop3A_236 = arith.constant 0 : index
        %parallel_loop3A_237 = tpu.vector_load %arg19[%parallel_loop3A_235, %parallel_loop3A_236] {strides = array<i32>} : memref<16x128xf32, #tpu.memory_space<vmem>>, vector<1x16xf32>,
        %parallel_loop3A_238 = vector.shape_cast %parallel_loop3A_237 : vector<1x16xf32> to vector<16xf32>
        %parallel_loop3A_239 = vector.shape_cast %parallel_loop3A_234 : vector<16xf32> to vector<1x16xf32>
        tpu.vector_store %arg19[%parallel_loop3A_235, %parallel_loop3A_236], %parallel_loop3A_239 {strides = array<i32>} : memref<16x128xf32, #tpu.memory_space<vmem>>, vector<1x16xf32>,
        %parallel_loop3A_240 = arith.index_cast %parallel_loop3A_198 : i32 to index
        %parallel_loop3A_241 = arith.constant 16 : index
        %parallel_loop3A_242 = tpu.vector_load %arg15[%parallel_loop3A_240, %parallel_loop3A_241] {strides = array<i32>} : memref<16x256xf32, #tpu.memory_space<vmem>>, vector<1x16xf32>,
        %parallel_loop3A_243 = vector.shape_cast %parallel_loop3A_242 : vector<1x16xf32> to vector<16xf32>
        %parallel_loop3A_244 = arith.index_cast %parallel_loop3A_198 : i32 to index
        %parallel_loop3A_245 = arith.constant 16 : index
        %parallel_loop3A_246 = tpu.vector_load %arg17[%parallel_loop3A_244, %parallel_loop3A_245] {strides = array<i32>} : memref<16x256xf32, #tpu.memory_space<vmem>>, vector<1x16xf32>,
        %parallel_loop3A_247 = vector.shape_cast %parallel_loop3A_246 : vector<1x16xf32> to vector<16xf32>
        %parallel_loop3A_248 = arith.addf %parallel_loop3A_243, %parallel_loop3A_247 : vector<16xf32>
        %parallel_loop3A_249 = arith.index_cast %parallel_loop3A_198 : i32 to index
        %parallel_loop3A_250 = arith.constant 16 : index
        %parallel_loop3A_251 = tpu.vector_load %arg13[%parallel_loop3A_249, %parallel_loop3A_250] {strides = array<i32>} : memref<16x256xf32, #tpu.memory_space<vmem>>, vector<1x16xf32>,
        %parallel_loop3A_252 = vector.shape_cast %parallel_loop3A_251 : vector<1x16xf32> to vector<16xf32>
        %parallel_loop3A_253 = arith.addf %parallel_loop3A_248, %parallel_loop3A_252 : vector<16xf32>
        %parallel_loop3A_254 = arith.index_cast %parallel_loop3A_198 : i32 to index
        %parallel_loop3A_255 = arith.constant 144 : index
        %parallel_loop3A_256 = tpu.vector_load %arg15[%parallel_loop3A_254, %parallel_loop3A_255] {strides = array<i32>} : memref<16x256xf32, #tpu.memory_space<vmem>>, vector<1x16xf32>,
        %parallel_loop3A_257 = vector.shape_cast %parallel_loop3A_256 : vector<1x16xf32> to vector<16xf32>
        %parallel_loop3A_258 = arith.index_cast %parallel_loop3A_198 : i32 to index
        %parallel_loop3A_259 = arith.constant 144 : index
        %parallel_loop3A_260 = tpu.vector_load %arg17[%parallel_loop3A_258, %parallel_loop3A_259] {strides = array<i32>} : memref<16x256xf32, #tpu.memory_space<vmem>>, vector<1x16xf32>,
        %parallel_loop3A_261 = vector.shape_cast %parallel_loop3A_260 : vector<1x16xf32> to vector<16xf32>
        %parallel_loop3A_262 = arith.addf %parallel_loop3A_257, %parallel_loop3A_261 : vector<16xf32>
        %parallel_loop3A_263 = arith.index_cast %parallel_loop3A_198 : i32 to index
        %parallel_loop3A_264 = arith.constant 144 : index
        %parallel_loop3A_265 = tpu.vector_load %arg13[%parallel_loop3A_263, %parallel_loop3A_264] {strides = array<i32>} : memref<16x256xf32, #tpu.memory_space<vmem>>, vector<1x16xf32>,
        %parallel_loop3A_266 = vector.shape_cast %parallel_loop3A_265 : vector<1x16xf32> to vector<16xf32>
        %parallel_loop3A_267 = arith.addf %parallel_loop3A_262, %parallel_loop3A_266 : vector<16xf32>
        %parallel_loop3A_268 = arith.constant 0.000000e+00 : f32
        %parallel_loop3A_269 = vector.broadcast %parallel_loop3A_268 : f32 to vector<16xf32>
        %parallel_loop3A_270 = arith.subf %parallel_loop3A_269, %parallel_loop3A_253 : vector<16xf32>
        %parallel_loop3A_271 = math.exp %parallel_loop3A_270 : vector<16xf32>
        %parallel_loop3A_272 = arith.constant 1.000000e+00 : f32
        %parallel_loop3A_273 = vector.broadcast %parallel_loop3A_272 : f32 to vector<16xf32>
        %parallel_loop3A_274 = arith.addf %parallel_loop3A_273, %parallel_loop3A_271 : vector<16xf32>
        %parallel_loop3A_275 = arith.divf %parallel_loop3A_267, %parallel_loop3A_274 : vector<16xf32>
        %parallel_loop3A_276 = arith.index_cast %parallel_loop3A_198 : i32 to index
        %parallel_loop3A_277 = arith.constant 16 : index
        %parallel_loop3A_278 = tpu.vector_load %arg19[%parallel_loop3A_276, %parallel_loop3A_277] {strides = array<i32>} : memref<16x128xf32, #tpu.memory_space<vmem>>, vector<1x16xf32>,
        %parallel_loop3A_279 = vector.shape_cast %parallel_loop3A_278 : vector<1x16xf32> to vector<16xf32>
        %parallel_loop3A_280 = vector.shape_cast %parallel_loop3A_275 : vector<16xf32> to vector<1x16xf32>
        tpu.vector_store %arg19[%parallel_loop3A_276, %parallel_loop3A_277], %parallel_loop3A_280 {strides = array<i32>} : memref<16x128xf32, #tpu.memory_space<vmem>>, vector<1x16xf32>,
        %parallel_loop3A_281 = arith.index_cast %parallel_loop3A_198 : i32 to index
        %parallel_loop3A_282 = arith.constant 32 : index
        %parallel_loop3A_283 = tpu.vector_load %arg15[%parallel_loop3A_281, %parallel_loop3A_282] {strides = array<i32>} : memref<16x256xf32, #tpu.memory_space<vmem>>, vector<1x16xf32>,
        %parallel_loop3A_284 = vector.shape_cast %parallel_loop3A_283 : vector<1x16xf32> to vector<16xf32>
        %parallel_loop3A_285 = arith.index_cast %parallel_loop3A_198 : i32 to index
        %parallel_loop3A_286 = arith.constant 32 : index
        %parallel_loop3A_287 = tpu.vector_load %arg17[%parallel_loop3A_285, %parallel_loop3A_286] {strides = array<i32>} : memref<16x256xf32, #tpu.memory_space<vmem>>, vector<1x16xf32>,
        %parallel_loop3A_288 = vector.shape_cast %parallel_loop3A_287 : vector<1x16xf32> to vector<16xf32>
        %parallel_loop3A_289 = arith.addf %parallel_loop3A_284, %parallel_loop3A_288 : vector<16xf32>
        %parallel_loop3A_290 = arith.index_cast %parallel_loop3A_198 : i32 to index
        %parallel_loop3A_291 = arith.constant 32 : index
        %parallel_loop3A_292 = tpu.vector_load %arg13[%parallel_loop3A_290, %parallel_loop3A_291] {strides = array<i32>} : memref<16x256xf32, #tpu.memory_space<vmem>>, vector<1x16xf32>,
        %parallel_loop3A_293 = vector.shape_cast %parallel_loop3A_292 : vector<1x16xf32> to vector<16xf32>
        %parallel_loop3A_294 = arith.addf %parallel_loop3A_289, %parallel_loop3A_293 : vector<16xf32>
        %parallel_loop3A_295 = arith.index_cast %parallel_loop3A_198 : i32 to index
        %parallel_loop3A_296 = arith.constant 160 : index
        %parallel_loop3A_297 = tpu.vector_load %arg15[%parallel_loop3A_295, %parallel_loop3A_296] {strides = array<i32>} : memref<16x256xf32, #tpu.memory_space<vmem>>, vector<1x16xf32>,
        %parallel_loop3A_298 = vector.shape_cast %parallel_loop3A_297 : vector<1x16xf32> to vector<16xf32>
        %parallel_loop3A_299 = arith.index_cast %parallel_loop3A_198 : i32 to index
        %parallel_loop3A_300 = arith.constant 160 : index
        %parallel_loop3A_301 = tpu.vector_load %arg17[%parallel_loop3A_299, %parallel_loop3A_300] {strides = array<i32>} : memref<16x256xf32, #tpu.memory_space<vmem>>, vector<1x16xf32>,
        %parallel_loop3A_302 = vector.shape_cast %parallel_loop3A_301 : vector<1x16xf32> to vector<16xf32>
        %parallel_loop3A_303 = arith.addf %parallel_loop3A_298, %parallel_loop3A_302 : vector<16xf32>
        %parallel_loop3A_304 = arith.index_cast %parallel_loop3A_198 : i32 to index
        %parallel_loop3A_305 = arith.constant 160 : index
        %parallel_loop3A_306 = tpu.vector_load %arg13[%parallel_loop3A_304, %parallel_loop3A_305] {strides = array<i32>} : memref<16x256xf32, #tpu.memory_space<vmem>>, vector<1x16xf32>,
        %parallel_loop3A_307 = vector.shape_cast %parallel_loop3A_306 : vector<1x16xf32> to vector<16xf32>
        %parallel_loop3A_308 = arith.addf %parallel_loop3A_303, %parallel_loop3A_307 : vector<16xf32>
        %parallel_loop3A_309 = arith.constant 0.000000e+00 : f32
        %parallel_loop3A_310 = vector.broadcast %parallel_loop3A_309 : f32 to vector<16xf32>
        %parallel_loop3A_311 = arith.subf %parallel_loop3A_310, %parallel_loop3A_294 : vector<16xf32>
        %parallel_loop3A_312 = math.exp %parallel_loop3A_311 : vector<16xf32>
        %parallel_loop3A_313 = arith.constant 1.000000e+00 : f32
        %parallel_loop3A_314 = vector.broadcast %parallel_loop3A_313 : f32 to vector<16xf32>
        %parallel_loop3A_315 = arith.addf %parallel_loop3A_314, %parallel_loop3A_312 : vector<16xf32>
        %parallel_loop3A_316 = arith.divf %parallel_loop3A_308, %parallel_loop3A_315 : vector<16xf32>
        %parallel_loop3A_317 = arith.index_cast %parallel_loop3A_198 : i32 to index
        %parallel_loop3A_318 = arith.constant 32 : index
        %parallel_loop3A_319 = tpu.vector_load %arg19[%parallel_loop3A_317, %parallel_loop3A_318] {strides = array<i32>} : memref<16x128xf32, #tpu.memory_space<vmem>>, vector<1x16xf32>,
        %parallel_loop3A_320 = vector.shape_cast %parallel_loop3A_319 : vector<1x16xf32> to vector<16xf32>
        %parallel_loop3A_321 = vector.shape_cast %parallel_loop3A_316 : vector<16xf32> to vector<1x16xf32>
        tpu.vector_store %arg19[%parallel_loop3A_317, %parallel_loop3A_318], %parallel_loop3A_321 {strides = array<i32>} : memref<16x128xf32, #tpu.memory_space<vmem>>, vector<1x16xf32>,
        %parallel_loop3A_322 = arith.index_cast %parallel_loop3A_198 : i32 to index
        %parallel_loop3A_323 = arith.constant 48 : index
        %parallel_loop3A_324 = tpu.vector_load %arg15[%parallel_loop3A_322, %parallel_loop3A_323] {strides = array<i32>} : memref<16x256xf32, #tpu.memory_space<vmem>>, vector<1x16xf32>,
        %parallel_loop3A_325 = vector.shape_cast %parallel_loop3A_324 : vector<1x16xf32> to vector<16xf32>
        %parallel_loop3A_326 = arith.index_cast %parallel_loop3A_198 : i32 to index
        %parallel_loop3A_327 = arith.constant 48 : index
        %parallel_loop3A_328 = tpu.vector_load %arg17[%parallel_loop3A_326, %parallel_loop3A_327] {strides = array<i32>} : memref<16x256xf32, #tpu.memory_space<vmem>>, vector<1x16xf32>,
        %parallel_loop3A_329 = vector.shape_cast %parallel_loop3A_328 : vector<1x16xf32> to vector<16xf32>
        %parallel_loop3A_330 = arith.addf %parallel_loop3A_325, %parallel_loop3A_329 : vector<16xf32>
        %parallel_loop3A_331 = arith.index_cast %parallel_loop3A_198 : i32 to index
        %parallel_loop3A_332 = arith.constant 48 : index
        %parallel_loop3A_333 = tpu.vector_load %arg13[%parallel_loop3A_331, %parallel_loop3A_332] {strides = array<i32>} : memref<16x256xf32, #tpu.memory_space<vmem>>, vector<1x16xf32>,
        %parallel_loop3A_334 = vector.shape_cast %parallel_loop3A_333 : vector<1x16xf32> to vector<16xf32>
        %parallel_loop3A_335 = arith.addf %parallel_loop3A_330, %parallel_loop3A_334 : vector<16xf32>
        %parallel_loop3A_336 = arith.index_cast %parallel_loop3A_198 : i32 to index
        %parallel_loop3A_337 = arith.constant 176 : index
        %parallel_loop3A_338 = tpu.vector_load %arg15[%parallel_loop3A_336, %parallel_loop3A_337] {strides = array<i32>} : memref<16x256xf32, #tpu.memory_space<vmem>>, vector<1x16xf32>,
        %parallel_loop3A_339 = vector.shape_cast %parallel_loop3A_338 : vector<1x16xf32> to vector<16xf32>
        %parallel_loop3A_340 = arith.index_cast %parallel_loop3A_198 : i32 to index
        %parallel_loop3A_341 = arith.constant 176 : index
        %parallel_loop3A_342 = tpu.vector_load %arg17[%parallel_loop3A_340, %parallel_loop3A_341] {strides = array<i32>} : memref<16x256xf32, #tpu.memory_space<vmem>>, vector<1x16xf32>,
        %parallel_loop3A_343 = vector.shape_cast %parallel_loop3A_342 : vector<1x16xf32> to vector<16xf32>
        %parallel_loop3A_344 = arith.addf %parallel_loop3A_339, %parallel_loop3A_343 : vector<16xf32>
        %parallel_loop3A_345 = arith.index_cast %parallel_loop3A_198 : i32 to index
        %parallel_loop3A_346 = arith.constant 176 : index
        %parallel_loop3A_347 = tpu.vector_load %arg13[%parallel_loop3A_345, %parallel_loop3A_346] {strides = array<i32>} : memref<16x256xf32, #tpu.memory_space<vmem>>, vector<1x16xf32>,
        %parallel_loop3A_348 = vector.shape_cast %parallel_loop3A_347 : vector<1x16xf32> to vector<16xf32>
        %parallel_loop3A_349 = arith.addf %parallel_loop3A_344, %parallel_loop3A_348 : vector<16xf32>
        %parallel_loop3A_350 = arith.constant 0.000000e+00 : f32
        %parallel_loop3A_351 = vector.broadcast %parallel_loop3A_350 : f32 to vector<16xf32>
        %parallel_loop3A_352 = arith.subf %parallel_loop3A_351, %parallel_loop3A_335 : vector<16xf32>
        %parallel_loop3A_353 = math.exp %parallel_loop3A_352 : vector<16xf32>
        %parallel_loop3A_354 = arith.constant 1.000000e+00 : f32
        %parallel_loop3A_355 = vector.broadcast %parallel_loop3A_354 : f32 to vector<16xf32>
        %parallel_loop3A_356 = arith.addf %parallel_loop3A_355, %parallel_loop3A_353 : vector<16xf32>
        %parallel_loop3A_357 = arith.divf %parallel_loop3A_349, %parallel_loop3A_356 : vector<16xf32>
        %parallel_loop3A_358 = arith.index_cast %parallel_loop3A_198 : i32 to index
        %parallel_loop3A_359 = arith.constant 48 : index
        %parallel_loop3A_360 = tpu.vector_load %arg19[%parallel_loop3A_358, %parallel_loop3A_359] {strides = array<i32>} : memref<16x128xf32, #tpu.memory_space<vmem>>, vector<1x16xf32>,
        %parallel_loop3A_361 = vector.shape_cast %parallel_loop3A_360 : vector<1x16xf32> to vector<16xf32>
        %parallel_loop3A_362 = vector.shape_cast %parallel_loop3A_357 : vector<16xf32> to vector<1x16xf32>
        tpu.vector_store %arg19[%parallel_loop3A_358, %parallel_loop3A_359], %parallel_loop3A_362 {strides = array<i32>} : memref<16x128xf32, #tpu.memory_space<vmem>>, vector<1x16xf32>,
        %parallel_loop3A_363 = arith.index_cast %parallel_loop3A_198 : i32 to index
        %parallel_loop3A_364 = arith.constant 64 : index
        %parallel_loop3A_365 = tpu.vector_load %arg15[%parallel_loop3A_363, %parallel_loop3A_364] {strides = array<i32>} : memref<16x256xf32, #tpu.memory_space<vmem>>, vector<1x16xf32>,
        %parallel_loop3A_366 = vector.shape_cast %parallel_loop3A_365 : vector<1x16xf32> to vector<16xf32>
        %parallel_loop3A_367 = arith.index_cast %parallel_loop3A_198 : i32 to index
        %parallel_loop3A_368 = arith.constant 64 : index
        %parallel_loop3A_369 = tpu.vector_load %arg17[%parallel_loop3A_367, %parallel_loop3A_368] {strides = array<i32>} : memref<16x256xf32, #tpu.memory_space<vmem>>, vector<1x16xf32>,
        %parallel_loop3A_370 = vector.shape_cast %parallel_loop3A_369 : vector<1x16xf32> to vector<16xf32>
        %parallel_loop3A_371 = arith.addf %parallel_loop3A_366, %parallel_loop3A_370 : vector<16xf32>
        %parallel_loop3A_372 = arith.index_cast %parallel_loop3A_198 : i32 to index
        %parallel_loop3A_373 = arith.constant 64 : index
        %parallel_loop3A_374 = tpu.vector_load %arg13[%parallel_loop3A_372, %parallel_loop3A_373] {strides = array<i32>} : memref<16x256xf32, #tpu.memory_space<vmem>>, vector<1x16xf32>,
        %parallel_loop3A_375 = vector.shape_cast %parallel_loop3A_374 : vector<1x16xf32> to vector<16xf32>
        %parallel_loop3A_376 = arith.addf %parallel_loop3A_371, %parallel_loop3A_375 : vector<16xf32>
        %parallel_loop3A_377 = arith.index_cast %parallel_loop3A_198 : i32 to index
        %parallel_loop3A_378 = arith.constant 192 : index
        %parallel_loop3A_379 = tpu.vector_load %arg15[%parallel_loop3A_377, %parallel_loop3A_378] {strides = array<i32>} : memref<16x256xf32, #tpu.memory_space<vmem>>, vector<1x16xf32>,
        %parallel_loop3A_380 = vector.shape_cast %parallel_loop3A_379 : vector<1x16xf32> to vector<16xf32>
        %parallel_loop3A_381 = arith.index_cast %parallel_loop3A_198 : i32 to index
        %parallel_loop3A_382 = arith.constant 192 : index
        %parallel_loop3A_383 = tpu.vector_load %arg17[%parallel_loop3A_381, %parallel_loop3A_382] {strides = array<i32>} : memref<16x256xf32, #tpu.memory_space<vmem>>, vector<1x16xf32>,
        %parallel_loop3A_384 = vector.shape_cast %parallel_loop3A_383 : vector<1x16xf32> to vector<16xf32>
        %parallel_loop3A_385 = arith.addf %parallel_loop3A_380, %parallel_loop3A_384 : vector<16xf32>
        %parallel_loop3A_386 = arith.index_cast %parallel_loop3A_198 : i32 to index
        %parallel_loop3A_387 = arith.constant 192 : index
        %parallel_loop3A_388 = tpu.vector_load %arg13[%parallel_loop3A_386, %parallel_loop3A_387] {strides = array<i32>} : memref<16x256xf32, #tpu.memory_space<vmem>>, vector<1x16xf32>,
        %parallel_loop3A_389 = vector.shape_cast %parallel_loop3A_388 : vector<1x16xf32> to vector<16xf32>
        %parallel_loop3A_390 = arith.addf %parallel_loop3A_385, %parallel_loop3A_389 : vector<16xf32>
        %parallel_loop3A_391 = arith.constant 0.000000e+00 : f32
        %parallel_loop3A_392 = vector.broadcast %parallel_loop3A_391 : f32 to vector<16xf32>
        %parallel_loop3A_393 = arith.subf %parallel_loop3A_392, %parallel_loop3A_376 : vector<16xf32>
        %parallel_loop3A_394 = math.exp %parallel_loop3A_393 : vector<16xf32>
        %parallel_loop3A_395 = arith.constant 1.000000e+00 : f32
        %parallel_loop3A_396 = vector.broadcast %parallel_loop3A_395 : f32 to vector<16xf32>
        %parallel_loop3A_397 = arith.addf %parallel_loop3A_396, %parallel_loop3A_394 : vector<16xf32>
        %parallel_loop3A_398 = arith.divf %parallel_loop3A_390, %parallel_loop3A_397 : vector<16xf32>
        %parallel_loop3A_399 = arith.index_cast %parallel_loop3A_198 : i32 to index
        %parallel_loop3A_400 = arith.constant 64 : index
        %parallel_loop3A_401 = tpu.vector_load %arg19[%parallel_loop3A_399, %parallel_loop3A_400] {strides = array<i32>} : memref<16x128xf32, #tpu.memory_space<vmem>>, vector<1x16xf32>,
        %parallel_loop3A_402 = vector.shape_cast %parallel_loop3A_401 : vector<1x16xf32> to vector<16xf32>
        %parallel_loop3A_403 = vector.shape_cast %parallel_loop3A_398 : vector<16xf32> to vector<1x16xf32>
        tpu.vector_store %arg19[%parallel_loop3A_399, %parallel_loop3A_400], %parallel_loop3A_403 {strides = array<i32>} : memref<16x128xf32, #tpu.memory_space<vmem>>, vector<1x16xf32>,
        %parallel_loop3A_404 = arith.index_cast %parallel_loop3A_198 : i32 to index
        %parallel_loop3A_405 = arith.constant 80 : index
        %parallel_loop3A_406 = tpu.vector_load %arg15[%parallel_loop3A_404, %parallel_loop3A_405] {strides = array<i32>} : memref<16x256xf32, #tpu.memory_space<vmem>>, vector<1x16xf32>,
        %parallel_loop3A_407 = vector.shape_cast %parallel_loop3A_406 : vector<1x16xf32> to vector<16xf32>
        %parallel_loop3A_408 = arith.index_cast %parallel_loop3A_198 : i32 to index
        %parallel_loop3A_409 = arith.constant 80 : index
        %parallel_loop3A_410 = tpu.vector_load %arg17[%parallel_loop3A_408, %parallel_loop3A_409] {strides = array<i32>} : memref<16x256xf32, #tpu.memory_space<vmem>>, vector<1x16xf32>,
        %parallel_loop3A_411 = vector.shape_cast %parallel_loop3A_410 : vector<1x16xf32> to vector<16xf32>
        %parallel_loop3A_412 = arith.addf %parallel_loop3A_407, %parallel_loop3A_411 : vector<16xf32>
        %parallel_loop3A_413 = arith.index_cast %parallel_loop3A_198 : i32 to index
        %parallel_loop3A_414 = arith.constant 80 : index
        %parallel_loop3A_415 = tpu.vector_load %arg13[%parallel_loop3A_413, %parallel_loop3A_414] {strides = array<i32>} : memref<16x256xf32, #tpu.memory_space<vmem>>, vector<1x16xf32>,
        %parallel_loop3A_416 = vector.shape_cast %parallel_loop3A_415 : vector<1x16xf32> to vector<16xf32>
        %parallel_loop3A_417 = arith.addf %parallel_loop3A_412, %parallel_loop3A_416 : vector<16xf32>
        %parallel_loop3A_418 = arith.index_cast %parallel_loop3A_198 : i32 to index
        %parallel_loop3A_419 = arith.constant 208 : index
        %parallel_loop3A_420 = tpu.vector_load %arg15[%parallel_loop3A_418, %parallel_loop3A_419] {strides = array<i32>} : memref<16x256xf32, #tpu.memory_space<vmem>>, vector<1x16xf32>,
        %parallel_loop3A_421 = vector.shape_cast %parallel_loop3A_420 : vector<1x16xf32> to vector<16xf32>
        %parallel_loop3A_422 = arith.index_cast %parallel_loop3A_198 : i32 to index
        %parallel_loop3A_423 = arith.constant 208 : index
        %parallel_loop3A_424 = tpu.vector_load %arg17[%parallel_loop3A_422, %parallel_loop3A_423] {strides = array<i32>} : memref<16x256xf32, #tpu.memory_space<vmem>>, vector<1x16xf32>,
        %parallel_loop3A_425 = vector.shape_cast %parallel_loop3A_424 : vector<1x16xf32> to vector<16xf32>
        %parallel_loop3A_426 = arith.addf %parallel_loop3A_421, %parallel_loop3A_425 : vector<16xf32>
        %parallel_loop3A_427 = arith.index_cast %parallel_loop3A_198 : i32 to index
        %parallel_loop3A_428 = arith.constant 208 : index
        %parallel_loop3A_429 = tpu.vector_load %arg13[%parallel_loop3A_427, %parallel_loop3A_428] {strides = array<i32>} : memref<16x256xf32, #tpu.memory_space<vmem>>, vector<1x16xf32>,
        %parallel_loop3A_430 = vector.shape_cast %parallel_loop3A_429 : vector<1x16xf32> to vector<16xf32>
        %parallel_loop3A_431 = arith.addf %parallel_loop3A_426, %parallel_loop3A_430 : vector<16xf32>
        %parallel_loop3A_432 = arith.constant 0.000000e+00 : f32
        %parallel_loop3A_433 = vector.broadcast %parallel_loop3A_432 : f32 to vector<16xf32>
        %parallel_loop3A_434 = arith.subf %parallel_loop3A_433, %parallel_loop3A_417 : vector<16xf32>
        %parallel_loop3A_435 = math.exp %parallel_loop3A_434 : vector<16xf32>
        %parallel_loop3A_436 = arith.constant 1.000000e+00 : f32
        %parallel_loop3A_437 = vector.broadcast %parallel_loop3A_436 : f32 to vector<16xf32>
        %parallel_loop3A_438 = arith.addf %parallel_loop3A_437, %parallel_loop3A_435 : vector<16xf32>
        %parallel_loop3A_439 = arith.divf %parallel_loop3A_431, %parallel_loop3A_438 : vector<16xf32>
        %parallel_loop3A_440 = arith.index_cast %parallel_loop3A_198 : i32 to index
        %parallel_loop3A_441 = arith.constant 80 : index
        %parallel_loop3A_442 = tpu.vector_load %arg19[%parallel_loop3A_440, %parallel_loop3A_441] {strides = array<i32>} : memref<16x128xf32, #tpu.memory_space<vmem>>, vector<1x16xf32>,
        %parallel_loop3A_443 = vector.shape_cast %parallel_loop3A_442 : vector<1x16xf32> to vector<16xf32>
        %parallel_loop3A_444 = vector.shape_cast %parallel_loop3A_439 : vector<16xf32> to vector<1x16xf32>
        tpu.vector_store %arg19[%parallel_loop3A_440, %parallel_loop3A_441], %parallel_loop3A_444 {strides = array<i32>} : memref<16x128xf32, #tpu.memory_space<vmem>>, vector<1x16xf32>,
        %parallel_loop3A_445 = arith.index_cast %parallel_loop3A_198 : i32 to index
        %parallel_loop3A_446 = arith.constant 96 : index
        %parallel_loop3A_447 = tpu.vector_load %arg15[%parallel_loop3A_445, %parallel_loop3A_446] {strides = array<i32>} : memref<16x256xf32, #tpu.memory_space<vmem>>, vector<1x16xf32>,
        %parallel_loop3A_448 = vector.shape_cast %parallel_loop3A_447 : vector<1x16xf32> to vector<16xf32>
        %parallel_loop3A_449 = arith.index_cast %parallel_loop3A_198 : i32 to index
        %parallel_loop3A_450 = arith.constant 96 : index
        %parallel_loop3A_451 = tpu.vector_load %arg17[%parallel_loop3A_449, %parallel_loop3A_450] {strides = array<i32>} : memref<16x256xf32, #tpu.memory_space<vmem>>, vector<1x16xf32>,
        %parallel_loop3A_452 = vector.shape_cast %parallel_loop3A_451 : vector<1x16xf32> to vector<16xf32>
        %parallel_loop3A_453 = arith.addf %parallel_loop3A_448, %parallel_loop3A_452 : vector<16xf32>
        %parallel_loop3A_454 = arith.index_cast %parallel_loop3A_198 : i32 to index
        %parallel_loop3A_455 = arith.constant 96 : index
        %parallel_loop3A_456 = tpu.vector_load %arg13[%parallel_loop3A_454, %parallel_loop3A_455] {strides = array<i32>} : memref<16x256xf32, #tpu.memory_space<vmem>>, vector<1x16xf32>,
        %parallel_loop3A_457 = vector.shape_cast %parallel_loop3A_456 : vector<1x16xf32> to vector<16xf32>
        %parallel_loop3A_458 = arith.addf %parallel_loop3A_453, %parallel_loop3A_457 : vector<16xf32>
        %parallel_loop3A_459 = arith.index_cast %parallel_loop3A_198 : i32 to index
        %parallel_loop3A_460 = arith.constant 224 : index
        %parallel_loop3A_461 = tpu.vector_load %arg15[%parallel_loop3A_459, %parallel_loop3A_460] {strides = array<i32>} : memref<16x256xf32, #tpu.memory_space<vmem>>, vector<1x16xf32>,
        %parallel_loop3A_462 = vector.shape_cast %parallel_loop3A_461 : vector<1x16xf32> to vector<16xf32>
        %parallel_loop3A_463 = arith.index_cast %parallel_loop3A_198 : i32 to index
        %parallel_loop3A_464 = arith.constant 224 : index
        %parallel_loop3A_465 = tpu.vector_load %arg17[%parallel_loop3A_463, %parallel_loop3A_464] {strides = array<i32>} : memref<16x256xf32, #tpu.memory_space<vmem>>, vector<1x16xf32>,
        %parallel_loop3A_466 = vector.shape_cast %parallel_loop3A_465 : vector<1x16xf32> to vector<16xf32>
        %parallel_loop3A_467 = arith.addf %parallel_loop3A_462, %parallel_loop3A_466 : vector<16xf32>
        %parallel_loop3A_468 = arith.index_cast %parallel_loop3A_198 : i32 to index
        %parallel_loop3A_469 = arith.constant 224 : index
        %parallel_loop3A_470 = tpu.vector_load %arg13[%parallel_loop3A_468, %parallel_loop3A_469] {strides = array<i32>} : memref<16x256xf32, #tpu.memory_space<vmem>>, vector<1x16xf32>,
        %parallel_loop3A_471 = vector.shape_cast %parallel_loop3A_470 : vector<1x16xf32> to vector<16xf32>
        %parallel_loop3A_472 = arith.addf %parallel_loop3A_467, %parallel_loop3A_471 : vector<16xf32>
        %parallel_loop3A_473 = arith.constant 0.000000e+00 : f32
        %parallel_loop3A_474 = vector.broadcast %parallel_loop3A_473 : f32 to vector<16xf32>
        %parallel_loop3A_475 = arith.subf %parallel_loop3A_474, %parallel_loop3A_458 : vector<16xf32>
        %parallel_loop3A_476 = math.exp %parallel_loop3A_475 : vector<16xf32>
        %parallel_loop3A_477 = arith.constant 1.000000e+00 : f32
        %parallel_loop3A_478 = vector.broadcast %parallel_loop3A_477 : f32 to vector<16xf32>
        %parallel_loop3A_479 = arith.addf %parallel_loop3A_478, %parallel_loop3A_476 : vector<16xf32>
        %parallel_loop3A_480 = arith.divf %parallel_loop3A_472, %parallel_loop3A_479 : vector<16xf32>
        %parallel_loop3A_481 = arith.index_cast %parallel_loop3A_198 : i32 to index
        %parallel_loop3A_482 = arith.constant 96 : index
        %parallel_loop3A_483 = tpu.vector_load %arg19[%parallel_loop3A_481, %parallel_loop3A_482] {strides = array<i32>} : memref<16x128xf32, #tpu.memory_space<vmem>>, vector<1x16xf32>,
        %parallel_loop3A_484 = vector.shape_cast %parallel_loop3A_483 : vector<1x16xf32> to vector<16xf32>
        %parallel_loop3A_485 = vector.shape_cast %parallel_loop3A_480 : vector<16xf32> to vector<1x16xf32>
        tpu.vector_store %arg19[%parallel_loop3A_481, %parallel_loop3A_482], %parallel_loop3A_485 {strides = array<i32>} : memref<16x128xf32, #tpu.memory_space<vmem>>, vector<1x16xf32>,
        %parallel_loop3A_486 = arith.index_cast %parallel_loop3A_198 : i32 to index
        %parallel_loop3A_487 = arith.constant 112 : index
        %parallel_loop3A_488 = tpu.vector_load %arg15[%parallel_loop3A_486, %parallel_loop3A_487] {strides = array<i32>} : memref<16x256xf32, #tpu.memory_space<vmem>>, vector<1x16xf32>,
        %parallel_loop3A_489 = vector.shape_cast %parallel_loop3A_488 : vector<1x16xf32> to vector<16xf32>
        %parallel_loop3A_490 = arith.index_cast %parallel_loop3A_198 : i32 to index
        %parallel_loop3A_491 = arith.constant 112 : index
        %parallel_loop3A_492 = tpu.vector_load %arg17[%parallel_loop3A_490, %parallel_loop3A_491] {strides = array<i32>} : memref<16x256xf32, #tpu.memory_space<vmem>>, vector<1x16xf32>,
        %parallel_loop3A_493 = vector.shape_cast %parallel_loop3A_492 : vector<1x16xf32> to vector<16xf32>
        %parallel_loop3A_494 = arith.addf %parallel_loop3A_489, %parallel_loop3A_493 : vector<16xf32>
        %parallel_loop3A_495 = arith.index_cast %parallel_loop3A_198 : i32 to index
        %parallel_loop3A_496 = arith.constant 112 : index
        %parallel_loop3A_497 = tpu.vector_load %arg13[%parallel_loop3A_495, %parallel_loop3A_496] {strides = array<i32>} : memref<16x256xf32, #tpu.memory_space<vmem>>, vector<1x16xf32>,
        %parallel_loop3A_498 = vector.shape_cast %parallel_loop3A_497 : vector<1x16xf32> to vector<16xf32>
        %parallel_loop3A_499 = arith.addf %parallel_loop3A_494, %parallel_loop3A_498 : vector<16xf32>
        %parallel_loop3A_500 = arith.index_cast %parallel_loop3A_198 : i32 to index
        %parallel_loop3A_501 = arith.constant 240 : index
        %parallel_loop3A_502 = tpu.vector_load %arg15[%parallel_loop3A_500, %parallel_loop3A_501] {strides = array<i32>} : memref<16x256xf32, #tpu.memory_space<vmem>>, vector<1x16xf32>,
        %parallel_loop3A_503 = vector.shape_cast %parallel_loop3A_502 : vector<1x16xf32> to vector<16xf32>
        %parallel_loop3A_504 = arith.index_cast %parallel_loop3A_198 : i32 to index
        %parallel_loop3A_505 = arith.constant 240 : index
        %parallel_loop3A_506 = tpu.vector_load %arg17[%parallel_loop3A_504, %parallel_loop3A_505] {strides = array<i32>} : memref<16x256xf32, #tpu.memory_space<vmem>>, vector<1x16xf32>,
        %parallel_loop3A_507 = vector.shape_cast %parallel_loop3A_506 : vector<1x16xf32> to vector<16xf32>
        %parallel_loop3A_508 = arith.addf %parallel_loop3A_503, %parallel_loop3A_507 : vector<16xf32>
        %parallel_loop3A_509 = arith.index_cast %parallel_loop3A_198 : i32 to index
        %parallel_loop3A_510 = arith.constant 240 : index
        %parallel_loop3A_511 = tpu.vector_load %arg13[%parallel_loop3A_509, %parallel_loop3A_510] {strides = array<i32>} : memref<16x256xf32, #tpu.memory_space<vmem>>, vector<1x16xf32>,
        %parallel_loop3A_512 = vector.shape_cast %parallel_loop3A_511 : vector<1x16xf32> to vector<16xf32>
        %parallel_loop3A_513 = arith.addf %parallel_loop3A_508, %parallel_loop3A_512 : vector<16xf32>
        %parallel_loop3A_514 = arith.constant 0.000000e+00 : f32
        %parallel_loop3A_515 = vector.broadcast %parallel_loop3A_514 : f32 to vector<16xf32>
        %parallel_loop3A_516 = arith.subf %parallel_loop3A_515, %parallel_loop3A_499 : vector<16xf32>
        %parallel_loop3A_517 = math.exp %parallel_loop3A_516 : vector<16xf32>
        %parallel_loop3A_518 = arith.constant 1.000000e+00 : f32
        %parallel_loop3A_519 = vector.broadcast %parallel_loop3A_518 : f32 to vector<16xf32>
        %parallel_loop3A_520 = arith.addf %parallel_loop3A_519, %parallel_loop3A_517 : vector<16xf32>
        %parallel_loop3A_521 = arith.divf %parallel_loop3A_513, %parallel_loop3A_520 : vector<16xf32>
        %parallel_loop3A_522 = arith.index_cast %parallel_loop3A_198 : i32 to index
        %parallel_loop3A_523 = arith.constant 112 : index
        %parallel_loop3A_524 = tpu.vector_load %arg19[%parallel_loop3A_522, %parallel_loop3A_523] {strides = array<i32>} : memref<16x128xf32, #tpu.memory_space<vmem>>, vector<1x16xf32>,
        %parallel_loop3A_525 = vector.shape_cast %parallel_loop3A_524 : vector<1x16xf32> to vector<16xf32>
        %parallel_loop3A_526 = vector.shape_cast %parallel_loop3A_521 : vector<16xf32> to vector<1x16xf32>
        tpu.vector_store %arg19[%parallel_loop3A_522, %parallel_loop3A_523], %parallel_loop3A_526 {strides = array<i32>} : memref<16x128xf32, #tpu.memory_space<vmem>>, vector<1x16xf32>,
      } {sc.loop_unroll_factor = 2 : i64, sc.parallel_access}
      %mul3A_186 = arith.constant 16 : i32
      %mul3A_187 = arith.muli %add3A_84, %mul3A_186 : i32
      %get3A_188 = arith.index_cast %mul3A_187 : i32 to index
      %get3A_189 = tpu.vector_load %arg10[%get3A_188] {strides = array<i32>} : memref<10000xi32, #tpu.memory_space<vmem>>, vector<16xi32>,
      %get3A_190 = vector.shape_cast %get3A_189 : vector<16xi32> to vector<16xi32>
      %swap3A_191 = arith.constant 0 : index
      %swap3A_192 = tpu.vector_load %arg21[%swap3A_191] {strides = array<i32>} : memref<16xi32, #tpu.memory_space<vmem>>, vector<16xi32>,
      %swap3A_193 = vector.shape_cast %swap3A_192 : vector<16xi32> to vector<16xi32>
      %swap3A_194 = vector.shape_cast %get3A_190 : vector<16xi32> to vector<16xi32>
      tpu.vector_store %arg21[%swap3A_191], %swap3A_194 {strides = array<i32>} : memref<16xi32, #tpu.memory_space<vmem>>, vector<16xi32>,
      %dma_start3A_195 = arith.constant 0 : i32
      %dma_start3A_196 = arith.constant 0 : i32
      %dma_start3A_197 = tpu.memref_slice %arg22[%dma_start3A_195, %dma_start3A_196] : memref<10240x128xf32, #tpu.memory_space<vmem_shared>> -> memref<10240x128xf32, #tpu.memory_space<vmem_shared>>
      tpu.enqueue_indirect_dma source(%arg19 : memref<16x128xf32, #tpu.memory_space<vmem>>) target(%dma_start3A_197 : memref<10240x128xf32, #tpu.memory_space<vmem_shared>>) offsets(%arg21 : memref<16xi32, #tpu.memory_space<vmem>>) semaphore(%arg26 : memref<!tpu.dma_semaphore, #tpu.memory_space<semaphore_mem>>) {add = true}
    }
    %scan3A_26 = arith.constant 312 : i32
    %dma_wait3A = arith.constant 0 : i32
    %dma_wait3A_27 = arith.constant 0 : i32
    %dma_wait3A_28 = tpu.memref_slice %arg4[%dma_wait3A, %dma_wait3A_27] : memref<320000x256xf32, #tpu.memory_space<hbm>> -> memref<16x256xf32, #tpu.memory_space<hbm>>
    %dma_wait3A_29 = arith.constant 0 : i32
    %dma_wait3A_30 = arith.constant 0 : i32
    %dma_wait3A_31 = tpu.memref_slice %arg4[%dma_wait3A_29, %dma_wait3A_30] : memref<320000x256xf32, #tpu.memory_space<hbm>> -> memref<16x256xf32, #tpu.memory_space<hbm>>
    tpu.wait_dma2 semaphore(%arg23 : memref<!tpu.dma_semaphore, #tpu.memory_space<semaphore_mem>>) src(%dma_wait3A_31 : memref<16x256xf32, #tpu.memory_space<hbm>>) dst(%arg12 : memref<16x256xf32, #tpu.memory_space<vmem>>)
    %dma_wait3A_32 = arith.constant 0 : i32
    %dma_wait3A_33 = arith.constant 0 : i32
    %dma_wait3A_34 = tpu.memref_slice %arg2[%dma_wait3A_32, %dma_wait3A_33] : memref<10000x256xf32, #tpu.memory_space<hbm>> -> memref<16x256xf32, #tpu.memory_space<hbm>>
    %dma_wait3A_35 = arith.constant 0 : i32
    %dma_wait3A_36 = arith.constant 0 : i32
    %dma_wait3A_37 = tpu.memref_slice %arg2[%dma_wait3A_35, %dma_wait3A_36] : memref<10000x256xf32, #tpu.memory_space<hbm>> -> memref<16x256xf32, #tpu.memory_space<hbm>>
    tpu.wait_dma2 semaphore(%arg23 : memref<!tpu.dma_semaphore, #tpu.memory_space<semaphore_mem>>) src(%dma_wait3A_37 : memref<16x256xf32, #tpu.memory_space<hbm>>) dst(%arg14 : memref<16x256xf32, #tpu.memory_space<vmem>>)
    %dma_wait3A_38 = arith.constant 0 : i32
    %dma_wait3A_39 = arith.constant 0 : i32
    %dma_wait3A_40 = tpu.memref_slice %arg2[%dma_wait3A_38, %dma_wait3A_39] : memref<10000x256xf32, #tpu.memory_space<hbm>> -> memref<16x256xf32, #tpu.memory_space<hbm>>
    %dma_wait3A_41 = arith.constant 0 : i32
    %dma_wait3A_42 = arith.constant 0 : i32
    %dma_wait3A_43 = tpu.memref_slice %arg2[%dma_wait3A_41, %dma_wait3A_42] : memref<10000x256xf32, #tpu.memory_space<hbm>> -> memref<16x256xf32, #tpu.memory_space<hbm>>
    tpu.wait_dma2 semaphore(%arg23 : memref<!tpu.dma_semaphore, #tpu.memory_space<semaphore_mem>>) src(%dma_wait3A_43 : memref<16x256xf32, #tpu.memory_space<hbm>>) dst(%arg16 : memref<16x256xf32, #tpu.memory_space<vmem>>)
    %dma_wait3A_44 = arith.constant 0 : i32
    %dma_wait3A_45 = arith.constant 0 : i32
    %dma_wait3A_46 = tpu.memref_slice %arg7[%dma_wait3A_44, %dma_wait3A_45] : memref<10240x128xf32, #tpu.memory_space<hbm>> -> memref<16x128xf32, #tpu.memory_space<hbm>>
    %dma_wait3A_47 = arith.constant 0 : i32
    %dma_wait3A_48 = arith.constant 0 : i32
    %dma_wait3A_49 = tpu.memref_slice %arg7[%dma_wait3A_47, %dma_wait3A_48] : memref<10240x128xf32, #tpu.memory_space<hbm>> -> memref<16x128xf32, #tpu.memory_space<hbm>>
    tpu.wait_dma2 semaphore(%arg25 : memref<!tpu.dma_semaphore, #tpu.memory_space<semaphore_mem>>) src(%dma_wait3A_49 : memref<16x128xf32, #tpu.memory_space<hbm>>) dst(%arg18 : memref<16x128xf32, #tpu.memory_space<vmem>>)
    %parallel_loop3A = arith.constant 0 : i32
    %parallel_loop3A_50 = arith.constant 16 : i32
    %parallel_loop3A_51 = arith.constant 1 : i32
    scf.for %parallel_loop3A_80 = %parallel_loop3A to %parallel_loop3A_50 step %parallel_loop3A_51  : i32 {
      %parallel_loop3A_81 = arith.index_cast %parallel_loop3A_80 : i32 to index
      %parallel_loop3A_82 = arith.constant 0 : index
      %parallel_loop3A_83 = tpu.vector_load %arg14[%parallel_loop3A_81, %parallel_loop3A_82] {strides = array<i32>} : memref<16x256xf32, #tpu.memory_space<vmem>>, vector<1x16xf32>,
      %parallel_loop3A_84 = vector.shape_cast %parallel_loop3A_83 : vector<1x16xf32> to vector<16xf32>
      %parallel_loop3A_85 = arith.index_cast %parallel_loop3A_80 : i32 to index
      %parallel_loop3A_86 = arith.constant 0 : index
      %parallel_loop3A_87 = tpu.vector_load %arg16[%parallel_loop3A_85, %parallel_loop3A_86] {strides = array<i32>} : memref<16x256xf32, #tpu.memory_space<vmem>>, vector<1x16xf32>,
      %parallel_loop3A_88 = vector.shape_cast %parallel_loop3A_87 : vector<1x16xf32> to vector<16xf32>
      %parallel_loop3A_89 = arith.addf %parallel_loop3A_84, %parallel_loop3A_88 : vector<16xf32>
      %parallel_loop3A_90 = arith.index_cast %parallel_loop3A_80 : i32 to index
      %parallel_loop3A_91 = arith.constant 0 : index
      %parallel_loop3A_92 = tpu.vector_load %arg12[%parallel_loop3A_90, %parallel_loop3A_91] {strides = array<i32>} : memref<16x256xf32, #tpu.memory_space<vmem>>, vector<1x16xf32>,
      %parallel_loop3A_93 = vector.shape_cast %parallel_loop3A_92 : vector<1x16xf32> to vector<16xf32>
      %parallel_loop3A_94 = arith.addf %parallel_loop3A_89, %parallel_loop3A_93 : vector<16xf32>
      %parallel_loop3A_95 = arith.index_cast %parallel_loop3A_80 : i32 to index
      %parallel_loop3A_96 = arith.constant 128 : index
      %parallel_loop3A_97 = tpu.vector_load %arg14[%parallel_loop3A_95, %parallel_loop3A_96] {strides = array<i32>} : memref<16x256xf32, #tpu.memory_space<vmem>>, vector<1x16xf32>,
      %parallel_loop3A_98 = vector.shape_cast %parallel_loop3A_97 : vector<1x16xf32> to vector<16xf32>
      %parallel_loop3A_99 = arith.index_cast %parallel_loop3A_80 : i32 to index
      %parallel_loop3A_100 = arith.constant 128 : index
      %parallel_loop3A_101 = tpu.vector_load %arg16[%parallel_loop3A_99, %parallel_loop3A_100] {strides = array<i32>} : memref<16x256xf32, #tpu.memory_space<vmem>>, vector<1x16xf32>,
      %parallel_loop3A_102 = vector.shape_cast %parallel_loop3A_101 : vector<1x16xf32> to vector<16xf32>
      %parallel_loop3A_103 = arith.addf %parallel_loop3A_98, %parallel_loop3A_102 : vector<16xf32>
      %parallel_loop3A_104 = arith.index_cast %parallel_loop3A_80 : i32 to index
      %parallel_loop3A_105 = arith.constant 128 : index
      %parallel_loop3A_106 = tpu.vector_load %arg12[%parallel_loop3A_104, %parallel_loop3A_105] {strides = array<i32>} : memref<16x256xf32, #tpu.memory_space<vmem>>, vector<1x16xf32>,
      %parallel_loop3A_107 = vector.shape_cast %parallel_loop3A_106 : vector<1x16xf32> to vector<16xf32>
      %parallel_loop3A_108 = arith.addf %parallel_loop3A_103, %parallel_loop3A_107 : vector<16xf32>
      %parallel_loop3A_109 = arith.constant 0.000000e+00 : f32
      %parallel_loop3A_110 = vector.broadcast %parallel_loop3A_109 : f32 to vector<16xf32>
      %parallel_loop3A_111 = arith.subf %parallel_loop3A_110, %parallel_loop3A_94 : vector<16xf32>
      %parallel_loop3A_112 = math.exp %parallel_loop3A_111 : vector<16xf32>
      %parallel_loop3A_113 = arith.constant 1.000000e+00 : f32
      %parallel_loop3A_114 = vector.broadcast %parallel_loop3A_113 : f32 to vector<16xf32>
      %parallel_loop3A_115 = arith.addf %parallel_loop3A_114, %parallel_loop3A_112 : vector<16xf32>
      %parallel_loop3A_116 = arith.divf %parallel_loop3A_108, %parallel_loop3A_115 : vector<16xf32>
      %parallel_loop3A_117 = arith.index_cast %parallel_loop3A_80 : i32 to index
      %parallel_loop3A_118 = arith.constant 0 : index
      %parallel_loop3A_119 = tpu.vector_load %arg18[%parallel_loop3A_117, %parallel_loop3A_118] {strides = array<i32>} : memref<16x128xf32, #tpu.memory_space<vmem>>, vector<1x16xf32>,
      %parallel_loop3A_120 = vector.shape_cast %parallel_loop3A_119 : vector<1x16xf32> to vector<16xf32>
      %parallel_loop3A_121 = vector.shape_cast %parallel_loop3A_116 : vector<16xf32> to vector<1x16xf32>
      tpu.vector_store %arg18[%parallel_loop3A_117, %parallel_loop3A_118], %parallel_loop3A_121 {strides = array<i32>} : memref<16x128xf32, #tpu.memory_space<vmem>>, vector<1x16xf32>,
      %parallel_loop3A_122 = arith.index_cast %parallel_loop3A_80 : i32 to index
      %parallel_loop3A_123 = arith.constant 16 : index
      %parallel_loop3A_124 = tpu.vector_load %arg14[%parallel_loop3A_122, %parallel_loop3A_123] {strides = array<i32>} : memref<16x256xf32, #tpu.memory_space<vmem>>, vector<1x16xf32>,
      %parallel_loop3A_125 = vector.shape_cast %parallel_loop3A_124 : vector<1x16xf32> to vector<16xf32>
      %parallel_loop3A_126 = arith.index_cast %parallel_loop3A_80 : i32 to index
      %parallel_loop3A_127 = arith.constant 16 : index
      %parallel_loop3A_128 = tpu.vector_load %arg16[%parallel_loop3A_126, %parallel_loop3A_127] {strides = array<i32>} : memref<16x256xf32, #tpu.memory_space<vmem>>, vector<1x16xf32>,
      %parallel_loop3A_129 = vector.shape_cast %parallel_loop3A_128 : vector<1x16xf32> to vector<16xf32>
      %parallel_loop3A_130 = arith.addf %parallel_loop3A_125, %parallel_loop3A_129 : vector<16xf32>
      %parallel_loop3A_131 = arith.index_cast %parallel_loop3A_80 : i32 to index
      %parallel_loop3A_132 = arith.constant 16 : index
      %parallel_loop3A_133 = tpu.vector_load %arg12[%parallel_loop3A_131, %parallel_loop3A_132] {strides = array<i32>} : memref<16x256xf32, #tpu.memory_space<vmem>>, vector<1x16xf32>,
      %parallel_loop3A_134 = vector.shape_cast %parallel_loop3A_133 : vector<1x16xf32> to vector<16xf32>
      %parallel_loop3A_135 = arith.addf %parallel_loop3A_130, %parallel_loop3A_134 : vector<16xf32>
      %parallel_loop3A_136 = arith.index_cast %parallel_loop3A_80 : i32 to index
      %parallel_loop3A_137 = arith.constant 144 : index
      %parallel_loop3A_138 = tpu.vector_load %arg14[%parallel_loop3A_136, %parallel_loop3A_137] {strides = array<i32>} : memref<16x256xf32, #tpu.memory_space<vmem>>, vector<1x16xf32>,
      %parallel_loop3A_139 = vector.shape_cast %parallel_loop3A_138 : vector<1x16xf32> to vector<16xf32>
      %parallel_loop3A_140 = arith.index_cast %parallel_loop3A_80 : i32 to index
      %parallel_loop3A_141 = arith.constant 144 : index
      %parallel_loop3A_142 = tpu.vector_load %arg16[%parallel_loop3A_140, %parallel_loop3A_141] {strides = array<i32>} : memref<16x256xf32, #tpu.memory_space<vmem>>, vector<1x16xf32>,
      %parallel_loop3A_143 = vector.shape_cast %parallel_loop3A_142 : vector<1x16xf32> to vector<16xf32>
      %parallel_loop3A_144 = arith.addf %parallel_loop3A_139, %parallel_loop3A_143 : vector<16xf32>
      %parallel_loop3A_145 = arith.index_cast %parallel_loop3A_80 : i32 to index
      %parallel_loop3A_146 = arith.constant 144 : index
      %parallel_loop3A_147 = tpu.vector_load %arg12[%parallel_loop3A_145, %parallel_loop3A_146] {strides = array<i32>} : memref<16x256xf32, #tpu.memory_space<vmem>>, vector<1x16xf32>,
      %parallel_loop3A_148 = vector.shape_cast %parallel_loop3A_147 : vector<1x16xf32> to vector<16xf32>
      %parallel_loop3A_149 = arith.addf %parallel_loop3A_144, %parallel_loop3A_148 : vector<16xf32>
      %parallel_loop3A_150 = arith.constant 0.000000e+00 : f32
      %parallel_loop3A_151 = vector.broadcast %parallel_loop3A_150 : f32 to vector<16xf32>
      %parallel_loop3A_152 = arith.subf %parallel_loop3A_151, %parallel_loop3A_135 : vector<16xf32>
      %parallel_loop3A_153 = math.exp %parallel_loop3A_152 : vector<16xf32>
      %parallel_loop3A_154 = arith.constant 1.000000e+00 : f32
      %parallel_loop3A_155 = vector.broadcast %parallel_loop3A_154 : f32 to vector<16xf32>
      %parallel_loop3A_156 = arith.addf %parallel_loop3A_155, %parallel_loop3A_153 : vector<16xf32>
      %parallel_loop3A_157 = arith.divf %parallel_loop3A_149, %parallel_loop3A_156 : vector<16xf32>
      %parallel_loop3A_158 = arith.index_cast %parallel_loop3A_80 : i32 to index
      %parallel_loop3A_159 = arith.constant 16 : index
      %parallel_loop3A_160 = tpu.vector_load %arg18[%parallel_loop3A_158, %parallel_loop3A_159] {strides = array<i32>} : memref<16x128xf32, #tpu.memory_space<vmem>>, vector<1x16xf32>,
      %parallel_loop3A_161 = vector.shape_cast %parallel_loop3A_160 : vector<1x16xf32> to vector<16xf32>
      %parallel_loop3A_162 = vector.shape_cast %parallel_loop3A_157 : vector<16xf32> to vector<1x16xf32>
      tpu.vector_store %arg18[%parallel_loop3A_158, %parallel_loop3A_159], %parallel_loop3A_162 {strides = array<i32>} : memref<16x128xf32, #tpu.memory_space<vmem>>, vector<1x16xf32>,
      %parallel_loop3A_163 = arith.index_cast %parallel_loop3A_80 : i32 to index
      %parallel_loop3A_164 = arith.constant 32 : index
      %parallel_loop3A_165 = tpu.vector_load %arg14[%parallel_loop3A_163, %parallel_loop3A_164] {strides = array<i32>} : memref<16x256xf32, #tpu.memory_space<vmem>>, vector<1x16xf32>,
      %parallel_loop3A_166 = vector.shape_cast %parallel_loop3A_165 : vector<1x16xf32> to vector<16xf32>
      %parallel_loop3A_167 = arith.index_cast %parallel_loop3A_80 : i32 to index
      %parallel_loop3A_168 = arith.constant 32 : index
      %parallel_loop3A_169 = tpu.vector_load %arg16[%parallel_loop3A_167, %parallel_loop3A_168] {strides = array<i32>} : memref<16x256xf32, #tpu.memory_space<vmem>>, vector<1x16xf32>,
      %parallel_loop3A_170 = vector.shape_cast %parallel_loop3A_169 : vector<1x16xf32> to vector<16xf32>
      %parallel_loop3A_171 = arith.addf %parallel_loop3A_166, %parallel_loop3A_170 : vector<16xf32>
      %parallel_loop3A_172 = arith.index_cast %parallel_loop3A_80 : i32 to index
      %parallel_loop3A_173 = arith.constant 32 : index
      %parallel_loop3A_174 = tpu.vector_load %arg12[%parallel_loop3A_172, %parallel_loop3A_173] {strides = array<i32>} : memref<16x256xf32, #tpu.memory_space<vmem>>, vector<1x16xf32>,
      %parallel_loop3A_175 = vector.shape_cast %parallel_loop3A_174 : vector<1x16xf32> to vector<16xf32>
      %parallel_loop3A_176 = arith.addf %parallel_loop3A_171, %parallel_loop3A_175 : vector<16xf32>
      %parallel_loop3A_177 = arith.index_cast %parallel_loop3A_80 : i32 to index
      %parallel_loop3A_178 = arith.constant 160 : index
      %parallel_loop3A_179 = tpu.vector_load %arg14[%parallel_loop3A_177, %parallel_loop3A_178] {strides = array<i32>} : memref<16x256xf32, #tpu.memory_space<vmem>>, vector<1x16xf32>,
      %parallel_loop3A_180 = vector.shape_cast %parallel_loop3A_179 : vector<1x16xf32> to vector<16xf32>
      %parallel_loop3A_181 = arith.index_cast %parallel_loop3A_80 : i32 to index
      %parallel_loop3A_182 = arith.constant 160 : index
      %parallel_loop3A_183 = tpu.vector_load %arg16[%parallel_loop3A_181, %parallel_loop3A_182] {strides = array<i32>} : memref<16x256xf32, #tpu.memory_space<vmem>>, vector<1x16xf32>,
      %parallel_loop3A_184 = vector.shape_cast %parallel_loop3A_183 : vector<1x16xf32> to vector<16xf32>
      %parallel_loop3A_185 = arith.addf %parallel_loop3A_180, %parallel_loop3A_184 : vector<16xf32>
      %parallel_loop3A_186 = arith.index_cast %parallel_loop3A_80 : i32 to index
      %parallel_loop3A_187 = arith.constant 160 : index
      %parallel_loop3A_188 = tpu.vector_load %arg12[%parallel_loop3A_186, %parallel_loop3A_187] {strides = array<i32>} : memref<16x256xf32, #tpu.memory_space<vmem>>, vector<1x16xf32>,
      %parallel_loop3A_189 = vector.shape_cast %parallel_loop3A_188 : vector<1x16xf32> to vector<16xf32>
      %parallel_loop3A_190 = arith.addf %parallel_loop3A_185, %parallel_loop3A_189 : vector<16xf32>
      %parallel_loop3A_191 = arith.constant 0.000000e+00 : f32
      %parallel_loop3A_192 = vector.broadcast %parallel_loop3A_191 : f32 to vector<16xf32>
      %parallel_loop3A_193 = arith.subf %parallel_loop3A_192, %parallel_loop3A_176 : vector<16xf32>
      %parallel_loop3A_194 = math.exp %parallel_loop3A_193 : vector<16xf32>
      %parallel_loop3A_195 = arith.constant 1.000000e+00 : f32
      %parallel_loop3A_196 = vector.broadcast %parallel_loop3A_195 : f32 to vector<16xf32>
      %parallel_loop3A_197 = arith.addf %parallel_loop3A_196, %parallel_loop3A_194 : vector<16xf32>
      %parallel_loop3A_198 = arith.divf %parallel_loop3A_190, %parallel_loop3A_197 : vector<16xf32>
      %parallel_loop3A_199 = arith.index_cast %parallel_loop3A_80 : i32 to index
      %parallel_loop3A_200 = arith.constant 32 : index
      %parallel_loop3A_201 = tpu.vector_load %arg18[%parallel_loop3A_199, %parallel_loop3A_200] {strides = array<i32>} : memref<16x128xf32, #tpu.memory_space<vmem>>, vector<1x16xf32>,
      %parallel_loop3A_202 = vector.shape_cast %parallel_loop3A_201 : vector<1x16xf32> to vector<16xf32>
      %parallel_loop3A_203 = vector.shape_cast %parallel_loop3A_198 : vector<16xf32> to vector<1x16xf32>
      tpu.vector_store %arg18[%parallel_loop3A_199, %parallel_loop3A_200], %parallel_loop3A_203 {strides = array<i32>} : memref<16x128xf32, #tpu.memory_space<vmem>>, vector<1x16xf32>,
      %parallel_loop3A_204 = arith.index_cast %parallel_loop3A_80 : i32 to index
      %parallel_loop3A_205 = arith.constant 48 : index
      %parallel_loop3A_206 = tpu.vector_load %arg14[%parallel_loop3A_204, %parallel_loop3A_205] {strides = array<i32>} : memref<16x256xf32, #tpu.memory_space<vmem>>, vector<1x16xf32>,
      %parallel_loop3A_207 = vector.shape_cast %parallel_loop3A_206 : vector<1x16xf32> to vector<16xf32>
      %parallel_loop3A_208 = arith.index_cast %parallel_loop3A_80 : i32 to index
      %parallel_loop3A_209 = arith.constant 48 : index
      %parallel_loop3A_210 = tpu.vector_load %arg16[%parallel_loop3A_208, %parallel_loop3A_209] {strides = array<i32>} : memref<16x256xf32, #tpu.memory_space<vmem>>, vector<1x16xf32>,
      %parallel_loop3A_211 = vector.shape_cast %parallel_loop3A_210 : vector<1x16xf32> to vector<16xf32>
      %parallel_loop3A_212 = arith.addf %parallel_loop3A_207, %parallel_loop3A_211 : vector<16xf32>
      %parallel_loop3A_213 = arith.index_cast %parallel_loop3A_80 : i32 to index
      %parallel_loop3A_214 = arith.constant 48 : index
      %parallel_loop3A_215 = tpu.vector_load %arg12[%parallel_loop3A_213, %parallel_loop3A_214] {strides = array<i32>} : memref<16x256xf32, #tpu.memory_space<vmem>>, vector<1x16xf32>,
      %parallel_loop3A_216 = vector.shape_cast %parallel_loop3A_215 : vector<1x16xf32> to vector<16xf32>
      %parallel_loop3A_217 = arith.addf %parallel_loop3A_212, %parallel_loop3A_216 : vector<16xf32>
      %parallel_loop3A_218 = arith.index_cast %parallel_loop3A_80 : i32 to index
      %parallel_loop3A_219 = arith.constant 176 : index
      %parallel_loop3A_220 = tpu.vector_load %arg14[%parallel_loop3A_218, %parallel_loop3A_219] {strides = array<i32>} : memref<16x256xf32, #tpu.memory_space<vmem>>, vector<1x16xf32>,
      %parallel_loop3A_221 = vector.shape_cast %parallel_loop3A_220 : vector<1x16xf32> to vector<16xf32>
      %parallel_loop3A_222 = arith.index_cast %parallel_loop3A_80 : i32 to index
      %parallel_loop3A_223 = arith.constant 176 : index
      %parallel_loop3A_224 = tpu.vector_load %arg16[%parallel_loop3A_222, %parallel_loop3A_223] {strides = array<i32>} : memref<16x256xf32, #tpu.memory_space<vmem>>, vector<1x16xf32>,
      %parallel_loop3A_225 = vector.shape_cast %parallel_loop3A_224 : vector<1x16xf32> to vector<16xf32>
      %parallel_loop3A_226 = arith.addf %parallel_loop3A_221, %parallel_loop3A_225 : vector<16xf32>
      %parallel_loop3A_227 = arith.index_cast %parallel_loop3A_80 : i32 to index
      %parallel_loop3A_228 = arith.constant 176 : index
      %parallel_loop3A_229 = tpu.vector_load %arg12[%parallel_loop3A_227, %parallel_loop3A_228] {strides = array<i32>} : memref<16x256xf32, #tpu.memory_space<vmem>>, vector<1x16xf32>,
      %parallel_loop3A_230 = vector.shape_cast %parallel_loop3A_229 : vector<1x16xf32> to vector<16xf32>
      %parallel_loop3A_231 = arith.addf %parallel_loop3A_226, %parallel_loop3A_230 : vector<16xf32>
      %parallel_loop3A_232 = arith.constant 0.000000e+00 : f32
      %parallel_loop3A_233 = vector.broadcast %parallel_loop3A_232 : f32 to vector<16xf32>
      %parallel_loop3A_234 = arith.subf %parallel_loop3A_233, %parallel_loop3A_217 : vector<16xf32>
      %parallel_loop3A_235 = math.exp %parallel_loop3A_234 : vector<16xf32>
      %parallel_loop3A_236 = arith.constant 1.000000e+00 : f32
      %parallel_loop3A_237 = vector.broadcast %parallel_loop3A_236 : f32 to vector<16xf32>
      %parallel_loop3A_238 = arith.addf %parallel_loop3A_237, %parallel_loop3A_235 : vector<16xf32>
      %parallel_loop3A_239 = arith.divf %parallel_loop3A_231, %parallel_loop3A_238 : vector<16xf32>
      %parallel_loop3A_240 = arith.index_cast %parallel_loop3A_80 : i32 to index
      %parallel_loop3A_241 = arith.constant 48 : index
      %parallel_loop3A_242 = tpu.vector_load %arg18[%parallel_loop3A_240, %parallel_loop3A_241] {strides = array<i32>} : memref<16x128xf32, #tpu.memory_space<vmem>>, vector<1x16xf32>,
      %parallel_loop3A_243 = vector.shape_cast %parallel_loop3A_242 : vector<1x16xf32> to vector<16xf32>
      %parallel_loop3A_244 = vector.shape_cast %parallel_loop3A_239 : vector<16xf32> to vector<1x16xf32>
      tpu.vector_store %arg18[%parallel_loop3A_240, %parallel_loop3A_241], %parallel_loop3A_244 {strides = array<i32>} : memref<16x128xf32, #tpu.memory_space<vmem>>, vector<1x16xf32>,
      %parallel_loop3A_245 = arith.index_cast %parallel_loop3A_80 : i32 to index
      %parallel_loop3A_246 = arith.constant 64 : index
      %parallel_loop3A_247 = tpu.vector_load %arg14[%parallel_loop3A_245, %parallel_loop3A_246] {strides = array<i32>} : memref<16x256xf32, #tpu.memory_space<vmem>>, vector<1x16xf32>,
      %parallel_loop3A_248 = vector.shape_cast %parallel_loop3A_247 : vector<1x16xf32> to vector<16xf32>
      %parallel_loop3A_249 = arith.index_cast %parallel_loop3A_80 : i32 to index
      %parallel_loop3A_250 = arith.constant 64 : index
      %parallel_loop3A_251 = tpu.vector_load %arg16[%parallel_loop3A_249, %parallel_loop3A_250] {strides = array<i32>} : memref<16x256xf32, #tpu.memory_space<vmem>>, vector<1x16xf32>,
      %parallel_loop3A_252 = vector.shape_cast %parallel_loop3A_251 : vector<1x16xf32> to vector<16xf32>
      %parallel_loop3A_253 = arith.addf %parallel_loop3A_248, %parallel_loop3A_252 : vector<16xf32>
      %parallel_loop3A_254 = arith.index_cast %parallel_loop3A_80 : i32 to index
      %parallel_loop3A_255 = arith.constant 64 : index
      %parallel_loop3A_256 = tpu.vector_load %arg12[%parallel_loop3A_254, %parallel_loop3A_255] {strides = array<i32>} : memref<16x256xf32, #tpu.memory_space<vmem>>, vector<1x16xf32>,
      %parallel_loop3A_257 = vector.shape_cast %parallel_loop3A_256 : vector<1x16xf32> to vector<16xf32>
      %parallel_loop3A_258 = arith.addf %parallel_loop3A_253, %parallel_loop3A_257 : vector<16xf32>
      %parallel_loop3A_259 = arith.index_cast %parallel_loop3A_80 : i32 to index
      %parallel_loop3A_260 = arith.constant 192 : index
      %parallel_loop3A_261 = tpu.vector_load %arg14[%parallel_loop3A_259, %parallel_loop3A_260] {strides = array<i32>} : memref<16x256xf32, #tpu.memory_space<vmem>>, vector<1x16xf32>,
      %parallel_loop3A_262 = vector.shape_cast %parallel_loop3A_261 : vector<1x16xf32> to vector<16xf32>
      %parallel_loop3A_263 = arith.index_cast %parallel_loop3A_80 : i32 to index
      %parallel_loop3A_264 = arith.constant 192 : index
      %parallel_loop3A_265 = tpu.vector_load %arg16[%parallel_loop3A_263, %parallel_loop3A_264] {strides = array<i32>} : memref<16x256xf32, #tpu.memory_space<vmem>>, vector<1x16xf32>,
      %parallel_loop3A_266 = vector.shape_cast %parallel_loop3A_265 : vector<1x16xf32> to vector<16xf32>
      %parallel_loop3A_267 = arith.addf %parallel_loop3A_262, %parallel_loop3A_266 : vector<16xf32>
      %parallel_loop3A_268 = arith.index_cast %parallel_loop3A_80 : i32 to index
      %parallel_loop3A_269 = arith.constant 192 : index
      %parallel_loop3A_270 = tpu.vector_load %arg12[%parallel_loop3A_268, %parallel_loop3A_269] {strides = array<i32>} : memref<16x256xf32, #tpu.memory_space<vmem>>, vector<1x16xf32>,
      %parallel_loop3A_271 = vector.shape_cast %parallel_loop3A_270 : vector<1x16xf32> to vector<16xf32>
      %parallel_loop3A_272 = arith.addf %parallel_loop3A_267, %parallel_loop3A_271 : vector<16xf32>
      %parallel_loop3A_273 = arith.constant 0.000000e+00 : f32
      %parallel_loop3A_274 = vector.broadcast %parallel_loop3A_273 : f32 to vector<16xf32>
      %parallel_loop3A_275 = arith.subf %parallel_loop3A_274, %parallel_loop3A_258 : vector<16xf32>
      %parallel_loop3A_276 = math.exp %parallel_loop3A_275 : vector<16xf32>
      %parallel_loop3A_277 = arith.constant 1.000000e+00 : f32
      %parallel_loop3A_278 = vector.broadcast %parallel_loop3A_277 : f32 to vector<16xf32>
      %parallel_loop3A_279 = arith.addf %parallel_loop3A_278, %parallel_loop3A_276 : vector<16xf32>
      %parallel_loop3A_280 = arith.divf %parallel_loop3A_272, %parallel_loop3A_279 : vector<16xf32>
      %parallel_loop3A_281 = arith.index_cast %parallel_loop3A_80 : i32 to index
      %parallel_loop3A_282 = arith.constant 64 : index
      %parallel_loop3A_283 = tpu.vector_load %arg18[%parallel_loop3A_281, %parallel_loop3A_282] {strides = array<i32>} : memref<16x128xf32, #tpu.memory_space<vmem>>, vector<1x16xf32>,
      %parallel_loop3A_284 = vector.shape_cast %parallel_loop3A_283 : vector<1x16xf32> to vector<16xf32>
      %parallel_loop3A_285 = vector.shape_cast %parallel_loop3A_280 : vector<16xf32> to vector<1x16xf32>
      tpu.vector_store %arg18[%parallel_loop3A_281, %parallel_loop3A_282], %parallel_loop3A_285 {strides = array<i32>} : memref<16x128xf32, #tpu.memory_space<vmem>>, vector<1x16xf32>,
      %parallel_loop3A_286 = arith.index_cast %parallel_loop3A_80 : i32 to index
      %parallel_loop3A_287 = arith.constant 80 : index
      %parallel_loop3A_288 = tpu.vector_load %arg14[%parallel_loop3A_286, %parallel_loop3A_287] {strides = array<i32>} : memref<16x256xf32, #tpu.memory_space<vmem>>, vector<1x16xf32>,
      %parallel_loop3A_289 = vector.shape_cast %parallel_loop3A_288 : vector<1x16xf32> to vector<16xf32>
      %parallel_loop3A_290 = arith.index_cast %parallel_loop3A_80 : i32 to index
      %parallel_loop3A_291 = arith.constant 80 : index
      %parallel_loop3A_292 = tpu.vector_load %arg16[%parallel_loop3A_290, %parallel_loop3A_291] {strides = array<i32>} : memref<16x256xf32, #tpu.memory_space<vmem>>, vector<1x16xf32>,
      %parallel_loop3A_293 = vector.shape_cast %parallel_loop3A_292 : vector<1x16xf32> to vector<16xf32>
      %parallel_loop3A_294 = arith.addf %parallel_loop3A_289, %parallel_loop3A_293 : vector<16xf32>
      %parallel_loop3A_295 = arith.index_cast %parallel_loop3A_80 : i32 to index
      %parallel_loop3A_296 = arith.constant 80 : index
      %parallel_loop3A_297 = tpu.vector_load %arg12[%parallel_loop3A_295, %parallel_loop3A_296] {strides = array<i32>} : memref<16x256xf32, #tpu.memory_space<vmem>>, vector<1x16xf32>,
      %parallel_loop3A_298 = vector.shape_cast %parallel_loop3A_297 : vector<1x16xf32> to vector<16xf32>
      %parallel_loop3A_299 = arith.addf %parallel_loop3A_294, %parallel_loop3A_298 : vector<16xf32>
      %parallel_loop3A_300 = arith.index_cast %parallel_loop3A_80 : i32 to index
      %parallel_loop3A_301 = arith.constant 208 : index
      %parallel_loop3A_302 = tpu.vector_load %arg14[%parallel_loop3A_300, %parallel_loop3A_301] {strides = array<i32>} : memref<16x256xf32, #tpu.memory_space<vmem>>, vector<1x16xf32>,
      %parallel_loop3A_303 = vector.shape_cast %parallel_loop3A_302 : vector<1x16xf32> to vector<16xf32>
      %parallel_loop3A_304 = arith.index_cast %parallel_loop3A_80 : i32 to index
      %parallel_loop3A_305 = arith.constant 208 : index
      %parallel_loop3A_306 = tpu.vector_load %arg16[%parallel_loop3A_304, %parallel_loop3A_305] {strides = array<i32>} : memref<16x256xf32, #tpu.memory_space<vmem>>, vector<1x16xf32>,
      %parallel_loop3A_307 = vector.shape_cast %parallel_loop3A_306 : vector<1x16xf32> to vector<16xf32>
      %parallel_loop3A_308 = arith.addf %parallel_loop3A_303, %parallel_loop3A_307 : vector<16xf32>
      %parallel_loop3A_309 = arith.index_cast %parallel_loop3A_80 : i32 to index
      %parallel_loop3A_310 = arith.constant 208 : index
      %parallel_loop3A_311 = tpu.vector_load %arg12[%parallel_loop3A_309, %parallel_loop3A_310] {strides = array<i32>} : memref<16x256xf32, #tpu.memory_space<vmem>>, vector<1x16xf32>,
      %parallel_loop3A_312 = vector.shape_cast %parallel_loop3A_311 : vector<1x16xf32> to vector<16xf32>
      %parallel_loop3A_313 = arith.addf %parallel_loop3A_308, %parallel_loop3A_312 : vector<16xf32>
      %parallel_loop3A_314 = arith.constant 0.000000e+00 : f32
      %parallel_loop3A_315 = vector.broadcast %parallel_loop3A_314 : f32 to vector<16xf32>
      %parallel_loop3A_316 = arith.subf %parallel_loop3A_315, %parallel_loop3A_299 : vector<16xf32>
      %parallel_loop3A_317 = math.exp %parallel_loop3A_316 : vector<16xf32>
      %parallel_loop3A_318 = arith.constant 1.000000e+00 : f32
      %parallel_loop3A_319 = vector.broadcast %parallel_loop3A_318 : f32 to vector<16xf32>
      %parallel_loop3A_320 = arith.addf %parallel_loop3A_319, %parallel_loop3A_317 : vector<16xf32>
      %parallel_loop3A_321 = arith.divf %parallel_loop3A_313, %parallel_loop3A_320 : vector<16xf32>
      %parallel_loop3A_322 = arith.index_cast %parallel_loop3A_80 : i32 to index
      %parallel_loop3A_323 = arith.constant 80 : index
      %parallel_loop3A_324 = tpu.vector_load %arg18[%parallel_loop3A_322, %parallel_loop3A_323] {strides = array<i32>} : memref<16x128xf32, #tpu.memory_space<vmem>>, vector<1x16xf32>,
      %parallel_loop3A_325 = vector.shape_cast %parallel_loop3A_324 : vector<1x16xf32> to vector<16xf32>
      %parallel_loop3A_326 = vector.shape_cast %parallel_loop3A_321 : vector<16xf32> to vector<1x16xf32>
      tpu.vector_store %arg18[%parallel_loop3A_322, %parallel_loop3A_323], %parallel_loop3A_326 {strides = array<i32>} : memref<16x128xf32, #tpu.memory_space<vmem>>, vector<1x16xf32>,
      %parallel_loop3A_327 = arith.index_cast %parallel_loop3A_80 : i32 to index
      %parallel_loop3A_328 = arith.constant 96 : index
      %parallel_loop3A_329 = tpu.vector_load %arg14[%parallel_loop3A_327, %parallel_loop3A_328] {strides = array<i32>} : memref<16x256xf32, #tpu.memory_space<vmem>>, vector<1x16xf32>,
      %parallel_loop3A_330 = vector.shape_cast %parallel_loop3A_329 : vector<1x16xf32> to vector<16xf32>
      %parallel_loop3A_331 = arith.index_cast %parallel_loop3A_80 : i32 to index
      %parallel_loop3A_332 = arith.constant 96 : index
      %parallel_loop3A_333 = tpu.vector_load %arg16[%parallel_loop3A_331, %parallel_loop3A_332] {strides = array<i32>} : memref<16x256xf32, #tpu.memory_space<vmem>>, vector<1x16xf32>,
      %parallel_loop3A_334 = vector.shape_cast %parallel_loop3A_333 : vector<1x16xf32> to vector<16xf32>
      %parallel_loop3A_335 = arith.addf %parallel_loop3A_330, %parallel_loop3A_334 : vector<16xf32>
      %parallel_loop3A_336 = arith.index_cast %parallel_loop3A_80 : i32 to index
      %parallel_loop3A_337 = arith.constant 96 : index
      %parallel_loop3A_338 = tpu.vector_load %arg12[%parallel_loop3A_336, %parallel_loop3A_337] {strides = array<i32>} : memref<16x256xf32, #tpu.memory_space<vmem>>, vector<1x16xf32>,
      %parallel_loop3A_339 = vector.shape_cast %parallel_loop3A_338 : vector<1x16xf32> to vector<16xf32>
      %parallel_loop3A_340 = arith.addf %parallel_loop3A_335, %parallel_loop3A_339 : vector<16xf32>
      %parallel_loop3A_341 = arith.index_cast %parallel_loop3A_80 : i32 to index
      %parallel_loop3A_342 = arith.constant 224 : index
      %parallel_loop3A_343 = tpu.vector_load %arg14[%parallel_loop3A_341, %parallel_loop3A_342] {strides = array<i32>} : memref<16x256xf32, #tpu.memory_space<vmem>>, vector<1x16xf32>,
      %parallel_loop3A_344 = vector.shape_cast %parallel_loop3A_343 : vector<1x16xf32> to vector<16xf32>
      %parallel_loop3A_345 = arith.index_cast %parallel_loop3A_80 : i32 to index
      %parallel_loop3A_346 = arith.constant 224 : index
      %parallel_loop3A_347 = tpu.vector_load %arg16[%parallel_loop3A_345, %parallel_loop3A_346] {strides = array<i32>} : memref<16x256xf32, #tpu.memory_space<vmem>>, vector<1x16xf32>,
      %parallel_loop3A_348 = vector.shape_cast %parallel_loop3A_347 : vector<1x16xf32> to vector<16xf32>
      %parallel_loop3A_349 = arith.addf %parallel_loop3A_344, %parallel_loop3A_348 : vector<16xf32>
      %parallel_loop3A_350 = arith.index_cast %parallel_loop3A_80 : i32 to index
      %parallel_loop3A_351 = arith.constant 224 : index
      %parallel_loop3A_352 = tpu.vector_load %arg12[%parallel_loop3A_350, %parallel_loop3A_351] {strides = array<i32>} : memref<16x256xf32, #tpu.memory_space<vmem>>, vector<1x16xf32>,
      %parallel_loop3A_353 = vector.shape_cast %parallel_loop3A_352 : vector<1x16xf32> to vector<16xf32>
      %parallel_loop3A_354 = arith.addf %parallel_loop3A_349, %parallel_loop3A_353 : vector<16xf32>
      %parallel_loop3A_355 = arith.constant 0.000000e+00 : f32
      %parallel_loop3A_356 = vector.broadcast %parallel_loop3A_355 : f32 to vector<16xf32>
      %parallel_loop3A_357 = arith.subf %parallel_loop3A_356, %parallel_loop3A_340 : vector<16xf32>
      %parallel_loop3A_358 = math.exp %parallel_loop3A_357 : vector<16xf32>
      %parallel_loop3A_359 = arith.constant 1.000000e+00 : f32
      %parallel_loop3A_360 = vector.broadcast %parallel_loop3A_359 : f32 to vector<16xf32>
      %parallel_loop3A_361 = arith.addf %parallel_loop3A_360, %parallel_loop3A_358 : vector<16xf32>
      %parallel_loop3A_362 = arith.divf %parallel_loop3A_354, %parallel_loop3A_361 : vector<16xf32>
      %parallel_loop3A_363 = arith.index_cast %parallel_loop3A_80 : i32 to index
      %parallel_loop3A_364 = arith.constant 96 : index
      %parallel_loop3A_365 = tpu.vector_load %arg18[%parallel_loop3A_363, %parallel_loop3A_364] {strides = array<i32>} : memref<16x128xf32, #tpu.memory_space<vmem>>, vector<1x16xf32>,
      %parallel_loop3A_366 = vector.shape_cast %parallel_loop3A_365 : vector<1x16xf32> to vector<16xf32>
      %parallel_loop3A_367 = vector.shape_cast %parallel_loop3A_362 : vector<16xf32> to vector<1x16xf32>
      tpu.vector_store %arg18[%parallel_loop3A_363, %parallel_loop3A_364], %parallel_loop3A_367 {strides = array<i32>} : memref<16x128xf32, #tpu.memory_space<vmem>>, vector<1x16xf32>,
      %parallel_loop3A_368 = arith.index_cast %parallel_loop3A_80 : i32 to index
      %parallel_loop3A_369 = arith.constant 112 : index
      %parallel_loop3A_370 = tpu.vector_load %arg14[%parallel_loop3A_368, %parallel_loop3A_369] {strides = array<i32>} : memref<16x256xf32, #tpu.memory_space<vmem>>, vector<1x16xf32>,
      %parallel_loop3A_371 = vector.shape_cast %parallel_loop3A_370 : vector<1x16xf32> to vector<16xf32>
      %parallel_loop3A_372 = arith.index_cast %parallel_loop3A_80 : i32 to index
      %parallel_loop3A_373 = arith.constant 112 : index
      %parallel_loop3A_374 = tpu.vector_load %arg16[%parallel_loop3A_372, %parallel_loop3A_373] {strides = array<i32>} : memref<16x256xf32, #tpu.memory_space<vmem>>, vector<1x16xf32>,
      %parallel_loop3A_375 = vector.shape_cast %parallel_loop3A_374 : vector<1x16xf32> to vector<16xf32>
      %parallel_loop3A_376 = arith.addf %parallel_loop3A_371, %parallel_loop3A_375 : vector<16xf32>
      %parallel_loop3A_377 = arith.index_cast %parallel_loop3A_80 : i32 to index
      %parallel_loop3A_378 = arith.constant 112 : index
      %parallel_loop3A_379 = tpu.vector_load %arg12[%parallel_loop3A_377, %parallel_loop3A_378] {strides = array<i32>} : memref<16x256xf32, #tpu.memory_space<vmem>>, vector<1x16xf32>,
      %parallel_loop3A_380 = vector.shape_cast %parallel_loop3A_379 : vector<1x16xf32> to vector<16xf32>
      %parallel_loop3A_381 = arith.addf %parallel_loop3A_376, %parallel_loop3A_380 : vector<16xf32>
      %parallel_loop3A_382 = arith.index_cast %parallel_loop3A_80 : i32 to index
      %parallel_loop3A_383 = arith.constant 240 : index
      %parallel_loop3A_384 = tpu.vector_load %arg14[%parallel_loop3A_382, %parallel_loop3A_383] {strides = array<i32>} : memref<16x256xf32, #tpu.memory_space<vmem>>, vector<1x16xf32>,
      %parallel_loop3A_385 = vector.shape_cast %parallel_loop3A_384 : vector<1x16xf32> to vector<16xf32>
      %parallel_loop3A_386 = arith.index_cast %parallel_loop3A_80 : i32 to index
      %parallel_loop3A_387 = arith.constant 240 : index
      %parallel_loop3A_388 = tpu.vector_load %arg16[%parallel_loop3A_386, %parallel_loop3A_387] {strides = array<i32>} : memref<16x256xf32, #tpu.memory_space<vmem>>, vector<1x16xf32>,
      %parallel_loop3A_389 = vector.shape_cast %parallel_loop3A_388 : vector<1x16xf32> to vector<16xf32>
      %parallel_loop3A_390 = arith.addf %parallel_loop3A_385, %parallel_loop3A_389 : vector<16xf32>
      %parallel_loop3A_391 = arith.index_cast %parallel_loop3A_80 : i32 to index
      %parallel_loop3A_392 = arith.constant 240 : index
      %parallel_loop3A_393 = tpu.vector_load %arg12[%parallel_loop3A_391, %parallel_loop3A_392] {strides = array<i32>} : memref<16x256xf32, #tpu.memory_space<vmem>>, vector<1x16xf32>,
      %parallel_loop3A_394 = vector.shape_cast %parallel_loop3A_393 : vector<1x16xf32> to vector<16xf32>
      %parallel_loop3A_395 = arith.addf %parallel_loop3A_390, %parallel_loop3A_394 : vector<16xf32>
      %parallel_loop3A_396 = arith.constant 0.000000e+00 : f32
      %parallel_loop3A_397 = vector.broadcast %parallel_loop3A_396 : f32 to vector<16xf32>
      %parallel_loop3A_398 = arith.subf %parallel_loop3A_397, %parallel_loop3A_381 : vector<16xf32>
      %parallel_loop3A_399 = math.exp %parallel_loop3A_398 : vector<16xf32>
      %parallel_loop3A_400 = arith.constant 1.000000e+00 : f32
      %parallel_loop3A_401 = vector.broadcast %parallel_loop3A_400 : f32 to vector<16xf32>
      %parallel_loop3A_402 = arith.addf %parallel_loop3A_401, %parallel_loop3A_399 : vector<16xf32>
      %parallel_loop3A_403 = arith.divf %parallel_loop3A_395, %parallel_loop3A_402 : vector<16xf32>
      %parallel_loop3A_404 = arith.index_cast %parallel_loop3A_80 : i32 to index
      %parallel_loop3A_405 = arith.constant 112 : index
      %parallel_loop3A_406 = tpu.vector_load %arg18[%parallel_loop3A_404, %parallel_loop3A_405] {strides = array<i32>} : memref<16x128xf32, #tpu.memory_space<vmem>>, vector<1x16xf32>,
      %parallel_loop3A_407 = vector.shape_cast %parallel_loop3A_406 : vector<1x16xf32> to vector<16xf32>
      %parallel_loop3A_408 = vector.shape_cast %parallel_loop3A_403 : vector<16xf32> to vector<1x16xf32>
      tpu.vector_store %arg18[%parallel_loop3A_404, %parallel_loop3A_405], %parallel_loop3A_408 {strides = array<i32>} : memref<16x128xf32, #tpu.memory_space<vmem>>, vector<1x16xf32>,
    } {sc.loop_unroll_factor = 2 : i64, sc.parallel_access}
    %get3A = arith.constant 9984 : index
    %get3A_52 = tpu.vector_load %arg10[%get3A] {strides = array<i32>} : memref<10000xi32, #tpu.memory_space<vmem>>, vector<16xi32>,
    %get3A_53 = vector.shape_cast %get3A_52 : vector<16xi32> to vector<16xi32>
    %swap3A = arith.constant 0 : index
    %swap3A_54 = tpu.vector_load %arg20[%swap3A] {strides = array<i32>} : memref<16xi32, #tpu.memory_space<vmem>>, vector<16xi32>,
    %swap3A_55 = vector.shape_cast %swap3A_54 : vector<16xi32> to vector<16xi32>
    %swap3A_56 = vector.shape_cast %get3A_53 : vector<16xi32> to vector<16xi32>
    tpu.vector_store %arg20[%swap3A], %swap3A_56 {strides = array<i32>} : memref<16xi32, #tpu.memory_space<vmem>>, vector<16xi32>,
    %dma_start3A_57 = arith.constant 0 : i32
    %dma_start3A_58 = arith.constant 0 : i32
    %dma_start3A_59 = tpu.memref_slice %arg22[%dma_start3A_57, %dma_start3A_58] : memref<10240x128xf32, #tpu.memory_space<vmem_shared>> -> memref<10240x128xf32, #tpu.memory_space<vmem_shared>>
    tpu.enqueue_indirect_dma source(%arg18 : memref<16x128xf32, #tpu.memory_space<vmem>>) target(%dma_start3A_59 : memref<10240x128xf32, #tpu.memory_space<vmem_shared>>) offsets(%arg20 : memref<16xi32, #tpu.memory_space<vmem>>) semaphore(%arg25 : memref<!tpu.dma_semaphore, #tpu.memory_space<semaphore_mem>>) {add = true}
    %dma_wait3A_60 = arith.constant 0 : i32
    %dma_wait3A_61 = arith.constant 0 : i32
    %dma_wait3A_62 = tpu.memref_slice %arg7[%dma_wait3A_60, %dma_wait3A_61] : memref<10240x128xf32, #tpu.memory_space<hbm>> -> memref<16x128xf32, #tpu.memory_space<hbm>>
    %dma_wait3A_63 = arith.constant 0 : i32
    %dma_wait3A_64 = arith.constant 0 : i32
    %dma_wait3A_65 = tpu.memref_slice %arg7[%dma_wait3A_63, %dma_wait3A_64] : memref<10240x128xf32, #tpu.memory_space<hbm>> -> memref<16x128xf32, #tpu.memory_space<hbm>>
    tpu.wait_dma2 semaphore(%arg25 : memref<!tpu.dma_semaphore, #tpu.memory_space<semaphore_mem>>) src(%dma_wait3A_65 : memref<16x128xf32, #tpu.memory_space<hbm>>) dst(%arg18 : memref<16x128xf32, #tpu.memory_space<vmem>>)
    %dma_wait3A_66 = arith.constant 0 : i32
    %dma_wait3A_67 = arith.constant 0 : i32
    %dma_wait3A_68 = tpu.memref_slice %arg7[%dma_wait3A_66, %dma_wait3A_67] : memref<10240x128xf32, #tpu.memory_space<hbm>> -> memref<16x128xf32, #tpu.memory_space<hbm>>
    %dma_wait3A_69 = arith.constant 0 : i32
    %dma_wait3A_70 = arith.constant 0 : i32
    %dma_wait3A_71 = tpu.memref_slice %arg7[%dma_wait3A_69, %dma_wait3A_70] : memref<10240x128xf32, #tpu.memory_space<hbm>> -> memref<16x128xf32, #tpu.memory_space<hbm>>
    tpu.wait_dma2 semaphore(%arg26 : memref<!tpu.dma_semaphore, #tpu.memory_space<semaphore_mem>>) src(%dma_wait3A_71 : memref<16x128xf32, #tpu.memory_space<hbm>>) dst(%arg19 : memref<16x128xf32, #tpu.memory_space<vmem>>)
    %barrier3A_72 = arith.constant 0 : index
    tpu.barrier barrier_id(%barrier3A_72)
    %mul3A_73 = arith.constant 640 : i32
    %mul3A_74 = arith.muli %arg1, %mul3A_73 : i32
    %mul3A_75 = arith.constant 10240 : i32
    %mul3A_76 = arith.muli %arg0, %mul3A_75 : i32
    %mul3A_77 = arith.constant 640 : i32
    %mul3A_78 = arith.muli %arg1, %mul3A_77 : i32
    %add3A_79 = arith.addi %mul3A_76, %mul3A_78 : i32
    "tpu.region"() ({
      %run_scoped3A = tpu.sem_alloc : memref<!tpu.dma_semaphore, #tpu.memory_space<semaphore_mem>>
      %dma_start3A_80 = arith.constant 0 : i32
      %dma_start3A_81 = tpu.memref_slice %arg9[%add3A_79, %dma_start3A_80] : memref<20480x128xf32, #tpu.memory_space<hbm>> -> memref<640x128xf32, #tpu.memory_space<hbm>>
      %dma_start3A_82 = arith.constant 0 : i32
      %dma_start3A_83 = tpu.memref_slice %arg22[%mul3A_74, %dma_start3A_82] : memref<10240x128xf32, #tpu.memory_space<vmem_shared>> -> memref<640x128xf32, #tpu.memory_space<vmem_shared>>
      tpu.enqueue_dma source(%dma_start3A_83 : memref<640x128xf32, #tpu.memory_space<vmem_shared>>) target(%dma_start3A_81 : memref<640x128xf32, #tpu.memory_space<hbm>>) target_semaphore(%run_scoped3A : memref<!tpu.dma_semaphore, #tpu.memory_space<semaphore_mem>>)
      %dma_wait3A_84 = arith.constant 0 : i32
      %dma_wait3A_85 = tpu.memref_slice %arg9[%add3A_79, %dma_wait3A_84] : memref<20480x128xf32, #tpu.memory_space<hbm>> -> memref<640x128xf32, #tpu.memory_space<hbm>>
      %dma_wait3A_86 = arith.constant 0 : i32
      %dma_wait3A_87 = tpu.memref_slice %arg22[%mul3A_74, %dma_wait3A_86] : memref<10240x128xf32, #tpu.memory_space<vmem_shared>> -> memref<640x128xf32, #tpu.memory_space<vmem_shared>>
      tpu.wait_dma2 semaphore(%run_scoped3A : memref<!tpu.dma_semaphore, #tpu.memory_space<semaphore_mem>>) src(%dma_wait3A_87 : memref<640x128xf32, #tpu.memory_space<vmem_shared>>) dst(%dma_wait3A_85 : memref<640x128xf32, #tpu.memory_space<hbm>>)
      tpu.yield
    }) : () -> ()
    return
  }
}

#map = affine_map<(d0, d1) -> (0)>
#map1 = affine_map<(d0, d1) -> (0, 0)>
module attributes {stable_mosaic.version = 14 : i64} {
  func.func @_sc_cnt_body(%arg0: i32, %arg1: i32, %arg2: memref<320000xi32, #tpu.memory_space<hbm>>, %arg3: memref<10240x128xf32, #tpu.memory_space<hbm>>, %arg4: memref<20480x128xf32, #tpu.memory_space<hbm>>, %arg5: memref<10000xi32, #tpu.memory_space<vmem>>, %arg6: memref<16x128xf32, #tpu.memory_space<vmem>>, %arg7: memref<16x128xf32, #tpu.memory_space<vmem>>, %arg8: memref<16xi32, #tpu.memory_space<vmem>>, %arg9: memref<16xi32, #tpu.memory_space<vmem>>, %arg10: memref<10240x128xf32, #tpu.memory_space<vmem_shared>>, %arg11: memref<!tpu.dma_semaphore, #tpu.memory_space<semaphore_mem>>, %arg12: memref<!tpu.dma_semaphore, #tpu.memory_space<semaphore_mem>>) attributes {dimension_semantics = [#tpu.dimension_semantics<core_parallel>, #tpu.dimension_semantics<subcore_parallel>], iteration_bounds = array<i64: 2, 16>, scalar_prefetch = 0 : i64, scratch_operands = 8 : i64, tpu.core_type = #tpu.core_type<sc_vector_subcore>, window_params = [{transform_indices = #map}, {transform_indices = #map1}, {transform_indices = #map1}]} {
    %mul3A = arith.constant 2 : i32
    %mul3A_0 = arith.muli %arg1, %mul3A : i32
    %add3A = arith.addi %mul3A_0, %arg0 : i32
    %mul3A_1 = arith.constant 640 : i32
    %mul3A_2 = arith.muli %arg1, %mul3A_1 : i32
    %mul3A_3 = arith.constant 640 : i32
    %mul3A_4 = arith.muli %arg1, %mul3A_3 : i32
    "tpu.region"() ({
      %run_scoped3A = tpu.sem_alloc : memref<!tpu.dma_semaphore, #tpu.memory_space<semaphore_mem>>
      %dma_start3A_51 = arith.constant 0 : i32
      %dma_start3A_52 = tpu.memref_slice %arg10[%mul3A_4, %dma_start3A_51] : memref<10240x128xf32, #tpu.memory_space<vmem_shared>> -> memref<640x128xf32, #tpu.memory_space<vmem_shared>>
      %dma_start3A_53 = arith.constant 0 : i32
      %dma_start3A_54 = tpu.memref_slice %arg3[%mul3A_2, %dma_start3A_53] : memref<10240x128xf32, #tpu.memory_space<hbm>> -> memref<640x128xf32, #tpu.memory_space<hbm>>
      tpu.enqueue_dma source(%dma_start3A_54 : memref<640x128xf32, #tpu.memory_space<hbm>>) target(%dma_start3A_52 : memref<640x128xf32, #tpu.memory_space<vmem_shared>>) target_semaphore(%run_scoped3A : memref<!tpu.dma_semaphore, #tpu.memory_space<semaphore_mem>>)
      %dma_wait3A_55 = arith.constant 0 : i32
      %dma_wait3A_56 = tpu.memref_slice %arg10[%mul3A_4, %dma_wait3A_55] : memref<10240x128xf32, #tpu.memory_space<vmem_shared>> -> memref<640x128xf32, #tpu.memory_space<vmem_shared>>
      %dma_wait3A_57 = arith.constant 0 : i32
      %dma_wait3A_58 = tpu.memref_slice %arg3[%mul3A_2, %dma_wait3A_57] : memref<10240x128xf32, #tpu.memory_space<hbm>> -> memref<640x128xf32, #tpu.memory_space<hbm>>
      tpu.wait_dma2 semaphore(%run_scoped3A : memref<!tpu.dma_semaphore, #tpu.memory_space<semaphore_mem>>) src(%dma_wait3A_58 : memref<640x128xf32, #tpu.memory_space<hbm>>) dst(%dma_wait3A_56 : memref<640x128xf32, #tpu.memory_space<vmem_shared>>)
      tpu.yield
    }) : () -> ()
    %mul3A_5 = arith.constant 10000 : i32
    %mul3A_6 = arith.muli %add3A, %mul3A_5 : i32
    "tpu.region"() ({
      %run_scoped3A = tpu.sem_alloc : memref<!tpu.dma_semaphore, #tpu.memory_space<semaphore_mem>>
      %dma_start3A_51 = tpu.memref_slice %arg2[%mul3A_6] : memref<320000xi32, #tpu.memory_space<hbm>> -> memref<10000xi32, #tpu.memory_space<hbm>>
      %dma_start3A_52 = tpu.memref_slice %arg2[%mul3A_6] : memref<320000xi32, #tpu.memory_space<hbm>> -> memref<10000xi32, #tpu.memory_space<hbm>>
      tpu.enqueue_dma source(%dma_start3A_52 : memref<10000xi32, #tpu.memory_space<hbm>>) target(%arg5 : memref<10000xi32, #tpu.memory_space<vmem>>) target_semaphore(%run_scoped3A : memref<!tpu.dma_semaphore, #tpu.memory_space<semaphore_mem>>)
      %dma_wait3A_53 = tpu.memref_slice %arg2[%mul3A_6] : memref<320000xi32, #tpu.memory_space<hbm>> -> memref<10000xi32, #tpu.memory_space<hbm>>
      %dma_wait3A_54 = tpu.memref_slice %arg2[%mul3A_6] : memref<320000xi32, #tpu.memory_space<hbm>> -> memref<10000xi32, #tpu.memory_space<hbm>>
      tpu.wait_dma2 semaphore(%run_scoped3A : memref<!tpu.dma_semaphore, #tpu.memory_space<semaphore_mem>>) src(%dma_wait3A_54 : memref<10000xi32, #tpu.memory_space<hbm>>) dst(%arg5 : memref<10000xi32, #tpu.memory_space<vmem>>)
      tpu.yield
    }) : () -> ()
    %broadcast_in_dim3A = arith.constant 1.000000e+00 : f32
    %broadcast_in_dim3A_7 = vector.broadcast %broadcast_in_dim3A : f32 to vector<16xf32>
    %scan3A = arith.constant 0 : i32
    %scan3A_8 = arith.constant 0 : i32
    %scan3A_9 = arith.constant 16 : i32
    %scan3A_10 = arith.addi %scan3A_8, %scan3A_9 : i32
    %scan3A_11 = arith.constant 1 : i32
    scf.for %scan3A_51 = %scan3A_8 to %scan3A_10 step %scan3A_11  : i32 {
      %swap3A_52 = arith.index_cast %scan3A_51 : i32 to index
      %swap3A_53 = arith.constant 0 : index
      %swap3A_54 = tpu.vector_load %arg6[%swap3A_52, %swap3A_53] {strides = array<i32>} : memref<16x128xf32, #tpu.memory_space<vmem>>, vector<1x16xf32>,
      %swap3A_55 = vector.shape_cast %swap3A_54 : vector<1x16xf32> to vector<16xf32>
      %swap3A_56 = vector.shape_cast %broadcast_in_dim3A_7 : vector<16xf32> to vector<1x16xf32>
      tpu.vector_store %arg6[%swap3A_52, %swap3A_53], %swap3A_56 {strides = array<i32>} : memref<16x128xf32, #tpu.memory_space<vmem>>, vector<1x16xf32>,
      %swap3A_57 = arith.index_cast %scan3A_51 : i32 to index
      %swap3A_58 = arith.constant 0 : index
      %swap3A_59 = tpu.vector_load %arg7[%swap3A_57, %swap3A_58] {strides = array<i32>} : memref<16x128xf32, #tpu.memory_space<vmem>>, vector<1x16xf32>,
      %swap3A_60 = vector.shape_cast %swap3A_59 : vector<1x16xf32> to vector<16xf32>
      %swap3A_61 = vector.shape_cast %broadcast_in_dim3A_7 : vector<16xf32> to vector<1x16xf32>
      tpu.vector_store %arg7[%swap3A_57, %swap3A_58], %swap3A_61 {strides = array<i32>} : memref<16x128xf32, #tpu.memory_space<vmem>>, vector<1x16xf32>,
      %swap3A_62 = arith.index_cast %scan3A_51 : i32 to index
      %swap3A_63 = arith.constant 16 : index
      %swap3A_64 = tpu.vector_load %arg6[%swap3A_62, %swap3A_63] {strides = array<i32>} : memref<16x128xf32, #tpu.memory_space<vmem>>, vector<1x16xf32>,
      %swap3A_65 = vector.shape_cast %swap3A_64 : vector<1x16xf32> to vector<16xf32>
      %swap3A_66 = vector.shape_cast %broadcast_in_dim3A_7 : vector<16xf32> to vector<1x16xf32>
      tpu.vector_store %arg6[%swap3A_62, %swap3A_63], %swap3A_66 {strides = array<i32>} : memref<16x128xf32, #tpu.memory_space<vmem>>, vector<1x16xf32>,
      %swap3A_67 = arith.index_cast %scan3A_51 : i32 to index
      %swap3A_68 = arith.constant 16 : index
      %swap3A_69 = tpu.vector_load %arg7[%swap3A_67, %swap3A_68] {strides = array<i32>} : memref<16x128xf32, #tpu.memory_space<vmem>>, vector<1x16xf32>,
      %swap3A_70 = vector.shape_cast %swap3A_69 : vector<1x16xf32> to vector<16xf32>
      %swap3A_71 = vector.shape_cast %broadcast_in_dim3A_7 : vector<16xf32> to vector<1x16xf32>
      tpu.vector_store %arg7[%swap3A_67, %swap3A_68], %swap3A_71 {strides = array<i32>} : memref<16x128xf32, #tpu.memory_space<vmem>>, vector<1x16xf32>,
      %swap3A_72 = arith.index_cast %scan3A_51 : i32 to index
      %swap3A_73 = arith.constant 32 : index
      %swap3A_74 = tpu.vector_load %arg6[%swap3A_72, %swap3A_73] {strides = array<i32>} : memref<16x128xf32, #tpu.memory_space<vmem>>, vector<1x16xf32>,
      %swap3A_75 = vector.shape_cast %swap3A_74 : vector<1x16xf32> to vector<16xf32>
      %swap3A_76 = vector.shape_cast %broadcast_in_dim3A_7 : vector<16xf32> to vector<1x16xf32>
      tpu.vector_store %arg6[%swap3A_72, %swap3A_73], %swap3A_76 {strides = array<i32>} : memref<16x128xf32, #tpu.memory_space<vmem>>, vector<1x16xf32>,
      %swap3A_77 = arith.index_cast %scan3A_51 : i32 to index
      %swap3A_78 = arith.constant 32 : index
      %swap3A_79 = tpu.vector_load %arg7[%swap3A_77, %swap3A_78] {strides = array<i32>} : memref<16x128xf32, #tpu.memory_space<vmem>>, vector<1x16xf32>,
      %swap3A_80 = vector.shape_cast %swap3A_79 : vector<1x16xf32> to vector<16xf32>
      %swap3A_81 = vector.shape_cast %broadcast_in_dim3A_7 : vector<16xf32> to vector<1x16xf32>
      tpu.vector_store %arg7[%swap3A_77, %swap3A_78], %swap3A_81 {strides = array<i32>} : memref<16x128xf32, #tpu.memory_space<vmem>>, vector<1x16xf32>,
      %swap3A_82 = arith.index_cast %scan3A_51 : i32 to index
      %swap3A_83 = arith.constant 48 : index
      %swap3A_84 = tpu.vector_load %arg6[%swap3A_82, %swap3A_83] {strides = array<i32>} : memref<16x128xf32, #tpu.memory_space<vmem>>, vector<1x16xf32>,
      %swap3A_85 = vector.shape_cast %swap3A_84 : vector<1x16xf32> to vector<16xf32>
      %swap3A_86 = vector.shape_cast %broadcast_in_dim3A_7 : vector<16xf32> to vector<1x16xf32>
      tpu.vector_store %arg6[%swap3A_82, %swap3A_83], %swap3A_86 {strides = array<i32>} : memref<16x128xf32, #tpu.memory_space<vmem>>, vector<1x16xf32>,
      %swap3A_87 = arith.index_cast %scan3A_51 : i32 to index
      %swap3A_88 = arith.constant 48 : index
      %swap3A_89 = tpu.vector_load %arg7[%swap3A_87, %swap3A_88] {strides = array<i32>} : memref<16x128xf32, #tpu.memory_space<vmem>>, vector<1x16xf32>,
      %swap3A_90 = vector.shape_cast %swap3A_89 : vector<1x16xf32> to vector<16xf32>
      %swap3A_91 = vector.shape_cast %broadcast_in_dim3A_7 : vector<16xf32> to vector<1x16xf32>
      tpu.vector_store %arg7[%swap3A_87, %swap3A_88], %swap3A_91 {strides = array<i32>} : memref<16x128xf32, #tpu.memory_space<vmem>>, vector<1x16xf32>,
      %swap3A_92 = arith.index_cast %scan3A_51 : i32 to index
      %swap3A_93 = arith.constant 64 : index
      %swap3A_94 = tpu.vector_load %arg6[%swap3A_92, %swap3A_93] {strides = array<i32>} : memref<16x128xf32, #tpu.memory_space<vmem>>, vector<1x16xf32>,
      %swap3A_95 = vector.shape_cast %swap3A_94 : vector<1x16xf32> to vector<16xf32>
      %swap3A_96 = vector.shape_cast %broadcast_in_dim3A_7 : vector<16xf32> to vector<1x16xf32>
      tpu.vector_store %arg6[%swap3A_92, %swap3A_93], %swap3A_96 {strides = array<i32>} : memref<16x128xf32, #tpu.memory_space<vmem>>, vector<1x16xf32>,
      %swap3A_97 = arith.index_cast %scan3A_51 : i32 to index
      %swap3A_98 = arith.constant 64 : index
      %swap3A_99 = tpu.vector_load %arg7[%swap3A_97, %swap3A_98] {strides = array<i32>} : memref<16x128xf32, #tpu.memory_space<vmem>>, vector<1x16xf32>,
      %swap3A_100 = vector.shape_cast %swap3A_99 : vector<1x16xf32> to vector<16xf32>
      %swap3A_101 = vector.shape_cast %broadcast_in_dim3A_7 : vector<16xf32> to vector<1x16xf32>
      tpu.vector_store %arg7[%swap3A_97, %swap3A_98], %swap3A_101 {strides = array<i32>} : memref<16x128xf32, #tpu.memory_space<vmem>>, vector<1x16xf32>,
      %swap3A_102 = arith.index_cast %scan3A_51 : i32 to index
      %swap3A_103 = arith.constant 80 : index
      %swap3A_104 = tpu.vector_load %arg6[%swap3A_102, %swap3A_103] {strides = array<i32>} : memref<16x128xf32, #tpu.memory_space<vmem>>, vector<1x16xf32>,
      %swap3A_105 = vector.shape_cast %swap3A_104 : vector<1x16xf32> to vector<16xf32>
      %swap3A_106 = vector.shape_cast %broadcast_in_dim3A_7 : vector<16xf32> to vector<1x16xf32>
      tpu.vector_store %arg6[%swap3A_102, %swap3A_103], %swap3A_106 {strides = array<i32>} : memref<16x128xf32, #tpu.memory_space<vmem>>, vector<1x16xf32>,
      %swap3A_107 = arith.index_cast %scan3A_51 : i32 to index
      %swap3A_108 = arith.constant 80 : index
      %swap3A_109 = tpu.vector_load %arg7[%swap3A_107, %swap3A_108] {strides = array<i32>} : memref<16x128xf32, #tpu.memory_space<vmem>>, vector<1x16xf32>,
      %swap3A_110 = vector.shape_cast %swap3A_109 : vector<1x16xf32> to vector<16xf32>
      %swap3A_111 = vector.shape_cast %broadcast_in_dim3A_7 : vector<16xf32> to vector<1x16xf32>
      tpu.vector_store %arg7[%swap3A_107, %swap3A_108], %swap3A_111 {strides = array<i32>} : memref<16x128xf32, #tpu.memory_space<vmem>>, vector<1x16xf32>,
      %swap3A_112 = arith.index_cast %scan3A_51 : i32 to index
      %swap3A_113 = arith.constant 96 : index
      %swap3A_114 = tpu.vector_load %arg6[%swap3A_112, %swap3A_113] {strides = array<i32>} : memref<16x128xf32, #tpu.memory_space<vmem>>, vector<1x16xf32>,
      %swap3A_115 = vector.shape_cast %swap3A_114 : vector<1x16xf32> to vector<16xf32>
      %swap3A_116 = vector.shape_cast %broadcast_in_dim3A_7 : vector<16xf32> to vector<1x16xf32>
      tpu.vector_store %arg6[%swap3A_112, %swap3A_113], %swap3A_116 {strides = array<i32>} : memref<16x128xf32, #tpu.memory_space<vmem>>, vector<1x16xf32>,
      %swap3A_117 = arith.index_cast %scan3A_51 : i32 to index
      %swap3A_118 = arith.constant 96 : index
      %swap3A_119 = tpu.vector_load %arg7[%swap3A_117, %swap3A_118] {strides = array<i32>} : memref<16x128xf32, #tpu.memory_space<vmem>>, vector<1x16xf32>,
      %swap3A_120 = vector.shape_cast %swap3A_119 : vector<1x16xf32> to vector<16xf32>
      %swap3A_121 = vector.shape_cast %broadcast_in_dim3A_7 : vector<16xf32> to vector<1x16xf32>
      tpu.vector_store %arg7[%swap3A_117, %swap3A_118], %swap3A_121 {strides = array<i32>} : memref<16x128xf32, #tpu.memory_space<vmem>>, vector<1x16xf32>,
      %swap3A_122 = arith.index_cast %scan3A_51 : i32 to index
      %swap3A_123 = arith.constant 112 : index
      %swap3A_124 = tpu.vector_load %arg6[%swap3A_122, %swap3A_123] {strides = array<i32>} : memref<16x128xf32, #tpu.memory_space<vmem>>, vector<1x16xf32>,
      %swap3A_125 = vector.shape_cast %swap3A_124 : vector<1x16xf32> to vector<16xf32>
      %swap3A_126 = vector.shape_cast %broadcast_in_dim3A_7 : vector<16xf32> to vector<1x16xf32>
      tpu.vector_store %arg6[%swap3A_122, %swap3A_123], %swap3A_126 {strides = array<i32>} : memref<16x128xf32, #tpu.memory_space<vmem>>, vector<1x16xf32>,
      %swap3A_127 = arith.index_cast %scan3A_51 : i32 to index
      %swap3A_128 = arith.constant 112 : index
      %swap3A_129 = tpu.vector_load %arg7[%swap3A_127, %swap3A_128] {strides = array<i32>} : memref<16x128xf32, #tpu.memory_space<vmem>>, vector<1x16xf32>,
      %swap3A_130 = vector.shape_cast %swap3A_129 : vector<1x16xf32> to vector<16xf32>
      %swap3A_131 = vector.shape_cast %broadcast_in_dim3A_7 : vector<16xf32> to vector<1x16xf32>
      tpu.vector_store %arg7[%swap3A_127, %swap3A_128], %swap3A_131 {strides = array<i32>} : memref<16x128xf32, #tpu.memory_space<vmem>>, vector<1x16xf32>,
    }
    %scan3A_12 = arith.constant 16 : i32
    %barrier3A = arith.constant 0 : index
    tpu.barrier barrier_id(%barrier3A)
    %scan3A_13 = arith.constant 0 : i32
    %scan3A_14 = arith.constant 0 : i32
    %scan3A_15 = arith.constant 312 : i32
    %scan3A_16 = arith.addi %scan3A_14, %scan3A_15 : i32
    %scan3A_17 = arith.constant 1 : i32
    scf.for %scan3A_51 = %scan3A_14 to %scan3A_16 step %scan3A_17  : i32 {
      %ge3A = arith.constant 1 : i32
      %ge3A_52 = arith.cmpi sge, %scan3A_51, %ge3A : i32
      %convert_element_type3A = arith.extui %ge3A_52 : i1 to i32
      %cond3A = arith.constant 0 : i32
      %cond3A_53 = arith.cmpi ne, %convert_element_type3A, %cond3A : i32
      scf.if %cond3A_53 {
        %dma_wait3A_84 = arith.constant 0 : i32
        %dma_wait3A_85 = arith.constant 0 : i32
        %dma_wait3A_86 = tpu.memref_slice %arg3[%dma_wait3A_84, %dma_wait3A_85] : memref<10240x128xf32, #tpu.memory_space<hbm>> -> memref<16x128xf32, #tpu.memory_space<hbm>>
        %dma_wait3A_87 = arith.constant 0 : i32
        %dma_wait3A_88 = arith.constant 0 : i32
        %dma_wait3A_89 = tpu.memref_slice %arg3[%dma_wait3A_87, %dma_wait3A_88] : memref<10240x128xf32, #tpu.memory_space<hbm>> -> memref<16x128xf32, #tpu.memory_space<hbm>>
        tpu.wait_dma2 semaphore(%arg11 : memref<!tpu.dma_semaphore, #tpu.memory_space<semaphore_mem>>) src(%dma_wait3A_89 : memref<16x128xf32, #tpu.memory_space<hbm>>) dst(%arg6 : memref<16x128xf32, #tpu.memory_space<vmem>>)
        %dma_wait3A_90 = arith.constant 0 : i32
        %dma_wait3A_91 = arith.constant 0 : i32
        %dma_wait3A_92 = tpu.memref_slice %arg3[%dma_wait3A_90, %dma_wait3A_91] : memref<10240x128xf32, #tpu.memory_space<hbm>> -> memref<16x128xf32, #tpu.memory_space<hbm>>
        %dma_wait3A_93 = arith.constant 0 : i32
        %dma_wait3A_94 = arith.constant 0 : i32
        %dma_wait3A_95 = tpu.memref_slice %arg3[%dma_wait3A_93, %dma_wait3A_94] : memref<10240x128xf32, #tpu.memory_space<hbm>> -> memref<16x128xf32, #tpu.memory_space<hbm>>
        tpu.wait_dma2 semaphore(%arg12 : memref<!tpu.dma_semaphore, #tpu.memory_space<semaphore_mem>>) src(%dma_wait3A_95 : memref<16x128xf32, #tpu.memory_space<hbm>>) dst(%arg7 : memref<16x128xf32, #tpu.memory_space<vmem>>)
      } else {
      }
      %mul3A_54 = arith.constant 2 : i32
      %mul3A_55 = arith.muli %mul3A_54, %scan3A_51 : i32
      %mul3A_56 = arith.constant 16 : i32
      %mul3A_57 = arith.muli %mul3A_55, %mul3A_56 : i32
      %get3A_58 = arith.index_cast %mul3A_57 : i32 to index
      %get3A_59 = tpu.vector_load %arg5[%get3A_58] {strides = array<i32>} : memref<10000xi32, #tpu.memory_space<vmem>>, vector<16xi32>,
      %get3A_60 = vector.shape_cast %get3A_59 : vector<16xi32> to vector<16xi32>
      %swap3A_61 = arith.constant 0 : index
      %swap3A_62 = tpu.vector_load %arg8[%swap3A_61] {strides = array<i32>} : memref<16xi32, #tpu.memory_space<vmem>>, vector<16xi32>,
      %swap3A_63 = vector.shape_cast %swap3A_62 : vector<16xi32> to vector<16xi32>
      %swap3A_64 = vector.shape_cast %get3A_60 : vector<16xi32> to vector<16xi32>
      tpu.vector_store %arg8[%swap3A_61], %swap3A_64 {strides = array<i32>} : memref<16xi32, #tpu.memory_space<vmem>>, vector<16xi32>,
      %dma_start3A_65 = arith.constant 0 : i32
      %dma_start3A_66 = arith.constant 0 : i32
      %dma_start3A_67 = tpu.memref_slice %arg10[%dma_start3A_65, %dma_start3A_66] : memref<10240x128xf32, #tpu.memory_space<vmem_shared>> -> memref<10240x128xf32, #tpu.memory_space<vmem_shared>>
      tpu.enqueue_indirect_dma source(%arg6 : memref<16x128xf32, #tpu.memory_space<vmem>>) target(%dma_start3A_67 : memref<10240x128xf32, #tpu.memory_space<vmem_shared>>) offsets(%arg8 : memref<16xi32, #tpu.memory_space<vmem>>) semaphore(%arg11 : memref<!tpu.dma_semaphore, #tpu.memory_space<semaphore_mem>>) {add = true}
      %mul3A_68 = arith.constant 2 : i32
      %mul3A_69 = arith.muli %mul3A_68, %scan3A_51 : i32
      %add3A_70 = arith.constant 1 : i32
      %add3A_71 = arith.addi %mul3A_69, %add3A_70 : i32
      %mul3A_72 = arith.constant 16 : i32
      %mul3A_73 = arith.muli %add3A_71, %mul3A_72 : i32
      %get3A_74 = arith.index_cast %mul3A_73 : i32 to index
      %get3A_75 = tpu.vector_load %arg5[%get3A_74] {strides = array<i32>} : memref<10000xi32, #tpu.memory_space<vmem>>, vector<16xi32>,
      %get3A_76 = vector.shape_cast %get3A_75 : vector<16xi32> to vector<16xi32>
      %swap3A_77 = arith.constant 0 : index
      %swap3A_78 = tpu.vector_load %arg9[%swap3A_77] {strides = array<i32>} : memref<16xi32, #tpu.memory_space<vmem>>, vector<16xi32>,
      %swap3A_79 = vector.shape_cast %swap3A_78 : vector<16xi32> to vector<16xi32>
      %swap3A_80 = vector.shape_cast %get3A_76 : vector<16xi32> to vector<16xi32>
      tpu.vector_store %arg9[%swap3A_77], %swap3A_80 {strides = array<i32>} : memref<16xi32, #tpu.memory_space<vmem>>, vector<16xi32>,
      %dma_start3A_81 = arith.constant 0 : i32
      %dma_start3A_82 = arith.constant 0 : i32
      %dma_start3A_83 = tpu.memref_slice %arg10[%dma_start3A_81, %dma_start3A_82] : memref<10240x128xf32, #tpu.memory_space<vmem_shared>> -> memref<10240x128xf32, #tpu.memory_space<vmem_shared>>
      tpu.enqueue_indirect_dma source(%arg7 : memref<16x128xf32, #tpu.memory_space<vmem>>) target(%dma_start3A_83 : memref<10240x128xf32, #tpu.memory_space<vmem_shared>>) offsets(%arg9 : memref<16xi32, #tpu.memory_space<vmem>>) semaphore(%arg12 : memref<!tpu.dma_semaphore, #tpu.memory_space<semaphore_mem>>) {add = true}
    }
    %scan3A_18 = arith.constant 312 : i32
    %dma_wait3A = arith.constant 0 : i32
    %dma_wait3A_19 = arith.constant 0 : i32
    %dma_wait3A_20 = tpu.memref_slice %arg3[%dma_wait3A, %dma_wait3A_19] : memref<10240x128xf32, #tpu.memory_space<hbm>> -> memref<16x128xf32, #tpu.memory_space<hbm>>
    %dma_wait3A_21 = arith.constant 0 : i32
    %dma_wait3A_22 = arith.constant 0 : i32
    %dma_wait3A_23 = tpu.memref_slice %arg3[%dma_wait3A_21, %dma_wait3A_22] : memref<10240x128xf32, #tpu.memory_space<hbm>> -> memref<16x128xf32, #tpu.memory_space<hbm>>
    tpu.wait_dma2 semaphore(%arg11 : memref<!tpu.dma_semaphore, #tpu.memory_space<semaphore_mem>>) src(%dma_wait3A_23 : memref<16x128xf32, #tpu.memory_space<hbm>>) dst(%arg6 : memref<16x128xf32, #tpu.memory_space<vmem>>)
    %get3A = arith.constant 9984 : index
    %get3A_24 = tpu.vector_load %arg5[%get3A] {strides = array<i32>} : memref<10000xi32, #tpu.memory_space<vmem>>, vector<16xi32>,
    %get3A_25 = vector.shape_cast %get3A_24 : vector<16xi32> to vector<16xi32>
    %swap3A = arith.constant 0 : index
    %swap3A_26 = tpu.vector_load %arg8[%swap3A] {strides = array<i32>} : memref<16xi32, #tpu.memory_space<vmem>>, vector<16xi32>,
    %swap3A_27 = vector.shape_cast %swap3A_26 : vector<16xi32> to vector<16xi32>
    %swap3A_28 = vector.shape_cast %get3A_25 : vector<16xi32> to vector<16xi32>
    tpu.vector_store %arg8[%swap3A], %swap3A_28 {strides = array<i32>} : memref<16xi32, #tpu.memory_space<vmem>>, vector<16xi32>,
    %dma_start3A = arith.constant 0 : i32
    %dma_start3A_29 = arith.constant 0 : i32
    %dma_start3A_30 = tpu.memref_slice %arg10[%dma_start3A, %dma_start3A_29] : memref<10240x128xf32, #tpu.memory_space<vmem_shared>> -> memref<10240x128xf32, #tpu.memory_space<vmem_shared>>
    tpu.enqueue_indirect_dma source(%arg6 : memref<16x128xf32, #tpu.memory_space<vmem>>) target(%dma_start3A_30 : memref<10240x128xf32, #tpu.memory_space<vmem_shared>>) offsets(%arg8 : memref<16xi32, #tpu.memory_space<vmem>>) semaphore(%arg11 : memref<!tpu.dma_semaphore, #tpu.memory_space<semaphore_mem>>) {add = true}
    %dma_wait3A_31 = arith.constant 0 : i32
    %dma_wait3A_32 = arith.constant 0 : i32
    %dma_wait3A_33 = tpu.memref_slice %arg3[%dma_wait3A_31, %dma_wait3A_32] : memref<10240x128xf32, #tpu.memory_space<hbm>> -> memref<16x128xf32, #tpu.memory_space<hbm>>
    %dma_wait3A_34 = arith.constant 0 : i32
    %dma_wait3A_35 = arith.constant 0 : i32
    %dma_wait3A_36 = tpu.memref_slice %arg3[%dma_wait3A_34, %dma_wait3A_35] : memref<10240x128xf32, #tpu.memory_space<hbm>> -> memref<16x128xf32, #tpu.memory_space<hbm>>
    tpu.wait_dma2 semaphore(%arg11 : memref<!tpu.dma_semaphore, #tpu.memory_space<semaphore_mem>>) src(%dma_wait3A_36 : memref<16x128xf32, #tpu.memory_space<hbm>>) dst(%arg6 : memref<16x128xf32, #tpu.memory_space<vmem>>)
    %dma_wait3A_37 = arith.constant 0 : i32
    %dma_wait3A_38 = arith.constant 0 : i32
    %dma_wait3A_39 = tpu.memref_slice %arg3[%dma_wait3A_37, %dma_wait3A_38] : memref<10240x128xf32, #tpu.memory_space<hbm>> -> memref<16x128xf32, #tpu.memory_space<hbm>>
    %dma_wait3A_40 = arith.constant 0 : i32
    %dma_wait3A_41 = arith.constant 0 : i32
    %dma_wait3A_42 = tpu.memref_slice %arg3[%dma_wait3A_40, %dma_wait3A_41] : memref<10240x128xf32, #tpu.memory_space<hbm>> -> memref<16x128xf32, #tpu.memory_space<hbm>>
    tpu.wait_dma2 semaphore(%arg12 : memref<!tpu.dma_semaphore, #tpu.memory_space<semaphore_mem>>) src(%dma_wait3A_42 : memref<16x128xf32, #tpu.memory_space<hbm>>) dst(%arg7 : memref<16x128xf32, #tpu.memory_space<vmem>>)
    %barrier3A_43 = arith.constant 0 : index
    tpu.barrier barrier_id(%barrier3A_43)
    %mul3A_44 = arith.constant 640 : i32
    %mul3A_45 = arith.muli %arg1, %mul3A_44 : i32
    %mul3A_46 = arith.constant 10240 : i32
    %mul3A_47 = arith.muli %arg0, %mul3A_46 : i32
    %mul3A_48 = arith.constant 640 : i32
    %mul3A_49 = arith.muli %arg1, %mul3A_48 : i32
    %add3A_50 = arith.addi %mul3A_47, %mul3A_49 : i32
    "tpu.region"() ({
      %run_scoped3A = tpu.sem_alloc : memref<!tpu.dma_semaphore, #tpu.memory_space<semaphore_mem>>
      %dma_start3A_51 = arith.constant 0 : i32
      %dma_start3A_52 = tpu.memref_slice %arg4[%add3A_50, %dma_start3A_51] : memref<20480x128xf32, #tpu.memory_space<hbm>> -> memref<640x128xf32, #tpu.memory_space<hbm>>
      %dma_start3A_53 = arith.constant 0 : i32
      %dma_start3A_54 = tpu.memref_slice %arg10[%mul3A_45, %dma_start3A_53] : memref<10240x128xf32, #tpu.memory_space<vmem_shared>> -> memref<640x128xf32, #tpu.memory_space<vmem_shared>>
      tpu.enqueue_dma source(%dma_start3A_54 : memref<640x128xf32, #tpu.memory_space<vmem_shared>>) target(%dma_start3A_52 : memref<640x128xf32, #tpu.memory_space<hbm>>) target_semaphore(%run_scoped3A : memref<!tpu.dma_semaphore, #tpu.memory_space<semaphore_mem>>)
      %dma_wait3A_55 = arith.constant 0 : i32
      %dma_wait3A_56 = tpu.memref_slice %arg4[%add3A_50, %dma_wait3A_55] : memref<20480x128xf32, #tpu.memory_space<hbm>> -> memref<640x128xf32, #tpu.memory_space<hbm>>
      %dma_wait3A_57 = arith.constant 0 : i32
      %dma_wait3A_58 = tpu.memref_slice %arg10[%mul3A_45, %dma_wait3A_57] : memref<10240x128xf32, #tpu.memory_space<vmem_shared>> -> memref<640x128xf32, #tpu.memory_space<vmem_shared>>
      tpu.wait_dma2 semaphore(%run_scoped3A : memref<!tpu.dma_semaphore, #tpu.memory_space<semaphore_mem>>) src(%dma_wait3A_58 : memref<640x128xf32, #tpu.memory_space<vmem_shared>>) dst(%dma_wait3A_56 : memref<640x128xf32, #tpu.memory_space<hbm>>)
      tpu.yield
    }) : () -> ()
    return
  }
}

module attributes {stable_mosaic.version = 14 : i64} {
  func.func @_proj_body(%arg0: i32, %arg1: memref<1000x128xf32, #tpu.memory_space<vmem>>, %arg2: memref<128x256xf32, #tpu.memory_space<vmem>>, %arg3: memref<128x256xf32, #tpu.memory_space<vmem>>, %arg4: memref<1000x256xf32, #tpu.memory_space<vmem>>, %arg5: memref<1000x256xf32, #tpu.memory_space<vmem>>) attributes {dimension_semantics = [#tpu.dimension_semantics<arbitrary>], iteration_bounds = array<i64: 10>, scalar_prefetch = 0 : i64, scratch_operands = 0 : i64, tpu.core_type = #tpu.core_type<tc>, window_params = [{transform_indices = @transform_0, window_bounds = array<i64: 1000, 128>}, {pipeline_mode = #tpu.pipeline_mode<synchronous>, transform_indices = @transform_1, window_bounds = array<i64: 128, 256>}, {pipeline_mode = #tpu.pipeline_mode<synchronous>, transform_indices = @transform_2, window_bounds = array<i64: 128, 256>}, {transform_indices = @transform_3, window_bounds = array<i64: 1000, 256>}, {transform_indices = @transform_4, window_bounds = array<i64: 1000, 256>}]} {
    %get3A = arith.constant 0 : index
    %get3A_0 = arith.constant 0 : index
    %get3A_1 = vector.load %arg1[%get3A, %get3A_0] : memref<1000x128xf32, #tpu.memory_space<vmem>>, vector<1000x128xf32>
    %get3A_2 = arith.constant 0 : index
    %get3A_3 = arith.constant 0 : index
    %get3A_4 = vector.load %arg2[%get3A_2, %get3A_3] : memref<128x256xf32, #tpu.memory_space<vmem>>, vector<128x256xf32>
    %dot_general3A = arith.constant dense<0.000000e+00> : vector<1000x256xf32>
    %dot_general3A_5 = tpu.matmul %get3A_1, %get3A_4, %dot_general3A {dimension_numbers = #tpu.dot_dimension_numbers<[1], [0], [0], [1], [0, 0, 1, 1], [], []>, transpose_lhs_hint = false} : vector<1000x128xf32>, vector<128x256xf32>, vector<1000x256xf32> -> vector<1000x256xf32>
    %swap3A = arith.constant 0 : index
    %swap3A_6 = arith.constant 0 : index
    %swap3A_7 = vector.load %arg4[%swap3A, %swap3A_6] : memref<1000x256xf32, #tpu.memory_space<vmem>>, vector<1000x256xf32>
    tpu.vector_store %arg4[%swap3A, %swap3A_6], %dot_general3A_5 {strides = array<i32>} : memref<1000x256xf32, #tpu.memory_space<vmem>>, vector<1000x256xf32>,
    %get3A_8 = arith.constant 0 : index
    %get3A_9 = arith.constant 0 : index
    %get3A_10 = vector.load %arg3[%get3A_8, %get3A_9] : memref<128x256xf32, #tpu.memory_space<vmem>>, vector<128x256xf32>
    %dot_general3A_11 = arith.constant dense<0.000000e+00> : vector<1000x256xf32>
    %dot_general3A_12 = tpu.matmul %get3A_1, %get3A_10, %dot_general3A_11 {dimension_numbers = #tpu.dot_dimension_numbers<[1], [0], [0], [1], [0, 0, 1, 1], [], []>, transpose_lhs_hint = false} : vector<1000x128xf32>, vector<128x256xf32>, vector<1000x256xf32> -> vector<1000x256xf32>
    %swap3A_13 = arith.constant 0 : index
    %swap3A_14 = arith.constant 0 : index
    %swap3A_15 = vector.load %arg5[%swap3A_13, %swap3A_14] : memref<1000x256xf32, #tpu.memory_space<vmem>>, vector<1000x256xf32>
    tpu.vector_store %arg5[%swap3A_13, %swap3A_14], %dot_general3A_12 {strides = array<i32>} : memref<1000x256xf32, #tpu.memory_space<vmem>>, vector<1000x256xf32>,
    return
  }
  func.func @transform_0(%arg0: i32) -> (i32, i32) {
    %c0_i32 = arith.constant 0 : i32
    %c0_i32_0 = arith.constant 0 : i32
    return %arg0, %c0_i32 : i32, i32
  }
  func.func @transform_1(%arg0: i32) -> (i32, i32) {
    %c0_i32 = arith.constant 0 : i32
    %c0_i32_0 = arith.constant 0 : i32
    %c0_i32_1 = arith.constant 0 : i32
    return %c0_i32, %c0_i32_0 : i32, i32
  }
  func.func @transform_2(%arg0: i32) -> (i32, i32) {
    %c0_i32 = arith.constant 0 : i32
    %c0_i32_0 = arith.constant 0 : i32
    %c0_i32_1 = arith.constant 0 : i32
    return %c0_i32, %c0_i32_0 : i32, i32
  }
  func.func @transform_3(%arg0: i32) -> (i32, i32) {
    %c0_i32 = arith.constant 0 : i32
    %c0_i32_0 = arith.constant 0 : i32
    return %arg0, %c0_i32 : i32, i32
  }
  func.func @transform_4(%arg0: i32) -> (i32, i32) {
    %c0_i32 = arith.constant 0 : i32
    %c0_i32_0 = arith.constant 0 : i32
    return %arg0, %c0_i32 : i32, i32
  }
}

module attributes {stable_mosaic.version = 14 : i64} {
  func.func @_edge_body(%arg0: i32, %arg1: memref<2000x128xf32, #tpu.memory_space<vmem>>, %arg2: memref<128x256xf32, #tpu.memory_space<vmem>>, %arg3: memref<1x256xf32, #tpu.memory_space<vmem>>, %arg4: memref<2000x256xf32, #tpu.memory_space<vmem>>) attributes {dimension_semantics = [#tpu.dimension_semantics<arbitrary>], iteration_bounds = array<i64: 160>, scalar_prefetch = 0 : i64, scratch_operands = 0 : i64, tpu.core_type = #tpu.core_type<tc>, window_params = [{transform_indices = @transform_0, window_bounds = array<i64: 2000, 128>}, {pipeline_mode = #tpu.pipeline_mode<synchronous>, transform_indices = @transform_1, window_bounds = array<i64: 128, 256>}, {pipeline_mode = #tpu.pipeline_mode<synchronous>, transform_indices = @transform_2, window_bounds = array<i64: 1, 256>}, {transform_indices = @transform_3, window_bounds = array<i64: 2000, 256>}]} {
    %get3A = arith.constant 0 : index
    %get3A_0 = arith.constant 0 : index
    %get3A_1 = vector.load %arg1[%get3A, %get3A_0] : memref<2000x128xf32, #tpu.memory_space<vmem>>, vector<2000x128xf32>
    %get3A_2 = arith.constant 0 : index
    %get3A_3 = arith.constant 0 : index
    %get3A_4 = vector.load %arg2[%get3A_2, %get3A_3] : memref<128x256xf32, #tpu.memory_space<vmem>>, vector<128x256xf32>
    %dot_general3A = arith.constant dense<0.000000e+00> : vector<2000x256xf32>
    %dot_general3A_5 = tpu.matmul %get3A_1, %get3A_4, %dot_general3A {dimension_numbers = #tpu.dot_dimension_numbers<[1], [0], [0], [1], [0, 0, 1, 1], [], []>, transpose_lhs_hint = false} : vector<2000x128xf32>, vector<128x256xf32>, vector<2000x256xf32> -> vector<2000x256xf32>
    %get3A_6 = arith.constant 0 : index
    %get3A_7 = arith.constant 0 : index
    %get3A_8 = vector.load %arg3[%get3A_6, %get3A_7] : memref<1x256xf32, #tpu.memory_space<vmem>>, vector<1x256xf32>
    %add3A = vector.broadcast %get3A_8 : vector<1x256xf32> to vector<2000x256xf32>
    %add3A_9 = arith.addf %dot_general3A_5, %add3A : vector<2000x256xf32>
    %swap3A = arith.constant 0 : index
    %swap3A_10 = arith.constant 0 : index
    %swap3A_11 = vector.load %arg4[%swap3A, %swap3A_10] : memref<2000x256xf32, #tpu.memory_space<vmem>>, vector<2000x256xf32>
    tpu.vector_store %arg4[%swap3A, %swap3A_10], %add3A_9 {strides = array<i32>} : memref<2000x256xf32, #tpu.memory_space<vmem>>, vector<2000x256xf32>,
    return
  }
  func.func @transform_0(%arg0: i32) -> (i32, i32) {
    %c0_i32 = arith.constant 0 : i32
    %c0_i32_0 = arith.constant 0 : i32
    return %arg0, %c0_i32 : i32, i32
  }
  func.func @transform_1(%arg0: i32) -> (i32, i32) {
    %c0_i32 = arith.constant 0 : i32
    %c0_i32_0 = arith.constant 0 : i32
    %c0_i32_1 = arith.constant 0 : i32
    return %c0_i32, %c0_i32_0 : i32, i32
  }
  func.func @transform_2(%arg0: i32) -> (i32, i32) {
    %c0_i32 = arith.constant 0 : i32
    %c0_i32_0 = arith.constant 0 : i32
    %c0_i32_1 = arith.constant 0 : i32
    return %c0_i32, %c0_i32_0 : i32, i32
  }
  func.func @transform_3(%arg0: i32) -> (i32, i32) {
    %c0_i32 = arith.constant 0 : i32
    %c0_i32_0 = arith.constant 0 : i32
    return %arg0, %c0_i32 : i32, i32
  }
}

module attributes {stable_mosaic.version = 14 : i64} {
  func.func @_node_body(%arg0: i32, %arg1: memref<1000x128xf32, #tpu.memory_space<vmem>>, %arg2: memref<1000x128xf32, #tpu.memory_space<vmem>>, %arg3: memref<1000x128xf32, #tpu.memory_space<vmem>>, %arg4: memref<1000x128xf32, #tpu.memory_space<vmem>>, %arg5: memref<1000x128xf32, #tpu.memory_space<vmem>>, %arg6: memref<1000x128xf32, #tpu.memory_space<vmem>>, %arg7: memref<1000x1xf32, #tpu.memory_space<vmem>>, %arg8: memref<384x128xf32, #tpu.memory_space<vmem>>, %arg9: memref<1x128xf32, #tpu.memory_space<vmem>>, %arg10: memref<1x128xf32, #tpu.memory_space<vmem>>, %arg11: memref<384x128xf32, #tpu.memory_space<vmem>>, %arg12: memref<1x128xf32, #tpu.memory_space<vmem>>, %arg13: memref<1x128xf32, #tpu.memory_space<vmem>>, %arg14: memref<1x128xf32, #tpu.memory_space<vmem>>, %arg15: memref<1x128xf32, #tpu.memory_space<vmem>>, %arg16: memref<1000x128xf32, #tpu.memory_space<vmem>>) attributes {dimension_semantics = [#tpu.dimension_semantics<arbitrary>], iteration_bounds = array<i64: 10>, scalar_prefetch = 0 : i64, scratch_operands = 0 : i64, tpu.core_type = #tpu.core_type<tc>, window_params = [{transform_indices = @transform_0, window_bounds = array<i64: 1000, 128>}, {transform_indices = @transform_1, window_bounds = array<i64: 1000, 128>}, {transform_indices = @transform_2, window_bounds = array<i64: 1000, 128>}, {transform_indices = @transform_3, window_bounds = array<i64: 1000, 128>}, {transform_indices = @transform_4, window_bounds = array<i64: 1000, 128>}, {transform_indices = @transform_5, window_bounds = array<i64: 1000, 128>}, {transform_indices = @transform_6, window_bounds = array<i64: 1000, 1>}, {pipeline_mode = #tpu.pipeline_mode<synchronous>, transform_indices = @transform_7, window_bounds = array<i64: 384, 128>}, {pipeline_mode = #tpu.pipeline_mode<synchronous>, transform_indices = @transform_8, window_bounds = array<i64: 1, 128>}, {pipeline_mode = #tpu.pipeline_mode<synchronous>, transform_indices = @transform_9, window_bounds = array<i64: 1, 128>}, {pipeline_mode = #tpu.pipeline_mode<synchronous>, transform_indices = @transform_10, window_bounds = array<i64: 384, 128>}, {pipeline_mode = #tpu.pipeline_mode<synchronous>, transform_indices = @transform_11, window_bounds = array<i64: 1, 128>}, {pipeline_mode = #tpu.pipeline_mode<synchronous>, transform_indices = @transform_12, window_bounds = array<i64: 1, 128>}, {pipeline_mode = #tpu.pipeline_mode<synchronous>, transform_indices = @transform_13, window_bounds = array<i64: 1, 128>}, {pipeline_mode = #tpu.pipeline_mode<synchronous>, transform_indices = @transform_14, window_bounds = array<i64: 1, 128>}, {transform_indices = @transform_15, window_bounds = array<i64: 1000, 128>}]} {
    %get3A = arith.constant 0 : index
    %get3A_0 = arith.constant 0 : index
    %get3A_1 = vector.load %arg1[%get3A, %get3A_0] : memref<1000x128xf32, #tpu.memory_space<vmem>>, vector<1000x128xf32>
    %get3A_2 = arith.constant 0 : index
    %get3A_3 = arith.constant 0 : index
    %get3A_4 = vector.load %arg2[%get3A_2, %get3A_3] : memref<1000x128xf32, #tpu.memory_space<vmem>>, vector<1000x128xf32>
    %add3A = arith.addf %get3A_1, %get3A_4 : vector<1000x128xf32>
    %get3A_5 = arith.constant 0 : index
    %get3A_6 = arith.constant 0 : index
    %get3A_7 = vector.load %arg3[%get3A_5, %get3A_6] : memref<1000x128xf32, #tpu.memory_space<vmem>>, vector<1000x1xf32>
    %get3A_8 = arith.constant 0 : index
    %get3A_9 = arith.constant 0 : index
    %get3A_10 = vector.load %arg4[%get3A_8, %get3A_9] : memref<1000x128xf32, #tpu.memory_space<vmem>>, vector<1000x1xf32>
    %add3A_11 = arith.addf %get3A_7, %get3A_10 : vector<1000x1xf32>
    %gt3A = arith.constant 0.000000e+00 : f32
    %gt3A_12 = vector.broadcast %gt3A : f32 to vector<1000x1xf32>
    %gt3A_13 = arith.cmpf ogt, %add3A_11, %gt3A_12 : vector<1000x1xf32>
    %max3A = arith.constant 1.000000e+00 : f32
    %max3A_14 = vector.broadcast %max3A : f32 to vector<1000x1xf32>
    %max3A_15 = arith.maximumf %add3A_11, %max3A_14 : vector<1000x1xf32>
    %div3A = vector.broadcast %max3A_15 : vector<1000x1xf32> to vector<1000x128xf32>
    %div3A_16 = arith.divf %add3A, %div3A : vector<1000x128xf32>
    %jit3A = arith.constant 0.000000e+00 : f32
    %broadcast_in_dim3A = vector.shape_cast %gt3A_13 : vector<1000x1xi1> to vector<1000x1xi1>
    %broadcast_in_dim3A_17 = vector.broadcast %broadcast_in_dim3A : vector<1000x1xi1> to vector<1000x128xi1>
    %broadcast_in_dim3A_18 = vector.broadcast %jit3A : f32 to vector<1000x128xf32>
    %select_n3A = arith.select %broadcast_in_dim3A_17, %div3A_16, %broadcast_in_dim3A_18 : vector<1000x128xi1>, vector<1000x128xf32>
    %get3A_19 = arith.constant 0 : index
    %get3A_20 = arith.constant 0 : index
    %get3A_21 = vector.load %arg5[%get3A_19, %get3A_20] : memref<1000x128xf32, #tpu.memory_space<vmem>>, vector<1000x128xf32>
    %get3A_22 = arith.constant 0 : index
    %get3A_23 = arith.constant 0 : index
    %get3A_24 = vector.load %arg6[%get3A_22, %get3A_23] : memref<1000x128xf32, #tpu.memory_space<vmem>>, vector<1000x128xf32>
    %concatenate3A = tpu.concatenate %get3A_21, %select_n3A, %get3A_24 in 1 : vector<1000x128xf32>, vector<1000x128xf32>, vector<1000x128xf32> -> vector<1000x384xf32>
    %get3A_25 = arith.constant 0 : index
    %get3A_26 = arith.constant 0 : index
    %get3A_27 = vector.load %arg7[%get3A_25, %get3A_26] : memref<1000x1xf32, #tpu.memory_space<vmem>>, vector<1000x1xf32>
    %get3A_28 = arith.constant 0 : index
    %get3A_29 = arith.constant 0 : index
    %get3A_30 = vector.load %arg8[%get3A_28, %get3A_29] : memref<384x128xf32, #tpu.memory_space<vmem>>, vector<384x128xf32>
    %dot_general3A = arith.constant dense<0.000000e+00> : vector<1000x128xf32>
    %dot_general3A_31 = tpu.matmul %concatenate3A, %get3A_30, %dot_general3A {dimension_numbers = #tpu.dot_dimension_numbers<[1], [0], [0], [1], [0, 0, 1, 1], [], []>, transpose_lhs_hint = false} : vector<1000x384xf32>, vector<384x128xf32>, vector<1000x128xf32> -> vector<1000x128xf32>
    %get3A_32 = arith.constant 0 : index
    %get3A_33 = arith.constant 0 : index
    %get3A_34 = vector.load %arg9[%get3A_32, %get3A_33] : memref<1x128xf32, #tpu.memory_space<vmem>>, vector<1x128xf32>
    %mul3A = vector.broadcast %get3A_27 : vector<1000x1xf32> to vector<1000x128xf32>
    %mul3A_35 = vector.broadcast %get3A_34 : vector<1x128xf32> to vector<1000x128xf32>
    %mul3A_36 = arith.mulf %mul3A, %mul3A_35 : vector<1000x128xf32>
    %add3A_37 = arith.addf %dot_general3A_31, %mul3A_36 : vector<1000x128xf32>
    %get3A_38 = arith.constant 0 : index
    %get3A_39 = arith.constant 0 : index
    %get3A_40 = vector.load %arg10[%get3A_38, %get3A_39] : memref<1x128xf32, #tpu.memory_space<vmem>>, vector<1x128xf32>
    %add3A_41 = vector.broadcast %get3A_40 : vector<1x128xf32> to vector<1000x128xf32>
    %add3A_42 = arith.addf %add3A_37, %add3A_41 : vector<1000x128xf32>
    %get3A_43 = arith.constant 0 : index
    %get3A_44 = arith.constant 0 : index
    %get3A_45 = vector.load %arg11[%get3A_43, %get3A_44] : memref<384x128xf32, #tpu.memory_space<vmem>>, vector<384x128xf32>
    %dot_general3A_46 = arith.constant dense<0.000000e+00> : vector<1000x128xf32>
    %dot_general3A_47 = tpu.matmul %concatenate3A, %get3A_45, %dot_general3A_46 {dimension_numbers = #tpu.dot_dimension_numbers<[1], [0], [0], [1], [0, 0, 1, 1], [], []>, transpose_lhs_hint = false} : vector<1000x384xf32>, vector<384x128xf32>, vector<1000x128xf32> -> vector<1000x128xf32>
    %get3A_48 = arith.constant 0 : index
    %get3A_49 = arith.constant 0 : index
    %get3A_50 = vector.load %arg12[%get3A_48, %get3A_49] : memref<1x128xf32, #tpu.memory_space<vmem>>, vector<1x128xf32>
    %mul3A_51 = vector.broadcast %get3A_27 : vector<1000x1xf32> to vector<1000x128xf32>
    %mul3A_52 = vector.broadcast %get3A_50 : vector<1x128xf32> to vector<1000x128xf32>
    %mul3A_53 = arith.mulf %mul3A_51, %mul3A_52 : vector<1000x128xf32>
    %add3A_54 = arith.addf %dot_general3A_47, %mul3A_53 : vector<1000x128xf32>
    %get3A_55 = arith.constant 0 : index
    %get3A_56 = arith.constant 0 : index
    %get3A_57 = vector.load %arg13[%get3A_55, %get3A_56] : memref<1x128xf32, #tpu.memory_space<vmem>>, vector<1x128xf32>
    %add3A_58 = vector.broadcast %get3A_57 : vector<1x128xf32> to vector<1000x128xf32>
    %add3A_59 = arith.addf %add3A_54, %add3A_58 : vector<1000x128xf32>
    %logistic3A = arith.negf %add3A_42 : vector<1000x128xf32>
    %logistic3A_60 = math.exp %logistic3A : vector<1000x128xf32>
    %logistic3A_61 = arith.constant 1.000000e+00 : f32
    %logistic3A_62 = vector.broadcast %logistic3A_61 : f32 to vector<1000x128xf32>
    %logistic3A_63 = arith.addf %logistic3A_62, %logistic3A_60 : vector<1000x128xf32>
    %logistic3A_64 = arith.divf %logistic3A_62, %logistic3A_63 : vector<1000x128xf32>
    %mul3A_65 = arith.mulf %logistic3A_64, %add3A_59 : vector<1000x128xf32>
    %reduce_sum3A = arith.constant dense<0.000000e+00> : vector<1000xf32>
    %reduce_sum3A_66 = vector.multi_reduction <add>, %mul3A_65, %reduce_sum3A [1] : vector<1000x128xf32> to vector<1000xf32>
    %broadcast_in_dim3A_67 = vector.shape_cast %reduce_sum3A_66 : vector<1000xf32> to vector<1000x1xf32>
    %div3A_68 = arith.constant 1.280000e+02 : f32
    %div3A_69 = vector.broadcast %div3A_68 : f32 to vector<1000x1xf32>
    %div3A_70 = arith.divf %broadcast_in_dim3A_67, %div3A_69 : vector<1000x1xf32>
    %sub3A = vector.broadcast %div3A_70 : vector<1000x1xf32> to vector<1000x128xf32>
    %sub3A_71 = arith.subf %mul3A_65, %sub3A : vector<1000x128xf32>
    %integer_pow3A = arith.mulf %sub3A_71, %sub3A_71 : vector<1000x128xf32>
    %reduce_sum3A_72 = arith.constant dense<0.000000e+00> : vector<1000xf32>
    %reduce_sum3A_73 = vector.multi_reduction <add>, %integer_pow3A, %reduce_sum3A_72 [1] : vector<1000x128xf32> to vector<1000xf32>
    %broadcast_in_dim3A_74 = vector.shape_cast %reduce_sum3A_73 : vector<1000xf32> to vector<1000x1xf32>
    %div3A_75 = arith.constant 1.280000e+02 : f32
    %div3A_76 = vector.broadcast %div3A_75 : f32 to vector<1000x1xf32>
    %div3A_77 = arith.divf %broadcast_in_dim3A_74, %div3A_76 : vector<1000x1xf32>
    %sub3A_78 = vector.broadcast %div3A_70 : vector<1000x1xf32> to vector<1000x128xf32>
    %sub3A_79 = arith.subf %mul3A_65, %sub3A_78 : vector<1000x128xf32>
    %add3A_80 = arith.constant 9.99999974E-6 : f32
    %add3A_81 = vector.broadcast %add3A_80 : f32 to vector<1000x1xf32>
    %add3A_82 = arith.addf %div3A_77, %add3A_81 : vector<1000x1xf32>
    %sqrt3A = math.sqrt %add3A_82 : vector<1000x1xf32>
    %div3A_83 = vector.broadcast %sqrt3A : vector<1000x1xf32> to vector<1000x128xf32>
    %div3A_84 = arith.divf %sub3A_79, %div3A_83 : vector<1000x128xf32>
    %get3A_85 = arith.constant 0 : index
    %get3A_86 = arith.constant 0 : index
    %get3A_87 = vector.load %arg14[%get3A_85, %get3A_86] : memref<1x128xf32, #tpu.memory_space<vmem>>, vector<1x128xf32>
    %mul3A_88 = vector.broadcast %get3A_87 : vector<1x128xf32> to vector<1000x128xf32>
    %mul3A_89 = arith.mulf %div3A_84, %mul3A_88 : vector<1000x128xf32>
    %get3A_90 = arith.constant 0 : index
    %get3A_91 = arith.constant 0 : index
    %get3A_92 = vector.load %arg15[%get3A_90, %get3A_91] : memref<1x128xf32, #tpu.memory_space<vmem>>, vector<1x128xf32>
    %add3A_93 = vector.broadcast %get3A_92 : vector<1x128xf32> to vector<1000x128xf32>
    %add3A_94 = arith.addf %mul3A_89, %add3A_93 : vector<1000x128xf32>
    %swap3A = arith.constant 0 : index
    %swap3A_95 = arith.constant 0 : index
    %swap3A_96 = vector.load %arg16[%swap3A, %swap3A_95] : memref<1000x128xf32, #tpu.memory_space<vmem>>, vector<1000x128xf32>
    tpu.vector_store %arg16[%swap3A, %swap3A_95], %add3A_94 {strides = array<i32>} : memref<1000x128xf32, #tpu.memory_space<vmem>>, vector<1000x128xf32>,
    return
  }
  func.func @transform_0(%arg0: i32) -> (i32, i32) {
    %c0_i32 = arith.constant 0 : i32
    %c0_i32_0 = arith.constant 0 : i32
    return %arg0, %c0_i32 : i32, i32
  }
  func.func @transform_1(%arg0: i32) -> (i32, i32) {
    %c0_i32 = arith.constant 0 : i32
    %c0_i32_0 = arith.constant 0 : i32
    return %arg0, %c0_i32 : i32, i32
  }
  func.func @transform_2(%arg0: i32) -> (i32, i32) {
    %c0_i32 = arith.constant 0 : i32
    %c0_i32_0 = arith.constant 0 : i32
    return %arg0, %c0_i32 : i32, i32
  }
  func.func @transform_3(%arg0: i32) -> (i32, i32) {
    %c0_i32 = arith.constant 0 : i32
    %c0_i32_0 = arith.constant 0 : i32
    return %arg0, %c0_i32 : i32, i32
  }
  func.func @transform_4(%arg0: i32) -> (i32, i32) {
    %c0_i32 = arith.constant 0 : i32
    %c0_i32_0 = arith.constant 0 : i32
    return %arg0, %c0_i32 : i32, i32
  }
  func.func @transform_5(%arg0: i32) -> (i32, i32) {
    %c0_i32 = arith.constant 0 : i32
    %c0_i32_0 = arith.constant 0 : i32
    return %arg0, %c0_i32 : i32, i32
  }
  func.func @transform_6(%arg0: i32) -> (i32, i32) {
    %c0_i32 = arith.constant 0 : i32
    %c0_i32_0 = arith.constant 0 : i32
    return %arg0, %c0_i32 : i32, i32
  }
  func.func @transform_7(%arg0: i32) -> (i32, i32) {
    %c0_i32 = arith.constant 0 : i32
    %c0_i32_0 = arith.constant 0 : i32
    %c0_i32_1 = arith.constant 0 : i32
    return %c0_i32, %c0_i32_0 : i32, i32
  }
  func.func @transform_8(%arg0: i32) -> (i32, i32) {
    %c0_i32 = arith.constant 0 : i32
    %c0_i32_0 = arith.constant 0 : i32
    %c0_i32_1 = arith.constant 0 : i32
    return %c0_i32, %c0_i32_0 : i32, i32
  }
  func.func @transform_9(%arg0: i32) -> (i32, i32) {
    %c0_i32 = arith.constant 0 : i32
    %c0_i32_0 = arith.constant 0 : i32
    %c0_i32_1 = arith.constant 0 : i32
    return %c0_i32, %c0_i32_0 : i32, i32
  }
  func.func @transform_10(%arg0: i32) -> (i32, i32) {
    %c0_i32 = arith.constant 0 : i32
    %c0_i32_0 = arith.constant 0 : i32
    %c0_i32_1 = arith.constant 0 : i32
    return %c0_i32, %c0_i32_0 : i32, i32
  }
  func.func @transform_11(%arg0: i32) -> (i32, i32) {
    %c0_i32 = arith.constant 0 : i32
    %c0_i32_0 = arith.constant 0 : i32
    %c0_i32_1 = arith.constant 0 : i32
    return %c0_i32, %c0_i32_0 : i32, i32
  }
  func.func @transform_12(%arg0: i32) -> (i32, i32) {
    %c0_i32 = arith.constant 0 : i32
    %c0_i32_0 = arith.constant 0 : i32
    %c0_i32_1 = arith.constant 0 : i32
    return %c0_i32, %c0_i32_0 : i32, i32
  }
  func.func @transform_13(%arg0: i32) -> (i32, i32) {
    %c0_i32 = arith.constant 0 : i32
    %c0_i32_0 = arith.constant 0 : i32
    %c0_i32_1 = arith.constant 0 : i32
    return %c0_i32, %c0_i32_0 : i32, i32
  }
  func.func @transform_14(%arg0: i32) -> (i32, i32) {
    %c0_i32 = arith.constant 0 : i32
    %c0_i32_0 = arith.constant 0 : i32
    %c0_i32_1 = arith.constant 0 : i32
    return %c0_i32, %c0_i32_0 : i32, i32
  }
  func.func @transform_15(%arg0: i32) -> (i32, i32) {
    %c0_i32 = arith.constant 0 : i32
    %c0_i32_0 = arith.constant 0 : i32
    return %arg0, %c0_i32 : i32, i32
  }
}

</mosaic_0001>

<sc_bundles>
// kernel: kernel.10.cloned.1.call-start
scs
__scs_entry_jumppad:
0x0: {  	(pc) =	sbr.rel $0x88, $3  }
0x1: {  	(tag) =	ssettag $0x0;
	lr =	simm.s32 $0x1  }
0x2: {  	[smem:$0x3F92] =	sst lr;
	_ =	strace $0xD0000000  }
0x3: {  	_ = 	snop  }
0x4: {  	_ = 	snop  }
0x5: {  	_ = 	snop  }
0x6: {  	_ = 	snop  }
0x7: {  	_ = 	snop  }
__scs_overlays_trampoline_lowered:
0x8: {  	[smem:$0x3FA1] =	sst s0  }
0x9: {  	[smem:$0x3FA2] =	sst s1  }
0xa: {  	[smem:$0x3FA3] =	sst s2  }
0xb: {  	[smem:$0x3FA4] =	sst s3  }
0xc: {  	[smem:$0x3FA5] =	sst s4  }
0xd: {  	[smem:$0x3FA6] =	sst s5  }
0xe: {  	[smem:$0x3FA7] =	sst s6  }
0xf: {  	[smem:$0x3FA8] =	sst s7  }
0x10: {  	[smem:$0x3FA9] =	sst s8  }
0x11: {  	[smem:$0x3FAA] =	sst s9;
	s0 =	simm.s32 @!p0 $0x0  }
0x12: {  	s1 =	sld [smem:$0x3F90];
	s0 =	simm.s32 @p0 $0x1  }
0x13: {  	[smem:$0x3FAB] =	sst s0;
	s0 =	simm.s32 @!p1 $0x0  }
0x14: {  	s2 =	sld [smem:$0x3F8F];
	s0 =	simm.s32 @p1 $0x1  }
0x15: {  	[smem:$0x3FAC] =	sst s0;
	s0 =	simm.s32 @!p2 $0x0  }
0x16: {  	s3 =	sld [smem:$0x3FDB];
	s0 =	simm.s32 @p2 $0x1  }
0x17: {  	s4 =	simm.s32 $0x1BF5;
	[smem:$0x3FAE] =	sst s0  }
0x18: {  	s0 =	sld [smem:$0x3F91];
	_ =	swait.ge [sflag:s4], $0x0  }
0x19: {  	s7 =	sld [smem:$0x3F92]  }
0x1a: {  	s8 =	sadd.s32 $0xFFFFE003, lr  }
0x1b: {  	s9 =	sadd.s32 $0xFFFFFEF7, lr;
	s5 =	simm.s32 $0xFFFFFFFF;
	p2 =	slt.u32 s8, $0xFFFFF086  }
0x1c: {  	p1 =	slt.u32 s9, $0xF7A;
	s5 =	simm.s32 @!p2 $0x0  }
0x1d: {  	s5 =	simm.s32 @p1 $0x1;
	p0 =	seq.s32 s7, s2  }
0x1e: {  	s7 =	smul.u32 @!p0 $0xF7A, s2;
	p2 =	seq.s32 @!p0 s5, $0x0  }
0x1f: {  	s9 =	smul.u32 $0xF7A, s1;
	s8 =	simm.s32 @!p0 $0x1BF5;
	p2 =	por !p2, p0  }
0x20: {  	[sflag:s8] =	ssyncset.s32 @!p0 $0xFFFFF086;
	s6 =	sadd.s32 @!p0 s3, s7;
	s7 =	simm.s32 @!p0 $0x108  }
0x21: {  	s3 =	sadd.s32 s3, s9;
	s6 =	sadd.s32 @!p0 $0x88, s6;
	s7 =	simm.s32 @p2 $0x1082  }
0x22: {  	[simem:s7], [sflag:s8] =	dma.local @!p0 [hbm:s6], $0xF7A  }
0x23: {  	s9 =	sor.u32 $0xD0000000, s2;
	s6 =	simm.s32 $0x108;
	_ =	swait.ge @!p0 [sflag:s8], $0x0  }
0x24: {  	s3 =	sadd.s32 $0x88, s3;
	s6 =	simm.s32 @!p1 $0x1082;
	[sflag:s4] =	ssyncset.s32 $0xFFFFF086  }
0x25: {  	[simem:s6], [sflag:s4] =	dma.local [hbm:s3], $0xF7A  }
0x26: {  	[smem:$0x3F92] =	sst s1;
	(tag) =	ssettag s2;
	_ =	strace s9  }
0x27: {  	s1 =	sld [smem:$0x3FA2]  }
0x28: {  	s2 =	sld [smem:$0x3FA3]  }
0x29: {  	s4 =	sld [smem:$0x3FA5]  }
0x2a: {  	p0 =	seq.s32 s5, $0x0;
	s5 =	sld [smem:$0x3FA6]  }
0x2b: {  	s6 =	sld [smem:$0x3FA7]  }
0x2c: {  	s7 =	sld [smem:$0x3FA8]  }
0x2d: {  	s3 =	simm.s32 $0x108;
	s8 =	sld [smem:$0x3FA9]  }
0x2e: {  	s3 =	simm.s32 @!p0 $0x1082;
	s9 =	sld [smem:$0x3FAA]  }
0x2f: {  	lr =	sadd.s32 s0, s3;
	s0 =	sld [smem:$0x3FA1]  }
0x30: {  	s3 =	sld [smem:$0x3FA4]  }
0x31: {  	[smem:$0x3FAD] =	sst s10  }
0x32: {  	s10 =	sld [smem:$0x3FAB];
	_ =	sdelay $0x3  }
0x33: {  	p0 =	seq.s32 s10, $0x1;
	s10 =	sld [smem:$0x3FAD];
	_ =	sdelay $0x3  }
0x34: {  	[smem:$0x3FAD] =	sst s10  }
0x35: {  	s10 =	sld [smem:$0x3FAC];
	_ =	sdelay $0x3  }
0x36: {  	p1 =	seq.s32 s10, $0x1;
	s10 =	sld [smem:$0x3FAD];
	_ =	sdelay $0x3  }
0x37: {  	[smem:$0x3FAD] =	sst s10  }
0x38: {  	s10 =	sld [smem:$0x3FAE]  }
0x39: {  	_ = 	snop;
	(pc) =	sbr.ind lr, $3  }
0x3a: {  	_ = 	snop  }
0x3b: {  	_ = 	snop  }
0x3c: {  	p2 =	seq.s32 s10, $0x1;
	s10 =	sld [smem:$0x3FAD]  }
0x3d: {  	_ =	shalt  }
0x3e: {  	_ =	shalt  }
0x3f: {  	_ =	shalt  }
0x40: {  	_ =	shalt  }
0x41: {  	_ =	shalt  }
0x42: {  	_ =	shalt  }
0x43: {  	_ =	shalt  }
0x44: {  	_ =	shalt  }
0x45: {  	_ =	shalt  }
0x46: {  	_ =	shalt  }
0x47: {  	_ =	shalt  }
0x48: {  	_ =	shalt  }
0x49: {  	_ =	shalt  }
0x4a: {  	_ =	shalt  }
0x4b: {  	_ =	shalt  }
0x4c: {  	_ =	shalt  }
0x4d: {  	_ =	shalt  }
0x4e: {  	_ =	shalt  }
0x4f: {  	_ =	shalt  }
0x50: {  	_ =	shalt  }
0x51: {  	_ =	shalt  }
0x52: {  	_ =	shalt  }
0x53: {  	_ =	shalt  }
0x54: {  	_ =	shalt  }
0x55: {  	_ =	shalt  }
0x56: {  	_ =	shalt  }
0x57: {  	_ =	shalt  }
0x58: {  	_ =	shalt  }
0x59: {  	_ =	shalt  }
0x5a: {  	_ =	shalt  }
0x5b: {  	_ =	shalt  }
0x5c: {  	_ =	shalt  }
0x5d: {  	_ =	shalt  }
0x5e: {  	_ =	shalt  }
0x5f: {  	_ =	shalt  }
0x60: {  	_ =	shalt  }
0x61: {  	_ =	shalt  }
0x62: {  	_ =	shalt  }
0x63: {  	_ =	shalt  }
0x64: {  	_ =	shalt  }
0x65: {  	_ =	shalt  }
0x66: {  	_ =	shalt  }
0x67: {  	_ =	shalt  }
0x68: {  	_ =	shalt  }
0x69: {  	_ =	shalt  }
0x6a: {  	_ =	shalt  }
0x6b: {  	_ =	shalt  }
0x6c: {  	_ =	shalt  }
0x6d: {  	_ =	shalt  }
0x6e: {  	_ =	shalt  }
0x6f: {  	_ =	shalt  }
0x70: {  	_ =	shalt  }
0x71: {  	_ =	shalt  }
0x72: {  	_ =	shalt  }
0x73: {  	_ =	shalt  }
0x74: {  	_ =	shalt  }
0x75: {  	_ =	shalt  }
0x76: {  	_ =	shalt  }
0x77: {  	_ =	shalt  }
0x78: {  	_ =	shalt  }
0x79: {  	_ =	shalt  }
0x7a: {  	_ =	shalt  }
0x7b: {  	_ =	shalt  }
0x7c: {  	_ =	shalt  }
0x7d: {  	_ =	shalt  }
0x7e: {  	_ =	shalt  }
0x7f: {  	_ =	shalt  }
0x80: {  	_ =	shalt  }
0x81: {  	_ =	shalt  }
0x82: {  	_ =	shalt  }
0x83: {  	_ =	shalt  }
0x84: {  	_ =	shalt  }
0x85: {  	_ =	shalt  }
0x86: {  	_ =	shalt  }
0x87: {  	_ =	shalt  }
.Lfunc_end0:
.L_simem_size_0:
called_computation.1_lowered:
.L_overlay_start_0:
0x88: {  	s2 =	sld [smem:$0x3FD9]  }
0x89: {  	s3 =	sld [smem:$0x3FFE];
	_ =	sdelay $0x1  }
0x8a: {  	s1 =	srdreg.scid  }
0x8b: {  	s0 =	sand.u32 $0x1, s1  }
0x8c: {  	s17 =	sshll.u32 s0, $0xA;
	s2 =	sadd.s32 s3, s2  }
0x8d: {  	s2 =	sadd.s32 s2, s17  }
0x8e: {  	[smem:$0x3FB9] =	sst s2  }
0x8f: {  	_ = 	snop  }
0x90: {  	s2 =	sld [smem:$0x3FD0];
	(tm) =	ssettm $0x1  }
0x91: {  	s18 =	sld [smem:$0x3FFB];
	_ =	sdelay $0x3  }
0x92: {  	_ =	strace s18  }
0x93: {  	s3 =	sld [smem:$0x3FFC];
	_ =	sdelay $0x3  }
0x94: {  	_ =	strace s3  }
0x95: {  	s3 =	sld [smem:$0x3FFD];
	_ =	sdelay $0x3  }
0x96: {  	_ =	strace s3  }
0x97: {  	_ =	strace $0x8FFFFFFF  }
0x98: {  	s19 =	sld [smem:$0x3FDB];
	_ =	sdelay $0x1  }
0x99: {  	s4 =	simm.s32 $_scs_section_size  }
0x9a: {  	s5 =	simm.s32 $_size__tile_overlayer_lowered;
	s6 =	simm.s32 $_tile_overlayer_lowered  }
0x9b: {  	s22 =	simm.s32 $0x1BFF;
	s21 =	sshll.u32 s6, $0x1;
	s3 =	sadd.s32 s4, s19  }
0x9c: {  	s7 =	simm.s32 $0x0;
	s20 =	sshll.u32 s5, $0x1;
	s5 =	sadd.s32 s21, s3  }
0x9d: {  	[timem:s7], [sflag:s22] =	dma.local [hbm:s5], s20  }
0x9e: {  	_ =	swait.ge [sflag:s22], s20  }
0x9f: {  	s4 =	ssub.s32 $0x0, s20;
	[sflag:s22] =	ssyncset.done $0x0  }
0xa0: {  	[sflag:s22] =	ssyncadd.s32 s4;
	_ =	sdelay $0x1  }
0xa1: {  	s23 =	simm.s32 $0x1B8B  }
0xa2: {  	_ =	swait.ge [sflag:s23], $0x1  }
0xa3: {  	[sflag:s23] =	ssyncset.done $0x0  }
0xa4: {  	s25 =	simm.s32 $0x1B8E;
	s24 =	sld [smem:$0x3FFE];
	[sflag:s23] =	ssyncadd.s32 $0xFFFFFFFF  }
0xa5: {  	s26 =	simm.s32 $execute0_lowered;
	[smem:$0x3FD2] =	sst s25  }
0xa6: {  	s5 =	sshll.u32 s26, $0x1;
	_ =	strace $0x80000049;
	[dreg:$0x1] =	wrdreg $0xFFFFFFFF  }
0xa7: {  	s28 =	simm.s32 $_size_execute0_lowered;
	s3 =	sadd.s32 s3, s5;
	[dreg:$0x0] =	wrdreg $0x0  }
0xa8: {  	s5 =	sshll.u32 s28, $0x1;
	[dreg:$0x2] =	wrdreg s3  }
0xa9: {  	[dreg:$0x3] =	wrdreg s5  }
0xaa: {  	[dreg:$0x4] =	wrdreg $0xC0  }
0xab: {  	_ =	task [dreg:s7], $0x5FFFF  }
0xac: {  	[dreg:$0x1] =	wrdreg $0xFFFFFFFF  }
0xad: {  	[dreg:$0x0] =	wrdreg $0x60  }
0xae: {  	[dreg:$0x2] =	wrdreg s24  }
0xaf: {  	[dreg:$0x3] =	wrdreg s2  }
0xb0: {  	[dreg:$0x4] =	wrdreg $0xC0000  }
0xb1: {  	[dreg:$0x5] =	wrdreg $0x9  }
0xb2: {  	_ =	task.clear_ibuf [dreg:s7], $0x6FFFF;
	_ =	strace $0x90000049  }
0xb3: {  	s29 =	simm.s32 $0x9;
	_ =	strace $0x8000004B  }
0xb4: {  	_ =	swait.ge [sflag:s29], $0x1  }
0xb5: {  	[sflag:s29] =	ssyncadd.s32 $0xFFFFFFFF  }
0xb6: {  	_ =	strace $0x9000004B  }
0xb7: {  	_ =	sfence  }
0xb8: {  	s30 =	sld [smem:$0x0];
	_ =	sdelay $0x2  }
0xb9: {  	s31 =	sshll.u32 s1, $0xD;
	s1 =	sshrl.u32 s1, $0x2  }
0xba: {  	s3 =	sand.u32 $0x4000, s31;
	s1 =	sadd.s32 s1, s30  }
0xbb: {  	s0 =	sor.u32 s3, s0;
	s1 =	sshll.u32 s1, $0x11  }
0xbc: {  	s0 =	sor.u32 s1, s0  }
0xbd: {  	s0 =	sadd.s32 $0x8F2B, s0  }
0xbe: {  	[sflag:s0] =	ssyncadd.remote.s32 $0x1  }
0xbf: {  	_ =	sfence.sel $0xFFFF  }
0xc0: {  	[dreg:$0x0] =	wrdreg $0xFFFFFFFF;
	(pc) =	sbr.abs _section_cstart, $3  }
0xc1: {  	[dreg:$0x1] =	wrdreg $0xFFFFFFFF  }
0xc2: {  	_ =	task.clear_ibuf [dreg:s7], $0x2FFFF;
	_ =	strace $0x9FFFFFFF  }
0xc3: {  	(tm) =	ssettm $0x7FFFFFFF  }
tec
execute0_lowered:
.L_overlay_start_1:
0x0: {  	(tag) =	ssettag $0x1  }
0x1: {  	s0 =	rddreg [dreg:$0x0]  }
0x2: {  	s1 =	rddreg [dreg:$0x1]  }
0x3: {  	s2 =	rddreg [dreg:$0x2]  }
0x4: {  	s4 =	srdreg.scid;
	s16 =	stileid.u32  }
0x5: {  	s3 =	simm.s32 $0x0;
	s29 =	simm.s32 $0x1;
	s30 =	simm.s32 $0x10  }
0x6: {  	s31 =	simm.s32 $0xBF00;
	s8 =	sand.u32 $0x1, s4;
	s21 =	sshll.u32 s16, $0x1  }
0x7: {  	[smem:$0x7FF] =	sst s3;
	s5 =	sadd.s32 $0xD2C00, s0;
	s10 =	smul.u32 $0x2800, s16  }
0x8: {  	s6 =	sadd.s32 $0x84A00, s0;
	s7 =	sadd.s32 $0x120E00, s0;
	s14 =	smul.u32 $0x50000, s16  }
0x9: {  	s24 =	sshll.u32 s16, $0x6;
	s9 =	sor.u32 s8, s21;
	s12 =	smul.u32 $0x28000, s8  }
0xa: {  	_ =	strace $0x8000004A;
	s8 =	ssub.s32 $0x2, s8;
	s4 =	smul.u32 $0x2710, s9  }
0xb: {  	s15 =	sadd.s32 s10, s0;
	s22 =	sshrl.u32 s8, $0x1;
	s23 =	sshrl.u32 s14, $0x2  }
0xc: {  	s9 =	smul.u32 $0x4E200, s9;
	s10 =	sadd.s32 s10, s12;
	s25 =	sadd.s32 $0xCA00, s15  }
0xd: {  	s8 =	ssub.s32 s8, s22;
	s12 =	sor.u32 $0x1C05, s24;
	[dreg:$0x4] =	wrdreg s25  }
0xe: {  	s11 =	sshrl.u32 s4, $0x3;
	s26 =	sadd.s32 s7, s9;
	[dreg:$0x5] =	wrdreg s12  }
0xf: {  	s28 =	smax.u32 s8, $0x1;
	s13 =	sadd.s32 s11, s0;
	[dreg:$0x8] =	wrdreg s26  }
0x10: {  	s0 =	sadd.s32 s10, s0;
	s1 =	sadd.s32 s1, s11;
	[dreg:$0xa] =	wrdreg s28  }
0x11: {  	s10 =	sadd.s32 s23, s2;
	s13 =	sadd.s32 $0x2C00, s13;
	[dreg:$0x7] =	wrdreg s1  }
0x12: {  	v2 =	vlaneseq.u32;
	s11 =	simm.s32 $0x0;
	s0 =	sadd.s32 $0xAE4E00, s0;
	[dreg:$0x6] =	wrdreg s13  }
0x13: {  	vm0 =	vmmov $0xffff;
	v1 =	vshrl.u32 v2, $0x3;
	s9 =	sshrl.u32 s10, $0x3;
	s10 =	simm.s32 $0x5;
	[dreg:$0x9] =	wrdreg s0  }
0x14: {  	v0 =	vand.u32 $0x7, v2;
	v2 =	vor.u32 $0x8, v2;
	v1 =	vmul.u32 $0x8, v1;
	s1 =	simm.s32 $0x2;
	s0 =	simm.s32 $0xAF00;
	[dreg:$0xb] =	wrdreg s9  }
.LBB2_1:
0x15: {  	[dreg:$0xc] =	wrdreg s11  }
0x16: {  	s8 =	rddreg [dreg:$0x4]  }
0x17: {  	[spmem:s9], [sflag:s12] =	dma.local [hbm:s8], $0x2800  }
0x18: {  	_ =	swait.ge [sflag:s10], $0x2800  }
0x19: {  	[sflag:s10] =	ssyncset.done $0x0  }
0x1a: {  	[sflag:s10] =	ssyncadd.s32 $0xFFFFD800  }
0x1b: {  	[bflag:$0x0] =	sbarrier.arrive $0xFFFF  }
0x1c: {  	s19 =	rddreg [dreg:$0x6]  }
0x1d: {  	[tilespmem:s3], [sflag:$0x5] =	stream.linear.gather [hbm4b:s19+s3], $0x2710, $0x38;
	v63 =	vld [tilespmem:$0x0]  }
0x1e: {  	_ =	swait.ge [sflag:s10], $0x2710  }
0x1f: {  	[sflag:s10] =	ssyncset.done $0x0  }
0x20: {  	s21 =	simm.s32 $0x2780;
	s20 =	rddreg [dreg:$0x7];
	[sflag:s10] =	ssyncadd.s32 $0xFFFFD8F0  }
0x21: {  	[tilespmem:s21], [sflag:$0x5] =	stream.linear.gather [hbm4b:s20+s3], $0x2710, $0x38;
	v63 =	vld [tilespmem:$0x0]  }
0x22: {  	_ =	swait.ge [sflag:s10], $0x2710  }
0x23: {  	[sflag:s10] =	ssyncset.done $0x0  }
0x24: {  	s23 =	simm.s32 $0x4F00;
	s22 =	rddreg [dreg:$0x8];
	[sflag:s10] =	ssyncadd.s32 $0xFFFFD8F0  }
0x25: {  	[tilespmem:s23], [sflag:$0x1] =	stream.linear.gather [hbm4b:s22+s3], $0x1000, $0x38;
	v63 =	vld [tilespmem:$0x0]  }
0x26: {  	v3 =	vld [tilespmem:$0x0];
	_ =	sdelay $0x4  }
0x27: {  	v4 =	vshll.u32 v3, $0x1  }
0x28: {  	v3 =	vand.u32 $0x7, v3;
	v4 =	vand.u32 $0xFFFFFFF0, v4  }
0x29: {  	v3 =	vor.u32 v3, v4  }
0x2a: {  	v4 =	vperm.xlane v3, v0;
	_ =	sdelay $0x1  }
0x2b: {  	v3 =	vperm.xlane v3, v2;
	v4 =	vadd.s32 v1, v4;
	_ =	sdelay $0x1  }
0x2c: {  	v3 =	vadd.s32 v1, v3;
	_ =	sdelay $0x1  }
0x2d: {  	s24 =	simm.s32 $0x6F00  }
0x2e: {  	[tilespmem:s24], [sflag:$0x1] =	stream.indirect_vreg.gather [hbm4b:s5+s3], $0x80, v4, vm0, $0xb8;
	v63 =	vld [tilespmem:$0x0]  }
0x2f: {  	s25 =	simm.s32 $0x7700  }
0x30: {  	[tilespmem:s25], [sflag:$0x1] =	stream.indirect_vreg.gather [hbm4b:s5+s3], $0x80, v3, vm0, $0xb8;
	v63 =	vld [tilespmem:$0x0]  }
0x31: {  	v3 =	vld [tilespmem:$0x2780];
	_ =	sdelay $0x4  }
0x32: {  	v62 =	vshll.u32 v3, $0x1  }
0x33: {  	v3 =	vand.u32 $0x7, v3;
	v4 =	vand.u32 $0xFFFFFFF0, v62  }
0x34: {  	v3 =	vor.u32 v3, v4  }
0x35: {  	v4 =	vperm.xlane v3, v0;
	_ =	sdelay $0x1  }
0x36: {  	v3 =	vperm.xlane v3, v2;
	v4 =	vadd.s32 v1, v4;
	_ =	sdelay $0x1  }
0x37: {  	v3 =	vadd.s32 v1, v3;
	_ =	sdelay $0x1  }
0x38: {  	s26 =	simm.s32 $0x8F00  }
0x39: {  	[tilespmem:s26], [sflag:$0x1] =	stream.indirect_vreg.gather [hbm4b:s6+s3], $0x80, v4, vm0, $0xb8;
	v63 =	vld [tilespmem:$0x0]  }
0x3a: {  	s28 =	simm.s32 $0x9700;
	s13 =	simm.s32 $0x0  }
0x3b: {  	[tilespmem:s28], [sflag:$0x1] =	stream.indirect_vreg.gather [hbm4b:s6+s3], $0x80, v3, vm0, $0xb8;
	v63 =	vld [tilespmem:$0x0]  }
.LBB2_2:
0x3c: {  	s11 =	sshll.u32 s13, $0x5  }
0x3d: {  	s14 =	sor.u32 $0x10, s11  }
0x3e: {  	s8 =	sadd.s32 s4, s14  }
0x3f: {  	s8 =	sshll.u32 s8, $0x5  }
0x40: {  	s9 =	simm.s32 $0x5F00;
	s8 =	sadd.s32 s7, s8  }
0x41: {  	[tilespmem:s9], [sflag:$0x2] =	stream.linear.gather [hbm4b:s8+s3], $0x1000, $0x38;
	v63 =	vld [tilespmem:$0x0]  }
0x42: {  	v3 =	vld [tilespmem:s11+$0x10];
	_ =	sdelay $0x4  }
0x43: {  	v4 =	vshll.u32 v3, $0x1  }
0x44: {  	v3 =	vand.u32 $0x7, v3;
	v4 =	vand.u32 $0xFFFFFFF0, v4  }
0x45: {  	v3 =	vor.u32 v3, v4  }
0x46: {  	v4 =	vperm.xlane v3, v0;
	_ =	sdelay $0x1  }
0x47: {  	v3 =	vperm.xlane v3, v2;
	v4 =	vadd.s32 v1, v4;
	_ =	sdelay $0x1  }
0x48: {  	v3 =	vadd.s32 v1, v3;
	_ =	sdelay $0x1  }
0x49: {  	s12 =	simm.s32 $0x7F00  }
0x4a: {  	[tilespmem:s12], [sflag:$0x2] =	stream.indirect_vreg.gather [hbm4b:s5+s3], $0x80, v4, vm0, $0xb8;
	v63 =	vld [tilespmem:$0x0]  }
0x4b: {  	s15 =	simm.s32 $0x8700  }
0x4c: {  	[tilespmem:s15], [sflag:$0x2] =	stream.indirect_vreg.gather [hbm4b:s5+s3], $0x80, v3, vm0, $0xb8;
	v63 =	vld [tilespmem:$0x0]  }
0x4d: {  	v3 =	vld [tilespmem:s11+$0x2790];
	_ =	sdelay $0x4  }
0x4e: {  	v4 =	vshll.u32 v3, $0x1  }
0x4f: {  	v3 =	vand.u32 $0x7, v3;
	v4 =	vand.u32 $0xFFFFFFF0, v4  }
0x50: {  	v3 =	vor.u32 v3, v4  }
0x51: {  	v4 =	vperm.xlane v3, v0;
	_ =	sdelay $0x1  }
0x52: {  	v3 =	vperm.xlane v3, v2;
	v4 =	vadd.s32 v1, v4;
	_ =	sdelay $0x1  }
0x53: {  	v3 =	vadd.s32 v1, v3;
	_ =	sdelay $0x1  }
0x54: {  	s16 =	simm.s32 $0x9F00  }
0x55: {  	[tilespmem:s16], [sflag:$0x2] =	stream.indirect_vreg.gather [hbm4b:s6+s3], $0x80, v4, vm0, $0xb8;
	v63 =	vld [tilespmem:$0x0]  }
0x56: {  	s17 =	simm.s32 $0xA700  }
0x57: {  	[tilespmem:s17], [sflag:$0x2] =	stream.indirect_vreg.gather [hbm4b:s6+s3], $0x80, v3, vm0, $0xb8;
	v63 =	vld [tilespmem:$0x0]  }
0x58: {  	_ =	swait.ge [sflag:s29], $0x1000  }
0x59: {  	[sflag:s29] =	ssyncset.done $0x0  }
0x5a: {  	[sflag:s29] =	ssyncadd.s32 $0xFFFFF000  }
0x5b: {  	_ =	swait.ge [sflag:s29], $0x1000  }
0x5c: {  	[sflag:s29] =	ssyncset.done $0x0  }
0x5d: {  	[sflag:s29] =	ssyncadd.s32 $0xFFFFF000  }
0x5e: {  	_ =	swait.ge [sflag:s29], $0x1000  }
0x5f: {  	p0 =	seq.s32 s13, $0x0;
	[sflag:s29] =	ssyncset.done $0x0  }
0x60: {  	s8 =	simm.s32 @!p0 $0x3;
	[sflag:s29] =	ssyncadd.s32 $0xFFFFF000  }
0x61: {  	s18 =	simm.s32 $0x0;
	s10 =	simm.s32 $0x0;
	_ =	swait.ge @!p0 [sflag:s8], $0x800  }
0x62: {  	s10 =	sand.u32 $0x300, s10;
	s9 =	sand.u32 $0x800, s18;
	[sflag:s8] =	ssyncset.done @!p0 $0x0  }
0x63: {  	s28 =	sor.u32 s10, s9;
	[sflag:s8] =	ssyncadd.s32 @!p0 $0xFFFFF800  }
0x64: {  	v3 =	vld [tilespmem:s28+$0x6F00]  }
0x65: {  	v4 =	vld [tilespmem:s28+$0x8F00];
	_ =	sdelay $0x1  }
0x66: {  	v5 =	vld [tilespmem:s28+$0x4F00];
	_ =	sdelay $0x2  }
0x67: {  	v3 =	vadd.f32 v4, v3;
	_ =	sdelay $0x1  }
0x68: {  	s19 =	simm.s32 $0x80;
	v3 =	vadd.f32 v5, v3  }
0x69: {  	s8 =	sand.u32 $0x380, s19  }
0x6a: {  	s17 =	sor.u32 s9, s8;
	v3 =	vsub.f32 $0.0e+00, v3  }
0x6b: {  	v4 =	vld [tilespmem:s17+$0x6F00]  }
0x6c: {  	v5 =	vld [tilespmem:s17+$0x8F00];
	v3 =	vmul.f32 $1.442695020e+00, v3;
	_ =	sdelay $0x1  }
0x6d: {  	v6 =	vld [tilespmem:s17+$0x4F00];
	(erf) = vpow2.f32 v3;
	_ =	sdelay $0x2  }
0x6e: {  	v3 =	vadd.f32 v5, v4;
	_ =	sdelay $0x1  }
0x6f: {  	v3 =	vadd.f32 v6, v3;
	_ =	sdelay $0x1  }
0x70: {  	v3 =	vsub.f32 $0.0e+00, v3;
	_ =	sdelay $0x1  }
0x71: {  	v3 =	vmul.f32 $1.442695020e+00, v3;
	v4 =	vpop (erf)  }
0x72: {  	v4 =	vadd.f32 $1.000000000e+00, v4  }
0x73: {  	(erf) = vpow2.f32 v3  }
0x74: {  	v3 =	vld [tilespmem:s28+$0x7300];
	(erf) = vrcp.f32 v4  }
0x75: {  	v4 =	vld [tilespmem:s28+$0x9300];
	_ =	sdelay $0x1  }
0x76: {  	v5 =	vld [tilespmem:s28+$0x5300];
	_ =	sdelay $0x2  }
0x77: {  	v3 =	vadd.f32 v4, v3;
	_ =	sdelay $0x1  }
0x78: {  	v4 =	vpop (erf);
	v3 =	vadd.f32 v5, v3  }
0x79: {  	v4 =	vadd.f32 $1.000000000e+00, v4;
	v5 =	vpop (erf)  }
0x7a: {  	v6 =	vld [tilespmem:s17+$0x7300];
	v3 =	vmul.f32 v5, v3  }
0x7b: {  	s9 =	simm.s32 $0xAF80;
	(erf) = vrcp.f32 v4;
	v5 =	vld [tilespmem:s17+$0x9300]  }
0x7c: {  	v4 =	vld [tilespmem:s17+$0x5300];
	[tilespmem:s9+$0xFFFFFF80] =	vst v3  }
0x7d: {  	v3 =	vld [tilespmem:s28+$0x6F10]  }
0x7e: {  	v7 =	vld [tilespmem:s28+$0x8F10];
	_ =	sdelay $0x1  }
0x7f: {  	v8 =	vld [tilespmem:s28+$0x4F10];
	v5 =	vadd.f32 v5, v6;
	_ =	sdelay $0x2  }
0x80: {  	v4 =	vadd.f32 v4, v5;
	v3 =	vadd.f32 v7, v3  }
0x81: {  	v5 =	vpop (erf)  }
0x82: {  	v4 =	vmul.f32 v5, v4;
	v3 =	vadd.f32 v8, v3;
	_ =	sdelay $0x1  }
0x83: {  	[tilespmem:s9+$0x0] =	vst v4;
	v3 =	vsub.f32 $0.0e+00, v3  }
0x84: {  	v4 =	vld [tilespmem:s17+$0x6F10]  }
0x85: {  	v5 =	vld [tilespmem:s17+$0x8F10];
	v3 =	vmul.f32 $1.442695020e+00, v3;
	_ =	sdelay $0x1  }
0x86: {  	v6 =	vld [tilespmem:s17+$0x4F10];
	(erf) = vpow2.f32 v3;
	_ =	sdelay $0x2  }
0x87: {  	v3 =	vadd.f32 v5, v4;
	_ =	sdelay $0x1  }
0x88: {  	v3 =	vadd.f32 v6, v3;
	_ =	sdelay $0x1  }
0x89: {  	v3 =	vsub.f32 $0.0e+00, v3;
	_ =	sdelay $0x1  }
0x8a: {  	v3 =	vmul.f32 $1.442695020e+00, v3;
	v4 =	vpop (erf)  }
0x8b: {  	v4 =	vadd.f32 $1.000000000e+00, v4  }
0x8c: {  	(erf) = vpow2.f32 v3  }
0x8d: {  	v3 =	vld [tilespmem:s28+$0x7310];
	(erf) = vrcp.f32 v4  }
0x8e: {  	v4 =	vld [tilespmem:s28+$0x9310];
	_ =	sdelay $0x1  }
0x8f: {  	v5 =	vld [tilespmem:s28+$0x5310];
	_ =	sdelay $0x2  }
0x90: {  	v3 =	vadd.f32 v4, v3;
	_ =	sdelay $0x1  }
0x91: {  	v3 =	vadd.f32 v5, v3;
	v4 =	vpop (erf)  }
0x92: {  	v5 =	vpop (erf)  }
0x93: {  	v3 =	vmul.f32 v5, v3  }
0x94: {  	v7 =	vld [tilespmem:s17+$0x9310]  }
0x95: {  	v5 =	vld [tilespmem:s17+$0x7310];
	[tilespmem:s9+$0xFFFFFF90] =	vst v3;
	v3 =	vadd.f32 $1.000000000e+00, v4  }
0x96: {  	v4 =	vld [tilespmem:s28+$0x6F20]  }
0x97: {  	v6 =	vld [tilespmem:s28+$0x8F20];
	(erf) = vrcp.f32 v3;
	_ =	sdelay $0x1  }
0x98: {  	v3 =	vld [tilespmem:s28+$0x4F20]  }
0x99: {  	v8 =	vld [tilespmem:s17+$0x5310];
	_ =	sdelay $0x1  }
0x9a: {  	v5 =	vadd.f32 v7, v5;
	v4 =	vadd.f32 v6, v4;
	_ =	sdelay $0x1  }
0x9b: {  	v3 =	vadd.f32 v3, v4  }
0x9c: {  	v4 =	vadd.f32 v8, v5  }
0x9d: {  	v3 =	vsub.f32 $0.0e+00, v3;
	v5 =	vpop (erf)  }
0x9e: {  	v4 =	vmul.f32 v5, v4  }
0x9f: {  	v3 =	vmul.f32 $1.442695020e+00, v3  }
0xa0: {  	s20 =	simm.s32 $0x100;
	s21 =	simm.s32 $0x200;
	[tilespmem:s9+$0x10] =	vst v4  }
0xa1: {  	s10 =	sand.u32 $0x800, s21;
	s8 =	sand.u32 $0x300, s20;
	(erf) = vpow2.f32 v3;
	v3 =	vld [tilespmem:s17+$0x6F20]  }
0xa2: {  	s15 =	sor.u32 s8, s10;
	v4 =	vld [tilespmem:s17+$0x8F20]  }
0xa3: {  	v7 =	vld [tilespmem:s15+$0x8F00]  }
0xa4: {  	v5 =	vld [tilespmem:s17+$0x4F20]  }
0xa5: {  	v6 =	vld [tilespmem:s15+$0x6F00];
	_ =	sdelay $0x1  }
0xa6: {  	v3 =	vadd.f32 v4, v3;
	v4 =	vld [tilespmem:s15+$0x4F00];
	_ =	sdelay $0x1  }
0xa7: {  	v3 =	vadd.f32 v5, v3  }
0xa8: {  	v6 =	vadd.f32 v7, v6;
	v5 =	vpop (erf)  }
0xa9: {  	v5 =	vadd.f32 $1.000000000e+00, v5;
	v3 =	vsub.f32 $0.0e+00, v3  }
0xaa: {  	s22 =	simm.s32 $0x180;
	v4 =	vadd.f32 v4, v6;
	v6 =	vld [tilespmem:s28+$0x7320]  }
0xab: {  	s8 =	sand.u32 $0x380, s22;
	(erf) = vrcp.f32 v5;
	v3 =	vmul.f32 $1.442695020e+00, v3;
	v5 =	vld [tilespmem:s28+$0x9320]  }
0xac: {  	s10 =	sor.u32 s10, s8;
	v4 =	vsub.f32 $0.0e+00, v4  }
0xad: {  	v8 =	vld [tilespmem:s10+$0x8F00];
	(erf) = vpow2.f32 v3  }
0xae: {  	v3 =	vld [tilespmem:s28+$0x5320];
	v4 =	vmul.f32 $1.442695020e+00, v4  }
0xaf: {  	v7 =	vld [tilespmem:s10+$0x6F00]  }
0xb0: {  	(erf) = vpow2.f32 v4;
	v4 =	vadd.f32 v5, v6  }
0xb1: {  	v9 =	vld [tilespmem:s10+$0x4F00];
	_ =	sdelay $0x1  }
0xb2: {  	v3 =	vadd.f32 v3, v4  }
0xb3: {  	v5 =	vadd.f32 v8, v7;
	v4 =	vpop (erf)  }
0xb4: {  	v3 =	vmul.f32 v4, v3  }
0xb5: {  	v5 =	vadd.f32 v9, v5;
	v6 =	vpop (erf)  }
0xb6: {  	v8 =	vld [tilespmem:s17+$0x9320];
	[tilespmem:s9+$0xFFFFFFA0] =	vst v3;
	v3 =	vadd.f32 $1.000000000e+00, v6  }
0xb7: {  	v5 =	vsub.f32 $0.0e+00, v5;
	v6 =	vld [tilespmem:s28+$0x6F30]  }
0xb8: {  	v7 =	vld [tilespmem:s28+$0x8F30];
	(erf) = vrcp.f32 v3  }
0xb9: {  	v4 =	vld [tilespmem:s17+$0x7320];
	v5 =	vmul.f32 $1.442695020e+00, v5  }
0xba: {  	v9 =	vld [tilespmem:s17+$0x5320];
	v3 =	vpop (erf)  }
0xbb: {  	(erf) = vpow2.f32 v5;
	v5 =	vld [tilespmem:s28+$0x4F30];
	v3 =	vadd.f32 $1.000000000e+00, v3;
	_ =	sdelay $0x1  }
0xbc: {  	v10 =	vld [tilespmem:s15+$0x7300];
	v6 =	vadd.f32 v7, v6;
	(erf) = vrcp.f32 v3  }
0xbd: {  	v4 =	vadd.f32 v8, v4;
	v3 =	vld [tilespmem:s15+$0x9300];
	_ =	sdelay $0x1  }
0xbe: {  	v4 =	vadd.f32 v9, v4;
	v7 =	vld [tilespmem:s15+$0x5300];
	v5 =	vadd.f32 v5, v6  }
0xbf: {  	v6 =	vpop (erf)  }
0xc0: {  	v5 =	vsub.f32 $0.0e+00, v5;
	v4 =	vmul.f32 v6, v4  }
0xc1: {  	v3 =	vadd.f32 v3, v10  }
0xc2: {  	v5 =	vmul.f32 $1.442695020e+00, v5  }
0xc3: {  	v8 =	vld [tilespmem:s10+$0x7300];
	v6 =	vpop (erf);
	v3 =	vadd.f32 v7, v3;
	[tilespmem:s9+$0x20] =	vst v4  }
0xc4: {  	v6 =	vadd.f32 $1.000000000e+00, v6;
	(erf) = vpow2.f32 v5;
	v5 =	vld [tilespmem:s17+$0x6F30];
	v4 =	vpop (erf)  }
0xc5: {  	v3 =	vmul.f32 v4, v3;
	v4 =	vld [tilespmem:s17+$0x8F30]  }
0xc6: {  	v9 =	vld [tilespmem:s10+$0x9300];
	(erf) = vrcp.f32 v6  }
0xc7: {  	s16 =	simm.s32 $0xB080;
	v6 =	vld [tilespmem:s17+$0x4F30]  }
0xc8: {  	v7 =	vld [tilespmem:s10+$0x5300];
	[tilespmem:s16+$0xFFFFFF80] =	vst v3  }
0xc9: {  	v3 =	vld [tilespmem:s15+$0x6F10]  }
0xca: {  	v10 =	vld [tilespmem:s15+$0x8F10];
	v4 =	vadd.f32 v4, v5  }
0xcb: {  	v8 =	vadd.f32 v9, v8  }
0xcc: {  	v5 =	vld [tilespmem:s15+$0x4F10];
	v4 =	vadd.f32 v6, v4;
	_ =	sdelay $0x1  }
0xcd: {  	v7 =	vadd.f32 v7, v8;
	v6 =	vpop (erf);
	v4 =	vsub.f32 $0.0e+00, v4  }
0xce: {  	v3 =	vadd.f32 v10, v3;
	v8 =	vpop (erf);
	v6 =	vadd.f32 $1.000000000e+00, v6  }
0xcf: {  	v7 =	vmul.f32 v8, v7;
	v4 =	vmul.f32 $1.442695020e+00, v4  }
0xd0: {  	v3 =	vadd.f32 v5, v3;
	v5 =	vld [tilespmem:s28+$0x7330];
	(erf) = vrcp.f32 v6  }
0xd1: {  	v6 =	vld [tilespmem:s28+$0x9330];
	[tilespmem:s16+$0x0] =	vst v7;
	(erf) = vpow2.f32 v4  }
0xd2: {  	v3 =	vsub.f32 $0.0e+00, v3;
	v7 =	vld [tilespmem:s10+$0x6F10]  }
0xd3: {  	v8 =	vld [tilespmem:s10+$0x8F10]  }
0xd4: {  	v4 =	vld [tilespmem:s28+$0x5330];
	v3 =	vmul.f32 $1.442695020e+00, v3;
	_ =	sdelay $0x1  }
0xd5: {  	v9 =	vld [tilespmem:s10+$0x4F10];
	(erf) = vpow2.f32 v3  }
0xd6: {  	v3 =	vadd.f32 v6, v5;
	_ =	sdelay $0x1  }
0xd7: {  	v3 =	vadd.f32 v4, v3;
	v4 =	vadd.f32 v8, v7;
	v5 =	vpop (erf)  }
0xd8: {  	v6 =	vpop (erf)  }
0xd9: {  	v3 =	vmul.f32 v5, v3;
	v4 =	vadd.f32 v9, v4;
	v6 =	vadd.f32 $1.000000000e+00, v6  }
0xda: {  	v7 =	vld [tilespmem:s17+$0x9330]  }
0xdb: {  	v5 =	vld [tilespmem:s17+$0x7330];
	[tilespmem:s9+$0xFFFFFFB0] =	vst v3;
	v3 =	vsub.f32 $0.0e+00, v4;
	(erf) = vrcp.f32 v6  }
0xdc: {  	v4 =	vld [tilespmem:s28+$0x6F40]  }
0xdd: {  	v3 =	vmul.f32 $1.442695020e+00, v3;
	v6 =	vld [tilespmem:s28+$0x8F40];
	v8 =	vpop (erf)  }
0xde: {  	v9 =	vld [tilespmem:s17+$0x5330];
	v8 =	vadd.f32 $1.000000000e+00, v8  }
0xdf: {  	v10 =	vld [tilespmem:s28+$0x4F40];
	(erf) = vpow2.f32 v3  }
0xe0: {  	v3 =	vld [tilespmem:s15+$0x7310];
	(erf) = vrcp.f32 v8  }
0xe1: {  	v5 =	vadd.f32 v7, v5;
	v8 =	vld [tilespmem:s15+$0x9310]  }
0xe2: {  	v4 =	vadd.f32 v6, v4  }
0xe3: {  	v5 =	vadd.f32 v9, v5;
	v6 =	vld [tilespmem:s15+$0x5310]  }
0xe4: {  	v4 =	vadd.f32 v10, v4;
	v7 =	vpop (erf)  }
0xe5: {  	v5 =	vmul.f32 v7, v5  }
0xe6: {  	v3 =	vadd.f32 v8, v3;
	v4 =	vsub.f32 $0.0e+00, v4;
	_ =	sdelay $0x1  }
0xe7: {  	v8 =	vld [tilespmem:s10+$0x9310];
	v3 =	vadd.f32 v6, v3;
	v6 =	vpop (erf);
	v4 =	vmul.f32 $1.442695020e+00, v4;
	[tilespmem:s9+$0x30] =	vst v5  }
0xe8: {  	v9 =	vld [tilespmem:s17+$0x6F40];
	v5 =	vpop (erf)  }
0xe9: {  	(erf) = vpow2.f32 v4;
	v4 =	vadd.f32 $1.000000000e+00, v6;
	v3 =	vmul.f32 v5, v3;
	v5 =	vld [tilespmem:s17+$0x8F40]  }
0xea: {  	v7 =	vld [tilespmem:s10+$0x7310]  }
0xeb: {  	v6 =	vld [tilespmem:s17+$0x4F40];
	(erf) = vrcp.f32 v4;
	[tilespmem:s16+$0xFFFFFF90] =	vst v3  }
0xec: {  	v3 =	vld [tilespmem:s15+$0x6F20]  }
0xed: {  	v4 =	vld [tilespmem:s15+$0x8F20]  }
0xee: {  	v10 =	vld [tilespmem:s10+$0x5310];
	v5 =	vadd.f32 v5, v9;
	_ =	sdelay $0x1  }
0xef: {  	v9 =	vld [tilespmem:s15+$0x4F20];
	v5 =	vadd.f32 v6, v5  }
0xf0: {  	v6 =	vadd.f32 v8, v7  }
0xf1: {  	v7 =	vpop (erf);
	v3 =	vadd.f32 v4, v3;
	v4 =	vsub.f32 $0.0e+00, v5  }
0xf2: {  	v5 =	vadd.f32 $1.000000000e+00, v7;
	v6 =	vadd.f32 v10, v6  }
0xf3: {  	v8 =	vld [tilespmem:s28+$0x7340];
	v7 =	vpop (erf);
	v4 =	vmul.f32 $1.442695020e+00, v4  }
0xf4: {  	v3 =	vadd.f32 v9, v3;
	(erf) = vrcp.f32 v5;
	v5 =	vmul.f32 v7, v6;
	v6 =	vld [tilespmem:s28+$0x9340]  }
0xf5: {  	(erf) = vpow2.f32 v4  }
0xf6: {  	v3 =	vsub.f32 $0.0e+00, v3  }
0xf7: {  	v4 =	vld [tilespmem:s28+$0x5340]  }
0xf8: {  	s23 =	simm.s32 $0x200;
	s12 =	simm.s32 $0x400;
	[tilespmem:s16+$0x10] =	vst v5;
	v3 =	vmul.f32 $1.442695020e+00, v3  }
0xf9: {  	s18 =	sand.u32 $0x800, s12;
	s8 =	sand.u32 $0x300, s23;
	v5 =	vld [tilespmem:s10+$0x6F20];
	v6 =	vadd.f32 v6, v8  }
0xfa: {  	s12 =	sor.u32 s8, s18;
	v7 =	vld [tilespmem:s10+$0x8F20];
	(erf) = vpow2.f32 v3  }
0xfb: {  	v12 =	vld [tilespmem:s12+$0x4F00]  }
0xfc: {  	v8 =	vld [tilespmem:s10+$0x4F20];
	v4 =	vadd.f32 v4, v6  }
0xfd: {  	v10 =	vld [tilespmem:s12+$0x6F00];
	v6 =	vpop (erf)  }
0xfe: {  	v9 =	vld [tilespmem:s17+$0x9340];
	v4 =	vmul.f32 v6, v4;
	v11 =	vpop (erf)  }
0xff: {  	v5 =	vadd.f32 v7, v5;
	v6 =	vld [tilespmem:s12+$0x8F00];
	v11 =	vadd.f32 $1.000000000e+00, v11  }
0x100: {  	v3 =	vld [tilespmem:s17+$0x7340];
	[tilespmem:s9+$0xFFFFFFC0] =	vst v4  }
0x101: {  	v5 =	vadd.f32 v8, v5;
	v4 =	vld [tilespmem:s28+$0x6F50];
	(erf) = vrcp.f32 v11  }
0x102: {  	s24 =	simm.s32 $0x280;
	v8 =	vld [tilespmem:s28+$0x8F50]  }
0x103: {  	s8 =	sand.u32 $0x380, s24;
	v7 =	vld [tilespmem:s17+$0x5340];
	v5 =	vsub.f32 $0.0e+00, v5;
	v11 =	vpop (erf)  }
0x104: {  	s23 =	sor.u32 s18, s8;
	v6 =	vadd.f32 v6, v10;
	v10 =	vadd.f32 $1.000000000e+00, v11;
	v11 =	vld [tilespmem:s28+$0x4F50]  }
0x105: {  	v13 =	vld [tilespmem:s23+$0x6F00]  }
0x106: {  	v5 =	vmul.f32 $1.442695020e+00, v5;
	v6 =	vadd.f32 v12, v6;
	v12 =	vld [tilespmem:s15+$0x7320];
	(erf) = vrcp.f32 v10  }
0x107: {  	v3 =	vadd.f32 v9, v3;
	v4 =	vadd.f32 v8, v4;
	v10 =	vld [tilespmem:s15+$0x9320]  }
0x108: {  	v14 =	vld [tilespmem:s23+$0x8F00];
	(erf) = vpow2.f32 v5;
	v5 =	vsub.f32 $0.0e+00, v6  }
0x109: {  	v3 =	vadd.f32 v7, v3;
	v6 =	vld [tilespmem:s15+$0x5320];
	v4 =	vadd.f32 v11, v4  }
0x10a: {  	v7 =	vld [tilespmem:s23+$0x4F00];
	v5 =	vmul.f32 $1.442695020e+00, v5;
	v8 =	vpop (erf)  }
0x10b: {  	v4 =	vsub.f32 $0.0e+00, v4;
	v3 =	vmul.f32 v8, v3  }
0x10c: {  	(erf) = vpow2.f32 v5;
	v5 =	vadd.f32 v10, v12  }
0x10d: {  	v8 =	vadd.f32 v14, v13;
	v4 =	vmul.f32 $1.442695020e+00, v4  }
0x10e: {  	v5 =	vadd.f32 v6, v5;
	[tilespmem:s9+$0x40] =	vst v3  }
0x10f: {  	v3 =	vpop (erf);
	(erf) = vpow2.f32 v4;
	v4 =	vadd.f32 v7, v8;
	v8 =	vld [tilespmem:s17+$0x8F50]  }
0x110: {  	v3 =	vmul.f32 v3, v5;
	v5 =	vld [tilespmem:s17+$0x6F50];
	_ =	sdelay $0x1  }
0x111: {  	v10 =	vld [tilespmem:s10+$0x9320];
	v7 =	vpop (erf)  }
0x112: {  	v6 =	vld [tilespmem:s10+$0x7320];
	v7 =	vadd.f32 $1.000000000e+00, v7  }
0x113: {  	v4 =	vsub.f32 $0.0e+00, v4;
	[tilespmem:s16+$0xFFFFFFA0] =	vst v3;
	v3 =	vld [tilespmem:s17+$0x4F50]  }
0x114: {  	v9 =	vld [tilespmem:s15+$0x6F30];
	(erf) = vrcp.f32 v7;
	v5 =	vadd.f32 v8, v5  }
0x115: {  	v4 =	vmul.f32 $1.442695020e+00, v4;
	v7 =	vld [tilespmem:s15+$0x8F30]  }
0x116: {  	v12 =	vld [tilespmem:s10+$0x5320];
	v11 =	vpop (erf)  }
0x117: {  	v11 =	vadd.f32 $1.000000000e+00, v11;
	(erf) = vpow2.f32 v4;
	v4 =	vld [tilespmem:s15+$0x4F30]  }
0x118: {  	v3 =	vadd.f32 v3, v5;
	v5 =	vpop (erf)  }
0x119: {  	v6 =	vadd.f32 v10, v6;
	v8 =	vld [tilespmem:s12+$0x7300];
	(erf) = vrcp.f32 v11;
	v5 =	vadd.f32 $1.000000000e+00, v5  }
0x11a: {  	v11 =	vld [tilespmem:s12+$0x9300];
	v7 =	vadd.f32 v7, v9;
	v3 =	vsub.f32 $0.0e+00, v3  }
0x11b: {  	v13 =	vld [tilespmem:s28+$0x9350]  }
0x11c: {  	v10 =	vld [tilespmem:s12+$0x5300];
	v6 =	vadd.f32 v12, v6;
	v4 =	vadd.f32 v4, v7;
	v3 =	vmul.f32 $1.442695020e+00, v3  }
0x11d: {  	v14 =	vld [tilespmem:s17+$0x9350];
	(erf) = vrcp.f32 v5;
	v5 =	vpop (erf)  }
0x11e: {  	v12 =	vld [tilespmem:s28+$0x7350];
	v4 =	vsub.f32 $0.0e+00, v4;
	v5 =	vmul.f32 v5, v6  }
0x11f: {  	v9 =	vld [tilespmem:s23+$0x7300];
	v6 =	vadd.f32 v11, v8  }
0x120: {  	v7 =	vld [tilespmem:s23+$0x9300];
	(erf) = vpow2.f32 v3;
	v4 =	vmul.f32 $1.442695020e+00, v4;
	v3 =	vpop (erf)  }
0x121: {  	v11 =	vld [tilespmem:s28+$0x5350];
	v3 =	vadd.f32 $1.000000000e+00, v3;
	v6 =	vadd.f32 v10, v6  }
0x122: {  	v8 =	vld [tilespmem:s23+$0x5300];
	[tilespmem:s16+$0x20] =	vst v5;
	v5 =	vpop (erf);
	(erf) = vpow2.f32 v4  }
0x123: {  	v4 =	vld [tilespmem:s10+$0x6F30];
	v5 =	vmul.f32 v5, v6;
	(erf) = vrcp.f32 v3  }
0x124: {  	s24 =	simm.s32 $0xB180;
	v3 =	vld [tilespmem:s10+$0x8F30];
	v6 =	vadd.f32 v13, v12  }
0x125: {  	v12 =	vld [tilespmem:s10+$0x4F30];
	[tilespmem:s24+$0xFFFFFF80] =	vst v5  }
0x126: {  	v5 =	vadd.f32 v11, v6;
	v6 =	vld [tilespmem:s12+$0x6F10]  }
0x127: {  	v11 =	vpop (erf);
	v13 =	vld [tilespmem:s12+$0x8F10]  }
0x128: {  	v10 =	vld [tilespmem:s17+$0x7350];
	v5 =	vmul.f32 v11, v5  }
0x129: {  	v7 =	vadd.f32 v7, v9;
	v9 =	vpop (erf);
	v3 =	vadd.f32 v3, v4;
	v4 =	vld [tilespmem:s12+$0x4F10]  }
0x12a: {  	v11 =	vld [tilespmem:s17+$0x5350];
	[tilespmem:s9+$0xFFFFFFD0] =	vst v5;
	v5 =	vadd.f32 $1.000000000e+00, v9  }
0x12b: {  	v7 =	vadd.f32 v8, v7;
	v3 =	vadd.f32 v12, v3;
	v8 =	vld [tilespmem:s28+$0x6F60];
	v9 =	vpop (erf)  }
0x12c: {  	v12 =	vld [tilespmem:s28+$0x8F60];
	(erf) = vrcp.f32 v5;
	v5 =	vadd.f32 v13, v6;
	v6 =	vpop (erf)  }
0x12d: {  	v13 =	vld [tilespmem:s28+$0x4F60];
	v9 =	vadd.f32 $1.000000000e+00, v9;
	v3 =	vsub.f32 $0.0e+00, v3;
	v6 =	vmul.f32 v6, v7  }
0x12e: {  	v4 =	vadd.f32 v4, v5;
	v5 =	vld [tilespmem:s15+$0x7330]  }
0x12f: {  	(erf) = vrcp.f32 v9;
	v3 =	vmul.f32 $1.442695020e+00, v3;
	[tilespmem:s24+$0x0] =	vst v6;
	v6 =	vld [tilespmem:s15+$0x9330]  }
0x130: {  	v7 =	vld [tilespmem:s23+$0x6F10]  }
0x131: {  	v4 =	vsub.f32 $0.0e+00, v4;
	(erf) = vpow2.f32 v3;
	v3 =	vadd.f32 v12, v8;
	v8 =	vld [tilespmem:s15+$0x5330]  }
0x132: {  	v9 =	vadd.f32 v14, v10;
	v10 =	vld [tilespmem:s23+$0x8F10]  }
0x133: {  	v4 =	vmul.f32 $1.442695020e+00, v4  }
0x134: {  	v9 =	vadd.f32 v11, v9;
	v3 =	vadd.f32 v13, v3  }
0x135: {  	v11 =	vld [tilespmem:s23+$0x4F10];
	(erf) = vpow2.f32 v4;
	v4 =	vadd.f32 v6, v5  }
0x136: {  	v3 =	vsub.f32 $0.0e+00, v3;
	v6 =	vpop (erf)  }
0x137: {  	v6 =	vmul.f32 v6, v9;
	v7 =	vadd.f32 v10, v7;
	v4 =	vadd.f32 v8, v4  }
0x138: {  	v3 =	vmul.f32 $1.442695020e+00, v3;
	v9 =	vpop (erf)  }
0x139: {  	v12 =	vld [tilespmem:s10+$0x9330];
	[tilespmem:s9+$0x50] =	vst v6;
	v4 =	vmul.f32 v9, v4  }
0x13a: {  	v6 =	vadd.f32 v11, v7;
	(erf) = vpow2.f32 v3;
	v3 =	vld [tilespmem:s17+$0x6F60]  }
0x13b: {  	v9 =	vld [tilespmem:s17+$0x8F60];
	v7 =	vpop (erf);
	[tilespmem:s16+$0xFFFFFFB0] =	vst v4  }
0x13c: {  	v6 =	vsub.f32 $0.0e+00, v6;
	v4 =	vadd.f32 $1.000000000e+00, v7;
	v7 =	vld [tilespmem:s15+$0x6F40]  }
0x13d: {  	v11 =	vld [tilespmem:s15+$0x8F40]  }
0x13e: {  	v13 =	vld [tilespmem:s17+$0x4F60]  }
0x13f: {  	v14 =	vld [tilespmem:s15+$0x4F40];
	(erf) = vrcp.f32 v4  }
0x140: {  	v5 =	vld [tilespmem:s10+$0x7330];
	v4 =	vmul.f32 $1.442695020e+00, v6;
	v6 =	vpop (erf)  }
0x141: {  	v8 =	vld [tilespmem:s10+$0x5330];
	v6 =	vadd.f32 $1.000000000e+00, v6  }
0x142: {  	v3 =	vadd.f32 v9, v3;
	(erf) = vpow2.f32 v4;
	v4 =	vld [tilespmem:s12+$0x7310];
	v7 =	vadd.f32 v11, v7  }
0x143: {  	(erf) = vrcp.f32 v6;
	v6 =	vld [tilespmem:s12+$0x9310]  }
0x144: {  	v3 =	vadd.f32 v13, v3;
	v13 =	vadd.f32 v14, v7  }
0x145: {  	v5 =	vadd.f32 v12, v5;
	v9 =	vpop (erf)  }
0x146: {  	v16 =	vld [tilespmem:s28+$0x9360];
	v9 =	vadd.f32 $1.000000000e+00, v9  }
0x147: {  	v12 =	vld [tilespmem:s12+$0x5310];
	v5 =	vadd.f32 v8, v5;
	v3 =	vsub.f32 $0.0e+00, v3  }
0x148: {  	v14 =	vld [tilespmem:s28+$0x7360];
	(erf) = vrcp.f32 v9;
	v8 =	vsub.f32 $0.0e+00, v13;
	v4 =	vadd.f32 v6, v4;
	v13 =	vpop (erf)  }
0x149: {  	v5 =	vmul.f32 v13, v5  }
0x14a: {  	v3 =	vmul.f32 $1.442695020e+00, v3  }
0x14b: {  	v13 =	vld [tilespmem:s28+$0x5360]  }
0x14c: {  	v15 =	vld [tilespmem:s23+$0x9310];
	(erf) = vpow2.f32 v3;
	v6 =	vmul.f32 $1.442695020e+00, v8;
	v3 =	vadd.f32 v12, v4;
	v4 =	vpop (erf)  }
0x14d: {  	v10 =	vld [tilespmem:s23+$0x7310];
	v12 =	vadd.f32 v16, v14;
	[tilespmem:s16+$0x30] =	vst v5;
	v5 =	vpop (erf)  }
0x14e: {  	(erf) = vpow2.f32 v6;
	v6 =	vld [tilespmem:s10+$0x6F40];
	v3 =	vmul.f32 v5, v3  }
0x14f: {  	v4 =	vadd.f32 $1.000000000e+00, v4;
	v5 =	vld [tilespmem:s10+$0x8F40]  }
0x150: {  	v14 =	vld [tilespmem:s10+$0x4F40];
	[tilespmem:s24+$0xFFFFFF90] =	vst v3;
	v3 =	vadd.f32 v13, v12  }
0x151: {  	(erf) = vrcp.f32 v4;
	v12 =	vpop (erf);
	v4 =	vld [tilespmem:s12+$0x6F20]  }
0x152: {  	v13 =	vld [tilespmem:s12+$0x8F20];
	v3 =	vmul.f32 v12, v3  }
0x153: {  	v11 =	vld [tilespmem:s23+$0x5310]  }
0x154: {  	v5 =	vadd.f32 v5, v6;
	v6 =	vld [tilespmem:s12+$0x4F20];
	_ =	sdelay $0x1  }
0x155: {  	v10 =	vadd.f32 v15, v10;
	[tilespmem:s9+$0xFFFFFFE0] =	vst v3;
	v5 =	vadd.f32 v14, v5;
	v3 =	vpop (erf)  }
0x156: {  	v14 =	vld [tilespmem:s28+$0x6F70];
	v4 =	vadd.f32 v13, v4;
	v3 =	vadd.f32 $1.000000000e+00, v3;
	v15 =	vpop (erf)  }
0x157: {  	v17 =	vld [tilespmem:s28+$0x8F70];
	v5 =	vsub.f32 $0.0e+00, v5;
	v13 =	vadd.f32 $1.000000000e+00, v15  }
0x158: {  	v10 =	vadd.f32 v11, v10;
	v4 =	vadd.f32 v6, v4;
	v6 =	vld [tilespmem:s15+$0x7340];
	(erf) = vrcp.f32 v3  }
0x159: {  	v11 =	vpop (erf);
	v3 =	vld [tilespmem:s28+$0x4F70];
	v5 =	vmul.f32 $1.442695020e+00, v5;
	(erf) = vrcp.f32 v13  }
0x15a: {  	v10 =	vmul.f32 v11, v10;
	v11 =	vld [tilespmem:s15+$0x9340]  }
0x15b: {  	v4 =	vsub.f32 $0.0e+00, v4;
	(erf) = vpow2.f32 v5  }
0x15c: {  	[tilespmem:s24+$0x10] =	vst v10;
	v10 =	vld [tilespmem:s15+$0x5340]  }
0x15d: {  	v5 =	vadd.f32 v17, v14;
	v4 =	vmul.f32 $1.442695020e+00, v4  }
0x15e: {  	s25 =	simm.s32 $0x300;
	s8 =	simm.s32 $0x600  }
0x15f: {  	s18 =	sand.u32 $0x300, s25;
	s19 =	sand.u32 $0x800, s8;
	v14 =	vld [tilespmem:s23+$0x6F20];
	v3 =	vadd.f32 v3, v5;
	(erf) = vpow2.f32 v4;
	v4 =	vadd.f32 v11, v6  }
0x160: {  	s25 =	sor.u32 s18, s19;
	v5 =	vld [tilespmem:s23+$0x8F20]  }
0x161: {  	v19 =	vld [tilespmem:s25+$0x6F00];
	v3 =	vsub.f32 $0.0e+00, v3;
	v4 =	vadd.f32 v10, v4;
	v46 =	vpop (erf)  }
0x162: {  	v15 =	vld [tilespmem:s23+$0x4F20];
	v6 =	vpop (erf)  }
0x163: {  	v45 =	vld [tilespmem:s10+$0x7340];
	v3 =	vmul.f32 $1.442695020e+00, v3;
	v4 =	vmul.f32 v6, v4  }
0x164: {  	v22 =	vld [tilespmem:s12+$0x9320];
	v6 =	vpop (erf)  }
0x165: {  	(erf) = vpow2.f32 v3;
	v3 =	vadd.f32 v5, v14;
	v5 =	vld [tilespmem:s25+$0x8F00];
	[tilespmem:s16+$0xFFFFFFC0] =	vst v4;
	v4 =	vadd.f32 $1.000000000e+00, v6  }
0x166: {  	v12 =	vld [tilespmem:s10+$0x9340]  }
0x167: {  	v14 =	vld [tilespmem:s25+$0x4F00];
	v3 =	vadd.f32 v15, v3  }
0x168: {  	v6 =	vld [tilespmem:s15+$0x6F50];
	(erf) = vrcp.f32 v4  }
0x169: {  	v15 =	vld [tilespmem:s15+$0x8F50];
	v3 =	vsub.f32 $0.0e+00, v3;
	v4 =	vpop (erf)  }
0x16a: {  	v13 =	vld [tilespmem:s10+$0x5340];
	v5 =	vadd.f32 v5, v19;
	v4 =	vadd.f32 $1.000000000e+00, v4  }
0x16b: {  	s26 =	simm.s32 $0x380;
	v47 =	vld [tilespmem:s15+$0x4F50]  }
0x16c: {  	s18 =	sand.u32 $0x380, s26;
	v3 =	vmul.f32 $1.442695020e+00, v3;
	v5 =	vadd.f32 v14, v5;
	v14 =	vld [tilespmem:s12+$0x7320]  }
0x16d: {  	s26 =	sor.u32 s19, s18;
	v56 =	vld [tilespmem:s25+$0x7300];
	(erf) = vrcp.f32 v4  }
0x16e: {  	v20 =	vld [tilespmem:s26+$0x6F00];
	(erf) = vpow2.f32 v3;
	v3 =	vadd.f32 v15, v6;
	v6 =	vadd.f32 v12, v45;
	v4 =	vpop (erf)  }
0x16f: {  	v5 =	vsub.f32 $0.0e+00, v5;
	v12 =	vld [tilespmem:s12+$0x5320];
	v15 =	vadd.f32 $1.000000000e+00, v4  }
0x170: {  	v21 =	vld [tilespmem:s26+$0x8F00];
	v48 =	vadd.f32 v47, v3;
	v6 =	vadd.f32 v13, v6  }
0x171: {  	v7 =	vld [tilespmem:s17+$0x7360];
	v5 =	vmul.f32 $1.442695020e+00, v5;
	v14 =	vadd.f32 v22, v14;
	v49 =	vpop (erf)  }
0x172: {  	v13 =	vld [tilespmem:s26+$0x4F00];
	(erf) = vrcp.f32 v15;
	v15 =	vsub.f32 $0.0e+00, v48;
	v6 =	vmul.f32 v49, v6  }
0x173: {  	v9 =	vld [tilespmem:s17+$0x9360]  }
0x174: {  	v8 =	vld [tilespmem:s17+$0x5360];
	(erf) = vpow2.f32 v5;
	v12 =	vadd.f32 v12, v14;
	v15 =	vmul.f32 $1.442695020e+00, v15  }
0x175: {  	v51 =	vadd.f32 v21, v20;
	v18 =	vld [tilespmem:s23+$0x9320]  }
0x176: {  	v11 =	vld [tilespmem:s23+$0x7320];
	[tilespmem:s16+$0x40] =	vst v6;
	v6 =	vpop (erf);
	(erf) = vpow2.f32 v15  }
0x177: {  	v13 =	vadd.f32 v13, v51;
	v53 =	vld [tilespmem:s10+$0x8F50];
	v6 =	vmul.f32 v6, v12  }
0x178: {  	v15 =	vld [tilespmem:s10+$0x6F50];
	v12 =	vpop (erf)  }
0x179: {  	v54 =	vld [tilespmem:s10+$0x4F50];
	v13 =	vsub.f32 $0.0e+00, v13;
	v12 =	vadd.f32 $1.000000000e+00, v12;
	[tilespmem:s24+$0xFFFFFFA0] =	vst v6  }
0x17a: {  	v55 =	vld [tilespmem:s12+$0x6F30]  }
0x17b: {  	(erf) = vrcp.f32 v12;
	v12 =	vmul.f32 $1.442695020e+00, v13;
	v13 =	vld [tilespmem:s12+$0x8F30]  }
0x17c: {  	v10 =	vld [tilespmem:s23+$0x5320];
	v6 =	vpop (erf)  }
0x17d: {  	v15 =	vadd.f32 v53, v15;
	v23 =	vpop (erf);
	(erf) = vpow2.f32 v12;
	v12 =	vld [tilespmem:s12+$0x4F30]  }
0x17e: {  	v58 =	vld [tilespmem:s25+$0x9300];
	v7 =	vadd.f32 v9, v7;
	v23 =	vadd.f32 $1.000000000e+00, v23  }
0x17f: {  	v50 =	vld [tilespmem:s26+$0x7300];
	v11 =	vadd.f32 v18, v11;
	v15 =	vadd.f32 v54, v15;
	v57 =	vpop (erf)  }
0x180: {  	v52 =	vld [tilespmem:s26+$0x9300];
	(erf) = vrcp.f32 v23;
	v13 =	vadd.f32 v13, v55;
	v19 =	vadd.f32 $1.000000000e+00, v57  }
0x181: {  	v7 =	vadd.f32 v8, v7;
	v8 =	vld [tilespmem:s25+$0x5300];
	v15 =	vsub.f32 $0.0e+00, v15  }
0x182: {  	v10 =	vadd.f32 v10, v11;
	v59 =	vld [tilespmem:s15+$0x9350];
	v11 =	vadd.f32 v12, v13;
	(erf) = vrcp.f32 v19  }
0x183: {  	v7 =	vmul.f32 v46, v7;
	v12 =	vld [tilespmem:s15+$0x7350];
	v15 =	vmul.f32 $1.442695020e+00, v15  }
0x184: {  	v60 =	vld [tilespmem:s15+$0x5350];
	v11 =	vsub.f32 $0.0e+00, v11  }
0x185: {  	[tilespmem:s9+$0x60] =	vst v7;
	v7 =	vadd.f32 v58, v56;
	v3 =	vld [tilespmem:s28+$0x7370];
	v13 =	vpop (erf)  }
0x186: {  	v4 =	vld [tilespmem:s28+$0x9370];
	v10 =	vmul.f32 v13, v10;
	v11 =	vmul.f32 $1.442695020e+00, v11  }
0x187: {  	v7 =	vadd.f32 v8, v7;
	v5 =	vld [tilespmem:s28+$0x5370];
	(erf) = vpow2.f32 v15;
	v15 =	vpop (erf)  }
0x188: {  	v14 =	vld [tilespmem:s26+$0x5300];
	[tilespmem:s24+$0x20] =	vst v10;
	v8 =	vadd.f32 $1.000000000e+00, v15;
	(erf) = vpow2.f32 v11;
	v11 =	vadd.f32 v59, v12  }
0x189: {  	v15 =	vld [tilespmem:s23+$0x6F30];
	v61 =	vpop (erf)  }
0x18a: {  	v62 =	vld [tilespmem:s23+$0x8F30];
	(erf) = vrcp.f32 v8;
	v7 =	vmul.f32 v61, v7;
	v11 =	vadd.f32 v60, v11  }
0x18b: {  	s28 =	simm.s32 $0xB280;
	v24 =	vld [tilespmem:s10+$0x7350];
	v23 =	vpop (erf)  }
0x18c: {  	v8 =	vld [tilespmem:s23+$0x4F30];
	[tilespmem:s28+$0xFFFFFF80] =	vst v7;
	v11 =	vmul.f32 v23, v11  }
0x18d: {  	v25 =	vld [tilespmem:s25+$0x6F10]  }
0x18e: {  	v26 =	vld [tilespmem:s25+$0x8F10]  }
0x18f: {  	v9 =	vld [tilespmem:s10+$0x9350];
	v15 =	vadd.f32 v62, v15  }
0x190: {  	v16 =	vadd.f32 v52, v50;
	v27 =	vld [tilespmem:s25+$0x4F10];
	[tilespmem:s16+$0xFFFFFFD0] =	vst v11;
	v11 =	vpop (erf)  }
0x191: {  	v8 =	vadd.f32 v8, v15;
	v15 =	vld [tilespmem:s15+$0x6F60];
	v11 =	vadd.f32 $1.000000000e+00, v11  }
0x192: {  	v14 =	vadd.f32 v14, v16;
	v28 =	vld [tilespmem:s15+$0x8F60];
	v30 =	vpop (erf)  }
0x193: {  	v35 =	vld [tilespmem:s12+$0x7330];
	v8 =	vsub.f32 $0.0e+00, v8;
	v31 =	vpop (erf);
	(erf) = vrcp.f32 v11;
	v11 =	vadd.f32 v26, v25  }
0x194: {  	v33 =	vld [tilespmem:s15+$0x4F60];
	v32 =	vadd.f32 $1.000000000e+00, v30;
	v14 =	vmul.f32 v31, v14  }
0x195: {  	v13 =	vld [tilespmem:s10+$0x5350];
	v8 =	vmul.f32 $1.442695020e+00, v8;
	v11 =	vadd.f32 v27, v11  }
0x196: {  	(erf) = vrcp.f32 v32;
	[tilespmem:s28+$0x0] =	vst v14;
	v14 =	vld [tilespmem:s12+$0x9330]  }
0x197: {  	v36 =	vld [tilespmem:s12+$0x5330];
	(erf) = vpow2.f32 v8;
	v8 =	vadd.f32 v28, v15;
	v11 =	vsub.f32 $0.0e+00, v11  }
0x198: {  	v9 =	vadd.f32 v9, v24;
	v15 =	vld [tilespmem:s26+$0x6F10]  }
0x199: {  	v37 =	vld [tilespmem:s26+$0x8F10];
	v8 =	vadd.f32 v33, v8;
	v11 =	vmul.f32 $1.442695020e+00, v11  }
0x19a: {  	v34 =	vld [tilespmem:s17+$0x8F70];
	v9 =	vadd.f32 v13, v9  }
0x19b: {  	v13 =	vld [tilespmem:s26+$0x4F10];
	v8 =	vsub.f32 $0.0e+00, v8;
	(erf) = vpow2.f32 v11;
	v11 =	vadd.f32 v14, v35  }
0x19c: {  	v10 =	vld [tilespmem:s17+$0x6F70]  }
0x19d: {  	v12 =	vld [tilespmem:s23+$0x7330];
	v8 =	vmul.f32 $1.442695020e+00, v8;
	v14 =	vpop (erf);
	v11 =	vadd.f32 v36, v11  }
0x19e: {  	v29 =	vld [tilespmem:s23+$0x5330];
	v15 =	vadd.f32 v37, v15;
	v9 =	vmul.f32 v14, v9  }
0x19f: {  	v7 =	vld [tilespmem:s23+$0x9330];
	(erf) = vpow2.f32 v8  }
0x1a0: {  	v40 =	vpop (erf);
	v8 =	vld [tilespmem:s17+$0x4F70];
	v13 =	vadd.f32 v13, v15;
	[tilespmem:s16+$0x50] =	vst v9  }
0x1a1: {  	v9 =	vmul.f32 v40, v11;
	v41 =	vld [tilespmem:s10+$0x6F60];
	v11 =	vpop (erf)  }
0x1a2: {  	v13 =	vsub.f32 $0.0e+00, v13;
	v15 =	vld [tilespmem:s10+$0x8F60];
	v11 =	vadd.f32 $1.000000000e+00, v11  }
0x1a3: {  	[tilespmem:s24+$0xFFFFFFB0] =	vst v9;
	v9 =	vld [tilespmem:s10+$0x4F60]  }
0x1a4: {  	v10 =	vadd.f32 v34, v10;
	v13 =	vmul.f32 $1.442695020e+00, v13;
	v42 =	vld [tilespmem:s12+$0x6F40];
	(erf) = vrcp.f32 v11  }
0x1a5: {  	v11 =	vld [tilespmem:s12+$0x8F40];
	v43 =	vpop (erf)  }
0x1a6: {  	v46 =	vld [tilespmem:s25+$0x5310];
	v8 =	vadd.f32 v8, v10;
	v17 =	vadd.f32 $1.000000000e+00, v43  }
0x1a7: {  	v45 =	vld [tilespmem:s12+$0x4F40];
	v15 =	vadd.f32 v15, v41;
	(erf) = vpow2.f32 v13  }
0x1a8: {  	v7 =	vadd.f32 v7, v12;
	v12 =	vld [tilespmem:s25+$0x7310];
	v8 =	vsub.f32 $0.0e+00, v8;
	v13 =	vpop (erf);
	(erf) = vrcp.f32 v17  }
0x1a9: {  	v9 =	vadd.f32 v9, v15;
	v15 =	vld [tilespmem:s25+$0x9310];
	v13 =	vadd.f32 $1.000000000e+00, v13  }
0x1aa: {  	v47 =	vld [tilespmem:s15+$0x7360];
	v11 =	vadd.f32 v11, v42  }
0x1ab: {  	v48 =	vld [tilespmem:s15+$0x9360];
	v7 =	vadd.f32 v29, v7;
	v8 =	vmul.f32 $1.442695020e+00, v8  }
0x1ac: {  	v38 =	vld [tilespmem:s26+$0x7310];
	v9 =	vsub.f32 $0.0e+00, v9;
	(erf) = vrcp.f32 v13;
	v11 =	vadd.f32 v45, v11  }
0x1ad: {  	v39 =	vld [tilespmem:s26+$0x9310];
	(erf) = vpow2.f32 v8;
	v13 =	vpop (erf)  }
0x1ae: {  	v9 =	vmul.f32 $1.442695020e+00, v9;
	v12 =	vadd.f32 v15, v12;
	v7 =	vmul.f32 v13, v7;
	v13 =	vld [tilespmem:s15+$0x5360]  }
0x1af: {  	v14 =	vld [tilespmem:s26+$0x5310]  }
0x1b0: {  	v44 =	vld [tilespmem:s10+$0x7360];
	(erf) = vpow2.f32 v9;
	v9 =	vsub.f32 $0.0e+00, v11;
	v11 =	vpop (erf);
	[tilespmem:s24+$0x30] =	vst v7;
	v7 =	vadd.f32 v46, v12  }
0x1b1: {  	v10 =	vld [tilespmem:s10+$0x9360];
	v17 =	vadd.f32 v48, v47;
	v49 =	vpop (erf)  }
0x1b2: {  	v59 =	vld [tilespmem:s12+$0x7340];
	v7 =	vmul.f32 v49, v7  }
0x1b3: {  	v60 =	vld [tilespmem:s12+$0x9340];
	v9 =	vmul.f32 $1.442695020e+00, v9;
	v13 =	vadd.f32 v13, v17  }
0x1b4: {  	v11 =	vadd.f32 $1.000000000e+00, v11;
	v12 =	vld [tilespmem:s23+$0x6F40]  }
0x1b5: {  	v50 =	vld [tilespmem:s23+$0x8F40];
	(erf) = vpow2.f32 v9  }
0x1b6: {  	v8 =	vld [tilespmem:s10+$0x5360];
	(erf) = vrcp.f32 v11;
	[tilespmem:s28+$0xFFFFFF90] =	vst v7;
	v7 =	vpop (erf)  }
0x1b7: {  	v51 =	vld [tilespmem:s23+$0x4F40];
	v7 =	vmul.f32 v7, v13;
	v13 =	vpop (erf)  }
0x1b8: {  	v9 =	vld [tilespmem:s23+$0x7340];
	v13 =	vadd.f32 $1.000000000e+00, v13  }
0x1b9: {  	v52 =	vld [tilespmem:s25+$0x6F20]  }
0x1ba: {  	v53 =	vld [tilespmem:s25+$0x8F20];
	v12 =	vadd.f32 v50, v12;
	(erf) = vrcp.f32 v13;
	v13 =	vadd.f32 v39, v38  }
0x1bb: {  	v3 =	vadd.f32 v4, v3;
	v54 =	vld [tilespmem:s25+$0x4F20];
	[tilespmem:s16+$0xFFFFFFE0] =	vst v7;
	v7 =	vpop (erf)  }
0x1bc: {  	v12 =	vadd.f32 v51, v12;
	v55 =	vld [tilespmem:s15+$0x6F70];
	v7 =	vadd.f32 $1.000000000e+00, v7  }
0x1bd: {  	v3 =	vadd.f32 v5, v3;
	v10 =	vadd.f32 v10, v44;
	v4 =	vld [tilespmem:s15+$0x8F70]  }
0x1be: {  	v11 =	vld [tilespmem:s23+$0x9340];
	v12 =	vsub.f32 $0.0e+00, v12;
	(erf) = vrcp.f32 v7;
	v7 =	vadd.f32 v14, v13;
	v13 =	vpop (erf)  }
0x1bf: {  	v5 =	vadd.f32 v53, v52;
	v57 =	vld [tilespmem:s15+$0x4F70];
	v58 =	vpop (erf);
	v13 =	vadd.f32 $1.000000000e+00, v13  }
0x1c0: {  	v15 =	vld [tilespmem:s17+$0x7370];
	v16 =	vmul.f32 v58, v7;
	v7 =	vadd.f32 v8, v10;
	v8 =	vmul.f32 $1.442695020e+00, v12  }
0x1c1: {  	v5 =	vadd.f32 v54, v5;
	v14 =	vld [tilespmem:s17+$0x9370];
	(erf) = vrcp.f32 v13  }
0x1c2: {  	v56 =	vld [tilespmem:s23+$0x5340];
	v4 =	vadd.f32 v4, v55;
	(erf) = vpow2.f32 v8  }
0x1c3: {  	v61 =	vmul.f32 v6, v3;
	v3 =	vld [tilespmem:s17+$0x5370];
	v5 =	vsub.f32 $0.0e+00, v5  }
0x1c4: {  	v6 =	vadd.f32 v11, v9;
	v11 =	vld [tilespmem:s12+$0x5340];
	v9 =	vadd.f32 v57, v4;
	[tilespmem:s28+$0x10] =	vst v16  }
0x1c5: {  	v62 =	vmul.f32 $1.442695020e+00, v5;
	v10 =	vld [tilespmem:s26+$0x6F20]  }
0x1c6: {  	v5 =	vadd.f32 v14, v15;
	v4 =	vpop (erf);
	v12 =	vld [tilespmem:s26+$0x8F20];
	v13 =	vsub.f32 $0.0e+00, v9  }
0x1c7: {  	s18 =	simm.s32 $0x480;
	[tilespmem:s9+$0xFFFFFFF0] =	vst v61;
	v6 =	vadd.f32 v56, v6;
	s17 =	simm.s32 $0x6;
	v9 =	vld [tilespmem:s26+$0x4F20];
	(erf) = vpow2.f32 v62;
	v14 =	vadd.f32 v60, v59;
	v8 =	vpop (erf)  }
.LBB2_3:
0x1c8: {  	s19 =	sadd.s32 $0xFFFFFF80, s18;
	s21 =	sand.u32 $0x380, s18;
	v15 =	vld [tilespmem:s26+$0x7320];
	s8 =	sadd.s32 $0x200, s8;
	v13 =	vmul.f32 $1.442695020e+00, v13;
	v7 =	vmul.f32 v8, v7;
	v3 =	vadd.f32 v3, v5  }
0x1c9: {  	s22 =	sand.u32 $0x800, s8;
	s19 =	sand.u32 $0x300, s19;
	v5 =	vld [tilespmem:s26+$0x9320];
	v8 =	vadd.f32 v11, v14  }
0x1ca: {  	s20 =	sor.u32 s19, s22;
	s19 =	sor.u32 s22, s21;
	v11 =	vld [tilespmem:s26+$0x5320];
	v14 =	vpop (erf);
	[tilespmem:s16+$0x60] =	vst v7;
	(erf) = vpow2.f32 v13;
	v3 =	vmul.f32 v4, v3  }
0x1cb: {  	v4 =	vld [tilespmem:s20+$0x6F00];
	v7 =	vadd.f32 v12, v10;
	v8 =	vmul.f32 v14, v8;
	v10 =	vpop (erf)  }
0x1cc: {  	v12 =	vld [tilespmem:s20+$0x8F00];
	v10 =	vadd.f32 $1.000000000e+00, v10;
	[tilespmem:s9+$0x70] =	vst v3;
	s9 =	smov.u32 s16;
	s16 =	smov.u32 s24;
	s24 =	smov.u32 s28  }
0x1cd: {  	v3 =	vld [tilespmem:s20+$0x4F00];
	v7 =	vadd.f32 v9, v7;
	[tilespmem:s16+$0xFFFFFFC0] =	vst v8  }
0x1ce: {  	v5 =	vadd.f32 v5, v15;
	v8 =	vld [tilespmem:s12+$0x6F50];
	(erf) = vrcp.f32 v10  }
0x1cf: {  	v7 =	vsub.f32 $0.0e+00, v7;
	v9 =	vld [tilespmem:s12+$0x8F50]  }
0x1d0: {  	s17 =	sadd.s32 $0x2, s17;
	v10 =	vld [tilespmem:s19+$0x6F00];
	v5 =	vadd.f32 v11, v5;
	v11 =	vpop (erf)  }
0x1d1: {  	p1 =	slt.u32 s17, $0xE;
	v4 =	vadd.f32 v12, v4;
	v14 =	vadd.f32 $1.000000000e+00, v11;
	v7 =	vmul.f32 $1.442695020e+00, v7;
	v12 =	vld [tilespmem:s12+$0x4F50]  }
0x1d2: {  	v13 =	vld [tilespmem:s19+$0x8F00]  }
0x1d3: {  	v3 =	vadd.f32 v3, v4;
	v4 =	vld [tilespmem:s25+$0x7320];
	(erf) = vrcp.f32 v14;
	v11 =	vpop (erf)  }
0x1d4: {  	v14 =	vld [tilespmem:s25+$0x9320];
	(erf) = vpow2.f32 v7;
	v7 =	vadd.f32 v9, v8;
	v8 =	vadd.f32 $1.000000000e+00, v11  }
0x1d5: {  	v3 =	vsub.f32 $0.0e+00, v3;
	v9 =	vld [tilespmem:s25+$0x5320]  }
0x1d6: {  	v7 =	vadd.f32 v12, v7;
	v11 =	vld [tilespmem:s15+$0x7370];
	(erf) = vrcp.f32 v8  }
0x1d7: {  	v3 =	vmul.f32 $1.442695020e+00, v3;
	v8 =	vadd.f32 v13, v10;
	v10 =	vpop (erf);
	v12 =	vld [tilespmem:s15+$0x9370]  }
0x1d8: {  	v13 =	vld [tilespmem:s19+$0x4F00];
	v7 =	vsub.f32 $0.0e+00, v7;
	v6 =	vmul.f32 v10, v6  }
0x1d9: {  	(erf) = vpow2.f32 v3;
	v3 =	vadd.f32 v14, v4;
	v4 =	vld [tilespmem:s15+$0x5370];
	s15 =	smov.u32 s12;
	s12 =	smov.u32 s25;
	s25 =	smov.u32 s20  }
0x1da: {  	v10 =	vld [tilespmem:s19+$0x7300];
	v7 =	vmul.f32 $1.442695020e+00, v7;
	[tilespmem:s16+$0x40] =	vst v6  }
0x1db: {  	v6 =	vld [tilespmem:s19+$0x9300];
	v3 =	vadd.f32 v9, v3  }
0x1dc: {  	v9 =	vld [tilespmem:s19+$0x5300];
	v14 =	vpop (erf);
	(erf) = vpow2.f32 v7;
	v7 =	vadd.f32 v12, v11  }
0x1dd: {  	v15 =	vadd.f32 v13, v8;
	v3 =	vmul.f32 v14, v3;
	v11 =	vpop (erf);
	v12 =	vld [tilespmem:s23+$0x6F50]  }
0x1de: {  	v11 =	vadd.f32 $1.000000000e+00, v11;
	v13 =	vld [tilespmem:s23+$0x8F50];
	v4 =	vadd.f32 v4, v7  }
0x1df: {  	v7 =	vsub.f32 $0.0e+00, v15;
	[tilespmem:s28+$0xFFFFFFA0] =	vst v3;
	v3 =	vld [tilespmem:s23+$0x4F50];
	v8 =	vpop (erf)  }
0x1e0: {  	v6 =	vadd.f32 v6, v10;
	v10 =	vld [tilespmem:s12+$0x6F30];
	(erf) = vrcp.f32 v11;
	v4 =	vmul.f32 v8, v4  }
0x1e1: {  	v7 =	vmul.f32 $1.442695020e+00, v7;
	v8 =	vld [tilespmem:s12+$0x8F30]  }
0x1e2: {  	v6 =	vadd.f32 v9, v6;
	v9 =	vpop (erf);
	v11 =	vld [tilespmem:s23+$0x7350];
	[tilespmem:s9+$0xFFFFFFF0] =	vst v4  }
0x1e3: {  	v14 =	vadd.f32 $1.000000000e+00, v9;
	(erf) = vpow2.f32 v7;
	v7 =	vld [tilespmem:s12+$0x4F30];
	v9 =	vadd.f32 v13, v12  }
0x1e4: {  	v12 =	vld [tilespmem:s23+$0x9350]  }
0x1e5: {  	v13 =	vld [tilespmem:s25+$0x7300];
	(erf) = vrcp.f32 v14;
	v3 =	vadd.f32 v3, v9;
	v4 =	vpop (erf)  }
0x1e6: {  	v9 =	vld [tilespmem:s25+$0x9300];
	v8 =	vadd.f32 v8, v10;
	v14 =	vadd.f32 $1.000000000e+00, v4  }
0x1e7: {  	v10 =	vld [tilespmem:s25+$0x5300];
	v3 =	vsub.f32 $0.0e+00, v3  }
0x1e8: {  	v7 =	vadd.f32 v7, v8;
	v8 =	vld [tilespmem:s15+$0x7350];
	(erf) = vrcp.f32 v14  }
0x1e9: {  	v4 =	vpop (erf);
	v14 =	vld [tilespmem:s15+$0x9350];
	v11 =	vadd.f32 v12, v11;
	v15 =	vmul.f32 $1.442695020e+00, v3  }
0x1ea: {  	v7 =	vsub.f32 $0.0e+00, v7;
	v4 =	vmul.f32 v4, v5;
	v5 =	vld [tilespmem:s23+$0x5350]  }
0x1eb: {  	v9 =	vadd.f32 v9, v13;
	v12 =	vld [tilespmem:s15+$0x5350];
	(erf) = vpow2.f32 v15  }
0x1ec: {  	v3 =	vpop (erf);
	v7 =	vmul.f32 $1.442695020e+00, v7;
	[tilespmem:s28+$0x20] =	vst v4;
	v4 =	vld [tilespmem:s10+$0x6F70]  }
0x1ed: {  	v9 =	vadd.f32 v10, v9;
	v3 =	vadd.f32 $1.000000000e+00, v3;
	v10 =	vld [tilespmem:s26+$0x6F30]  }
0x1ee: {  	v13 =	vpop (erf);
	v15 =	vld [tilespmem:s26+$0x8F30];
	(erf) = vpow2.f32 v7;
	v7 =	vadd.f32 v14, v8  }
0x1ef: {  	v8 =	vmul.f32 v13, v9;
	(erf) = vrcp.f32 v3;
	v3 =	vld [tilespmem:s26+$0x4F30];
	v5 =	vadd.f32 v5, v11  }
0x1f0: {  	s28 =	sadd.s32 $0x100, s28;
	v9 =	vld [tilespmem:s26+$0x7330];
	v7 =	vadd.f32 v12, v7  }
0x1f1: {  	[tilespmem:s28+$0xFFFFFF80] =	vst v8;
	v8 =	vld [tilespmem:s26+$0x9330];
	v11 =	vpop (erf)  }
0x1f2: {  	v12 =	vld [tilespmem:s25+$0x6F10];
	v14 =	vmul.f32 v11, v7  }
0x1f3: {  	v11 =	vld [tilespmem:s25+$0x8F10];
	v10 =	vadd.f32 v15, v10  }
0x1f4: {  	v13 =	vld [tilespmem:s25+$0x4F10];
	[tilespmem:s16+$0xFFFFFFD0] =	vst v14;
	v7 =	vpop (erf)  }
0x1f5: {  	v3 =	vadd.f32 v3, v10;
	v10 =	vld [tilespmem:s15+$0x6F60];
	v7 =	vadd.f32 $1.000000000e+00, v7  }
0x1f6: {  	v8 =	vadd.f32 v8, v9;
	v9 =	vld [tilespmem:s15+$0x8F60]  }
0x1f7: {  	v14 =	vld [tilespmem:s26+$0x5330];
	v3 =	vsub.f32 $0.0e+00, v3;
	v15 =	vpop (erf);
	(erf) = vrcp.f32 v7  }
0x1f8: {  	v7 =	vadd.f32 v11, v12;
	v11 =	vpop (erf);
	v12 =	vadd.f32 $1.000000000e+00, v15;
	v15 =	vld [tilespmem:s15+$0x4F60]  }
0x1f9: {  	v6 =	vmul.f32 v11, v6;
	v3 =	vmul.f32 $1.442695020e+00, v3;
	v11 =	vld [tilespmem:s10+$0x8F70]  }
0x1fa: {  	v7 =	vadd.f32 v13, v7;
	v13 =	vld [tilespmem:s12+$0x7330];
	(erf) = vrcp.f32 v12  }
0x1fb: {  	[tilespmem:s28+$0x0] =	vst v6;
	v6 =	vld [tilespmem:s12+$0x9330];
	(erf) = vpow2.f32 v3;
	v3 =	vadd.f32 v9, v10  }
0x1fc: {  	v7 =	vsub.f32 $0.0e+00, v7;
	v9 =	vld [tilespmem:s19+$0x6F10];
	v8 =	vadd.f32 v14, v8  }
0x1fd: {  	v10 =	vld [tilespmem:s12+$0x5330];
	v3 =	vadd.f32 v15, v3  }
0x1fe: {  	v15 =	vmul.f32 $1.442695020e+00, v7;
	v12 =	vld [tilespmem:s19+$0x8F10];
	v4 =	vadd.f32 v11, v4  }
0x1ff: {  	v11 =	vld [tilespmem:s19+$0x4F10];
	v3 =	vsub.f32 $0.0e+00, v3  }
0x200: {  	v14 =	vld [tilespmem:s19+$0x7310];
	(erf) = vpow2.f32 v15;
	v6 =	vadd.f32 v6, v13;
	v7 =	vpop (erf)  }
0x201: {  	v13 =	vld [tilespmem:s19+$0x9310];
	v3 =	vmul.f32 $1.442695020e+00, v3;
	v5 =	vmul.f32 v7, v5  }
0x202: {  	v7 =	vld [tilespmem:s19+$0x5310];
	v15 =	vadd.f32 v10, v6  }
0x203: {  	v9 =	vadd.f32 v12, v9;
	v10 =	vpop (erf);
	[tilespmem:s16+$0x50] =	vst v5;
	(erf) = vpow2.f32 v3;
	v3 =	vld [tilespmem:s10+$0x4F70]  }
0x204: {  	v5 =	vmul.f32 v10, v15;
	v6 =	vpop (erf);
	v10 =	vld [tilespmem:s23+$0x6F60]  }
0x205: {  	v9 =	vadd.f32 v11, v9;
	v6 =	vadd.f32 $1.000000000e+00, v6;
	v11 =	vld [tilespmem:s23+$0x8F60]  }
0x206: {  	v12 =	vadd.f32 v13, v14;
	[tilespmem:s24+$0xFFFFFFB0] =	vst v5;
	v5 =	vld [tilespmem:s23+$0x4F60]  }
0x207: {  	v14 =	vsub.f32 $0.0e+00, v9;
	v13 =	vld [tilespmem:s12+$0x6F40];
	(erf) = vrcp.f32 v6  }
0x208: {  	v6 =	vadd.f32 v7, v12;
	v7 =	vld [tilespmem:s12+$0x8F40];
	v3 =	vadd.f32 v3, v4  }
0x209: {  	v4 =	vmul.f32 $1.442695020e+00, v14;
	v9 =	vpop (erf);
	v12 =	vld [tilespmem:s23+$0x7360]  }
0x20a: {  	v15 =	vadd.f32 $1.000000000e+00, v9;
	v14 =	vld [tilespmem:s12+$0x4F40];
	v10 =	vadd.f32 v11, v10  }
0x20b: {  	v3 =	vsub.f32 $0.0e+00, v3;
	(erf) = vpow2.f32 v4;
	v4 =	vld [tilespmem:s23+$0x9360]  }
0x20c: {  	v11 =	vld [tilespmem:s25+$0x7310];
	(erf) = vrcp.f32 v15;
	v5 =	vadd.f32 v5, v10;
	v9 =	vpop (erf)  }
0x20d: {  	v3 =	vmul.f32 $1.442695020e+00, v3;
	v10 =	vld [tilespmem:s25+$0x9310];
	v7 =	vadd.f32 v7, v13;
	v15 =	vadd.f32 $1.000000000e+00, v9  }
0x20e: {  	v13 =	vld [tilespmem:s25+$0x5310];
	v5 =	vsub.f32 $0.0e+00, v5  }
0x20f: {  	v7 =	vadd.f32 v14, v7;
	v14 =	vld [tilespmem:s15+$0x7360];
	(erf) = vrcp.f32 v15  }
0x210: {  	v9 =	vpop (erf);
	v15 =	vld [tilespmem:s15+$0x9360];
	v4 =	vadd.f32 v4, v12;
	v5 =	vmul.f32 $1.442695020e+00, v5;
	(erf) = vpow2.f32 v3  }
0x211: {  	v3 =	vsub.f32 $0.0e+00, v7;
	v7 =	vmul.f32 v9, v8;
	v8 =	vld [tilespmem:s23+$0x5360]  }
0x212: {  	v11 =	vadd.f32 v10, v11;
	v10 =	vld [tilespmem:s15+$0x5360];
	(erf) = vpow2.f32 v5  }
0x213: {  	v3 =	vmul.f32 $1.442695020e+00, v3;
	[tilespmem:s24+$0x30] =	vst v7;
	v5 =	vld [tilespmem:s10+$0x7370]  }
0x214: {  	v7 =	vadd.f32 v13, v11;
	v9 =	vpop (erf);
	v11 =	vld [tilespmem:s26+$0x6F40]  }
0x215: {  	v16 =	vadd.f32 $1.000000000e+00, v9;
	v12 =	vpop (erf);
	v13 =	vld [tilespmem:s26+$0x8F40];
	(erf) = vpow2.f32 v3;
	v3 =	vadd.f32 v15, v14  }
0x216: {  	v12 =	vmul.f32 v12, v7;
	v14 =	vld [tilespmem:s26+$0x4F40];
	v7 =	vadd.f32 v8, v4  }
0x217: {  	(erf) = vrcp.f32 v16;
	v4 =	vld [tilespmem:s26+$0x7340];
	v3 =	vadd.f32 v10, v3  }
0x218: {  	[tilespmem:s28+$0xFFFFFF90] =	vst v12;
	v8 =	vld [tilespmem:s26+$0x9340];
	v9 =	vpop (erf)  }
0x219: {  	v10 =	vld [tilespmem:s25+$0x6F20];
	v15 =	vmul.f32 v9, v3;
	v9 =	vpop (erf)  }
0x21a: {  	v12 =	vld [tilespmem:s25+$0x8F20];
	v11 =	vadd.f32 v13, v11;
	v9 =	vadd.f32 $1.000000000e+00, v9  }
0x21b: {  	v13 =	vld [tilespmem:s25+$0x4F20];
	[tilespmem:s16+$0xFFFFFFE0] =	vst v15;
	v3 =	vpop (erf)  }
0x21c: {  	v11 =	vadd.f32 v14, v11;
	v14 =	vld [tilespmem:s15+$0x6F70];
	v3 =	vadd.f32 $1.000000000e+00, v3;
	(erf) = vrcp.f32 v9  }
0x21d: {  	v4 =	vadd.f32 v8, v4;
	v8 =	vld [tilespmem:s15+$0x8F70]  }
0x21e: {  	v9 =	vld [tilespmem:s26+$0x5340];
	v11 =	vsub.f32 $0.0e+00, v11;
	v15 =	vpop (erf);
	(erf) = vrcp.f32 v3  }
0x21f: {  	v3 =	vadd.f32 v12, v10;
	v10 =	vadd.f32 $1.000000000e+00, v15;
	v12 =	vld [tilespmem:s15+$0x4F70]  }
0x220: {  	v15 =	vpop (erf);
	v11 =	vmul.f32 $1.442695020e+00, v11;
	v16 =	vld [tilespmem:s10+$0x9370]  }
0x221: {  	v3 =	vadd.f32 v13, v3;
	v6 =	vmul.f32 v15, v6;
	v15 =	vld [tilespmem:s12+$0x7340];
	(erf) = vrcp.f32 v10  }
0x222: {  	v17 =	vld [tilespmem:s12+$0x9340];
	(erf) = vpow2.f32 v11;
	v8 =	vadd.f32 v8, v14  }
.Ltmp0:
0x223: {  	v10 =	vsub.f32 $0.0e+00, v3;
	[tilespmem:s28+$0x10] =	vst v6;
	v6 =	vadd.f32 v9, v4;
	v3 =	vld [tilespmem:s10+$0x5370];
	s10 =	smov.u32 s23;
	s23 =	smov.u32 s26;
	(pc) =	sbr.rel @p1 .LBB2_3-.Ltmp0, $4  }
0x224: {  	s26 =	smov.u32 s19;
	v11 =	vld [tilespmem:s12+$0x5340];
	v18 =	vadd.f32 v12, v8  }
0x225: {  	v14 =	vmul.f32 $1.442695020e+00, v10;
	v10 =	vld [tilespmem:s26+$0x6F20];
	v5 =	vadd.f32 v16, v5;
	v4 =	vpop (erf)  }
0x226: {  	v12 =	vld [tilespmem:s26+$0x8F20];
	v13 =	vsub.f32 $0.0e+00, v18  }
0x227: {  	s18 =	sadd.s32 $0x100, s18;
	v9 =	vld [tilespmem:s26+$0x4F20];
	(erf) = vpow2.f32 v14;
	v14 =	vadd.f32 v17, v15;
	v8 =	vpop (erf)  }
0x228: {  	_ =	sdelay $0x1  }
0x229: {  	v11 =	vadd.f32 v11, v14;
	v14 =	vpop (erf)  }
0x22a: {  	v13 =	vmul.f32 $1.442695020e+00, v13;
	v10 =	vadd.f32 v12, v10;
	v12 =	vpop (erf)  }
0x22b: {  	v11 =	vmul.f32 v14, v11;
	v12 =	vadd.f32 $1.000000000e+00, v12  }
0x22c: {  	(erf) = vpow2.f32 v13  }
0x22d: {  	[tilespmem:s24+$0xFFFFFFC0] =	vst v11;
	(erf) = vrcp.f32 v12  }
0x22e: {  	v9 =	vadd.f32 v9, v10;
	v10 =	vld [tilespmem:s12+$0x6F50]  }
0x22f: {  	v11 =	vld [tilespmem:s12+$0x8F50];
	v12 =	vpop (erf)  }
0x230: {  	v14 =	vld [tilespmem:s25+$0x7320];
	v9 =	vsub.f32 $0.0e+00, v9;
	v12 =	vadd.f32 $1.000000000e+00, v12  }
0x231: {  	v13 =	vld [tilespmem:s12+$0x4F50]  }
0x232: {  	v9 =	vmul.f32 $1.442695020e+00, v9;
	(erf) = vrcp.f32 v12;
	v12 =	vld [tilespmem:s25+$0x9320];
	_ =	sdelay $0x1  }
0x233: {  	(erf) = vpow2.f32 v9;
	v9 =	vadd.f32 v11, v10;
	v10 =	vld [tilespmem:s25+$0x5320]  }
0x234: {  	v11 =	vpop (erf)  }
0x235: {  	v9 =	vadd.f32 v13, v9;
	v13 =	vpop (erf)  }
0x236: {  	v12 =	vadd.f32 v12, v14;
	v6 =	vmul.f32 v13, v6  }
0x237: {  	v9 =	vsub.f32 $0.0e+00, v9  }
0x238: {  	v11 =	vadd.f32 $1.000000000e+00, v11;
	v10 =	vadd.f32 v10, v12  }
0x239: {  	v9 =	vmul.f32 $1.442695020e+00, v9  }
0x23a: {  	v15 =	vld [tilespmem:s26+$0x9320];
	(erf) = vrcp.f32 v11;
	[tilespmem:s24+$0x40] =	vst v6;
	v6 =	vpop (erf)  }
0x23b: {  	v11 =	vld [tilespmem:s23+$0x8F50];
	(erf) = vpow2.f32 v9;
	v6 =	vmul.f32 v6, v10  }
0x23c: {  	v9 =	vld [tilespmem:s23+$0x6F50];
	v10 =	vpop (erf)  }
0x23d: {  	v13 =	vld [tilespmem:s23+$0x4F50];
	v10 =	vadd.f32 $1.000000000e+00, v10;
	[tilespmem:s28+$0xFFFFFFA0] =	vst v6  }
0x23e: {  	v14 =	vld [tilespmem:s25+$0x6F30]  }
0x23f: {  	(erf) = vrcp.f32 v10;
	v10 =	vld [tilespmem:s25+$0x8F30]  }
0x240: {  	v12 =	vld [tilespmem:s26+$0x7320]  }
0x241: {  	v16 =	vld [tilespmem:s25+$0x4F30];
	v9 =	vadd.f32 v11, v9;
	_ =	sdelay $0x1  }
0x242: {  	v17 =	vld [tilespmem:s26+$0x5320];
	v6 =	vpop (erf);
	v9 =	vadd.f32 v13, v9  }
0x243: {  	v11 =	vpop (erf);
	v10 =	vadd.f32 v10, v14  }
0x244: {  	v9 =	vsub.f32 $0.0e+00, v9;
	v11 =	vadd.f32 $1.000000000e+00, v11  }
0x245: {  	v12 =	vadd.f32 v15, v12;
	v13 =	vld [tilespmem:s12+$0x7350];
	v10 =	vadd.f32 v16, v10  }
0x246: {  	v14 =	vld [tilespmem:s12+$0x9350];
	v9 =	vmul.f32 $1.442695020e+00, v9;
	(erf) = vrcp.f32 v11  }
0x247: {  	v12 =	vadd.f32 v17, v12;
	v10 =	vsub.f32 $0.0e+00, v10  }
0x248: {  	(erf) = vpow2.f32 v9;
	v11 =	vpop (erf)  }
0x249: {  	v11 =	vmul.f32 v11, v12;
	v9 =	vmul.f32 $1.442695020e+00, v10;
	v10 =	vld [tilespmem:s12+$0x5350];
	_ =	sdelay $0x1  }
0x24a: {  	v12 =	vadd.f32 v14, v13;
	[tilespmem:s28+$0x20] =	vst v11;
	(erf) = vpow2.f32 v9  }
0x24b: {  	v11 =	vld [tilespmem:s26+$0x6F30]  }
0x24c: {  	v9 =	vld [tilespmem:s26+$0x8F30]  }
0x24d: {  	v10 =	vadd.f32 v10, v12  }
0x24e: {  	v13 =	vld [tilespmem:s26+$0x4F30];
	v12 =	vpop (erf)  }
0x24f: {  	v10 =	vmul.f32 v12, v10  }
0x250: {  	v15 =	vld [tilespmem:s23+$0x5350];
	v12 =	vpop (erf)  }
0x251: {  	v14 =	vld [tilespmem:s23+$0x7350];
	v9 =	vadd.f32 v9, v11;
	[tilespmem:s24+$0xFFFFFFD0] =	vst v10;
	v10 =	vadd.f32 $1.000000000e+00, v12  }
0x252: {  	v12 =	vld [tilespmem:s12+$0x6F60]  }
0x253: {  	v9 =	vadd.f32 v13, v9;
	v26 =	vld [tilespmem:s12+$0x8F60];
	v13 =	vpop (erf);
	(erf) = vrcp.f32 v10  }
0x254: {  	v11 =	vld [tilespmem:s23+$0x9350];
	v10 =	vadd.f32 $1.000000000e+00, v13  }
0x255: {  	v9 =	vsub.f32 $0.0e+00, v9;
	v13 =	vld [tilespmem:s12+$0x4F60]  }
0x256: {  	v27 =	vld [tilespmem:s25+$0x7330];
	(erf) = vrcp.f32 v10  }
0x257: {  	v9 =	vmul.f32 $1.442695020e+00, v9;
	v10 =	vld [tilespmem:s25+$0x9330]  }
0x258: {  	v7 =	vmul.f32 v8, v7;
	v8 =	vadd.f32 v26, v12  }
0x259: {  	v11 =	vadd.f32 v11, v14;
	(erf) = vpow2.f32 v9;
	v9 =	vld [tilespmem:s25+$0x5330]  }
0x25a: {  	[tilespmem:s16+$0x60] =	vst v7;
	v7 =	vadd.f32 v13, v8  }
0x25b: {  	v11 =	vadd.f32 v15, v11  }
0x25c: {  	v10 =	vadd.f32 v10, v27;
	v7 =	vsub.f32 $0.0e+00, v7;
	v13 =	vpop (erf)  }
0x25d: {  	v8 =	vld [tilespmem:s10+$0x6F70];
	v11 =	vmul.f32 v13, v11  }
0x25e: {  	v9 =	vadd.f32 v9, v10;
	v10 =	vld [tilespmem:s10+$0x8F70];
	v7 =	vmul.f32 $1.442695020e+00, v7  }
0x25f: {  	v13 =	vpop (erf);
	[tilespmem:s24+$0x50] =	vst v11;
	v11 =	vld [tilespmem:s10+$0x4F70]  }
0x260: {  	v9 =	vmul.f32 v13, v9;
	v13 =	vld [tilespmem:s23+$0x6F60]  }
0x261: {  	(erf) = vpow2.f32 v7;
	v15 =	vld [tilespmem:s23+$0x8F60]  }
0x262: {  	v7 =	vpop (erf)  }
0x263: {  	v28 =	vld [tilespmem:s23+$0x4F60];
	v7 =	vadd.f32 $1.000000000e+00, v7;
	[tilespmem:s28+$0xFFFFFFB0] =	vst v9  }
0x264: {  	v8 =	vadd.f32 v10, v8;
	v9 =	vld [tilespmem:s25+$0x6F40]  }
0x265: {  	(erf) = vrcp.f32 v7;
	v7 =	vld [tilespmem:s25+$0x8F40]  }
0x266: {  	v14 =	vld [tilespmem:s26+$0x9330];
	v8 =	vadd.f32 v11, v8;
	v11 =	vadd.f32 v15, v13  }
0x267: {  	v12 =	vld [tilespmem:s26+$0x7330]  }
0x268: {  	v29 =	vld [tilespmem:s26+$0x5330]  }
0x269: {  	v10 =	vld [tilespmem:s25+$0x4F40]  }
0x26a: {  	v7 =	vadd.f32 v7, v9;
	v9 =	vadd.f32 v28, v11;
	v11 =	vpop (erf)  }
0x26b: {  	v11 =	vadd.f32 $1.000000000e+00, v11  }
0x26c: {  	v12 =	vadd.f32 v14, v12  }
0x26d: {  	v8 =	vsub.f32 $0.0e+00, v8  }
0x26e: {  	v7 =	vadd.f32 v10, v7;
	v10 =	vadd.f32 v29, v12  }
0x26f: {  	v9 =	vsub.f32 $0.0e+00, v9;
	v12 =	vld [tilespmem:s12+$0x7360];
	(erf) = vrcp.f32 v11;
	v11 =	vpop (erf)  }
0x270: {  	v8 =	vmul.f32 $1.442695020e+00, v8;
	v7 =	vsub.f32 $0.0e+00, v7;
	v10 =	vmul.f32 v11, v10;
	v11 =	vld [tilespmem:s12+$0x9360]  }
0x271: {  	v9 =	vmul.f32 $1.442695020e+00, v9  }
0x272: {  	(erf) = vpow2.f32 v8;
	v7 =	vmul.f32 $1.442695020e+00, v7  }
0x273: {  	v8 =	vld [tilespmem:s12+$0x5360];
	(erf) = vpow2.f32 v9  }
0x274: {  	[tilespmem:s28+$0x30] =	vst v10;
	(erf) = vpow2.f32 v7  }
0x275: {  	v9 =	vld [tilespmem:s26+$0x6F40];
	v10 =	vadd.f32 v11, v12  }
0x276: {  	v7 =	vld [tilespmem:s26+$0x8F40];
	_ =	sdelay $0x1  }
0x277: {  	v11 =	vld [tilespmem:s26+$0x4F40];
	v8 =	vadd.f32 v8, v10  }
0x278: {  	v10 =	vpop (erf)  }
0x279: {  	v8 =	vmul.f32 v10, v8  }
0x27a: {  	v7 =	vadd.f32 v7, v9;
	v9 =	vpop (erf)  }
0x27b: {  	v9 =	vadd.f32 $1.000000000e+00, v9;
	v10 =	vpop (erf);
	[tilespmem:s24+$0xFFFFFFE0] =	vst v8  }
0x27c: {  	v7 =	vadd.f32 v11, v7;
	v8 =	vadd.f32 $1.000000000e+00, v10;
	v10 =	vpop (erf);
	v11 =	vld [tilespmem:s12+$0x6F70]  }
0x27d: {  	(erf) = vrcp.f32 v9;
	v9 =	vadd.f32 $1.000000000e+00, v10;
	v10 =	vld [tilespmem:s12+$0x8F70]  }
0x27e: {  	v7 =	vsub.f32 $0.0e+00, v7;
	(erf) = vrcp.f32 v8  }
0x27f: {  	v8 =	vld [tilespmem:s25+$0x7340];
	(erf) = vrcp.f32 v9  }
0x280: {  	v7 =	vmul.f32 $1.442695020e+00, v7;
	v9 =	vld [tilespmem:s25+$0x9340]  }
0x281: {  	v12 =	vld [tilespmem:s12+$0x4F70]  }
0x282: {  	v13 =	vld [tilespmem:s25+$0x5340];
	(erf) = vpow2.f32 v7;
	v7 =	vadd.f32 v10, v11;
	_ =	sdelay $0x2  }
0x283: {  	v8 =	vadd.f32 v9, v8  }
0x284: {  	v9 =	vadd.f32 v12, v7;
	v7 =	vpop (erf)  }
0x285: {  	v8 =	vadd.f32 v13, v8;
	v10 =	vpop (erf)  }
0x286: {  	v11 =	vpop (erf)  }
0x287: {  	v9 =	vsub.f32 $0.0e+00, v9;
	v8 =	vmul.f32 v11, v8;
	_ =	sdelay $0x1  }
0x288: {  	v12 =	vld [tilespmem:s26+$0x7340];
	v9 =	vmul.f32 $1.442695020e+00, v9;
	v11 =	vpop (erf);
	[tilespmem:s28+$0xFFFFFFC0] =	vst v8  }
0x289: {  	v11 =	vadd.f32 $1.000000000e+00, v11;
	v8 =	vld [tilespmem:s25+$0x6F50]  }
0x28a: {  	(erf) = vpow2.f32 v9;
	v9 =	vld [tilespmem:s25+$0x8F50]  }
0x28b: {  	(erf) = vrcp.f32 v11;
	v11 =	vld [tilespmem:s26+$0x9340]  }
0x28c: {  	v13 =	vld [tilespmem:s25+$0x4F50];
	_ =	sdelay $0x1  }
0x28d: {  	v14 =	vld [tilespmem:s26+$0x5340]  }
0x28e: {  	v8 =	vadd.f32 v9, v8;
	_ =	sdelay $0x1  }
0x28f: {  	v9 =	vadd.f32 v11, v12;
	v8 =	vadd.f32 v13, v8;
	_ =	sdelay $0x1  }
0x290: {  	v9 =	vadd.f32 v14, v9;
	v11 =	vpop (erf);
	v8 =	vsub.f32 $0.0e+00, v8  }
0x291: {  	v11 =	vadd.f32 $1.000000000e+00, v11;
	v12 =	vpop (erf)  }
0x292: {  	v9 =	vmul.f32 v12, v9;
	v8 =	vmul.f32 $1.442695020e+00, v8  }
0x293: {  	(erf) = vrcp.f32 v11  }
0x294: {  	[tilespmem:s28+$0x40] =	vst v9;
	(erf) = vpow2.f32 v8  }
0x295: {  	v8 =	vld [tilespmem:s26+$0x6F50]  }
0x296: {  	v9 =	vld [tilespmem:s26+$0x8F50];
	_ =	sdelay $0x1  }
0x297: {  	v11 =	vld [tilespmem:s26+$0x4F50];
	_ =	sdelay $0x2  }
0x298: {  	v9 =	vadd.f32 v9, v8  }
0x299: {  	v8 =	vpop (erf)  }
0x29a: {  	v9 =	vadd.f32 v11, v9;
	v11 =	vpop (erf)  }
0x29b: {  	v11 =	vadd.f32 $1.000000000e+00, v11  }
0x29c: {  	v9 =	vsub.f32 $0.0e+00, v9  }
0x29d: {  	v12 =	vld [tilespmem:s25+$0x7350];
	(erf) = vrcp.f32 v11  }
0x29e: {  	v9 =	vmul.f32 $1.442695020e+00, v9;
	v11 =	vld [tilespmem:s25+$0x9350];
	_ =	sdelay $0x1  }
0x29f: {  	(erf) = vpow2.f32 v9;
	v9 =	vld [tilespmem:s25+$0x5350];
	_ =	sdelay $0x2  }
0x2a0: {  	v11 =	vadd.f32 v11, v12;
	_ =	sdelay $0x1  }
0x2a1: {  	v9 =	vadd.f32 v9, v11  }
0x2a2: {  	v12 =	vpop (erf)  }
0x2a3: {  	v13 =	vld [tilespmem:s23+$0x9360];
	v9 =	vmul.f32 v12, v9  }
0x2a4: {  	v15 =	vld [tilespmem:s26+$0x7350]  }
0x2a5: {  	v11 =	vld [tilespmem:s23+$0x7360];
	v14 =	vpop (erf);
	[tilespmem:s28+$0xFFFFFFD0] =	vst v9  }
0x2a6: {  	v9 =	vadd.f32 $1.000000000e+00, v14;
	v14 =	vld [tilespmem:s25+$0x6F60]  }
0x2a7: {  	v30 =	vld [tilespmem:s25+$0x8F60]  }
0x2a8: {  	v12 =	vld [tilespmem:s23+$0x5360]  }
0x2a9: {  	v31 =	vld [tilespmem:s25+$0x4F60];
	(erf) = vrcp.f32 v9  }
0x2aa: {  	v9 =	vld [tilespmem:s26+$0x9350];
	_ =	sdelay $0x1  }
0x2ab: {  	v18 =	vld [tilespmem:s26+$0x5350];
	v11 =	vadd.f32 v13, v11;
	v13 =	vadd.f32 v30, v14;
	_ =	sdelay $0x1  }
0x2ac: {  	v11 =	vadd.f32 v12, v11;
	v12 =	vadd.f32 v31, v13  }
0x2ad: {  	v9 =	vadd.f32 v9, v15  }
0x2ae: {  	v10 =	vmul.f32 v10, v11  }
0x2af: {  	v9 =	vadd.f32 v18, v9;
	v11 =	vsub.f32 $0.0e+00, v12  }
0x2b0: {  	[tilespmem:s24+$0x60] =	vst v10;
	v12 =	vpop (erf)  }
0x2b1: {  	v10 =	vld [tilespmem:s23+$0x6F70];
	v11 =	vmul.f32 $1.442695020e+00, v11;
	v9 =	vmul.f32 v12, v9  }
0x2b2: {  	v13 =	vld [tilespmem:s23+$0x4F70]  }
0x2b3: {  	v12 =	vld [tilespmem:s23+$0x8F70];
	(erf) = vpow2.f32 v11;
	[tilespmem:s28+$0x50] =	vst v9  }
0x2b4: {  	v9 =	vld [tilespmem:s26+$0x6F60]  }
0x2b5: {  	v11 =	vld [tilespmem:s26+$0x8F60];
	_ =	sdelay $0x1  }
0x2b6: {  	v14 =	vld [tilespmem:s26+$0x4F60]  }
0x2b7: {  	v10 =	vadd.f32 v12, v10;
	_ =	sdelay $0x1  }
0x2b8: {  	v10 =	vadd.f32 v13, v10;
	v9 =	vadd.f32 v11, v9;
	_ =	sdelay $0x1  }
0x2b9: {  	v10 =	vsub.f32 $0.0e+00, v10;
	v9 =	vadd.f32 v14, v9;
	v11 =	vpop (erf)  }
0x2ba: {  	v11 =	vadd.f32 $1.000000000e+00, v11  }
0x2bb: {  	v10 =	vmul.f32 $1.442695020e+00, v10;
	v9 =	vsub.f32 $0.0e+00, v9  }
0x2bc: {  	(erf) = vrcp.f32 v11;
	v11 =	vld [tilespmem:s25+$0x7360]  }
0x2bd: {  	v9 =	vmul.f32 $1.442695020e+00, v9;
	(erf) = vpow2.f32 v10;
	v10 =	vld [tilespmem:s25+$0x9360];
	_ =	sdelay $0x1  }
0x2be: {  	(erf) = vpow2.f32 v9;
	_ =	sdelay $0x1  }
0x2bf: {  	v9 =	vld [tilespmem:s25+$0x5360]  }
0x2c0: {  	v10 =	vadd.f32 v10, v11;
	_ =	sdelay $0x3  }
0x2c1: {  	v9 =	vadd.f32 v9, v10;
	v10 =	vpop (erf)  }
0x2c2: {  	v11 =	vpop (erf)  }
0x2c3: {  	v9 =	vmul.f32 v10, v9;
	v10 =	vadd.f32 $1.000000000e+00, v11;
	v11 =	vpop (erf)  }
0x2c4: {  	v12 =	vld [tilespmem:s26+$0x7360];
	v11 =	vadd.f32 $1.000000000e+00, v11  }
0x2c5: {  	v13 =	vld [tilespmem:s26+$0x9360];
	[tilespmem:s28+$0xFFFFFFE0] =	vst v9;
	(erf) = vrcp.f32 v10  }
0x2c6: {  	v9 =	vld [tilespmem:s25+$0x6F70];
	(erf) = vrcp.f32 v11  }
0x2c7: {  	v10 =	vld [tilespmem:s25+$0x8F70]  }
0x2c8: {  	v14 =	vld [tilespmem:s25+$0x4F70]  }
0x2c9: {  	v11 =	vld [tilespmem:s26+$0x5360];
	_ =	sdelay $0x1  }
0x2ca: {  	v12 =	vadd.f32 v13, v12  }
0x2cb: {  	v9 =	vadd.f32 v10, v9;
	_ =	sdelay $0x1  }
0x2cc: {  	v10 =	vadd.f32 v11, v12;
	v9 =	vadd.f32 v14, v9;
	v11 =	vpop (erf)  }
0x2cd: {  	v12 =	vpop (erf)  }
0x2ce: {  	v9 =	vsub.f32 $0.0e+00, v9;
	v10 =	vmul.f32 v12, v10;
	_ =	sdelay $0x1  }
0x2cf: {  	v9 =	vmul.f32 $1.442695020e+00, v9;
	[tilespmem:s28+$0x60] =	vst v10  }
0x2d0: {  	v10 =	vld [tilespmem:s26+$0x6F70]  }
0x2d1: {  	(erf) = vpow2.f32 v9;
	v9 =	vld [tilespmem:s26+$0x8F70];
	_ =	sdelay $0x1  }
0x2d2: {  	v12 =	vld [tilespmem:s26+$0x4F70];
	_ =	sdelay $0x2  }
0x2d3: {  	v9 =	vadd.f32 v9, v10;
	_ =	sdelay $0x1  }
0x2d4: {  	v9 =	vadd.f32 v12, v9;
	_ =	sdelay $0x1  }
0x2d5: {  	v10 =	vpop (erf);
	v9 =	vsub.f32 $0.0e+00, v9  }
0x2d6: {  	v10 =	vadd.f32 $1.000000000e+00, v10  }
0x2d7: {  	v32 =	vld [tilespmem:s12+$0x7370];
	v9 =	vmul.f32 $1.442695020e+00, v9  }
0x2d8: {  	v33 =	vld [tilespmem:s12+$0x9370];
	(erf) = vrcp.f32 v10  }
0x2d9: {  	v34 =	vld [tilespmem:s12+$0x5370];
	(erf) = vpow2.f32 v9  }
0x2da: {  	v15 =	vld [tilespmem:s10+$0x5370]  }
0x2db: {  	v19 =	vld [tilespmem:s23+$0x7370]  }
0x2dc: {  	v20 =	vld [tilespmem:s23+$0x9370]  }
0x2dd: {  	v22 =	vld [tilespmem:s23+$0x5370]  }
0x2de: {  	v13 =	vld [tilespmem:s15+$0x9370]  }
0x2df: {  	v12 =	vld [tilespmem:s15+$0x7370]  }
0x2e0: {  	v14 =	vld [tilespmem:s10+$0x9370]  }
0x2e1: {  	v10 =	vld [tilespmem:s15+$0x5370];
	v21 =	vpop (erf)  }
0x2e2: {  	v9 =	vld [tilespmem:s10+$0x7370];
	v23 =	vpop (erf)  }
0x2e3: {  	v24 =	vld [tilespmem:s25+$0x7370];
	v23 =	vadd.f32 $1.000000000e+00, v23  }
0x2e4: {  	v25 =	vld [tilespmem:s25+$0x9370];
	v12 =	vadd.f32 v13, v12  }
0x2e5: {  	v35 =	vld [tilespmem:s26+$0x7370];
	(erf) = vrcp.f32 v23  }
0x2e6: {  	v13 =	vld [tilespmem:s26+$0x9370];
	v10 =	vadd.f32 v10, v12;
	v12 =	vadd.f32 v33, v32  }
0x2e7: {  	v3 =	vadd.f32 v3, v5;
	v5 =	vadd.f32 v14, v9;
	v9 =	vld [tilespmem:s25+$0x5370]  }
0x2e8: {  	v14 =	vld [tilespmem:s26+$0x5370];
	v6 =	vmul.f32 v6, v10;
	v10 =	vadd.f32 v34, v12  }
0x2e9: {  	v3 =	vmul.f32 v4, v3;
	v4 =	vadd.f32 v15, v5;
	v5 =	vadd.f32 v20, v19  }
0x2ea: {  	v12 =	vadd.f32 v25, v24;
	[tilespmem:s16+$0xFFFFFFF0] =	vst v6;
	v6 =	vmul.f32 v8, v10  }
0x2eb: {  	[tilespmem:s9+$0x70] =	vst v3;
	v3 =	vmul.f32 v7, v4;
	v4 =	vadd.f32 v22, v5;
	v5 =	vadd.f32 v13, v35  }
0x2ec: {  	v7 =	vadd.f32 v9, v12  }
0x2ed: {  	[tilespmem:s16+$0x70] =	vst v3;
	v3 =	vmul.f32 v11, v4;
	v4 =	vadd.f32 v14, v5  }
0x2ee: {  	[tilespmem:s24+$0xFFFFFFF0] =	vst v6;
	v5 =	vmul.f32 v21, v7;
	v6 =	vpop (erf)  }
0x2ef: {  	[tilespmem:s24+$0x70] =	vst v3;
	v3 =	vmul.f32 v6, v4  }
0x2f0: {  	[tilespmem:s28+$0xFFFFFFF0] =	vst v5  }
0x2f1: {  	s8 =	sand.u32 $0x3FFFFFE0, s11;
	[tilespmem:s28+$0x70] =	vst v3  }
0x2f2: {  	v3 =	vld [tilespmem:s8+$0x0];
	_ =	sdelay $0x2  }
0x2f3: {  	s26 =	sadd.s32 $0x20, s11  }
0x2f4: {  	s8 =	sadd.s32 s4, s26  }
0x2f5: {  	s8 =	sshll.u32 s8, $0x5;
	[tilespmem:$0xBF00] =	vst v3  }
0x2f6: {  	[spmem:s2] =	stream.indirect.scatter.add.f32 [tilespmem:s0], [sflag:$0x3], $0x80, s31, s30, $0xb8;
	v63 =	vld [tilespmem:$0x0]  }
0x2f7: {  	s28 =	simm.s32 $0x4F00;
	s8 =	sadd.s32 s7, s8  }
0x2f8: {  	[tilespmem:s28], [sflag:$0x1] =	stream.linear.gather [hbm4b:s8+s3], $0x1000, $0x38;
	v63 =	vld [tilespmem:$0x0]  }
0x2f9: {  	v3 =	vld [tilespmem:s11+$0x20];
	_ =	sdelay $0x4  }
0x2fa: {  	v4 =	vshll.u32 v3, $0x1  }
0x2fb: {  	v3 =	vand.u32 $0x7, v3;
	v4 =	vand.u32 $0xFFFFFFF0, v4  }
0x2fc: {  	v3 =	vor.u32 v3, v4  }
0x2fd: {  	v4 =	vperm.xlane v3, v0;
	_ =	sdelay $0x1  }
0x2fe: {  	v3 =	vperm.xlane v3, v2;
	v4 =	vadd.s32 v1, v4;
	_ =	sdelay $0x1  }
0x2ff: {  	v3 =	vadd.s32 v1, v3;
	_ =	sdelay $0x1  }
0x300: {  	s9 =	simm.s32 $0x6F00  }
0x301: {  	[tilespmem:s9], [sflag:$0x1] =	stream.indirect_vreg.gather [hbm4b:s5+s3], $0x80, v4, vm0, $0xb8;
	v63 =	vld [tilespmem:$0x0]  }
0x302: {  	s10 =	simm.s32 $0x7700  }
0x303: {  	[tilespmem:s10], [sflag:$0x1] =	stream.indirect_vreg.gather [hbm4b:s5+s3], $0x80, v3, vm0, $0xb8;
	v63 =	vld [tilespmem:$0x0]  }
0x304: {  	v3 =	vld [tilespmem:s11+$0x27A0];
	_ =	sdelay $0x4  }
0x305: {  	v4 =	vshll.u32 v3, $0x1  }
0x306: {  	v3 =	vand.u32 $0x7, v3;
	v4 =	vand.u32 $0xFFFFFFF0, v4  }
0x307: {  	v3 =	vor.u32 v3, v4  }
0x308: {  	v4 =	vperm.xlane v3, v0;
	_ =	sdelay $0x1  }
0x309: {  	v3 =	vperm.xlane v3, v2;
	v4 =	vadd.s32 v1, v4;
	_ =	sdelay $0x1  }
0x30a: {  	v3 =	vadd.s32 v1, v3;
	_ =	sdelay $0x1  }
0x30b: {  	s12 =	simm.s32 $0x8F00  }
0x30c: {  	[tilespmem:s12], [sflag:$0x1] =	stream.indirect_vreg.gather [hbm4b:s6+s3], $0x80, v4, vm0, $0xb8;
	v63 =	vld [tilespmem:$0x0]  }
0x30d: {  	s15 =	simm.s32 $0x9700  }
0x30e: {  	[tilespmem:s15], [sflag:$0x1] =	stream.indirect_vreg.gather [hbm4b:s6+s3], $0x80, v3, vm0, $0xb8;
	v63 =	vld [tilespmem:$0x0]  }
0x30f: {  	_ =	swait.ge [sflag:s1], $0x1000  }
0x310: {  	[sflag:s1] =	ssyncset.done $0x0  }
0x311: {  	[sflag:s1] =	ssyncadd.s32 $0xFFFFF000  }
0x312: {  	_ =	swait.ge [sflag:s1], $0x1000  }
0x313: {  	[sflag:s1] =	ssyncset.done $0x0  }
0x314: {  	[sflag:s1] =	ssyncadd.s32 $0xFFFFF000  }
0x315: {  	_ =	swait.ge [sflag:s1], $0x1000  }
0x316: {  	[sflag:s1] =	ssyncset.done $0x0  }
0x317: {  	s8 =	simm.s32 @!p0 $0x4;
	[sflag:s1] =	ssyncadd.s32 $0xFFFFF000  }
0x318: {  	s17 =	simm.s32 $0x0;
	s16 =	simm.s32 $0x0;
	_ =	swait.ge @!p0 [sflag:s8], $0x800  }
0x319: {  	s9 =	sand.u32 $0x800, s16;
	s10 =	sand.u32 $0x300, s17;
	[sflag:s8] =	ssyncset.done @!p0 $0x0  }
0x31a: {  	s26 =	sor.u32 s10, s9;
	[sflag:s8] =	ssyncadd.s32 @!p0 $0xFFFFF800  }
0x31b: {  	v3 =	vld [tilespmem:s26+$0x7F00]  }
0x31c: {  	v4 =	vld [tilespmem:s26+$0x9F00];
	_ =	sdelay $0x1  }
0x31d: {  	v5 =	vld [tilespmem:s26+$0x5F00];
	_ =	sdelay $0x2  }
0x31e: {  	v3 =	vadd.f32 v4, v3;
	_ =	sdelay $0x1  }
0x31f: {  	s18 =	simm.s32 $0x80;
	v3 =	vadd.f32 v5, v3  }
0x320: {  	s8 =	sand.u32 $0x380, s18  }
0x321: {  	s17 =	sor.u32 s9, s8;
	v3 =	vsub.f32 $0.0e+00, v3  }
0x322: {  	v4 =	vld [tilespmem:s17+$0x7F00]  }
0x323: {  	v5 =	vld [tilespmem:s17+$0x9F00];
	v3 =	vmul.f32 $1.442695020e+00, v3;
	_ =	sdelay $0x1  }
0x324: {  	v6 =	vld [tilespmem:s17+$0x5F00];
	(erf) = vpow2.f32 v3;
	_ =	sdelay $0x2  }
0x325: {  	v3 =	vadd.f32 v5, v4;
	_ =	sdelay $0x1  }
0x326: {  	v3 =	vadd.f32 v6, v3;
	_ =	sdelay $0x1  }
0x327: {  	v3 =	vsub.f32 $0.0e+00, v3;
	_ =	sdelay $0x1  }
0x328: {  	v3 =	vmul.f32 $1.442695020e+00, v3;
	v4 =	vpop (erf)  }
0x329: {  	v4 =	vadd.f32 $1.000000000e+00, v4  }
0x32a: {  	(erf) = vpow2.f32 v3  }
0x32b: {  	v3 =	vld [tilespmem:s26+$0x8300];
	(erf) = vrcp.f32 v4  }
0x32c: {  	v4 =	vld [tilespmem:s26+$0xA300];
	_ =	sdelay $0x1  }
0x32d: {  	v5 =	vld [tilespmem:s26+$0x6300];
	_ =	sdelay $0x2  }
0x32e: {  	v3 =	vadd.f32 v4, v3;
	_ =	sdelay $0x1  }
0x32f: {  	v4 =	vpop (erf);
	v3 =	vadd.f32 v5, v3  }
0x330: {  	v4 =	vadd.f32 $1.000000000e+00, v4;
	v5 =	vpop (erf)  }
0x331: {  	v6 =	vld [tilespmem:s17+$0x8300];
	v3 =	vmul.f32 v5, v3  }
0x332: {  	s9 =	simm.s32 $0xB780;
	(erf) = vrcp.f32 v4;
	v5 =	vld [tilespmem:s17+$0xA300]  }
0x333: {  	v4 =	vld [tilespmem:s17+$0x6300];
	[tilespmem:s9+$0xFFFFFF80] =	vst v3  }
0x334: {  	v3 =	vld [tilespmem:s26+$0x7F10]  }
0x335: {  	v7 =	vld [tilespmem:s26+$0x9F10];
	_ =	sdelay $0x1  }
0x336: {  	v8 =	vld [tilespmem:s26+$0x5F10];
	v5 =	vadd.f32 v5, v6;
	_ =	sdelay $0x2  }
0x337: {  	v4 =	vadd.f32 v4, v5;
	v3 =	vadd.f32 v7, v3  }
0x338: {  	v5 =	vpop (erf)  }
0x339: {  	v4 =	vmul.f32 v5, v4;
	v3 =	vadd.f32 v8, v3;
	_ =	sdelay $0x1  }
0x33a: {  	[tilespmem:s9+$0x0] =	vst v4;
	v3 =	vsub.f32 $0.0e+00, v3  }
0x33b: {  	v4 =	vld [tilespmem:s17+$0x7F10]  }
0x33c: {  	v5 =	vld [tilespmem:s17+$0x9F10];
	v3 =	vmul.f32 $1.442695020e+00, v3;
	_ =	sdelay $0x1  }
0x33d: {  	v6 =	vld [tilespmem:s17+$0x5F10];
	(erf) = vpow2.f32 v3;
	_ =	sdelay $0x2  }
0x33e: {  	v3 =	vadd.f32 v5, v4;
	_ =	sdelay $0x1  }
0x33f: {  	v3 =	vadd.f32 v6, v3;
	_ =	sdelay $0x1  }
0x340: {  	v3 =	vsub.f32 $0.0e+00, v3;
	_ =	sdelay $0x1  }
0x341: {  	v3 =	vmul.f32 $1.442695020e+00, v3;
	v4 =	vpop (erf)  }
0x342: {  	v4 =	vadd.f32 $1.000000000e+00, v4  }
0x343: {  	(erf) = vpow2.f32 v3  }
0x344: {  	v3 =	vld [tilespmem:s26+$0x8310];
	(erf) = vrcp.f32 v4  }
0x345: {  	v4 =	vld [tilespmem:s26+$0xA310];
	_ =	sdelay $0x1  }
0x346: {  	v5 =	vld [tilespmem:s26+$0x6310];
	_ =	sdelay $0x2  }
0x347: {  	v3 =	vadd.f32 v4, v3;
	_ =	sdelay $0x1  }
0x348: {  	v3 =	vadd.f32 v5, v3;
	v4 =	vpop (erf)  }
0x349: {  	v5 =	vpop (erf)  }
0x34a: {  	v3 =	vmul.f32 v5, v3  }
0x34b: {  	v7 =	vld [tilespmem:s17+$0xA310]  }
0x34c: {  	v5 =	vld [tilespmem:s17+$0x8310];
	[tilespmem:s9+$0xFFFFFF90] =	vst v3;
	v3 =	vadd.f32 $1.000000000e+00, v4  }
0x34d: {  	v4 =	vld [tilespmem:s26+$0x7F20]  }
0x34e: {  	v6 =	vld [tilespmem:s26+$0x9F20];
	(erf) = vrcp.f32 v3;
	_ =	sdelay $0x1  }
0x34f: {  	v3 =	vld [tilespmem:s26+$0x5F20]  }
0x350: {  	v8 =	vld [tilespmem:s17+$0x6310];
	_ =	sdelay $0x1  }
0x351: {  	v5 =	vadd.f32 v7, v5;
	v4 =	vadd.f32 v6, v4;
	_ =	sdelay $0x1  }
0x352: {  	v3 =	vadd.f32 v3, v4  }
0x353: {  	v4 =	vadd.f32 v8, v5  }
0x354: {  	v3 =	vsub.f32 $0.0e+00, v3;
	v5 =	vpop (erf)  }
0x355: {  	v4 =	vmul.f32 v5, v4  }
0x356: {  	v3 =	vmul.f32 $1.442695020e+00, v3  }
0x357: {  	s19 =	simm.s32 $0x100;
	s20 =	simm.s32 $0x200;
	[tilespmem:s9+$0x10] =	vst v4  }
0x358: {  	s10 =	sand.u32 $0x800, s20;
	s8 =	sand.u32 $0x300, s19;
	(erf) = vpow2.f32 v3;
	v3 =	vld [tilespmem:s17+$0x7F20]  }
0x359: {  	s11 =	sor.u32 s8, s10;
	v4 =	vld [tilespmem:s17+$0x9F20]  }
0x35a: {  	v7 =	vld [tilespmem:s11+$0x9F00]  }
0x35b: {  	v5 =	vld [tilespmem:s17+$0x5F20]  }
0x35c: {  	v6 =	vld [tilespmem:s11+$0x7F00];
	_ =	sdelay $0x1  }
0x35d: {  	v3 =	vadd.f32 v4, v3;
	v4 =	vld [tilespmem:s11+$0x5F00];
	_ =	sdelay $0x1  }
0x35e: {  	v3 =	vadd.f32 v5, v3  }
0x35f: {  	v6 =	vadd.f32 v7, v6;
	v5 =	vpop (erf)  }
0x360: {  	v5 =	vadd.f32 $1.000000000e+00, v5;
	v3 =	vsub.f32 $0.0e+00, v3  }
0x361: {  	s21 =	simm.s32 $0x180;
	v4 =	vadd.f32 v4, v6;
	v6 =	vld [tilespmem:s26+$0x8320]  }
0x362: {  	s8 =	sand.u32 $0x380, s21;
	(erf) = vrcp.f32 v5;
	v3 =	vmul.f32 $1.442695020e+00, v3;
	v5 =	vld [tilespmem:s26+$0xA320]  }
0x363: {  	s10 =	sor.u32 s10, s8;
	v4 =	vsub.f32 $0.0e+00, v4  }
0x364: {  	v8 =	vld [tilespmem:s10+$0x9F00];
	(erf) = vpow2.f32 v3  }
0x365: {  	v3 =	vld [tilespmem:s26+$0x6320];
	v4 =	vmul.f32 $1.442695020e+00, v4  }
0x366: {  	v7 =	vld [tilespmem:s10+$0x7F00]  }
0x367: {  	(erf) = vpow2.f32 v4;
	v4 =	vadd.f32 v5, v6  }
0x368: {  	v9 =	vld [tilespmem:s10+$0x5F00];
	_ =	sdelay $0x1  }
0x369: {  	v3 =	vadd.f32 v3, v4  }
0x36a: {  	v5 =	vadd.f32 v8, v7;
	v4 =	vpop (erf)  }
0x36b: {  	v3 =	vmul.f32 v4, v3  }
0x36c: {  	v5 =	vadd.f32 v9, v5;
	v6 =	vpop (erf)  }
0x36d: {  	v8 =	vld [tilespmem:s17+$0xA320];
	[tilespmem:s9+$0xFFFFFFA0] =	vst v3;
	v3 =	vadd.f32 $1.000000000e+00, v6  }
0x36e: {  	v5 =	vsub.f32 $0.0e+00, v5;
	v6 =	vld [tilespmem:s26+$0x7F30]  }
0x36f: {  	v7 =	vld [tilespmem:s26+$0x9F30];
	(erf) = vrcp.f32 v3  }
0x370: {  	v4 =	vld [tilespmem:s17+$0x8320];
	v5 =	vmul.f32 $1.442695020e+00, v5  }
0x371: {  	v9 =	vld [tilespmem:s17+$0x6320];
	v3 =	vpop (erf)  }
0x372: {  	(erf) = vpow2.f32 v5;
	v5 =	vld [tilespmem:s26+$0x5F30];
	v3 =	vadd.f32 $1.000000000e+00, v3;
	_ =	sdelay $0x1  }
0x373: {  	v10 =	vld [tilespmem:s11+$0x8300];
	v6 =	vadd.f32 v7, v6;
	(erf) = vrcp.f32 v3  }
0x374: {  	v4 =	vadd.f32 v8, v4;
	v3 =	vld [tilespmem:s11+$0xA300];
	_ =	sdelay $0x1  }
0x375: {  	v4 =	vadd.f32 v9, v4;
	v7 =	vld [tilespmem:s11+$0x6300];
	v5 =	vadd.f32 v5, v6  }
0x376: {  	v6 =	vpop (erf)  }
0x377: {  	v5 =	vsub.f32 $0.0e+00, v5;
	v4 =	vmul.f32 v6, v4  }
0x378: {  	v3 =	vadd.f32 v3, v10  }
0x379: {  	v5 =	vmul.f32 $1.442695020e+00, v5  }
0x37a: {  	v8 =	vld [tilespmem:s10+$0x8300];
	v6 =	vpop (erf);
	v3 =	vadd.f32 v7, v3;
	[tilespmem:s9+$0x20] =	vst v4  }
0x37b: {  	v6 =	vadd.f32 $1.000000000e+00, v6;
	(erf) = vpow2.f32 v5;
	v5 =	vld [tilespmem:s17+$0x7F30];
	v4 =	vpop (erf)  }
0x37c: {  	v3 =	vmul.f32 v4, v3;
	v4 =	vld [tilespmem:s17+$0x9F30]  }
0x37d: {  	v9 =	vld [tilespmem:s10+$0xA300];
	(erf) = vrcp.f32 v6  }
0x37e: {  	s15 =	simm.s32 $0xB880;
	v6 =	vld [tilespmem:s17+$0x5F30]  }
0x37f: {  	v7 =	vld [tilespmem:s10+$0x6300];
	[tilespmem:s15+$0xFFFFFF80] =	vst v3  }
0x380: {  	v3 =	vld [tilespmem:s11+$0x7F10]  }
0x381: {  	v10 =	vld [tilespmem:s11+$0x9F10];
	v4 =	vadd.f32 v4, v5  }
0x382: {  	v8 =	vadd.f32 v9, v8  }
0x383: {  	v5 =	vld [tilespmem:s11+$0x5F10];
	v4 =	vadd.f32 v6, v4;
	_ =	sdelay $0x1  }
0x384: {  	v7 =	vadd.f32 v7, v8;
	v6 =	vpop (erf);
	v4 =	vsub.f32 $0.0e+00, v4  }
0x385: {  	v3 =	vadd.f32 v10, v3;
	v8 =	vpop (erf);
	v6 =	vadd.f32 $1.000000000e+00, v6  }
0x386: {  	v7 =	vmul.f32 v8, v7;
	v4 =	vmul.f32 $1.442695020e+00, v4  }
0x387: {  	v3 =	vadd.f32 v5, v3;
	v5 =	vld [tilespmem:s26+$0x8330];
	(erf) = vrcp.f32 v6  }
0x388: {  	v6 =	vld [tilespmem:s26+$0xA330];
	[tilespmem:s15+$0x0] =	vst v7;
	(erf) = vpow2.f32 v4  }
0x389: {  	v3 =	vsub.f32 $0.0e+00, v3;
	v7 =	vld [tilespmem:s10+$0x7F10]  }
0x38a: {  	v8 =	vld [tilespmem:s10+$0x9F10]  }
0x38b: {  	v4 =	vld [tilespmem:s26+$0x6330];
	v3 =	vmul.f32 $1.442695020e+00, v3;
	_ =	sdelay $0x1  }
0x38c: {  	v9 =	vld [tilespmem:s10+$0x5F10];
	(erf) = vpow2.f32 v3  }
0x38d: {  	v3 =	vadd.f32 v6, v5;
	_ =	sdelay $0x1  }
0x38e: {  	v3 =	vadd.f32 v4, v3;
	v4 =	vadd.f32 v8, v7;
	v5 =	vpop (erf)  }
0x38f: {  	v6 =	vpop (erf)  }
0x390: {  	v3 =	vmul.f32 v5, v3;
	v4 =	vadd.f32 v9, v4;
	v6 =	vadd.f32 $1.000000000e+00, v6  }
0x391: {  	v7 =	vld [tilespmem:s17+$0xA330]  }
0x392: {  	v5 =	vld [tilespmem:s17+$0x8330];
	[tilespmem:s9+$0xFFFFFFB0] =	vst v3;
	v3 =	vsub.f32 $0.0e+00, v4;
	(erf) = vrcp.f32 v6  }
0x393: {  	v4 =	vld [tilespmem:s26+$0x7F40]  }
0x394: {  	v3 =	vmul.f32 $1.442695020e+00, v3;
	v6 =	vld [tilespmem:s26+$0x9F40];
	v8 =	vpop (erf)  }
0x395: {  	v9 =	vld [tilespmem:s17+$0x6330];
	v8 =	vadd.f32 $1.000000000e+00, v8  }
0x396: {  	v10 =	vld [tilespmem:s26+$0x5F40];
	(erf) = vpow2.f32 v3  }
0x397: {  	v3 =	vld [tilespmem:s11+$0x8310];
	(erf) = vrcp.f32 v8  }
0x398: {  	v5 =	vadd.f32 v7, v5;
	v8 =	vld [tilespmem:s11+$0xA310]  }
0x399: {  	v4 =	vadd.f32 v6, v4  }
0x39a: {  	v5 =	vadd.f32 v9, v5;
	v6 =	vld [tilespmem:s11+$0x6310]  }
0x39b: {  	v4 =	vadd.f32 v10, v4;
	v7 =	vpop (erf)  }
0x39c: {  	v5 =	vmul.f32 v7, v5  }
0x39d: {  	v3 =	vadd.f32 v8, v3;
	v4 =	vsub.f32 $0.0e+00, v4;
	_ =	sdelay $0x1  }
0x39e: {  	v8 =	vld [tilespmem:s10+$0xA310];
	v3 =	vadd.f32 v6, v3;
	v6 =	vpop (erf);
	v4 =	vmul.f32 $1.442695020e+00, v4;
	[tilespmem:s9+$0x30] =	vst v5  }
0x39f: {  	v9 =	vld [tilespmem:s17+$0x7F40];
	v5 =	vpop (erf)  }
0x3a0: {  	(erf) = vpow2.f32 v4;
	v4 =	vadd.f32 $1.000000000e+00, v6;
	v3 =	vmul.f32 v5, v3;
	v5 =	vld [tilespmem:s17+$0x9F40]  }
0x3a1: {  	v7 =	vld [tilespmem:s10+$0x8310]  }
0x3a2: {  	v6 =	vld [tilespmem:s17+$0x5F40];
	(erf) = vrcp.f32 v4;
	[tilespmem:s15+$0xFFFFFF90] =	vst v3  }
0x3a3: {  	v3 =	vld [tilespmem:s11+$0x7F20]  }
0x3a4: {  	v4 =	vld [tilespmem:s11+$0x9F20]  }
0x3a5: {  	v10 =	vld [tilespmem:s10+$0x6310];
	v5 =	vadd.f32 v5, v9;
	_ =	sdelay $0x1  }
0x3a6: {  	v9 =	vld [tilespmem:s11+$0x5F20];
	v5 =	vadd.f32 v6, v5  }
0x3a7: {  	v6 =	vadd.f32 v8, v7  }
0x3a8: {  	v7 =	vpop (erf);
	v3 =	vadd.f32 v4, v3;
	v4 =	vsub.f32 $0.0e+00, v5  }
0x3a9: {  	v5 =	vadd.f32 $1.000000000e+00, v7;
	v6 =	vadd.f32 v10, v6  }
0x3aa: {  	v8 =	vld [tilespmem:s26+$0x8340];
	v7 =	vpop (erf);
	v4 =	vmul.f32 $1.442695020e+00, v4  }
0x3ab: {  	v3 =	vadd.f32 v9, v3;
	(erf) = vrcp.f32 v5;
	v5 =	vmul.f32 v7, v6;
	v6 =	vld [tilespmem:s26+$0xA340]  }
0x3ac: {  	(erf) = vpow2.f32 v4  }
0x3ad: {  	v3 =	vsub.f32 $0.0e+00, v3  }
0x3ae: {  	v4 =	vld [tilespmem:s26+$0x6340]  }
0x3af: {  	s22 =	simm.s32 $0x200;
	s23 =	simm.s32 $0x400;
	[tilespmem:s15+$0x10] =	vst v5;
	v3 =	vmul.f32 $1.442695020e+00, v3  }
0x3b0: {  	s24 =	sand.u32 $0x800, s23;
	s8 =	sand.u32 $0x300, s22;
	v5 =	vld [tilespmem:s10+$0x7F20];
	v6 =	vadd.f32 v6, v8  }
0x3b1: {  	s12 =	sor.u32 s8, s24;
	v7 =	vld [tilespmem:s10+$0x9F20];
	(erf) = vpow2.f32 v3  }
0x3b2: {  	v12 =	vld [tilespmem:s12+$0x5F00]  }
0x3b3: {  	v8 =	vld [tilespmem:s10+$0x5F20];
	v4 =	vadd.f32 v4, v6  }
0x3b4: {  	v10 =	vld [tilespmem:s12+$0x7F00];
	v6 =	vpop (erf)  }
0x3b5: {  	v9 =	vld [tilespmem:s17+$0xA340];
	v4 =	vmul.f32 v6, v4;
	v11 =	vpop (erf)  }
0x3b6: {  	v5 =	vadd.f32 v7, v5;
	v6 =	vld [tilespmem:s12+$0x9F00];
	v11 =	vadd.f32 $1.000000000e+00, v11  }
0x3b7: {  	v3 =	vld [tilespmem:s17+$0x8340];
	[tilespmem:s9+$0xFFFFFFC0] =	vst v4  }
0x3b8: {  	v5 =	vadd.f32 v8, v5;
	v4 =	vld [tilespmem:s26+$0x7F50];
	(erf) = vrcp.f32 v11  }
0x3b9: {  	s25 =	simm.s32 $0x280;
	v8 =	vld [tilespmem:s26+$0x9F50]  }
0x3ba: {  	s8 =	sand.u32 $0x380, s25;
	v7 =	vld [tilespmem:s17+$0x6340];
	v5 =	vsub.f32 $0.0e+00, v5;
	v11 =	vpop (erf)  }
0x3bb: {  	s16 =	sor.u32 s24, s8;
	v6 =	vadd.f32 v6, v10;
	v10 =	vadd.f32 $1.000000000e+00, v11;
	v11 =	vld [tilespmem:s26+$0x5F50]  }
0x3bc: {  	v13 =	vld [tilespmem:s16+$0x7F00]  }
0x3bd: {  	v5 =	vmul.f32 $1.442695020e+00, v5;
	v6 =	vadd.f32 v12, v6;
	v12 =	vld [tilespmem:s11+$0x8320];
	(erf) = vrcp.f32 v10  }
0x3be: {  	v3 =	vadd.f32 v9, v3;
	v4 =	vadd.f32 v8, v4;
	v10 =	vld [tilespmem:s11+$0xA320]  }
0x3bf: {  	v14 =	vld [tilespmem:s16+$0x9F00];
	(erf) = vpow2.f32 v5;
	v5 =	vsub.f32 $0.0e+00, v6  }
0x3c0: {  	v3 =	vadd.f32 v7, v3;
	v6 =	vld [tilespmem:s11+$0x6320];
	v4 =	vadd.f32 v11, v4  }
0x3c1: {  	v7 =	vld [tilespmem:s16+$0x5F00];
	v5 =	vmul.f32 $1.442695020e+00, v5;
	v8 =	vpop (erf)  }
0x3c2: {  	v4 =	vsub.f32 $0.0e+00, v4;
	v3 =	vmul.f32 v8, v3  }
0x3c3: {  	(erf) = vpow2.f32 v5;
	v5 =	vadd.f32 v10, v12  }
0x3c4: {  	v8 =	vadd.f32 v14, v13;
	v4 =	vmul.f32 $1.442695020e+00, v4  }
0x3c5: {  	v5 =	vadd.f32 v6, v5;
	[tilespmem:s9+$0x40] =	vst v3  }
0x3c6: {  	v3 =	vpop (erf);
	(erf) = vpow2.f32 v4;
	v4 =	vadd.f32 v7, v8;
	v8 =	vld [tilespmem:s17+$0x9F50]  }
0x3c7: {  	v3 =	vmul.f32 v3, v5;
	v5 =	vld [tilespmem:s17+$0x7F50];
	_ =	sdelay $0x1  }
0x3c8: {  	v10 =	vld [tilespmem:s10+$0xA320];
	v7 =	vpop (erf)  }
0x3c9: {  	v6 =	vld [tilespmem:s10+$0x8320];
	v7 =	vadd.f32 $1.000000000e+00, v7  }
0x3ca: {  	v4 =	vsub.f32 $0.0e+00, v4;
	[tilespmem:s15+$0xFFFFFFA0] =	vst v3;
	v3 =	vld [tilespmem:s17+$0x5F50]  }
0x3cb: {  	v9 =	vld [tilespmem:s11+$0x7F30];
	(erf) = vrcp.f32 v7;
	v5 =	vadd.f32 v8, v5  }
0x3cc: {  	v4 =	vmul.f32 $1.442695020e+00, v4;
	v7 =	vld [tilespmem:s11+$0x9F30]  }
0x3cd: {  	v12 =	vld [tilespmem:s10+$0x6320];
	v11 =	vpop (erf)  }
0x3ce: {  	v11 =	vadd.f32 $1.000000000e+00, v11;
	(erf) = vpow2.f32 v4;
	v4 =	vld [tilespmem:s11+$0x5F30]  }
0x3cf: {  	v3 =	vadd.f32 v3, v5;
	v5 =	vpop (erf)  }
0x3d0: {  	v6 =	vadd.f32 v10, v6;
	v8 =	vld [tilespmem:s12+$0x8300];
	(erf) = vrcp.f32 v11;
	v5 =	vadd.f32 $1.000000000e+00, v5  }
0x3d1: {  	v11 =	vld [tilespmem:s12+$0xA300];
	v7 =	vadd.f32 v7, v9;
	v3 =	vsub.f32 $0.0e+00, v3  }
0x3d2: {  	v13 =	vld [tilespmem:s26+$0xA350]  }
0x3d3: {  	v10 =	vld [tilespmem:s12+$0x6300];
	v6 =	vadd.f32 v12, v6;
	v4 =	vadd.f32 v4, v7;
	v3 =	vmul.f32 $1.442695020e+00, v3  }
0x3d4: {  	v14 =	vld [tilespmem:s17+$0xA350];
	(erf) = vrcp.f32 v5;
	v5 =	vpop (erf)  }
0x3d5: {  	v12 =	vld [tilespmem:s26+$0x8350];
	v4 =	vsub.f32 $0.0e+00, v4;
	v5 =	vmul.f32 v5, v6  }
0x3d6: {  	v9 =	vld [tilespmem:s16+$0x8300];
	v6 =	vadd.f32 v11, v8  }
0x3d7: {  	v7 =	vld [tilespmem:s16+$0xA300];
	(erf) = vpow2.f32 v3;
	v4 =	vmul.f32 $1.442695020e+00, v4;
	v3 =	vpop (erf)  }
0x3d8: {  	v11 =	vld [tilespmem:s26+$0x6350];
	v3 =	vadd.f32 $1.000000000e+00, v3;
	v6 =	vadd.f32 v10, v6  }
0x3d9: {  	v8 =	vld [tilespmem:s16+$0x6300];
	(erf) = vpow2.f32 v4;
	[tilespmem:s15+$0x20] =	vst v5;
	v5 =	vpop (erf)  }
0x3da: {  	v4 =	vld [tilespmem:s10+$0x7F30];
	(erf) = vrcp.f32 v3;
	v5 =	vmul.f32 v5, v6  }
0x3db: {  	s23 =	simm.s32 $0xB980;
	v3 =	vld [tilespmem:s10+$0x9F30];
	v6 =	vadd.f32 v13, v12  }
0x3dc: {  	v12 =	vld [tilespmem:s10+$0x5F30];
	[tilespmem:s23+$0xFFFFFF80] =	vst v5  }
0x3dd: {  	v5 =	vadd.f32 v11, v6;
	v6 =	vld [tilespmem:s12+$0x7F10]  }
0x3de: {  	v11 =	vpop (erf);
	v13 =	vld [tilespmem:s12+$0x9F10]  }
0x3df: {  	v10 =	vld [tilespmem:s17+$0x8350];
	v5 =	vmul.f32 v11, v5  }
0x3e0: {  	v7 =	vadd.f32 v7, v9;
	v9 =	vpop (erf);
	v3 =	vadd.f32 v3, v4;
	v4 =	vld [tilespmem:s12+$0x5F10]  }
0x3e1: {  	v11 =	vld [tilespmem:s17+$0x6350];
	[tilespmem:s9+$0xFFFFFFD0] =	vst v5;
	v5 =	vadd.f32 $1.000000000e+00, v9  }
0x3e2: {  	v7 =	vadd.f32 v8, v7;
	v3 =	vadd.f32 v12, v3;
	v9 =	vpop (erf);
	v8 =	vld [tilespmem:s26+$0x7F60]  }
0x3e3: {  	v12 =	vld [tilespmem:s26+$0x9F60];
	(erf) = vrcp.f32 v5;
	v5 =	vadd.f32 v13, v6;
	v6 =	vpop (erf)  }
0x3e4: {  	v9 =	vadd.f32 $1.000000000e+00, v9;
	v3 =	vsub.f32 $0.0e+00, v3;
	v13 =	vld [tilespmem:s26+$0x5F60];
	v6 =	vmul.f32 v6, v7  }
0x3e5: {  	v4 =	vadd.f32 v4, v5;
	v5 =	vld [tilespmem:s11+$0x8330]  }
0x3e6: {  	(erf) = vrcp.f32 v9;
	v3 =	vmul.f32 $1.442695020e+00, v3;
	[tilespmem:s23+$0x0] =	vst v6;
	v6 =	vld [tilespmem:s11+$0xA330]  }
0x3e7: {  	v7 =	vld [tilespmem:s16+$0x7F10]  }
0x3e8: {  	v4 =	vsub.f32 $0.0e+00, v4;
	(erf) = vpow2.f32 v3;
	v3 =	vadd.f32 v12, v8;
	v8 =	vld [tilespmem:s11+$0x6330]  }
0x3e9: {  	v9 =	vadd.f32 v14, v10;
	v10 =	vld [tilespmem:s16+$0x9F10]  }
0x3ea: {  	v4 =	vmul.f32 $1.442695020e+00, v4  }
0x3eb: {  	v9 =	vadd.f32 v11, v9;
	v3 =	vadd.f32 v13, v3  }
0x3ec: {  	v11 =	vld [tilespmem:s16+$0x5F10];
	(erf) = vpow2.f32 v4;
	v4 =	vadd.f32 v6, v5  }
0x3ed: {  	v3 =	vsub.f32 $0.0e+00, v3;
	v6 =	vpop (erf)  }
0x3ee: {  	v7 =	vadd.f32 v10, v7;
	v6 =	vmul.f32 v6, v9;
	v4 =	vadd.f32 v8, v4  }
0x3ef: {  	v3 =	vmul.f32 $1.442695020e+00, v3;
	v9 =	vpop (erf)  }
0x3f0: {  	v12 =	vld [tilespmem:s10+$0xA330];
	[tilespmem:s9+$0x50] =	vst v6;
	v4 =	vmul.f32 v9, v4  }
0x3f1: {  	(erf) = vpow2.f32 v3;
	v6 =	vadd.f32 v11, v7;
	v3 =	vld [tilespmem:s17+$0x7F60]  }
0x3f2: {  	v7 =	vpop (erf);
	v9 =	vld [tilespmem:s17+$0x9F60];
	[tilespmem:s15+$0xFFFFFFB0] =	vst v4  }
0x3f3: {  	v4 =	vadd.f32 $1.000000000e+00, v7;
	v6 =	vsub.f32 $0.0e+00, v6;
	v7 =	vld [tilespmem:s11+$0x7F40]  }
0x3f4: {  	v11 =	vld [tilespmem:s11+$0x9F40]  }
0x3f5: {  	v13 =	vld [tilespmem:s17+$0x5F60]  }
0x3f6: {  	v14 =	vld [tilespmem:s11+$0x5F40];
	(erf) = vrcp.f32 v4  }
0x3f7: {  	v5 =	vld [tilespmem:s10+$0x8330];
	v4 =	vmul.f32 $1.442695020e+00, v6;
	v6 =	vpop (erf)  }
0x3f8: {  	v8 =	vld [tilespmem:s10+$0x6330];
	v6 =	vadd.f32 $1.000000000e+00, v6  }
0x3f9: {  	(erf) = vpow2.f32 v4;
	v3 =	vadd.f32 v9, v3;
	v4 =	vld [tilespmem:s12+$0x8310];
	v7 =	vadd.f32 v11, v7  }
0x3fa: {  	(erf) = vrcp.f32 v6;
	v6 =	vld [tilespmem:s12+$0xA310]  }
0x3fb: {  	v3 =	vadd.f32 v13, v3;
	v13 =	vadd.f32 v14, v7  }
0x3fc: {  	v5 =	vadd.f32 v12, v5;
	v9 =	vpop (erf)  }
0x3fd: {  	v36 =	vld [tilespmem:s26+$0xA360];
	v9 =	vadd.f32 $1.000000000e+00, v9  }
0x3fe: {  	v12 =	vld [tilespmem:s12+$0x6310];
	v5 =	vadd.f32 v8, v5;
	v3 =	vsub.f32 $0.0e+00, v3  }
0x3ff: {  	v14 =	vld [tilespmem:s26+$0x8360];
	(erf) = vrcp.f32 v9;
	v8 =	vsub.f32 $0.0e+00, v13;
	v13 =	vpop (erf);
	v4 =	vadd.f32 v6, v4  }
0x400: {  	v5 =	vmul.f32 v13, v5  }
0x401: {  	v3 =	vmul.f32 $1.442695020e+00, v3  }
0x402: {  	v13 =	vld [tilespmem:s26+$0x6360]  }
0x403: {  	v15 =	vld [tilespmem:s16+$0xA310];
	v6 =	vmul.f32 $1.442695020e+00, v8;
	(erf) = vpow2.f32 v3;
	v3 =	vadd.f32 v12, v4;
	v4 =	vpop (erf)  }
0x404: {  	v10 =	vld [tilespmem:s16+$0x8310];
	v12 =	vadd.f32 v36, v14;
	[tilespmem:s15+$0x30] =	vst v5;
	v5 =	vpop (erf)  }
0x405: {  	(erf) = vpow2.f32 v6;
	v6 =	vld [tilespmem:s10+$0x7F40];
	v3 =	vmul.f32 v5, v3  }
0x406: {  	v4 =	vadd.f32 $1.000000000e+00, v4;
	v5 =	vld [tilespmem:s10+$0x9F40]  }
0x407: {  	v14 =	vld [tilespmem:s10+$0x5F40];
	[tilespmem:s23+$0xFFFFFF90] =	vst v3;
	v3 =	vadd.f32 v13, v12  }
0x408: {  	(erf) = vrcp.f32 v4;
	v12 =	vpop (erf);
	v4 =	vld [tilespmem:s12+$0x7F20]  }
0x409: {  	v13 =	vld [tilespmem:s12+$0x9F20];
	v3 =	vmul.f32 v12, v3  }
0x40a: {  	v11 =	vld [tilespmem:s16+$0x6310]  }
0x40b: {  	v5 =	vadd.f32 v5, v6;
	v6 =	vld [tilespmem:s12+$0x5F20];
	_ =	sdelay $0x1  }
0x40c: {  	v10 =	vadd.f32 v15, v10;
	[tilespmem:s9+$0xFFFFFFE0] =	vst v3;
	v5 =	vadd.f32 v14, v5;
	v3 =	vpop (erf)  }
0x40d: {  	v14 =	vld [tilespmem:s26+$0x7F70];
	v4 =	vadd.f32 v13, v4;
	v3 =	vadd.f32 $1.000000000e+00, v3;
	v15 =	vpop (erf)  }
0x40e: {  	v38 =	vld [tilespmem:s26+$0x9F70];
	v5 =	vsub.f32 $0.0e+00, v5;
	v13 =	vadd.f32 $1.000000000e+00, v15  }
0x40f: {  	v10 =	vadd.f32 v11, v10;
	v4 =	vadd.f32 v6, v4;
	v6 =	vld [tilespmem:s11+$0x8340];
	(erf) = vrcp.f32 v3  }
0x410: {  	v11 =	vpop (erf);
	v3 =	vld [tilespmem:s26+$0x5F70];
	v5 =	vmul.f32 $1.442695020e+00, v5;
	(erf) = vrcp.f32 v13  }
0x411: {  	v10 =	vmul.f32 v11, v10;
	v11 =	vld [tilespmem:s11+$0xA340]  }
0x412: {  	v4 =	vsub.f32 $0.0e+00, v4;
	(erf) = vpow2.f32 v5  }
0x413: {  	[tilespmem:s23+$0x10] =	vst v10;
	v10 =	vld [tilespmem:s11+$0x6340]  }
0x414: {  	v5 =	vadd.f32 v38, v14;
	v4 =	vmul.f32 $1.442695020e+00, v4  }
0x415: {  	s18 =	simm.s32 $0x300;
	s8 =	simm.s32 $0x600  }
0x416: {  	s18 =	sand.u32 $0x300, s18;
	s19 =	sand.u32 $0x800, s8;
	v14 =	vld [tilespmem:s16+$0x7F20];
	v3 =	vadd.f32 v3, v5;
	(erf) = vpow2.f32 v4;
	v4 =	vadd.f32 v11, v6  }
0x417: {  	s24 =	sor.u32 s18, s19;
	v5 =	vld [tilespmem:s16+$0x9F20]  }
0x418: {  	v41 =	vld [tilespmem:s24+$0x7F00];
	v3 =	vsub.f32 $0.0e+00, v3;
	v4 =	vadd.f32 v10, v4;
	v39 =	vpop (erf)  }
0x419: {  	v15 =	vld [tilespmem:s16+$0x5F20];
	v6 =	vpop (erf)  }
0x41a: {  	v37 =	vld [tilespmem:s10+$0x8340];
	v3 =	vmul.f32 $1.442695020e+00, v3;
	v4 =	vmul.f32 v6, v4  }
0x41b: {  	v45 =	vld [tilespmem:s12+$0xA320];
	v6 =	vpop (erf)  }
0x41c: {  	(erf) = vpow2.f32 v3;
	v3 =	vadd.f32 v5, v14;
	v5 =	vld [tilespmem:s24+$0x9F00];
	[tilespmem:s15+$0xFFFFFFC0] =	vst v4;
	v4 =	vadd.f32 $1.000000000e+00, v6  }
0x41d: {  	v12 =	vld [tilespmem:s10+$0xA340]  }
0x41e: {  	v14 =	vld [tilespmem:s24+$0x5F00];
	v3 =	vadd.f32 v15, v3  }
0x41f: {  	v6 =	vld [tilespmem:s11+$0x7F50];
	(erf) = vrcp.f32 v4  }
0x420: {  	v15 =	vld [tilespmem:s11+$0x9F50];
	v3 =	vsub.f32 $0.0e+00, v3;
	v4 =	vpop (erf)  }
0x421: {  	v13 =	vld [tilespmem:s10+$0x6340];
	v5 =	vadd.f32 v5, v41;
	v4 =	vadd.f32 $1.000000000e+00, v4  }
0x422: {  	s28 =	simm.s32 $0x380;
	v43 =	vld [tilespmem:s11+$0x5F50]  }
0x423: {  	s18 =	sand.u32 $0x380, s28;
	v3 =	vmul.f32 $1.442695020e+00, v3;
	v5 =	vadd.f32 v14, v5;
	v14 =	vld [tilespmem:s12+$0x8320]  }
0x424: {  	s25 =	sor.u32 s19, s18;
	v56 =	vld [tilespmem:s24+$0x8300];
	(erf) = vrcp.f32 v4  }
0x425: {  	v42 =	vld [tilespmem:s25+$0x7F00];
	(erf) = vpow2.f32 v3;
	v3 =	vadd.f32 v15, v6;
	v6 =	vadd.f32 v12, v37;
	v4 =	vpop (erf)  }
0x426: {  	v5 =	vsub.f32 $0.0e+00, v5;
	v12 =	vld [tilespmem:s12+$0x6320];
	v15 =	vadd.f32 $1.000000000e+00, v4  }
0x427: {  	v44 =	vld [tilespmem:s25+$0x9F00];
	v46 =	vadd.f32 v43, v3;
	v6 =	vadd.f32 v13, v6  }
0x428: {  	v7 =	vld [tilespmem:s17+$0x8360];
	v5 =	vmul.f32 $1.442695020e+00, v5;
	v14 =	vadd.f32 v45, v14;
	v47 =	vpop (erf)  }
0x429: {  	v13 =	vld [tilespmem:s25+$0x5F00];
	(erf) = vrcp.f32 v15;
	v15 =	vsub.f32 $0.0e+00, v46;
	v6 =	vmul.f32 v47, v6  }
0x42a: {  	v9 =	vld [tilespmem:s17+$0xA360]  }
0x42b: {  	v8 =	vld [tilespmem:s17+$0x6360];
	(erf) = vpow2.f32 v5;
	v12 =	vadd.f32 v12, v14;
	v15 =	vmul.f32 $1.442695020e+00, v15  }
0x42c: {  	v49 =	vadd.f32 v44, v42;
	v40 =	vld [tilespmem:s16+$0xA320]  }
0x42d: {  	v11 =	vld [tilespmem:s16+$0x8320];
	[tilespmem:s15+$0x40] =	vst v6;
	v6 =	vpop (erf);
	(erf) = vpow2.f32 v15  }
0x42e: {  	v13 =	vadd.f32 v13, v49;
	v51 =	vld [tilespmem:s10+$0x9F50];
	v6 =	vmul.f32 v6, v12  }
0x42f: {  	v15 =	vld [tilespmem:s10+$0x7F50];
	v12 =	vpop (erf)  }
0x430: {  	v52 =	vld [tilespmem:s10+$0x5F50];
	v13 =	vsub.f32 $0.0e+00, v13;
	v12 =	vadd.f32 $1.000000000e+00, v12;
	[tilespmem:s23+$0xFFFFFFA0] =	vst v6  }
0x431: {  	v53 =	vld [tilespmem:s12+$0x7F30]  }
0x432: {  	(erf) = vrcp.f32 v12;
	v12 =	vmul.f32 $1.442695020e+00, v13;
	v13 =	vld [tilespmem:s12+$0x9F30]  }
0x433: {  	v10 =	vld [tilespmem:s16+$0x6320];
	v6 =	vpop (erf)  }
0x434: {  	v15 =	vadd.f32 v51, v15;
	v54 =	vpop (erf);
	(erf) = vpow2.f32 v12;
	v12 =	vld [tilespmem:s12+$0x5F30]  }
0x435: {  	v58 =	vld [tilespmem:s24+$0xA300];
	v7 =	vadd.f32 v9, v7;
	v23 =	vadd.f32 $1.000000000e+00, v54  }
0x436: {  	v48 =	vld [tilespmem:s25+$0x8300];
	v11 =	vadd.f32 v40, v11;
	v15 =	vadd.f32 v52, v15;
	v57 =	vpop (erf)  }
0x437: {  	v50 =	vld [tilespmem:s25+$0xA300];
	(erf) = vrcp.f32 v23;
	v13 =	vadd.f32 v13, v53;
	v19 =	vadd.f32 $1.000000000e+00, v57  }
0x438: {  	v7 =	vadd.f32 v8, v7;
	v8 =	vld [tilespmem:s24+$0x6300];
	v15 =	vsub.f32 $0.0e+00, v15  }
0x439: {  	v10 =	vadd.f32 v10, v11;
	v59 =	vld [tilespmem:s11+$0xA350];
	v11 =	vadd.f32 v12, v13;
	(erf) = vrcp.f32 v19  }
0x43a: {  	v7 =	vmul.f32 v39, v7;
	v12 =	vld [tilespmem:s11+$0x8350];
	v15 =	vmul.f32 $1.442695020e+00, v15  }
0x43b: {  	v60 =	vld [tilespmem:s11+$0x6350];
	v11 =	vsub.f32 $0.0e+00, v11  }
0x43c: {  	[tilespmem:s9+$0x60] =	vst v7;
	v7 =	vadd.f32 v58, v56;
	v3 =	vld [tilespmem:s26+$0x8370];
	v13 =	vpop (erf)  }
0x43d: {  	v4 =	vld [tilespmem:s26+$0xA370];
	v10 =	vmul.f32 v13, v10;
	v11 =	vmul.f32 $1.442695020e+00, v11  }
0x43e: {  	v7 =	vadd.f32 v8, v7;
	v5 =	vld [tilespmem:s26+$0x6370];
	(erf) = vpow2.f32 v15;
	v15 =	vpop (erf)  }
0x43f: {  	v14 =	vld [tilespmem:s25+$0x6300];
	[tilespmem:s23+$0x20] =	vst v10;
	v8 =	vadd.f32 $1.000000000e+00, v15;
	(erf) = vpow2.f32 v11;
	v11 =	vadd.f32 v59, v12  }
0x440: {  	v15 =	vld [tilespmem:s16+$0x7F30];
	v61 =	vpop (erf)  }
0x441: {  	v62 =	vld [tilespmem:s16+$0x9F30];
	(erf) = vrcp.f32 v8;
	v7 =	vmul.f32 v61, v7;
	v11 =	vadd.f32 v60, v11  }
0x442: {  	s26 =	simm.s32 $0xBA80;
	v55 =	vld [tilespmem:s10+$0x8350];
	v23 =	vpop (erf)  }
0x443: {  	v8 =	vld [tilespmem:s16+$0x5F30];
	[tilespmem:s26+$0xFFFFFF80] =	vst v7;
	v11 =	vmul.f32 v23, v11  }
0x444: {  	v25 =	vld [tilespmem:s24+$0x7F10]  }
0x445: {  	v26 =	vld [tilespmem:s24+$0x9F10]  }
0x446: {  	v9 =	vld [tilespmem:s10+$0xA350];
	v15 =	vadd.f32 v62, v15  }
0x447: {  	v16 =	vadd.f32 v50, v48;
	v27 =	vld [tilespmem:s24+$0x5F10];
	[tilespmem:s15+$0xFFFFFFD0] =	vst v11;
	v11 =	vpop (erf)  }
0x448: {  	v8 =	vadd.f32 v8, v15;
	v15 =	vld [tilespmem:s11+$0x7F60];
	v11 =	vadd.f32 $1.000000000e+00, v11  }
0x449: {  	v14 =	vadd.f32 v14, v16;
	v28 =	vld [tilespmem:s11+$0x9F60];
	v30 =	vpop (erf)  }
0x44a: {  	v35 =	vld [tilespmem:s12+$0x8330];
	v8 =	vsub.f32 $0.0e+00, v8;
	v31 =	vpop (erf);
	(erf) = vrcp.f32 v11;
	v11 =	vadd.f32 v26, v25  }
0x44b: {  	v33 =	vld [tilespmem:s11+$0x5F60];
	v32 =	vadd.f32 $1.000000000e+00, v30;
	v14 =	vmul.f32 v31, v14  }
0x44c: {  	v13 =	vld [tilespmem:s10+$0x6350];
	v8 =	vmul.f32 $1.442695020e+00, v8;
	v11 =	vadd.f32 v27, v11  }
0x44d: {  	(erf) = vrcp.f32 v32;
	[tilespmem:s26+$0x0] =	vst v14;
	v14 =	vld [tilespmem:s12+$0xA330]  }
0x44e: {  	v36 =	vld [tilespmem:s12+$0x6330];
	(erf) = vpow2.f32 v8;
	v8 =	vadd.f32 v28, v15;
	v11 =	vsub.f32 $0.0e+00, v11  }
0x44f: {  	v9 =	vadd.f32 v9, v55;
	v15 =	vld [tilespmem:s25+$0x7F10]  }
0x450: {  	v37 =	vld [tilespmem:s25+$0x9F10];
	v8 =	vadd.f32 v33, v8;
	v11 =	vmul.f32 $1.442695020e+00, v11  }
0x451: {  	v34 =	vld [tilespmem:s17+$0x9F70];
	v9 =	vadd.f32 v13, v9  }
0x452: {  	v13 =	vld [tilespmem:s25+$0x5F10];
	v8 =	vsub.f32 $0.0e+00, v8;
	(erf) = vpow2.f32 v11;
	v11 =	vadd.f32 v14, v35  }
0x453: {  	v10 =	vld [tilespmem:s17+$0x7F70]  }
0x454: {  	v12 =	vld [tilespmem:s16+$0x8330];
	v8 =	vmul.f32 $1.442695020e+00, v8;
	v14 =	vpop (erf);
	v11 =	vadd.f32 v36, v11  }
0x455: {  	v29 =	vld [tilespmem:s16+$0x6330];
	v15 =	vadd.f32 v37, v15;
	v9 =	vmul.f32 v14, v9  }
0x456: {  	v7 =	vld [tilespmem:s16+$0xA330];
	(erf) = vpow2.f32 v8  }
0x457: {  	v40 =	vpop (erf);
	v8 =	vld [tilespmem:s17+$0x5F70];
	v13 =	vadd.f32 v13, v15;
	[tilespmem:s15+$0x50] =	vst v9  }
0x458: {  	v9 =	vmul.f32 v40, v11;
	v41 =	vld [tilespmem:s10+$0x7F60];
	v11 =	vpop (erf)  }
0x459: {  	v13 =	vsub.f32 $0.0e+00, v13;
	v15 =	vld [tilespmem:s10+$0x9F60];
	v11 =	vadd.f32 $1.000000000e+00, v11  }
0x45a: {  	[tilespmem:s23+$0xFFFFFFB0] =	vst v9;
	v9 =	vld [tilespmem:s10+$0x5F60]  }
0x45b: {  	v10 =	vadd.f32 v34, v10;
	v13 =	vmul.f32 $1.442695020e+00, v13;
	v42 =	vld [tilespmem:s12+$0x7F40];
	(erf) = vrcp.f32 v11  }
0x45c: {  	v11 =	vld [tilespmem:s12+$0x9F40];
	v43 =	vpop (erf)  }
0x45d: {  	v46 =	vld [tilespmem:s24+$0x6310];
	v8 =	vadd.f32 v8, v10;
	v17 =	vadd.f32 $1.000000000e+00, v43  }
0x45e: {  	v45 =	vld [tilespmem:s12+$0x5F40];
	v15 =	vadd.f32 v15, v41;
	(erf) = vpow2.f32 v13  }
0x45f: {  	v7 =	vadd.f32 v7, v12;
	v12 =	vld [tilespmem:s24+$0x8310];
	v8 =	vsub.f32 $0.0e+00, v8;
	v13 =	vpop (erf);
	(erf) = vrcp.f32 v17  }
0x460: {  	v9 =	vadd.f32 v9, v15;
	v15 =	vld [tilespmem:s24+$0xA310];
	v13 =	vadd.f32 $1.000000000e+00, v13  }
0x461: {  	v47 =	vld [tilespmem:s11+$0x8360];
	v11 =	vadd.f32 v11, v42  }
0x462: {  	v48 =	vld [tilespmem:s11+$0xA360];
	v7 =	vadd.f32 v29, v7;
	v8 =	vmul.f32 $1.442695020e+00, v8  }
0x463: {  	v38 =	vld [tilespmem:s25+$0x8310];
	v9 =	vsub.f32 $0.0e+00, v9;
	(erf) = vrcp.f32 v13;
	v11 =	vadd.f32 v45, v11  }
0x464: {  	v39 =	vld [tilespmem:s25+$0xA310];
	(erf) = vpow2.f32 v8;
	v13 =	vpop (erf)  }
0x465: {  	v9 =	vmul.f32 $1.442695020e+00, v9;
	v12 =	vadd.f32 v15, v12;
	v7 =	vmul.f32 v13, v7;
	v13 =	vld [tilespmem:s11+$0x6360]  }
0x466: {  	v14 =	vld [tilespmem:s25+$0x6310]  }
0x467: {  	v44 =	vld [tilespmem:s10+$0x8360];
	(erf) = vpow2.f32 v9;
	v9 =	vsub.f32 $0.0e+00, v11;
	v11 =	vpop (erf);
	[tilespmem:s23+$0x30] =	vst v7;
	v7 =	vadd.f32 v46, v12  }
0x468: {  	v10 =	vld [tilespmem:s10+$0xA360];
	v17 =	vadd.f32 v48, v47;
	v49 =	vpop (erf)  }
0x469: {  	v59 =	vld [tilespmem:s12+$0x8340];
	v7 =	vmul.f32 v49, v7  }
0x46a: {  	v60 =	vld [tilespmem:s12+$0xA340];
	v9 =	vmul.f32 $1.442695020e+00, v9;
	v13 =	vadd.f32 v13, v17  }
0x46b: {  	v11 =	vadd.f32 $1.000000000e+00, v11;
	v12 =	vld [tilespmem:s16+$0x7F40]  }
0x46c: {  	v50 =	vld [tilespmem:s16+$0x9F40];
	(erf) = vpow2.f32 v9  }
0x46d: {  	v8 =	vld [tilespmem:s10+$0x6360];
	(erf) = vrcp.f32 v11;
	[tilespmem:s26+$0xFFFFFF90] =	vst v7;
	v7 =	vpop (erf)  }
0x46e: {  	v51 =	vld [tilespmem:s16+$0x5F40];
	v7 =	vmul.f32 v7, v13;
	v13 =	vpop (erf)  }
0x46f: {  	v9 =	vld [tilespmem:s16+$0x8340];
	v13 =	vadd.f32 $1.000000000e+00, v13  }
0x470: {  	v52 =	vld [tilespmem:s24+$0x7F20]  }
0x471: {  	v53 =	vld [tilespmem:s24+$0x9F20];
	v12 =	vadd.f32 v50, v12;
	(erf) = vrcp.f32 v13;
	v13 =	vadd.f32 v39, v38  }
0x472: {  	v3 =	vadd.f32 v4, v3;
	v54 =	vld [tilespmem:s24+$0x5F20];
	[tilespmem:s15+$0xFFFFFFE0] =	vst v7;
	v7 =	vpop (erf)  }
0x473: {  	v12 =	vadd.f32 v51, v12;
	v55 =	vld [tilespmem:s11+$0x7F70];
	v7 =	vadd.f32 $1.000000000e+00, v7  }
0x474: {  	v3 =	vadd.f32 v5, v3;
	v10 =	vadd.f32 v10, v44;
	v4 =	vld [tilespmem:s11+$0x9F70]  }
0x475: {  	v11 =	vld [tilespmem:s16+$0xA340];
	v12 =	vsub.f32 $0.0e+00, v12;
	(erf) = vrcp.f32 v7;
	v7 =	vadd.f32 v14, v13;
	v13 =	vpop (erf)  }
0x476: {  	v5 =	vadd.f32 v53, v52;
	v57 =	vld [tilespmem:s11+$0x5F70];
	v58 =	vpop (erf);
	v13 =	vadd.f32 $1.000000000e+00, v13  }
0x477: {  	v15 =	vld [tilespmem:s17+$0x8370];
	v16 =	vmul.f32 v58, v7;
	v7 =	vadd.f32 v8, v10;
	v8 =	vmul.f32 $1.442695020e+00, v12  }
0x478: {  	v5 =	vadd.f32 v54, v5;
	v14 =	vld [tilespmem:s17+$0xA370];
	(erf) = vrcp.f32 v13  }
0x479: {  	v56 =	vld [tilespmem:s16+$0x6340];
	v4 =	vadd.f32 v4, v55;
	(erf) = vpow2.f32 v8  }
0x47a: {  	v61 =	vmul.f32 v6, v3;
	v3 =	vld [tilespmem:s17+$0x6370];
	v5 =	vsub.f32 $0.0e+00, v5  }
0x47b: {  	v6 =	vadd.f32 v11, v9;
	v11 =	vld [tilespmem:s12+$0x6340];
	v9 =	vadd.f32 v57, v4;
	[tilespmem:s26+$0x10] =	vst v16  }
0x47c: {  	v62 =	vmul.f32 $1.442695020e+00, v5;
	v10 =	vld [tilespmem:s25+$0x7F20]  }
0x47d: {  	v5 =	vadd.f32 v14, v15;
	v4 =	vpop (erf);
	v12 =	vld [tilespmem:s25+$0x9F20];
	v13 =	vsub.f32 $0.0e+00, v9  }
0x47e: {  	s18 =	simm.s32 $0x480;
	[tilespmem:s9+$0xFFFFFFF0] =	vst v61;
	v6 =	vadd.f32 v56, v6;
	s17 =	simm.s32 $0x6;
	v9 =	vld [tilespmem:s25+$0x5F20];
	(erf) = vpow2.f32 v62;
	v14 =	vadd.f32 v60, v59;
	v8 =	vpop (erf)  }
.LBB2_5:
0x47f: {  	s19 =	sadd.s32 $0xFFFFFF80, s18;
	s21 =	sand.u32 $0x380, s18;
	v15 =	vld [tilespmem:s25+$0x8320];
	s8 =	sadd.s32 $0x200, s8;
	v13 =	vmul.f32 $1.442695020e+00, v13;
	v7 =	vmul.f32 v8, v7;
	v3 =	vadd.f32 v3, v5  }
0x480: {  	s22 =	sand.u32 $0x800, s8;
	s19 =	sand.u32 $0x300, s19;
	v5 =	vld [tilespmem:s25+$0xA320];
	v8 =	vadd.f32 v11, v14  }
0x481: {  	s20 =	sor.u32 s19, s22;
	s19 =	sor.u32 s22, s21;
	v11 =	vld [tilespmem:s25+$0x6320];
	v14 =	vpop (erf);
	[tilespmem:s15+$0x60] =	vst v7;
	(erf) = vpow2.f32 v13;
	v3 =	vmul.f32 v4, v3  }
0x482: {  	v4 =	vld [tilespmem:s20+$0x7F00];
	v7 =	vadd.f32 v12, v10;
	v8 =	vmul.f32 v14, v8;
	v10 =	vpop (erf)  }
0x483: {  	v12 =	vld [tilespmem:s20+$0x9F00];
	v10 =	vadd.f32 $1.000000000e+00, v10;
	[tilespmem:s9+$0x70] =	vst v3;
	s9 =	smov.u32 s15;
	s15 =	smov.u32 s23;
	s23 =	smov.u32 s26  }
0x484: {  	v3 =	vld [tilespmem:s20+$0x5F00];
	v7 =	vadd.f32 v9, v7;
	[tilespmem:s15+$0xFFFFFFC0] =	vst v8  }
0x485: {  	v5 =	vadd.f32 v5, v15;
	v8 =	vld [tilespmem:s12+$0x7F50];
	(erf) = vrcp.f32 v10  }
0x486: {  	v7 =	vsub.f32 $0.0e+00, v7;
	v9 =	vld [tilespmem:s12+$0x9F50]  }
0x487: {  	s17 =	sadd.s32 $0x2, s17;
	v10 =	vld [tilespmem:s19+$0x7F00];
	v5 =	vadd.f32 v11, v5;
	v11 =	vpop (erf)  }
0x488: {  	p0 =	slt.u32 s17, $0xE;
	v4 =	vadd.f32 v12, v4;
	v14 =	vadd.f32 $1.000000000e+00, v11;
	v7 =	vmul.f32 $1.442695020e+00, v7;
	v12 =	vld [tilespmem:s12+$0x5F50]  }
0x489: {  	v13 =	vld [tilespmem:s19+$0x9F00]  }
0x48a: {  	v3 =	vadd.f32 v3, v4;
	v4 =	vld [tilespmem:s24+$0x8320];
	(erf) = vrcp.f32 v14;
	v11 =	vpop (erf)  }
0x48b: {  	v14 =	vld [tilespmem:s24+$0xA320];
	(erf) = vpow2.f32 v7;
	v7 =	vadd.f32 v9, v8;
	v8 =	vadd.f32 $1.000000000e+00, v11  }
0x48c: {  	v3 =	vsub.f32 $0.0e+00, v3;
	v9 =	vld [tilespmem:s24+$0x6320]  }
0x48d: {  	v7 =	vadd.f32 v12, v7;
	v11 =	vld [tilespmem:s11+$0x8370];
	(erf) = vrcp.f32 v8  }
0x48e: {  	v3 =	vmul.f32 $1.442695020e+00, v3;
	v8 =	vadd.f32 v13, v10;
	v10 =	vpop (erf);
	v12 =	vld [tilespmem:s11+$0xA370]  }
0x48f: {  	v13 =	vld [tilespmem:s19+$0x5F00];
	v7 =	vsub.f32 $0.0e+00, v7;
	v6 =	vmul.f32 v10, v6  }
0x490: {  	(erf) = vpow2.f32 v3;
	v3 =	vadd.f32 v14, v4;
	v4 =	vld [tilespmem:s11+$0x6370];
	s11 =	smov.u32 s12;
	s12 =	smov.u32 s24;
	s24 =	smov.u32 s20  }
0x491: {  	v10 =	vld [tilespmem:s19+$0x8300];
	v7 =	vmul.f32 $1.442695020e+00, v7;
	[tilespmem:s15+$0x40] =	vst v6  }
0x492: {  	v6 =	vld [tilespmem:s19+$0xA300];
	v3 =	vadd.f32 v9, v3  }
0x493: {  	v9 =	vld [tilespmem:s19+$0x6300];
	v14 =	vpop (erf);
	(erf) = vpow2.f32 v7;
	v7 =	vadd.f32 v12, v11  }
0x494: {  	v15 =	vadd.f32 v13, v8;
	v3 =	vmul.f32 v14, v3;
	v11 =	vpop (erf);
	v12 =	vld [tilespmem:s16+$0x7F50]  }
0x495: {  	v11 =	vadd.f32 $1.000000000e+00, v11;
	v13 =	vld [tilespmem:s16+$0x9F50];
	v4 =	vadd.f32 v4, v7  }
0x496: {  	v7 =	vsub.f32 $0.0e+00, v15;
	[tilespmem:s26+$0xFFFFFFA0] =	vst v3;
	v3 =	vld [tilespmem:s16+$0x5F50];
	v8 =	vpop (erf)  }
0x497: {  	v6 =	vadd.f32 v6, v10;
	v10 =	vld [tilespmem:s12+$0x7F30];
	(erf) = vrcp.f32 v11;
	v4 =	vmul.f32 v8, v4  }
0x498: {  	v7 =	vmul.f32 $1.442695020e+00, v7;
	v8 =	vld [tilespmem:s12+$0x9F30]  }
0x499: {  	v6 =	vadd.f32 v9, v6;
	v9 =	vpop (erf);
	v11 =	vld [tilespmem:s16+$0x8350];
	[tilespmem:s9+$0xFFFFFFF0] =	vst v4  }
0x49a: {  	v14 =	vadd.f32 $1.000000000e+00, v9;
	(erf) = vpow2.f32 v7;
	v7 =	vld [tilespmem:s12+$0x5F30];
	v9 =	vadd.f32 v13, v12  }
0x49b: {  	v12 =	vld [tilespmem:s16+$0xA350]  }
0x49c: {  	v13 =	vld [tilespmem:s24+$0x8300];
	(erf) = vrcp.f32 v14;
	v3 =	vadd.f32 v3, v9;
	v4 =	vpop (erf)  }
0x49d: {  	v9 =	vld [tilespmem:s24+$0xA300];
	v8 =	vadd.f32 v8, v10;
	v14 =	vadd.f32 $1.000000000e+00, v4  }
0x49e: {  	v10 =	vld [tilespmem:s24+$0x6300];
	v3 =	vsub.f32 $0.0e+00, v3  }
0x49f: {  	v7 =	vadd.f32 v7, v8;
	v8 =	vld [tilespmem:s11+$0x8350];
	(erf) = vrcp.f32 v14  }
0x4a0: {  	v4 =	vpop (erf);
	v14 =	vld [tilespmem:s11+$0xA350];
	v11 =	vadd.f32 v12, v11;
	v15 =	vmul.f32 $1.442695020e+00, v3  }
0x4a1: {  	v7 =	vsub.f32 $0.0e+00, v7;
	v4 =	vmul.f32 v4, v5;
	v5 =	vld [tilespmem:s16+$0x6350]  }
0x4a2: {  	v9 =	vadd.f32 v9, v13;
	v12 =	vld [tilespmem:s11+$0x6350];
	(erf) = vpow2.f32 v15  }
0x4a3: {  	v3 =	vpop (erf);
	v7 =	vmul.f32 $1.442695020e+00, v7;
	[tilespmem:s26+$0x20] =	vst v4;
	v4 =	vld [tilespmem:s10+$0x7F70]  }
0x4a4: {  	v9 =	vadd.f32 v10, v9;
	v3 =	vadd.f32 $1.000000000e+00, v3;
	v10 =	vld [tilespmem:s25+$0x7F30]  }
0x4a5: {  	v13 =	vpop (erf);
	v15 =	vld [tilespmem:s25+$0x9F30];
	(erf) = vpow2.f32 v7;
	v7 =	vadd.f32 v14, v8  }
0x4a6: {  	v8 =	vmul.f32 v13, v9;
	(erf) = vrcp.f32 v3;
	v3 =	vld [tilespmem:s25+$0x5F30];
	v5 =	vadd.f32 v5, v11  }
0x4a7: {  	s26 =	sadd.s32 $0x100, s26;
	v9 =	vld [tilespmem:s25+$0x8330];
	v7 =	vadd.f32 v12, v7  }
0x4a8: {  	[tilespmem:s26+$0xFFFFFF80] =	vst v8;
	v8 =	vld [tilespmem:s25+$0xA330];
	v11 =	vpop (erf)  }
0x4a9: {  	v12 =	vld [tilespmem:s24+$0x7F10];
	v14 =	vmul.f32 v11, v7  }
0x4aa: {  	v11 =	vld [tilespmem:s24+$0x9F10];
	v10 =	vadd.f32 v15, v10  }
0x4ab: {  	v13 =	vld [tilespmem:s24+$0x5F10];
	[tilespmem:s15+$0xFFFFFFD0] =	vst v14;
	v7 =	vpop (erf)  }
0x4ac: {  	v3 =	vadd.f32 v3, v10;
	v10 =	vld [tilespmem:s11+$0x7F60];
	v7 =	vadd.f32 $1.000000000e+00, v7  }
0x4ad: {  	v8 =	vadd.f32 v8, v9;
	v9 =	vld [tilespmem:s11+$0x9F60]  }
0x4ae: {  	v14 =	vld [tilespmem:s25+$0x6330];
	v3 =	vsub.f32 $0.0e+00, v3;
	v15 =	vpop (erf);
	(erf) = vrcp.f32 v7  }
0x4af: {  	v7 =	vadd.f32 v11, v12;
	v11 =	vpop (erf);
	v12 =	vadd.f32 $1.000000000e+00, v15;
	v15 =	vld [tilespmem:s11+$0x5F60]  }
0x4b0: {  	v6 =	vmul.f32 v11, v6;
	v3 =	vmul.f32 $1.442695020e+00, v3;
	v11 =	vld [tilespmem:s10+$0x9F70]  }
0x4b1: {  	v7 =	vadd.f32 v13, v7;
	v13 =	vld [tilespmem:s12+$0x8330];
	(erf) = vrcp.f32 v12  }
0x4b2: {  	[tilespmem:s26+$0x0] =	vst v6;
	v6 =	vld [tilespmem:s12+$0xA330];
	(erf) = vpow2.f32 v3;
	v3 =	vadd.f32 v9, v10  }
0x4b3: {  	v7 =	vsub.f32 $0.0e+00, v7;
	v9 =	vld [tilespmem:s19+$0x7F10];
	v8 =	vadd.f32 v14, v8  }
0x4b4: {  	v10 =	vld [tilespmem:s12+$0x6330];
	v3 =	vadd.f32 v15, v3  }
0x4b5: {  	v15 =	vmul.f32 $1.442695020e+00, v7;
	v12 =	vld [tilespmem:s19+$0x9F10];
	v4 =	vadd.f32 v11, v4  }
0x4b6: {  	v11 =	vld [tilespmem:s19+$0x5F10];
	v3 =	vsub.f32 $0.0e+00, v3  }
0x4b7: {  	v14 =	vld [tilespmem:s19+$0x8310];
	(erf) = vpow2.f32 v15;
	v6 =	vadd.f32 v6, v13;
	v7 =	vpop (erf)  }
0x4b8: {  	v13 =	vld [tilespmem:s19+$0xA310];
	v3 =	vmul.f32 $1.442695020e+00, v3;
	v5 =	vmul.f32 v7, v5  }
0x4b9: {  	v7 =	vld [tilespmem:s19+$0x6310];
	v15 =	vadd.f32 v10, v6  }
0x4ba: {  	v9 =	vadd.f32 v12, v9;
	v10 =	vpop (erf);
	[tilespmem:s15+$0x50] =	vst v5;
	(erf) = vpow2.f32 v3;
	v3 =	vld [tilespmem:s10+$0x5F70]  }
0x4bb: {  	v5 =	vmul.f32 v10, v15;
	v6 =	vpop (erf);
	v10 =	vld [tilespmem:s16+$0x7F60]  }
0x4bc: {  	v9 =	vadd.f32 v11, v9;
	v6 =	vadd.f32 $1.000000000e+00, v6;
	v11 =	vld [tilespmem:s16+$0x9F60]  }
0x4bd: {  	v12 =	vadd.f32 v13, v14;
	[tilespmem:s23+$0xFFFFFFB0] =	vst v5;
	v5 =	vld [tilespmem:s16+$0x5F60]  }
0x4be: {  	v14 =	vsub.f32 $0.0e+00, v9;
	v13 =	vld [tilespmem:s12+$0x7F40];
	(erf) = vrcp.f32 v6  }
0x4bf: {  	v6 =	vadd.f32 v7, v12;
	v7 =	vld [tilespmem:s12+$0x9F40];
	v3 =	vadd.f32 v3, v4  }
0x4c0: {  	v4 =	vmul.f32 $1.442695020e+00, v14;
	v9 =	vpop (erf);
	v12 =	vld [tilespmem:s16+$0x8360]  }
0x4c1: {  	v15 =	vadd.f32 $1.000000000e+00, v9;
	v14 =	vld [tilespmem:s12+$0x5F40];
	v10 =	vadd.f32 v11, v10  }
0x4c2: {  	v3 =	vsub.f32 $0.0e+00, v3;
	(erf) = vpow2.f32 v4;
	v4 =	vld [tilespmem:s16+$0xA360]  }
0x4c3: {  	v11 =	vld [tilespmem:s24+$0x8310];
	(erf) = vrcp.f32 v15;
	v5 =	vadd.f32 v5, v10;
	v9 =	vpop (erf)  }
0x4c4: {  	v3 =	vmul.f32 $1.442695020e+00, v3;
	v10 =	vld [tilespmem:s24+$0xA310];
	v7 =	vadd.f32 v7, v13;
	v15 =	vadd.f32 $1.000000000e+00, v9  }
0x4c5: {  	v13 =	vld [tilespmem:s24+$0x6310];
	v5 =	vsub.f32 $0.0e+00, v5  }
0x4c6: {  	v7 =	vadd.f32 v14, v7;
	v14 =	vld [tilespmem:s11+$0x8360];
	(erf) = vrcp.f32 v15  }
0x4c7: {  	v9 =	vpop (erf);
	v15 =	vld [tilespmem:s11+$0xA360];
	v4 =	vadd.f32 v4, v12;
	v5 =	vmul.f32 $1.442695020e+00, v5;
	(erf) = vpow2.f32 v3  }
0x4c8: {  	v3 =	vsub.f32 $0.0e+00, v7;
	v7 =	vmul.f32 v9, v8;
	v8 =	vld [tilespmem:s16+$0x6360]  }
0x4c9: {  	v11 =	vadd.f32 v10, v11;
	v10 =	vld [tilespmem:s11+$0x6360];
	(erf) = vpow2.f32 v5  }
0x4ca: {  	v3 =	vmul.f32 $1.442695020e+00, v3;
	[tilespmem:s23+$0x30] =	vst v7;
	v5 =	vld [tilespmem:s10+$0x8370]  }
0x4cb: {  	v7 =	vadd.f32 v13, v11;
	v9 =	vpop (erf);
	v11 =	vld [tilespmem:s25+$0x7F40]  }
0x4cc: {  	v16 =	vadd.f32 $1.000000000e+00, v9;
	v12 =	vpop (erf);
	v13 =	vld [tilespmem:s25+$0x9F40];
	(erf) = vpow2.f32 v3;
	v3 =	vadd.f32 v15, v14  }
0x4cd: {  	v12 =	vmul.f32 v12, v7;
	v14 =	vld [tilespmem:s25+$0x5F40];
	v7 =	vadd.f32 v8, v4  }
0x4ce: {  	(erf) = vrcp.f32 v16;
	v4 =	vld [tilespmem:s25+$0x8340];
	v3 =	vadd.f32 v10, v3  }
0x4cf: {  	[tilespmem:s26+$0xFFFFFF90] =	vst v12;
	v8 =	vld [tilespmem:s25+$0xA340];
	v9 =	vpop (erf)  }
0x4d0: {  	v10 =	vld [tilespmem:s24+$0x7F20];
	v15 =	vmul.f32 v9, v3;
	v9 =	vpop (erf)  }
0x4d1: {  	v12 =	vld [tilespmem:s24+$0x9F20];
	v11 =	vadd.f32 v13, v11;
	v9 =	vadd.f32 $1.000000000e+00, v9  }
0x4d2: {  	v13 =	vld [tilespmem:s24+$0x5F20];
	[tilespmem:s15+$0xFFFFFFE0] =	vst v15;
	v3 =	vpop (erf)  }
0x4d3: {  	v11 =	vadd.f32 v14, v11;
	v14 =	vld [tilespmem:s11+$0x7F70];
	v3 =	vadd.f32 $1.000000000e+00, v3;
	(erf) = vrcp.f32 v9  }
0x4d4: {  	v4 =	vadd.f32 v8, v4;
	v8 =	vld [tilespmem:s11+$0x9F70]  }
0x4d5: {  	v9 =	vld [tilespmem:s25+$0x6340];
	v11 =	vsub.f32 $0.0e+00, v11;
	v15 =	vpop (erf);
	(erf) = vrcp.f32 v3  }
0x4d6: {  	v3 =	vadd.f32 v12, v10;
	v10 =	vadd.f32 $1.000000000e+00, v15;
	v12 =	vld [tilespmem:s11+$0x5F70]  }
0x4d7: {  	v15 =	vpop (erf);
	v11 =	vmul.f32 $1.442695020e+00, v11;
	v16 =	vld [tilespmem:s10+$0xA370]  }
0x4d8: {  	v3 =	vadd.f32 v13, v3;
	v6 =	vmul.f32 v15, v6;
	v15 =	vld [tilespmem:s12+$0x8340];
	(erf) = vrcp.f32 v10  }
0x4d9: {  	v17 =	vld [tilespmem:s12+$0xA340];
	(erf) = vpow2.f32 v11;
	v8 =	vadd.f32 v8, v14  }
.Ltmp1:
0x4da: {  	v10 =	vsub.f32 $0.0e+00, v3;
	[tilespmem:s26+$0x10] =	vst v6;
	v6 =	vadd.f32 v9, v4;
	v3 =	vld [tilespmem:s10+$0x6370];
	s10 =	smov.u32 s16;
	s16 =	smov.u32 s25;
	(pc) =	sbr.rel @p0 .LBB2_5-.Ltmp1, $4  }
0x4db: {  	s25 =	smov.u32 s19;
	v11 =	vld [tilespmem:s12+$0x6340];
	v18 =	vadd.f32 v12, v8  }
0x4dc: {  	v14 =	vmul.f32 $1.442695020e+00, v10;
	v10 =	vld [tilespmem:s25+$0x7F20];
	v5 =	vadd.f32 v16, v5;
	v4 =	vpop (erf)  }
0x4dd: {  	v12 =	vld [tilespmem:s25+$0x9F20];
	v13 =	vsub.f32 $0.0e+00, v18  }
0x4de: {  	s18 =	sadd.s32 $0x100, s18;
	v9 =	vld [tilespmem:s25+$0x5F20];
	(erf) = vpow2.f32 v14;
	v14 =	vadd.f32 v17, v15;
	v8 =	vpop (erf)  }
0x4df: {  	_ =	sdelay $0x2  }
0x4e0: {  	v11 =	vadd.f32 v11, v14  }
0x4e1: {  	v42 =	vpop (erf)  }
0x4e2: {  	v13 =	vmul.f32 $1.442695020e+00, v13;
	v11 =	vmul.f32 v42, v11;
	v10 =	vadd.f32 v12, v10;
	v43 =	vpop (erf)  }
0x4e3: {  	v12 =	vadd.f32 $1.000000000e+00, v43  }
0x4e4: {  	(erf) = vpow2.f32 v13;
	[tilespmem:s23+$0xFFFFFFC0] =	vst v11;
	v9 =	vadd.f32 v9, v10  }
0x4e5: {  	v44 =	vld [tilespmem:s12+$0x7F50];
	(erf) = vrcp.f32 v12;
	v45 =	vpop (erf)  }
0x4e6: {  	v11 =	vld [tilespmem:s12+$0x9F50];
	v9 =	vsub.f32 $0.0e+00, v9;
	v12 =	vadd.f32 $1.000000000e+00, v45  }
0x4e7: {  	v47 =	vld [tilespmem:s24+$0x8320]  }
0x4e8: {  	v46 =	vld [tilespmem:s12+$0x5F50];
	v9 =	vmul.f32 $1.442695020e+00, v9;
	(erf) = vrcp.f32 v12  }
0x4e9: {  	v48 =	vld [tilespmem:s24+$0xA320]  }
0x4ea: {  	(erf) = vpow2.f32 v9  }
0x4eb: {  	v50 =	vld [tilespmem:s24+$0x6320];
	v49 =	vadd.f32 v11, v44;
	_ =	sdelay $0x1  }
0x4ec: {  	v51 =	vpop (erf);
	v9 =	vadd.f32 v46, v49  }
0x4ed: {  	v12 =	vadd.f32 v48, v47;
	v52 =	vpop (erf)  }
0x4ee: {  	v9 =	vsub.f32 $0.0e+00, v9;
	v6 =	vmul.f32 v52, v6  }
0x4ef: {  	v11 =	vadd.f32 $1.000000000e+00, v51;
	v10 =	vadd.f32 v50, v12  }
0x4f0: {  	v53 =	vld [tilespmem:s25+$0x8320];
	v9 =	vmul.f32 $1.442695020e+00, v9;
	[tilespmem:s23+$0x40] =	vst v6;
	v54 =	vpop (erf)  }
0x4f1: {  	(erf) = vrcp.f32 v11;
	v55 =	vld [tilespmem:s16+$0x7F50];
	v6 =	vmul.f32 v54, v10  }
0x4f2: {  	(erf) = vpow2.f32 v9;
	v57 =	vld [tilespmem:s16+$0x9F50];
	v56 =	vpop (erf)  }
0x4f3: {  	v58 =	vld [tilespmem:s16+$0x5F50];
	v10 =	vadd.f32 $1.000000000e+00, v56;
	[tilespmem:s26+$0xFFFFFFA0] =	vst v6  }
0x4f4: {  	v59 =	vld [tilespmem:s24+$0x7F30]  }
0x4f5: {  	(erf) = vrcp.f32 v10;
	v60 =	vld [tilespmem:s24+$0x9F30]  }
0x4f6: {  	v15 =	vld [tilespmem:s25+$0xA320]  }
0x4f7: {  	v16 =	vld [tilespmem:s24+$0x5F30];
	v9 =	vadd.f32 v57, v55  }
0x4f8: {  	v17 =	vld [tilespmem:s25+$0x6320]  }
0x4f9: {  	v9 =	vadd.f32 v58, v9  }
0x4fa: {  	v6 =	vpop (erf);
	v10 =	vadd.f32 v60, v59  }
0x4fb: {  	v12 =	vadd.f32 v15, v53;
	v61 =	vpop (erf);
	v9 =	vsub.f32 $0.0e+00, v9  }
0x4fc: {  	v11 =	vadd.f32 $1.000000000e+00, v61;
	v10 =	vadd.f32 v16, v10  }
0x4fd: {  	v12 =	vadd.f32 v17, v12  }
0x4fe: {  	v62 =	vld [tilespmem:s12+$0x8350];
	v9 =	vmul.f32 $1.442695020e+00, v9;
	(erf) = vrcp.f32 v11;
	v16 =	vpop (erf);
	v10 =	vsub.f32 $0.0e+00, v10  }
0x4ff: {  	v17 =	vld [tilespmem:s12+$0xA350];
	v11 =	vmul.f32 v16, v12  }
0x500: {  	(erf) = vpow2.f32 v9;
	v18 =	vmul.f32 $1.442695020e+00, v10  }
0x501: {  	v19 =	vld [tilespmem:s12+$0x6350];
	[tilespmem:s26+$0x20] =	vst v11  }
0x502: {  	v11 =	vld [tilespmem:s25+$0x7F30];
	(erf) = vpow2.f32 v18  }
0x503: {  	v20 =	vld [tilespmem:s25+$0x9F30]  }
0x504: {  	v21 =	vadd.f32 v17, v62  }
0x505: {  	v22 =	vld [tilespmem:s25+$0x5F30]  }
0x506: {  	v10 =	vadd.f32 v19, v21  }
0x507: {  	v23 =	vpop (erf)  }
0x508: {  	v24 =	vld [tilespmem:s16+$0x8350];
	v10 =	vmul.f32 v23, v10;
	v9 =	vadd.f32 v20, v11  }
0x509: {  	v25 =	vld [tilespmem:s16+$0xA350];
	v26 =	vpop (erf)  }
0x50a: {  	v27 =	vld [tilespmem:s16+$0x6350];
	v28 =	vadd.f32 $1.000000000e+00, v26;
	[tilespmem:s23+$0xFFFFFFD0] =	vst v10;
	v9 =	vadd.f32 v22, v9  }
0x50b: {  	v29 =	vld [tilespmem:s12+$0x7F60];
	v30 =	vpop (erf)  }
0x50c: {  	v31 =	vld [tilespmem:s12+$0x9F60];
	(erf) = vrcp.f32 v28;
	v9 =	vsub.f32 $0.0e+00, v9;
	v32 =	vadd.f32 $1.000000000e+00, v30  }
0x50d: {  	v34 =	vld [tilespmem:s24+$0x8330]  }
0x50e: {  	v33 =	vld [tilespmem:s12+$0x5F60];
	v9 =	vmul.f32 $1.442695020e+00, v9;
	(erf) = vrcp.f32 v32  }
0x50f: {  	v35 =	vld [tilespmem:s24+$0xA330]  }
0x510: {  	(erf) = vpow2.f32 v9  }
0x511: {  	v7 =	vmul.f32 v8, v7;
	v37 =	vld [tilespmem:s24+$0x6330];
	v36 =	vadd.f32 v31, v29  }
0x512: {  	v11 =	vadd.f32 v25, v24  }
0x513: {  	[tilespmem:s15+$0x60] =	vst v7;
	v38 =	vadd.f32 v33, v36  }
0x514: {  	v39 =	vld [tilespmem:s10+$0x7F70];
	v10 =	vadd.f32 v35, v34;
	v11 =	vadd.f32 v27, v11  }
0x515: {  	v43 =	vld [tilespmem:s10+$0x9F70];
	v7 =	vsub.f32 $0.0e+00, v38;
	v41 =	vpop (erf)  }
0x516: {  	v45 =	vld [tilespmem:s10+$0x5F70];
	v9 =	vadd.f32 v37, v10;
	v11 =	vmul.f32 v41, v11  }
0x517: {  	v40 =	vld [tilespmem:s25+$0x8330];
	v7 =	vmul.f32 $1.442695020e+00, v7;
	v44 =	vpop (erf)  }
0x518: {  	v42 =	vld [tilespmem:s25+$0xA330];
	[tilespmem:s23+$0x50] =	vst v11;
	v9 =	vmul.f32 v44, v9  }
0x519: {  	(erf) = vpow2.f32 v7;
	v47 =	vld [tilespmem:s16+$0x7F60];
	v46 =	vpop (erf)  }
0x51a: {  	v48 =	vld [tilespmem:s16+$0x9F60];
	v7 =	vadd.f32 $1.000000000e+00, v46;
	[tilespmem:s26+$0xFFFFFFB0] =	vst v9  }
0x51b: {  	v9 =	vld [tilespmem:s24+$0x7F40]  }
0x51c: {  	(erf) = vrcp.f32 v7;
	v49 =	vld [tilespmem:s24+$0x9F40]  }
0x51d: {  	v8 =	vadd.f32 v43, v39;
	v50 =	vld [tilespmem:s16+$0x5F60]  }
0x51e: {  	v51 =	vld [tilespmem:s24+$0x5F40]  }
0x51f: {  	v8 =	vadd.f32 v45, v8;
	v52 =	vld [tilespmem:s25+$0x6330]  }
0x520: {  	v53 =	vadd.f32 v48, v47  }
0x521: {  	v8 =	vsub.f32 $0.0e+00, v8;
	v7 =	vadd.f32 v49, v9  }
0x522: {  	v12 =	vadd.f32 v42, v40;
	v54 =	vadd.f32 v50, v53;
	v55 =	vpop (erf)  }
0x523: {  	v11 =	vadd.f32 $1.000000000e+00, v55;
	v7 =	vadd.f32 v51, v7  }
0x524: {  	v56 =	vadd.f32 v52, v12;
	v9 =	vsub.f32 $0.0e+00, v54  }
0x525: {  	v8 =	vmul.f32 $1.442695020e+00, v8;
	(erf) = vrcp.f32 v11;
	v57 =	vpop (erf);
	v7 =	vsub.f32 $0.0e+00, v7  }
0x526: {  	v58 =	vld [tilespmem:s12+$0x8360];
	v9 =	vmul.f32 $1.442695020e+00, v9;
	v10 =	vmul.f32 v57, v56  }
0x527: {  	v59 =	vld [tilespmem:s12+$0xA360];
	(erf) = vpow2.f32 v8;
	v7 =	vmul.f32 $1.442695020e+00, v7  }
0x528: {  	v60 =	vld [tilespmem:s12+$0x6360];
	(erf) = vpow2.f32 v9;
	[tilespmem:s26+$0x30] =	vst v10  }
0x529: {  	v61 =	vld [tilespmem:s25+$0x7F40];
	(erf) = vpow2.f32 v7  }
0x52a: {  	v62 =	vld [tilespmem:s25+$0x9F40];
	_ =	sdelay $0x1  }
0x52b: {  	v14 =	vld [tilespmem:s25+$0x5F40]  }
0x52c: {  	v13 =	vadd.f32 v59, v58;
	_ =	sdelay $0x1  }
0x52d: {  	v8 =	vadd.f32 v60, v13;
	v15 =	vpop (erf);
	v7 =	vadd.f32 v62, v61  }
0x52e: {  	v16 =	vpop (erf)  }
0x52f: {  	v8 =	vmul.f32 v15, v8;
	v9 =	vadd.f32 $1.000000000e+00, v16;
	v17 =	vpop (erf);
	v7 =	vadd.f32 v14, v7  }
0x530: {  	v18 =	vadd.f32 $1.000000000e+00, v17;
	v19 =	vpop (erf)  }
0x531: {  	v23 =	vld [tilespmem:s24+$0x8340];
	[tilespmem:s23+$0xFFFFFFE0] =	vst v8;
	(erf) = vrcp.f32 v9;
	v7 =	vsub.f32 $0.0e+00, v7;
	v21 =	vadd.f32 $1.000000000e+00, v19  }
0x532: {  	v20 =	vld [tilespmem:s12+$0x7F70];
	(erf) = vrcp.f32 v18  }
0x533: {  	v22 =	vld [tilespmem:s12+$0x9F70];
	v7 =	vmul.f32 $1.442695020e+00, v7;
	(erf) = vrcp.f32 v21  }
0x534: {  	v24 =	vld [tilespmem:s24+$0xA340]  }
0x535: {  	v25 =	vld [tilespmem:s12+$0x5F70];
	(erf) = vpow2.f32 v7  }
0x536: {  	v26 =	vld [tilespmem:s24+$0x6340];
	_ =	sdelay $0x1  }
0x537: {  	v27 =	vadd.f32 v22, v20  }
0x538: {  	v8 =	vadd.f32 v24, v23  }
0x539: {  	v28 =	vadd.f32 v25, v27;
	v7 =	vpop (erf)  }
0x53a: {  	v8 =	vadd.f32 v26, v8;
	v29 =	vpop (erf)  }
0x53b: {  	v9 =	vsub.f32 $0.0e+00, v28;
	v30 =	vpop (erf)  }
0x53c: {  	v8 =	vmul.f32 v30, v8  }
0x53d: {  	v9 =	vmul.f32 $1.442695020e+00, v9;
	v31 =	vpop (erf)  }
0x53e: {  	v32 =	vld [tilespmem:s25+$0x8340];
	v11 =	vadd.f32 $1.000000000e+00, v31;
	[tilespmem:s26+$0xFFFFFFC0] =	vst v8  }
0x53f: {  	(erf) = vpow2.f32 v9;
	v8 =	vld [tilespmem:s24+$0x7F50]  }
0x540: {  	(erf) = vrcp.f32 v11;
	v33 =	vld [tilespmem:s24+$0x9F50]  }
0x541: {  	v34 =	vld [tilespmem:s25+$0xA340]  }
0x542: {  	v35 =	vld [tilespmem:s24+$0x5F50]  }
0x543: {  	v36 =	vld [tilespmem:s25+$0x6340];
	_ =	sdelay $0x1  }
0x544: {  	v8 =	vadd.f32 v33, v8  }
0x545: {  	v37 =	vadd.f32 v34, v32  }
0x546: {  	v8 =	vadd.f32 v35, v8  }
0x547: {  	v9 =	vadd.f32 v36, v37;
	v38 =	vpop (erf)  }
0x548: {  	v39 =	vpop (erf);
	v8 =	vsub.f32 $0.0e+00, v8  }
0x549: {  	v11 =	vadd.f32 $1.000000000e+00, v38;
	v9 =	vmul.f32 v39, v9  }
0x54a: {  	v8 =	vmul.f32 $1.442695020e+00, v8  }
0x54b: {  	(erf) = vrcp.f32 v11;
	[tilespmem:s26+$0x40] =	vst v9  }
0x54c: {  	(erf) = vpow2.f32 v8;
	v40 =	vld [tilespmem:s25+$0x7F50]  }
0x54d: {  	v9 =	vld [tilespmem:s25+$0x9F50];
	_ =	sdelay $0x1  }
0x54e: {  	v41 =	vld [tilespmem:s25+$0x5F50];
	_ =	sdelay $0x2  }
0x54f: {  	v9 =	vadd.f32 v9, v40;
	_ =	sdelay $0x1  }
0x550: {  	v8 =	vpop (erf);
	v9 =	vadd.f32 v41, v9  }
0x551: {  	v42 =	vpop (erf)  }
0x552: {  	v9 =	vsub.f32 $0.0e+00, v9;
	v11 =	vadd.f32 $1.000000000e+00, v42;
	_ =	sdelay $0x1  }
0x553: {  	v43 =	vld [tilespmem:s24+$0x8350];
	v9 =	vmul.f32 $1.442695020e+00, v9;
	(erf) = vrcp.f32 v11  }
0x554: {  	v44 =	vld [tilespmem:s24+$0xA350]  }
0x555: {  	(erf) = vpow2.f32 v9  }
0x556: {  	v45 =	vld [tilespmem:s24+$0x6350];
	_ =	sdelay $0x2  }
0x557: {  	v11 =	vadd.f32 v44, v43;
	_ =	sdelay $0x1  }
0x558: {  	v9 =	vadd.f32 v45, v11  }
0x559: {  	v46 =	vld [tilespmem:s16+$0x8360];
	v47 =	vpop (erf)  }
0x55a: {  	v48 =	vld [tilespmem:s16+$0xA360];
	v9 =	vmul.f32 v47, v9  }
0x55b: {  	v49 =	vld [tilespmem:s16+$0x6360];
	v50 =	vpop (erf)  }
0x55c: {  	v51 =	vld [tilespmem:s25+$0x8350];
	v52 =	vadd.f32 $1.000000000e+00, v50;
	[tilespmem:s26+$0xFFFFFFD0] =	vst v9  }
0x55d: {  	v53 =	vld [tilespmem:s24+$0x7F60]  }
0x55e: {  	v54 =	vld [tilespmem:s24+$0x9F60];
	(erf) = vrcp.f32 v52  }
0x55f: {  	v55 =	vld [tilespmem:s25+$0xA350]  }
0x560: {  	v56 =	vld [tilespmem:s24+$0x5F60]  }
0x561: {  	v18 =	vld [tilespmem:s25+$0x6350]  }
0x562: {  	v11 =	vadd.f32 v48, v46  }
0x563: {  	v57 =	vadd.f32 v54, v53  }
0x564: {  	v11 =	vadd.f32 v49, v11;
	v9 =	vadd.f32 v55, v51  }
0x565: {  	v58 =	vadd.f32 v56, v57  }
0x566: {  	v10 =	vmul.f32 v29, v11;
	v9 =	vadd.f32 v18, v9  }
0x567: {  	v59 =	vsub.f32 $0.0e+00, v58;
	v60 =	vpop (erf)  }
0x568: {  	[tilespmem:s23+$0x60] =	vst v10;
	v9 =	vmul.f32 v60, v9  }
0x569: {  	v10 =	vld [tilespmem:s16+$0x7F70];
	v11 =	vmul.f32 $1.442695020e+00, v59  }
0x56a: {  	v61 =	vld [tilespmem:s16+$0x9F70];
	[tilespmem:s26+$0x50] =	vst v9  }
0x56b: {  	(erf) = vpow2.f32 v11;
	v9 =	vld [tilespmem:s25+$0x7F60]  }
0x56c: {  	v62 =	vld [tilespmem:s25+$0x9F60]  }
0x56d: {  	v16 =	vld [tilespmem:s16+$0x5F70]  }
0x56e: {  	v17 =	vld [tilespmem:s25+$0x5F60];
	_ =	sdelay $0x1  }
0x56f: {  	v10 =	vadd.f32 v61, v10  }
0x570: {  	v9 =	vadd.f32 v62, v9  }
0x571: {  	v10 =	vadd.f32 v16, v10  }
0x572: {  	v9 =	vadd.f32 v17, v9  }
0x573: {  	v10 =	vsub.f32 $0.0e+00, v10;
	v18 =	vpop (erf)  }
0x574: {  	v9 =	vsub.f32 $0.0e+00, v9;
	v11 =	vadd.f32 $1.000000000e+00, v18  }
0x575: {  	v10 =	vmul.f32 $1.442695020e+00, v10  }
0x576: {  	v9 =	vmul.f32 $1.442695020e+00, v9;
	(erf) = vrcp.f32 v11  }
0x577: {  	v19 =	vld [tilespmem:s24+$0x8360];
	(erf) = vpow2.f32 v10  }
0x578: {  	v20 =	vld [tilespmem:s24+$0xA360];
	(erf) = vpow2.f32 v9;
	_ =	sdelay $0x1  }
0x579: {  	v21 =	vld [tilespmem:s24+$0x6360];
	_ =	sdelay $0x2  }
0x57a: {  	v10 =	vadd.f32 v20, v19;
	_ =	sdelay $0x1  }
0x57b: {  	v9 =	vadd.f32 v21, v10;
	v22 =	vpop (erf)  }
0x57c: {  	v23 =	vpop (erf)  }
0x57d: {  	v9 =	vmul.f32 v22, v9;
	v24 =	vadd.f32 $1.000000000e+00, v23;
	v25 =	vpop (erf)  }
0x57e: {  	v26 =	vld [tilespmem:s25+$0x8360];
	v11 =	vadd.f32 $1.000000000e+00, v25  }
0x57f: {  	v27 =	vld [tilespmem:s25+$0xA360];
	[tilespmem:s26+$0xFFFFFFE0] =	vst v9;
	(erf) = vrcp.f32 v24  }
0x580: {  	v9 =	vld [tilespmem:s24+$0x7F70];
	(erf) = vrcp.f32 v11  }
0x581: {  	v28 =	vld [tilespmem:s24+$0x9F70]  }
0x582: {  	v29 =	vld [tilespmem:s25+$0x6360]  }
0x583: {  	v30 =	vld [tilespmem:s24+$0x5F70];
	_ =	sdelay $0x2  }
0x584: {  	v12 =	vadd.f32 v27, v26;
	v9 =	vadd.f32 v28, v9;
	_ =	sdelay $0x1  }
0x585: {  	v31 =	vadd.f32 v29, v12;
	v9 =	vadd.f32 v30, v9;
	v32 =	vpop (erf)  }
0x586: {  	v33 =	vpop (erf)  }
0x587: {  	v9 =	vsub.f32 $0.0e+00, v9;
	v10 =	vmul.f32 v33, v31;
	_ =	sdelay $0x1  }
0x588: {  	v9 =	vmul.f32 $1.442695020e+00, v9;
	[tilespmem:s26+$0x60] =	vst v10  }
0x589: {  	v10 =	vld [tilespmem:s25+$0x7F70]  }
0x58a: {  	(erf) = vpow2.f32 v9;
	v34 =	vld [tilespmem:s25+$0x9F70];
	_ =	sdelay $0x1  }
0x58b: {  	v35 =	vld [tilespmem:s25+$0x5F70];
	_ =	sdelay $0x2  }
0x58c: {  	v9 =	vadd.f32 v34, v10;
	_ =	sdelay $0x1  }
0x58d: {  	v9 =	vadd.f32 v35, v9;
	_ =	sdelay $0x1  }
0x58e: {  	v36 =	vpop (erf);
	v9 =	vsub.f32 $0.0e+00, v9  }
0x58f: {  	v10 =	vadd.f32 $1.000000000e+00, v36  }
0x590: {  	v37 =	vld [tilespmem:s11+$0x8370];
	v9 =	vmul.f32 $1.442695020e+00, v9  }
0x591: {  	v38 =	vld [tilespmem:s11+$0xA370];
	(erf) = vrcp.f32 v10  }
0x592: {  	v39 =	vld [tilespmem:s11+$0x6370];
	(erf) = vpow2.f32 v9  }
0x593: {  	v40 =	vld [tilespmem:s10+$0x8370]  }
0x594: {  	v41 =	vld [tilespmem:s10+$0xA370]  }
0x595: {  	v42 =	vld [tilespmem:s10+$0x6370]  }
0x596: {  	v43 =	vld [tilespmem:s12+$0x8370]  }
0x597: {  	v44 =	vld [tilespmem:s12+$0xA370]  }
0x598: {  	v45 =	vld [tilespmem:s12+$0x6370]  }
0x599: {  	v19 =	vld [tilespmem:s16+$0x8370]  }
0x59a: {  	v20 =	vld [tilespmem:s16+$0xA370];
	v21 =	vpop (erf)  }
0x59b: {  	v22 =	vld [tilespmem:s16+$0x6370];
	v23 =	vpop (erf)  }
0x59c: {  	v24 =	vld [tilespmem:s24+$0x8370];
	v23 =	vadd.f32 $1.000000000e+00, v23  }
0x59d: {  	v25 =	vld [tilespmem:s24+$0xA370]  }
0x59e: {  	v46 =	vld [tilespmem:s25+$0x8370];
	(erf) = vrcp.f32 v23  }
0x59f: {  	v3 =	vadd.f32 v3, v5;
	v48 =	vadd.f32 v41, v40;
	v47 =	vld [tilespmem:s25+$0xA370]  }
0x5a0: {  	v50 =	vadd.f32 v44, v43;
	v49 =	vld [tilespmem:s24+$0x6370]  }
0x5a1: {  	v3 =	vmul.f32 v4, v3;
	v52 =	vadd.f32 v42, v48;
	v53 =	vadd.f32 v20, v19;
	v51 =	vld [tilespmem:s25+$0x6370]  }
0x5a2: {  	v54 =	vadd.f32 v45, v50;
	v12 =	vadd.f32 v38, v37  }
0x5a3: {  	[tilespmem:s9+$0x70] =	vst v3;
	v3 =	vmul.f32 v7, v52;
	v56 =	vadd.f32 v22, v53;
	v55 =	vadd.f32 v25, v24  }
0x5a4: {  	v58 =	vmul.f32 v8, v54;
	v57 =	vadd.f32 v47, v46;
	v10 =	vadd.f32 v39, v12  }
0x5a5: {  	[tilespmem:s15+$0x70] =	vst v3;
	v59 =	vadd.f32 v49, v55;
	v3 =	vmul.f32 v32, v56  }
0x5a6: {  	[tilespmem:s23+$0xFFFFFFF0] =	vst v58;
	v60 =	vadd.f32 v51, v57;
	v6 =	vmul.f32 v6, v10  }
0x5a7: {  	[tilespmem:s23+$0x70] =	vst v3;
	v61 =	vmul.f32 v21, v59;
	v62 =	vpop (erf)  }
0x5a8: {  	[tilespmem:s15+$0xFFFFFFF0] =	vst v6;
	v3 =	vmul.f32 v62, v60  }
0x5a9: {  	[tilespmem:s26+$0xFFFFFFF0] =	vst v61  }
0x5aa: {  	[tilespmem:s26+$0x70] =	vst v3  }
0x5ab: {  	s13 =	sadd.s32 $0x1, s13;
	v3 =	vld [tilespmem:s14+$0x0]  }
0x5ac: {  	p0 =	sne.s32 s13, $0x138  }
.Ltmp2:
0x5ad: {  	_ = 	snop;
	(pc) =	sbr.rel @p0 .LBB2_2-.Ltmp2, $3  }
0x5ae: {  	_ =	sdelay $0x1  }
0x5af: {  	s8 =	simm.s32 $0xBF80;
	s28 =	simm.s32 $0xB700;
	[tilespmem:$0xBF80] =	vst v3  }
0x5b0: {  	[spmem:s2] =	stream.indirect.scatter.add.f32 [tilespmem:s28], [sflag:$0x4], $0x80, s8, s30, $0xb8;
	v63 =	vld [tilespmem:$0x0]  }
0x5b1: {  	_ =	swait.ge [sflag:s29], $0x1000  }
0x5b2: {  	[sflag:s29] =	ssyncset.done $0x0  }
0x5b3: {  	[sflag:s29] =	ssyncadd.s32 $0xFFFFF000  }
0x5b4: {  	_ =	swait.ge [sflag:s29], $0x1000  }
0x5b5: {  	[sflag:s29] =	ssyncset.done $0x0  }
0x5b6: {  	[sflag:s29] =	ssyncadd.s32 $0xFFFFF000  }
0x5b7: {  	_ =	swait.ge [sflag:s29], $0x1000  }
0x5b8: {  	[sflag:s29] =	ssyncset.done $0x0  }
0x5b9: {  	s25 =	simm.s32 $0x3;
	[sflag:s29] =	ssyncadd.s32 $0xFFFFF000  }
0x5ba: {  	s8 =	simm.s32 $0x0;
	s9 =	simm.s32 $0x0;
	_ =	swait.ge [sflag:s25], $0x800  }
0x5bb: {  	s8 =	sand.u32 $0x800, s8;
	s9 =	sand.u32 $0x300, s9;
	[sflag:s25] =	ssyncset.done $0x0  }
0x5bc: {  	s24 =	sor.u32 s9, s8;
	[sflag:s25] =	ssyncadd.s32 $0xFFFFF800  }
0x5bd: {  	v3 =	vld [tilespmem:s24+$0x6F00]  }
0x5be: {  	v4 =	vld [tilespmem:s24+$0x8F00];
	_ =	sdelay $0x1  }
0x5bf: {  	v5 =	vld [tilespmem:s24+$0x4F00];
	_ =	sdelay $0x2  }
0x5c0: {  	v3 =	vadd.f32 v4, v3;
	_ =	sdelay $0x1  }
0x5c1: {  	s21 =	simm.s32 $0x80;
	v3 =	vadd.f32 v5, v3  }
0x5c2: {  	s9 =	sand.u32 $0x380, s21  }
0x5c3: {  	s17 =	sor.u32 s8, s9;
	v3 =	vsub.f32 $0.0e+00, v3  }
0x5c4: {  	v4 =	vld [tilespmem:s17+$0x6F00]  }
0x5c5: {  	v5 =	vld [tilespmem:s17+$0x8F00];
	v3 =	vmul.f32 $1.442695020e+00, v3;
	_ =	sdelay $0x1  }
0x5c6: {  	v6 =	vld [tilespmem:s17+$0x4F00];
	(erf) = vpow2.f32 v3;
	_ =	sdelay $0x2  }
0x5c7: {  	v3 =	vadd.f32 v5, v4;
	_ =	sdelay $0x1  }
0x5c8: {  	v3 =	vadd.f32 v6, v3;
	_ =	sdelay $0x1  }
0x5c9: {  	v3 =	vsub.f32 $0.0e+00, v3;
	_ =	sdelay $0x1  }
0x5ca: {  	v3 =	vmul.f32 $1.442695020e+00, v3;
	v4 =	vpop (erf)  }
0x5cb: {  	v4 =	vadd.f32 $1.000000000e+00, v4  }
0x5cc: {  	(erf) = vpow2.f32 v3  }
0x5cd: {  	v3 =	vld [tilespmem:s24+$0x7300];
	(erf) = vrcp.f32 v4  }
0x5ce: {  	v4 =	vld [tilespmem:s24+$0x9300];
	_ =	sdelay $0x1  }
0x5cf: {  	v5 =	vld [tilespmem:s24+$0x5300];
	_ =	sdelay $0x2  }
0x5d0: {  	v3 =	vadd.f32 v4, v3;
	_ =	sdelay $0x1  }
0x5d1: {  	v4 =	vpop (erf);
	v3 =	vadd.f32 v5, v3  }
0x5d2: {  	v4 =	vadd.f32 $1.000000000e+00, v4;
	v5 =	vpop (erf)  }
0x5d3: {  	v6 =	vld [tilespmem:s17+$0x7300];
	v3 =	vmul.f32 v5, v3  }
0x5d4: {  	s9 =	simm.s32 $0xAF80;
	(erf) = vrcp.f32 v4;
	v5 =	vld [tilespmem:s17+$0x9300]  }
0x5d5: {  	v4 =	vld [tilespmem:s17+$0x5300];
	[tilespmem:s9+$0xFFFFFF80] =	vst v3  }
0x5d6: {  	v3 =	vld [tilespmem:s24+$0x6F10]  }
0x5d7: {  	v7 =	vld [tilespmem:s24+$0x8F10];
	_ =	sdelay $0x1  }
0x5d8: {  	v8 =	vld [tilespmem:s24+$0x4F10];
	v5 =	vadd.f32 v5, v6;
	_ =	sdelay $0x2  }
0x5d9: {  	v4 =	vadd.f32 v4, v5;
	v3 =	vadd.f32 v7, v3  }
0x5da: {  	v5 =	vpop (erf)  }
0x5db: {  	v4 =	vmul.f32 v5, v4;
	v3 =	vadd.f32 v8, v3;
	_ =	sdelay $0x1  }
0x5dc: {  	[tilespmem:s9+$0x0] =	vst v4;
	v3 =	vsub.f32 $0.0e+00, v3  }
0x5dd: {  	v4 =	vld [tilespmem:s17+$0x6F10]  }
0x5de: {  	v5 =	vld [tilespmem:s17+$0x8F10];
	v3 =	vmul.f32 $1.442695020e+00, v3;
	_ =	sdelay $0x1  }
0x5df: {  	v6 =	vld [tilespmem:s17+$0x4F10];
	(erf) = vpow2.f32 v3;
	_ =	sdelay $0x2  }
0x5e0: {  	v3 =	vadd.f32 v5, v4;
	_ =	sdelay $0x1  }
0x5e1: {  	v3 =	vadd.f32 v6, v3;
	_ =	sdelay $0x1  }
0x5e2: {  	v3 =	vsub.f32 $0.0e+00, v3;
	_ =	sdelay $0x1  }
0x5e3: {  	v3 =	vmul.f32 $1.442695020e+00, v3;
	v4 =	vpop (erf)  }
0x5e4: {  	v4 =	vadd.f32 $1.000000000e+00, v4  }
0x5e5: {  	(erf) = vpow2.f32 v3  }
0x5e6: {  	v3 =	vld [tilespmem:s24+$0x7310];
	(erf) = vrcp.f32 v4  }
0x5e7: {  	v4 =	vld [tilespmem:s24+$0x9310];
	_ =	sdelay $0x1  }
0x5e8: {  	v5 =	vld [tilespmem:s24+$0x5310];
	_ =	sdelay $0x2  }
0x5e9: {  	v3 =	vadd.f32 v4, v3;
	_ =	sdelay $0x1  }
0x5ea: {  	v3 =	vadd.f32 v5, v3;
	v4 =	vpop (erf)  }
0x5eb: {  	v5 =	vpop (erf)  }
0x5ec: {  	v3 =	vmul.f32 v5, v3  }
0x5ed: {  	v7 =	vld [tilespmem:s17+$0x9310]  }
0x5ee: {  	v5 =	vld [tilespmem:s17+$0x7310];
	[tilespmem:s9+$0xFFFFFF90] =	vst v3;
	v3 =	vadd.f32 $1.000000000e+00, v4  }
0x5ef: {  	v4 =	vld [tilespmem:s24+$0x6F20]  }
0x5f0: {  	v6 =	vld [tilespmem:s24+$0x8F20];
	(erf) = vrcp.f32 v3;
	_ =	sdelay $0x1  }
0x5f1: {  	v3 =	vld [tilespmem:s24+$0x4F20]  }
0x5f2: {  	v8 =	vld [tilespmem:s17+$0x5310];
	_ =	sdelay $0x1  }
0x5f3: {  	v5 =	vadd.f32 v7, v5;
	v4 =	vadd.f32 v6, v4;
	_ =	sdelay $0x1  }
0x5f4: {  	v3 =	vadd.f32 v3, v4  }
0x5f5: {  	v4 =	vadd.f32 v8, v5  }
0x5f6: {  	v3 =	vsub.f32 $0.0e+00, v3;
	v5 =	vpop (erf)  }
0x5f7: {  	v4 =	vmul.f32 v5, v4  }
0x5f8: {  	v3 =	vmul.f32 $1.442695020e+00, v3  }
0x5f9: {  	s22 =	simm.s32 $0x100;
	s10 =	simm.s32 $0x200;
	[tilespmem:s9+$0x10] =	vst v4  }
0x5fa: {  	s10 =	sand.u32 $0x800, s10;
	s8 =	sand.u32 $0x300, s22;
	(erf) = vpow2.f32 v3;
	v3 =	vld [tilespmem:s17+$0x6F20]  }
0x5fb: {  	s11 =	sor.u32 s8, s10;
	v4 =	vld [tilespmem:s17+$0x8F20]  }
0x5fc: {  	v7 =	vld [tilespmem:s11+$0x8F00]  }
0x5fd: {  	v5 =	vld [tilespmem:s17+$0x4F20]  }
0x5fe: {  	v6 =	vld [tilespmem:s11+$0x6F00];
	_ =	sdelay $0x1  }
0x5ff: {  	v3 =	vadd.f32 v4, v3;
	v4 =	vld [tilespmem:s11+$0x4F00];
	_ =	sdelay $0x1  }
0x600: {  	v3 =	vadd.f32 v5, v3  }
0x601: {  	v6 =	vadd.f32 v7, v6;
	v5 =	vpop (erf)  }
0x602: {  	v5 =	vadd.f32 $1.000000000e+00, v5;
	v3 =	vsub.f32 $0.0e+00, v3  }
0x603: {  	s23 =	simm.s32 $0x180;
	v4 =	vadd.f32 v4, v6;
	v6 =	vld [tilespmem:s24+$0x7320]  }
0x604: {  	s8 =	sand.u32 $0x380, s23;
	(erf) = vrcp.f32 v5;
	v3 =	vmul.f32 $1.442695020e+00, v3;
	v5 =	vld [tilespmem:s24+$0x9320]  }
0x605: {  	s10 =	sor.u32 s10, s8;
	v4 =	vsub.f32 $0.0e+00, v4  }
0x606: {  	v8 =	vld [tilespmem:s10+$0x8F00];
	(erf) = vpow2.f32 v3  }
0x607: {  	v3 =	vld [tilespmem:s24+$0x5320];
	v4 =	vmul.f32 $1.442695020e+00, v4  }
0x608: {  	v7 =	vld [tilespmem:s10+$0x6F00]  }
0x609: {  	(erf) = vpow2.f32 v4;
	v4 =	vadd.f32 v5, v6  }
0x60a: {  	v9 =	vld [tilespmem:s10+$0x4F00];
	_ =	sdelay $0x1  }
0x60b: {  	v3 =	vadd.f32 v3, v4  }
0x60c: {  	v5 =	vadd.f32 v8, v7;
	v4 =	vpop (erf)  }
0x60d: {  	v3 =	vmul.f32 v4, v3  }
0x60e: {  	v5 =	vadd.f32 v9, v5;
	v6 =	vpop (erf)  }
0x60f: {  	v8 =	vld [tilespmem:s17+$0x9320];
	[tilespmem:s9+$0xFFFFFFA0] =	vst v3;
	v3 =	vadd.f32 $1.000000000e+00, v6  }
0x610: {  	v5 =	vsub.f32 $0.0e+00, v5;
	v6 =	vld [tilespmem:s24+$0x6F30]  }
0x611: {  	v7 =	vld [tilespmem:s24+$0x8F30];
	(erf) = vrcp.f32 v3  }
0x612: {  	v4 =	vld [tilespmem:s17+$0x7320];
	v5 =	vmul.f32 $1.442695020e+00, v5  }
0x613: {  	v9 =	vld [tilespmem:s17+$0x5320];
	v3 =	vpop (erf)  }
0x614: {  	(erf) = vpow2.f32 v5;
	v5 =	vld [tilespmem:s24+$0x4F30];
	v3 =	vadd.f32 $1.000000000e+00, v3;
	_ =	sdelay $0x1  }
0x615: {  	v10 =	vld [tilespmem:s11+$0x7300];
	v6 =	vadd.f32 v7, v6;
	(erf) = vrcp.f32 v3  }
0x616: {  	v4 =	vadd.f32 v8, v4;
	v3 =	vld [tilespmem:s11+$0x9300];
	_ =	sdelay $0x1  }
0x617: {  	v4 =	vadd.f32 v9, v4;
	v7 =	vld [tilespmem:s11+$0x5300];
	v5 =	vadd.f32 v5, v6  }
0x618: {  	v6 =	vpop (erf)  }
0x619: {  	v5 =	vsub.f32 $0.0e+00, v5;
	v4 =	vmul.f32 v6, v4  }
0x61a: {  	v3 =	vadd.f32 v3, v10  }
0x61b: {  	v5 =	vmul.f32 $1.442695020e+00, v5  }
0x61c: {  	v8 =	vld [tilespmem:s10+$0x7300];
	v6 =	vpop (erf);
	v3 =	vadd.f32 v7, v3;
	[tilespmem:s9+$0x20] =	vst v4  }
0x61d: {  	v6 =	vadd.f32 $1.000000000e+00, v6;
	(erf) = vpow2.f32 v5;
	v5 =	vld [tilespmem:s17+$0x6F30];
	v4 =	vpop (erf)  }
0x61e: {  	v3 =	vmul.f32 v4, v3;
	v4 =	vld [tilespmem:s17+$0x8F30]  }
0x61f: {  	v9 =	vld [tilespmem:s10+$0x9300];
	(erf) = vrcp.f32 v6  }
0x620: {  	s13 =	simm.s32 $0xB080;
	v6 =	vld [tilespmem:s17+$0x4F30]  }
0x621: {  	v7 =	vld [tilespmem:s10+$0x5300];
	[tilespmem:s13+$0xFFFFFF80] =	vst v3  }
0x622: {  	v3 =	vld [tilespmem:s11+$0x6F10]  }
0x623: {  	v10 =	vld [tilespmem:s11+$0x8F10];
	v4 =	vadd.f32 v4, v5  }
0x624: {  	v8 =	vadd.f32 v9, v8  }
0x625: {  	v5 =	vld [tilespmem:s11+$0x4F10];
	v4 =	vadd.f32 v6, v4;
	_ =	sdelay $0x1  }
0x626: {  	v7 =	vadd.f32 v7, v8;
	v6 =	vpop (erf);
	v4 =	vsub.f32 $0.0e+00, v4  }
0x627: {  	v3 =	vadd.f32 v10, v3;
	v8 =	vpop (erf);
	v6 =	vadd.f32 $1.000000000e+00, v6  }
0x628: {  	v7 =	vmul.f32 v8, v7;
	v4 =	vmul.f32 $1.442695020e+00, v4  }
0x629: {  	v3 =	vadd.f32 v5, v3;
	v5 =	vld [tilespmem:s24+$0x7330];
	(erf) = vrcp.f32 v6  }
0x62a: {  	v6 =	vld [tilespmem:s24+$0x9330];
	[tilespmem:s13+$0x0] =	vst v7;
	(erf) = vpow2.f32 v4  }
0x62b: {  	v3 =	vsub.f32 $0.0e+00, v3;
	v7 =	vld [tilespmem:s10+$0x6F10]  }
0x62c: {  	v8 =	vld [tilespmem:s10+$0x8F10]  }
0x62d: {  	v4 =	vld [tilespmem:s24+$0x5330];
	v3 =	vmul.f32 $1.442695020e+00, v3;
	_ =	sdelay $0x1  }
0x62e: {  	v9 =	vld [tilespmem:s10+$0x4F10];
	(erf) = vpow2.f32 v3  }
0x62f: {  	v3 =	vadd.f32 v6, v5;
	_ =	sdelay $0x1  }
0x630: {  	v3 =	vadd.f32 v4, v3;
	v4 =	vadd.f32 v8, v7;
	v5 =	vpop (erf)  }
0x631: {  	v6 =	vpop (erf)  }
0x632: {  	v3 =	vmul.f32 v5, v3;
	v4 =	vadd.f32 v9, v4;
	v6 =	vadd.f32 $1.000000000e+00, v6  }
0x633: {  	v7 =	vld [tilespmem:s17+$0x9330]  }
0x634: {  	v5 =	vld [tilespmem:s17+$0x7330];
	[tilespmem:s9+$0xFFFFFFB0] =	vst v3;
	v3 =	vsub.f32 $0.0e+00, v4;
	(erf) = vrcp.f32 v6  }
0x635: {  	v4 =	vld [tilespmem:s24+$0x6F40]  }
0x636: {  	v3 =	vmul.f32 $1.442695020e+00, v3;
	v6 =	vld [tilespmem:s24+$0x8F40];
	v8 =	vpop (erf)  }
0x637: {  	v9 =	vld [tilespmem:s17+$0x5330];
	v8 =	vadd.f32 $1.000000000e+00, v8  }
0x638: {  	v10 =	vld [tilespmem:s24+$0x4F40];
	(erf) = vpow2.f32 v3  }
0x639: {  	v3 =	vld [tilespmem:s11+$0x7310];
	(erf) = vrcp.f32 v8  }
0x63a: {  	v5 =	vadd.f32 v7, v5;
	v8 =	vld [tilespmem:s11+$0x9310]  }
0x63b: {  	v4 =	vadd.f32 v6, v4  }
0x63c: {  	v5 =	vadd.f32 v9, v5;
	v6 =	vld [tilespmem:s11+$0x5310]  }
0x63d: {  	v4 =	vadd.f32 v10, v4;
	v7 =	vpop (erf)  }
0x63e: {  	v5 =	vmul.f32 v7, v5  }
0x63f: {  	v3 =	vadd.f32 v8, v3;
	v4 =	vsub.f32 $0.0e+00, v4;
	_ =	sdelay $0x1  }
0x640: {  	v8 =	vld [tilespmem:s10+$0x9310];
	v3 =	vadd.f32 v6, v3;
	v6 =	vpop (erf);
	v4 =	vmul.f32 $1.442695020e+00, v4;
	[tilespmem:s9+$0x30] =	vst v5  }
0x641: {  	v9 =	vld [tilespmem:s17+$0x6F40];
	v5 =	vpop (erf)  }
0x642: {  	(erf) = vpow2.f32 v4;
	v4 =	vadd.f32 $1.000000000e+00, v6;
	v3 =	vmul.f32 v5, v3;
	v5 =	vld [tilespmem:s17+$0x8F40]  }
0x643: {  	v7 =	vld [tilespmem:s10+$0x7310]  }
0x644: {  	v6 =	vld [tilespmem:s17+$0x4F40];
	(erf) = vrcp.f32 v4;
	[tilespmem:s13+$0xFFFFFF90] =	vst v3  }
0x645: {  	v3 =	vld [tilespmem:s11+$0x6F20]  }
0x646: {  	v4 =	vld [tilespmem:s11+$0x8F20]  }
0x647: {  	v10 =	vld [tilespmem:s10+$0x5310];
	v5 =	vadd.f32 v5, v9;
	_ =	sdelay $0x1  }
0x648: {  	v9 =	vld [tilespmem:s11+$0x4F20];
	v5 =	vadd.f32 v6, v5  }
0x649: {  	v6 =	vadd.f32 v8, v7  }
0x64a: {  	v7 =	vpop (erf);
	v3 =	vadd.f32 v4, v3;
	v4 =	vsub.f32 $0.0e+00, v5  }
0x64b: {  	v5 =	vadd.f32 $1.000000000e+00, v7;
	v6 =	vadd.f32 v10, v6  }
0x64c: {  	v8 =	vld [tilespmem:s24+$0x7340];
	v7 =	vpop (erf);
	v4 =	vmul.f32 $1.442695020e+00, v4  }
0x64d: {  	v3 =	vadd.f32 v9, v3;
	(erf) = vrcp.f32 v5;
	v5 =	vmul.f32 v7, v6;
	v6 =	vld [tilespmem:s24+$0x9340]  }
0x64e: {  	(erf) = vpow2.f32 v4  }
0x64f: {  	v3 =	vsub.f32 $0.0e+00, v3  }
0x650: {  	v4 =	vld [tilespmem:s24+$0x5340]  }
0x651: {  	s26 =	simm.s32 $0x200;
	s12 =	simm.s32 $0x400;
	[tilespmem:s13+$0x10] =	vst v5;
	v3 =	vmul.f32 $1.442695020e+00, v3  }
0x652: {  	s14 =	sand.u32 $0x800, s12;
	s8 =	sand.u32 $0x300, s26;
	v5 =	vld [tilespmem:s10+$0x6F20];
	v6 =	vadd.f32 v6, v8  }
0x653: {  	s12 =	sor.u32 s8, s14;
	v7 =	vld [tilespmem:s10+$0x8F20];
	(erf) = vpow2.f32 v3  }
0x654: {  	v12 =	vld [tilespmem:s12+$0x4F00]  }
0x655: {  	v8 =	vld [tilespmem:s10+$0x4F20];
	v4 =	vadd.f32 v4, v6  }
0x656: {  	v10 =	vld [tilespmem:s12+$0x6F00];
	v6 =	vpop (erf)  }
0x657: {  	v9 =	vld [tilespmem:s17+$0x9340];
	v4 =	vmul.f32 v6, v4;
	v11 =	vpop (erf)  }
0x658: {  	v5 =	vadd.f32 v7, v5;
	v6 =	vld [tilespmem:s12+$0x8F00];
	v11 =	vadd.f32 $1.000000000e+00, v11  }
0x659: {  	v3 =	vld [tilespmem:s17+$0x7340];
	[tilespmem:s9+$0xFFFFFFC0] =	vst v4  }
0x65a: {  	v5 =	vadd.f32 v8, v5;
	v4 =	vld [tilespmem:s24+$0x6F50];
	(erf) = vrcp.f32 v11  }
0x65b: {  	s28 =	simm.s32 $0x280;
	v8 =	vld [tilespmem:s24+$0x8F50]  }
0x65c: {  	s8 =	sand.u32 $0x380, s28;
	v7 =	vld [tilespmem:s17+$0x5340];
	v5 =	vsub.f32 $0.0e+00, v5;
	v11 =	vpop (erf)  }
0x65d: {  	s14 =	sor.u32 s14, s8;
	v6 =	vadd.f32 v6, v10;
	v10 =	vadd.f32 $1.000000000e+00, v11;
	v11 =	vld [tilespmem:s24+$0x4F50]  }
0x65e: {  	v13 =	vld [tilespmem:s14+$0x6F00]  }
0x65f: {  	v5 =	vmul.f32 $1.442695020e+00, v5;
	v6 =	vadd.f32 v12, v6;
	v12 =	vld [tilespmem:s11+$0x7320];
	(erf) = vrcp.f32 v10  }
0x660: {  	v3 =	vadd.f32 v9, v3;
	v4 =	vadd.f32 v8, v4;
	v10 =	vld [tilespmem:s11+$0x9320]  }
0x661: {  	v14 =	vld [tilespmem:s14+$0x8F00];
	(erf) = vpow2.f32 v5;
	v5 =	vsub.f32 $0.0e+00, v6  }
0x662: {  	v3 =	vadd.f32 v7, v3;
	v6 =	vld [tilespmem:s11+$0x5320];
	v4 =	vadd.f32 v11, v4  }
0x663: {  	v7 =	vld [tilespmem:s14+$0x4F00];
	v5 =	vmul.f32 $1.442695020e+00, v5;
	v8 =	vpop (erf)  }
0x664: {  	v4 =	vsub.f32 $0.0e+00, v4;
	v3 =	vmul.f32 v8, v3  }
0x665: {  	(erf) = vpow2.f32 v5;
	v5 =	vadd.f32 v10, v12  }
0x666: {  	v8 =	vadd.f32 v14, v13;
	v4 =	vmul.f32 $1.442695020e+00, v4  }
0x667: {  	v5 =	vadd.f32 v6, v5;
	[tilespmem:s9+$0x40] =	vst v3  }
0x668: {  	v3 =	vpop (erf);
	(erf) = vpow2.f32 v4;
	v4 =	vadd.f32 v7, v8;
	v8 =	vld [tilespmem:s17+$0x8F50]  }
0x669: {  	v3 =	vmul.f32 v3, v5;
	v5 =	vld [tilespmem:s17+$0x6F50];
	_ =	sdelay $0x1  }
0x66a: {  	v10 =	vld [tilespmem:s10+$0x9320];
	v7 =	vpop (erf)  }
0x66b: {  	v6 =	vld [tilespmem:s10+$0x7320];
	v7 =	vadd.f32 $1.000000000e+00, v7  }
0x66c: {  	v4 =	vsub.f32 $0.0e+00, v4;
	[tilespmem:s13+$0xFFFFFFA0] =	vst v3;
	v3 =	vld [tilespmem:s17+$0x4F50]  }
0x66d: {  	v9 =	vld [tilespmem:s11+$0x6F30];
	(erf) = vrcp.f32 v7;
	v5 =	vadd.f32 v8, v5  }
0x66e: {  	v4 =	vmul.f32 $1.442695020e+00, v4;
	v7 =	vld [tilespmem:s11+$0x8F30]  }
0x66f: {  	v12 =	vld [tilespmem:s10+$0x5320];
	v11 =	vpop (erf)  }
0x670: {  	v11 =	vadd.f32 $1.000000000e+00, v11;
	(erf) = vpow2.f32 v4;
	v4 =	vld [tilespmem:s11+$0x4F30]  }
0x671: {  	v3 =	vadd.f32 v3, v5;
	v5 =	vpop (erf)  }
0x672: {  	v6 =	vadd.f32 v10, v6;
	v8 =	vld [tilespmem:s12+$0x7300];
	(erf) = vrcp.f32 v11;
	v5 =	vadd.f32 $1.000000000e+00, v5  }
0x673: {  	v11 =	vld [tilespmem:s12+$0x9300];
	v7 =	vadd.f32 v7, v9;
	v3 =	vsub.f32 $0.0e+00, v3  }
0x674: {  	v13 =	vld [tilespmem:s24+$0x9350]  }
0x675: {  	v10 =	vld [tilespmem:s12+$0x5300];
	v6 =	vadd.f32 v12, v6;
	v4 =	vadd.f32 v4, v7;
	v3 =	vmul.f32 $1.442695020e+00, v3  }
0x676: {  	v14 =	vld [tilespmem:s17+$0x9350];
	(erf) = vrcp.f32 v5;
	v5 =	vpop (erf)  }
0x677: {  	v12 =	vld [tilespmem:s24+$0x7350];
	v4 =	vsub.f32 $0.0e+00, v4;
	v5 =	vmul.f32 v5, v6  }
0x678: {  	v9 =	vld [tilespmem:s14+$0x7300];
	v6 =	vadd.f32 v11, v8  }
0x679: {  	v7 =	vld [tilespmem:s14+$0x9300];
	(erf) = vpow2.f32 v3;
	v4 =	vmul.f32 $1.442695020e+00, v4;
	v3 =	vpop (erf)  }
0x67a: {  	v11 =	vld [tilespmem:s24+$0x5350];
	v3 =	vadd.f32 $1.000000000e+00, v3;
	v6 =	vadd.f32 v10, v6  }
0x67b: {  	v8 =	vld [tilespmem:s14+$0x5300];
	[tilespmem:s13+$0x20] =	vst v5;
	v5 =	vpop (erf);
	(erf) = vpow2.f32 v4  }
0x67c: {  	v4 =	vld [tilespmem:s10+$0x6F30];
	v5 =	vmul.f32 v5, v6;
	(erf) = vrcp.f32 v3  }
0x67d: {  	s15 =	simm.s32 $0xB180;
	v3 =	vld [tilespmem:s10+$0x8F30];
	v6 =	vadd.f32 v13, v12  }
0x67e: {  	v12 =	vld [tilespmem:s10+$0x4F30];
	[tilespmem:s15+$0xFFFFFF80] =	vst v5  }
0x67f: {  	v5 =	vadd.f32 v11, v6;
	v6 =	vld [tilespmem:s12+$0x6F10]  }
0x680: {  	v11 =	vpop (erf);
	v13 =	vld [tilespmem:s12+$0x8F10]  }
0x681: {  	v10 =	vld [tilespmem:s17+$0x7350];
	v5 =	vmul.f32 v11, v5  }
0x682: {  	v7 =	vadd.f32 v7, v9;
	v9 =	vpop (erf);
	v3 =	vadd.f32 v3, v4;
	v4 =	vld [tilespmem:s12+$0x4F10]  }
0x683: {  	v11 =	vld [tilespmem:s17+$0x5350];
	[tilespmem:s9+$0xFFFFFFD0] =	vst v5;
	v5 =	vadd.f32 $1.000000000e+00, v9  }
0x684: {  	v7 =	vadd.f32 v8, v7;
	v3 =	vadd.f32 v12, v3;
	v8 =	vld [tilespmem:s24+$0x6F60];
	v9 =	vpop (erf)  }
0x685: {  	v12 =	vld [tilespmem:s24+$0x8F60];
	(erf) = vrcp.f32 v5;
	v5 =	vadd.f32 v13, v6;
	v6 =	vpop (erf)  }
0x686: {  	v13 =	vld [tilespmem:s24+$0x4F60];
	v9 =	vadd.f32 $1.000000000e+00, v9;
	v3 =	vsub.f32 $0.0e+00, v3;
	v6 =	vmul.f32 v6, v7  }
0x687: {  	v4 =	vadd.f32 v4, v5;
	v5 =	vld [tilespmem:s11+$0x7330]  }
0x688: {  	(erf) = vrcp.f32 v9;
	v3 =	vmul.f32 $1.442695020e+00, v3;
	[tilespmem:s15+$0x0] =	vst v6;
	v6 =	vld [tilespmem:s11+$0x9330]  }
0x689: {  	v7 =	vld [tilespmem:s14+$0x6F10]  }
0x68a: {  	v4 =	vsub.f32 $0.0e+00, v4;
	(erf) = vpow2.f32 v3;
	v3 =	vadd.f32 v12, v8;
	v8 =	vld [tilespmem:s11+$0x5330]  }
0x68b: {  	v9 =	vadd.f32 v14, v10;
	v10 =	vld [tilespmem:s14+$0x8F10]  }
0x68c: {  	v4 =	vmul.f32 $1.442695020e+00, v4  }
0x68d: {  	v9 =	vadd.f32 v11, v9;
	v3 =	vadd.f32 v13, v3  }
0x68e: {  	v11 =	vld [tilespmem:s14+$0x4F10];
	(erf) = vpow2.f32 v4;
	v4 =	vadd.f32 v6, v5  }
0x68f: {  	v3 =	vsub.f32 $0.0e+00, v3;
	v6 =	vpop (erf)  }
0x690: {  	v6 =	vmul.f32 v6, v9;
	v7 =	vadd.f32 v10, v7;
	v4 =	vadd.f32 v8, v4  }
0x691: {  	v3 =	vmul.f32 $1.442695020e+00, v3;
	v9 =	vpop (erf)  }
0x692: {  	v12 =	vld [tilespmem:s10+$0x9330];
	[tilespmem:s9+$0x50] =	vst v6;
	v4 =	vmul.f32 v9, v4  }
0x693: {  	v6 =	vadd.f32 v11, v7;
	(erf) = vpow2.f32 v3;
	v3 =	vld [tilespmem:s17+$0x6F60]  }
0x694: {  	v9 =	vld [tilespmem:s17+$0x8F60];
	v7 =	vpop (erf);
	[tilespmem:s13+$0xFFFFFFB0] =	vst v4  }
0x695: {  	v6 =	vsub.f32 $0.0e+00, v6;
	v4 =	vadd.f32 $1.000000000e+00, v7;
	v7 =	vld [tilespmem:s11+$0x6F40]  }
0x696: {  	v11 =	vld [tilespmem:s11+$0x8F40]  }
0x697: {  	v13 =	vld [tilespmem:s17+$0x4F60]  }
0x698: {  	v14 =	vld [tilespmem:s11+$0x4F40];
	(erf) = vrcp.f32 v4  }
0x699: {  	v5 =	vld [tilespmem:s10+$0x7330];
	v4 =	vmul.f32 $1.442695020e+00, v6;
	v6 =	vpop (erf)  }
0x69a: {  	v8 =	vld [tilespmem:s10+$0x5330];
	v6 =	vadd.f32 $1.000000000e+00, v6  }
0x69b: {  	v3 =	vadd.f32 v9, v3;
	(erf) = vpow2.f32 v4;
	v4 =	vld [tilespmem:s12+$0x7310];
	v7 =	vadd.f32 v11, v7  }
0x69c: {  	(erf) = vrcp.f32 v6;
	v6 =	vld [tilespmem:s12+$0x9310]  }
0x69d: {  	v3 =	vadd.f32 v13, v3;
	v13 =	vadd.f32 v14, v7  }
0x69e: {  	v5 =	vadd.f32 v12, v5;
	v9 =	vpop (erf)  }
0x69f: {  	v16 =	vld [tilespmem:s24+$0x9360];
	v9 =	vadd.f32 $1.000000000e+00, v9  }
0x6a0: {  	v12 =	vld [tilespmem:s12+$0x5310];
	v5 =	vadd.f32 v8, v5;
	v3 =	vsub.f32 $0.0e+00, v3  }
0x6a1: {  	v14 =	vld [tilespmem:s24+$0x7360];
	(erf) = vrcp.f32 v9;
	v8 =	vsub.f32 $0.0e+00, v13;
	v4 =	vadd.f32 v6, v4;
	v13 =	vpop (erf)  }
0x6a2: {  	v5 =	vmul.f32 v13, v5  }
0x6a3: {  	v3 =	vmul.f32 $1.442695020e+00, v3  }
0x6a4: {  	v13 =	vld [tilespmem:s24+$0x5360]  }
0x6a5: {  	v15 =	vld [tilespmem:s14+$0x9310];
	(erf) = vpow2.f32 v3;
	v6 =	vmul.f32 $1.442695020e+00, v8;
	v3 =	vadd.f32 v12, v4;
	v4 =	vpop (erf)  }
0x6a6: {  	v10 =	vld [tilespmem:s14+$0x7310];
	v12 =	vadd.f32 v16, v14;
	[tilespmem:s13+$0x30] =	vst v5;
	v5 =	vpop (erf)  }
0x6a7: {  	(erf) = vpow2.f32 v6;
	v6 =	vld [tilespmem:s10+$0x6F40];
	v3 =	vmul.f32 v5, v3  }
0x6a8: {  	v4 =	vadd.f32 $1.000000000e+00, v4;
	v5 =	vld [tilespmem:s10+$0x8F40]  }
0x6a9: {  	v14 =	vld [tilespmem:s10+$0x4F40];
	[tilespmem:s15+$0xFFFFFF90] =	vst v3;
	v3 =	vadd.f32 v13, v12  }
0x6aa: {  	(erf) = vrcp.f32 v4;
	v12 =	vpop (erf);
	v4 =	vld [tilespmem:s12+$0x6F20]  }
0x6ab: {  	v13 =	vld [tilespmem:s12+$0x8F20];
	v3 =	vmul.f32 v12, v3  }
0x6ac: {  	v11 =	vld [tilespmem:s14+$0x5310]  }
0x6ad: {  	v5 =	vadd.f32 v5, v6;
	v6 =	vld [tilespmem:s12+$0x4F20];
	_ =	sdelay $0x1  }
0x6ae: {  	v10 =	vadd.f32 v15, v10;
	[tilespmem:s9+$0xFFFFFFE0] =	vst v3;
	v5 =	vadd.f32 v14, v5;
	v3 =	vpop (erf)  }
0x6af: {  	v14 =	vld [tilespmem:s24+$0x6F70];
	v4 =	vadd.f32 v13, v4;
	v3 =	vadd.f32 $1.000000000e+00, v3;
	v15 =	vpop (erf)  }
0x6b0: {  	v17 =	vld [tilespmem:s24+$0x8F70];
	v5 =	vsub.f32 $0.0e+00, v5;
	v13 =	vadd.f32 $1.000000000e+00, v15  }
0x6b1: {  	v10 =	vadd.f32 v11, v10;
	v4 =	vadd.f32 v6, v4;
	v6 =	vld [tilespmem:s11+$0x7340];
	(erf) = vrcp.f32 v3  }
0x6b2: {  	v11 =	vpop (erf);
	v3 =	vld [tilespmem:s24+$0x4F70];
	v5 =	vmul.f32 $1.442695020e+00, v5;
	(erf) = vrcp.f32 v13  }
0x6b3: {  	v10 =	vmul.f32 v11, v10;
	v11 =	vld [tilespmem:s11+$0x9340]  }
0x6b4: {  	v4 =	vsub.f32 $0.0e+00, v4;
	(erf) = vpow2.f32 v5  }
0x6b5: {  	[tilespmem:s15+$0x10] =	vst v10;
	v10 =	vld [tilespmem:s11+$0x5340]  }
0x6b6: {  	v5 =	vadd.f32 v17, v14;
	v4 =	vmul.f32 $1.442695020e+00, v4  }
0x6b7: {  	s16 =	simm.s32 $0x300;
	s8 =	simm.s32 $0x600  }
0x6b8: {  	s16 =	sand.u32 $0x300, s16;
	s18 =	sand.u32 $0x800, s8;
	v14 =	vld [tilespmem:s14+$0x6F20];
	v3 =	vadd.f32 v3, v5;
	(erf) = vpow2.f32 v4;
	v4 =	vadd.f32 v11, v6  }
0x6b9: {  	s16 =	sor.u32 s16, s18;
	v5 =	vld [tilespmem:s14+$0x8F20]  }
0x6ba: {  	v19 =	vld [tilespmem:s16+$0x6F00];
	v3 =	vsub.f32 $0.0e+00, v3;
	v4 =	vadd.f32 v10, v4;
	v46 =	vpop (erf)  }
0x6bb: {  	v15 =	vld [tilespmem:s14+$0x4F20];
	v6 =	vpop (erf)  }
0x6bc: {  	v45 =	vld [tilespmem:s10+$0x7340];
	v3 =	vmul.f32 $1.442695020e+00, v3;
	v4 =	vmul.f32 v6, v4  }
0x6bd: {  	v22 =	vld [tilespmem:s12+$0x9320];
	v6 =	vpop (erf)  }
0x6be: {  	(erf) = vpow2.f32 v3;
	v3 =	vadd.f32 v5, v14;
	v5 =	vld [tilespmem:s16+$0x8F00];
	[tilespmem:s13+$0xFFFFFFC0] =	vst v4;
	v4 =	vadd.f32 $1.000000000e+00, v6  }
0x6bf: {  	v12 =	vld [tilespmem:s10+$0x9340]  }
0x6c0: {  	v14 =	vld [tilespmem:s16+$0x4F00];
	v3 =	vadd.f32 v15, v3  }
0x6c1: {  	v6 =	vld [tilespmem:s11+$0x6F50];
	(erf) = vrcp.f32 v4  }
0x6c2: {  	v15 =	vld [tilespmem:s11+$0x8F50];
	v3 =	vsub.f32 $0.0e+00, v3;
	v4 =	vpop (erf)  }
0x6c3: {  	s19 =	simm.s32 $0x380;
	v13 =	vld [tilespmem:s10+$0x5340];
	v5 =	vadd.f32 v5, v19;
	v4 =	vadd.f32 $1.000000000e+00, v4  }
0x6c4: {  	s19 =	sand.u32 $0x380, s19;
	v47 =	vld [tilespmem:s11+$0x4F50]  }
0x6c5: {  	s23 =	sor.u32 s18, s19;
	v3 =	vmul.f32 $1.442695020e+00, v3;
	v5 =	vadd.f32 v14, v5;
	v14 =	vld [tilespmem:s12+$0x7320]  }
0x6c6: {  	v20 =	vld [tilespmem:s23+$0x6F00];
	(erf) = vrcp.f32 v4  }
0x6c7: {  	v21 =	vld [tilespmem:s23+$0x8F00];
	(erf) = vpow2.f32 v3;
	v3 =	vadd.f32 v15, v6;
	v6 =	vadd.f32 v12, v45;
	v4 =	vpop (erf)  }
0x6c8: {  	v5 =	vsub.f32 $0.0e+00, v5;
	v12 =	vld [tilespmem:s12+$0x5320];
	v15 =	vadd.f32 $1.000000000e+00, v4  }
0x6c9: {  	v50 =	vld [tilespmem:s23+$0x7300];
	v48 =	vadd.f32 v47, v3;
	v6 =	vadd.f32 v13, v6  }
0x6ca: {  	v7 =	vld [tilespmem:s17+$0x7360];
	v5 =	vmul.f32 $1.442695020e+00, v5;
	v14 =	vadd.f32 v22, v14;
	v49 =	vpop (erf)  }
0x6cb: {  	v13 =	vld [tilespmem:s23+$0x4F00];
	(erf) = vrcp.f32 v15;
	v15 =	vsub.f32 $0.0e+00, v48;
	v6 =	vmul.f32 v49, v6  }
0x6cc: {  	v9 =	vld [tilespmem:s17+$0x9360]  }
0x6cd: {  	v8 =	vld [tilespmem:s17+$0x5360];
	(erf) = vpow2.f32 v5;
	v12 =	vadd.f32 v12, v14;
	v15 =	vmul.f32 $1.442695020e+00, v15  }
0x6ce: {  	v51 =	vadd.f32 v21, v20;
	v18 =	vld [tilespmem:s14+$0x9320]  }
0x6cf: {  	v11 =	vld [tilespmem:s14+$0x7320];
	[tilespmem:s13+$0x40] =	vst v6;
	v6 =	vpop (erf);
	(erf) = vpow2.f32 v15  }
0x6d0: {  	v13 =	vadd.f32 v13, v51;
	v53 =	vld [tilespmem:s10+$0x8F50];
	v6 =	vmul.f32 v6, v12  }
0x6d1: {  	v15 =	vld [tilespmem:s10+$0x6F50];
	v12 =	vpop (erf)  }
0x6d2: {  	v54 =	vld [tilespmem:s10+$0x4F50];
	v13 =	vsub.f32 $0.0e+00, v13;
	v12 =	vadd.f32 $1.000000000e+00, v12;
	[tilespmem:s15+$0xFFFFFFA0] =	vst v6  }
0x6d3: {  	v55 =	vld [tilespmem:s12+$0x6F30]  }
0x6d4: {  	(erf) = vrcp.f32 v12;
	v12 =	vmul.f32 $1.442695020e+00, v13;
	v13 =	vld [tilespmem:s12+$0x8F30]  }
0x6d5: {  	v10 =	vld [tilespmem:s14+$0x5320];
	v6 =	vpop (erf)  }
0x6d6: {  	v15 =	vadd.f32 v53, v15;
	v23 =	vpop (erf);
	(erf) = vpow2.f32 v12;
	v12 =	vld [tilespmem:s12+$0x4F30]  }
0x6d7: {  	v52 =	vld [tilespmem:s23+$0x9300];
	v7 =	vadd.f32 v9, v7;
	v23 =	vadd.f32 $1.000000000e+00, v23  }
0x6d8: {  	v56 =	vld [tilespmem:s16+$0x7300];
	v11 =	vadd.f32 v18, v11;
	v15 =	vadd.f32 v54, v15;
	v57 =	vpop (erf)  }
0x6d9: {  	v58 =	vld [tilespmem:s16+$0x9300];
	(erf) = vrcp.f32 v23;
	v13 =	vadd.f32 v13, v55;
	v19 =	vadd.f32 $1.000000000e+00, v57  }
0x6da: {  	v7 =	vadd.f32 v8, v7;
	v8 =	vld [tilespmem:s16+$0x5300];
	v15 =	vsub.f32 $0.0e+00, v15  }
0x6db: {  	v10 =	vadd.f32 v10, v11;
	v59 =	vld [tilespmem:s11+$0x9350];
	v11 =	vadd.f32 v12, v13;
	(erf) = vrcp.f32 v19  }
0x6dc: {  	v7 =	vmul.f32 v46, v7;
	v12 =	vld [tilespmem:s11+$0x7350];
	v15 =	vmul.f32 $1.442695020e+00, v15  }
0x6dd: {  	v60 =	vld [tilespmem:s11+$0x5350];
	v11 =	vsub.f32 $0.0e+00, v11  }
0x6de: {  	[tilespmem:s9+$0x60] =	vst v7;
	v7 =	vadd.f32 v58, v56;
	v3 =	vld [tilespmem:s24+$0x7370];
	v13 =	vpop (erf)  }
0x6df: {  	v4 =	vld [tilespmem:s24+$0x9370];
	v10 =	vmul.f32 v13, v10;
	v11 =	vmul.f32 $1.442695020e+00, v11  }
0x6e0: {  	v7 =	vadd.f32 v8, v7;
	v5 =	vld [tilespmem:s24+$0x5370];
	(erf) = vpow2.f32 v15;
	v15 =	vpop (erf)  }
0x6e1: {  	v14 =	vld [tilespmem:s23+$0x5300];
	[tilespmem:s15+$0x20] =	vst v10;
	v8 =	vadd.f32 $1.000000000e+00, v15;
	(erf) = vpow2.f32 v11;
	v11 =	vadd.f32 v59, v12  }
0x6e2: {  	v15 =	vld [tilespmem:s14+$0x6F30];
	v61 =	vpop (erf)  }
0x6e3: {  	v62 =	vld [tilespmem:s14+$0x8F30];
	(erf) = vrcp.f32 v8;
	v7 =	vmul.f32 v61, v7;
	v11 =	vadd.f32 v60, v11  }
0x6e4: {  	s24 =	simm.s32 $0xB280;
	v24 =	vld [tilespmem:s10+$0x7350];
	v23 =	vpop (erf)  }
0x6e5: {  	v8 =	vld [tilespmem:s14+$0x4F30];
	[tilespmem:s24+$0xFFFFFF80] =	vst v7;
	v11 =	vmul.f32 v23, v11  }
0x6e6: {  	v25 =	vld [tilespmem:s16+$0x6F10]  }
0x6e7: {  	v26 =	vld [tilespmem:s16+$0x8F10]  }
0x6e8: {  	v9 =	vld [tilespmem:s10+$0x9350];
	v15 =	vadd.f32 v62, v15  }
0x6e9: {  	v16 =	vadd.f32 v52, v50;
	v27 =	vld [tilespmem:s16+$0x4F10];
	[tilespmem:s13+$0xFFFFFFD0] =	vst v11;
	v11 =	vpop (erf)  }
0x6ea: {  	v8 =	vadd.f32 v8, v15;
	v15 =	vld [tilespmem:s11+$0x6F60];
	v11 =	vadd.f32 $1.000000000e+00, v11  }
0x6eb: {  	v14 =	vadd.f32 v14, v16;
	v28 =	vld [tilespmem:s11+$0x8F60];
	v30 =	vpop (erf)  }
0x6ec: {  	v35 =	vld [tilespmem:s12+$0x7330];
	v8 =	vsub.f32 $0.0e+00, v8;
	v31 =	vpop (erf);
	(erf) = vrcp.f32 v11;
	v11 =	vadd.f32 v26, v25  }
0x6ed: {  	v33 =	vld [tilespmem:s11+$0x4F60];
	v32 =	vadd.f32 $1.000000000e+00, v30;
	v14 =	vmul.f32 v31, v14  }
0x6ee: {  	v13 =	vld [tilespmem:s10+$0x5350];
	v8 =	vmul.f32 $1.442695020e+00, v8;
	v11 =	vadd.f32 v27, v11  }
0x6ef: {  	(erf) = vrcp.f32 v32;
	[tilespmem:s24+$0x0] =	vst v14;
	v14 =	vld [tilespmem:s12+$0x9330]  }
0x6f0: {  	v36 =	vld [tilespmem:s12+$0x5330];
	(erf) = vpow2.f32 v8;
	v8 =	vadd.f32 v28, v15;
	v11 =	vsub.f32 $0.0e+00, v11  }
0x6f1: {  	v9 =	vadd.f32 v9, v24;
	v15 =	vld [tilespmem:s23+$0x6F10]  }
0x6f2: {  	v37 =	vld [tilespmem:s23+$0x8F10];
	v8 =	vadd.f32 v33, v8;
	v11 =	vmul.f32 $1.442695020e+00, v11  }
0x6f3: {  	v34 =	vld [tilespmem:s17+$0x8F70];
	v9 =	vadd.f32 v13, v9  }
0x6f4: {  	v13 =	vld [tilespmem:s23+$0x4F10];
	v8 =	vsub.f32 $0.0e+00, v8;
	(erf) = vpow2.f32 v11;
	v11 =	vadd.f32 v14, v35  }
0x6f5: {  	v10 =	vld [tilespmem:s17+$0x6F70]  }
0x6f6: {  	v12 =	vld [tilespmem:s14+$0x7330];
	v8 =	vmul.f32 $1.442695020e+00, v8;
	v14 =	vpop (erf);
	v11 =	vadd.f32 v36, v11  }
0x6f7: {  	v29 =	vld [tilespmem:s14+$0x5330];
	v15 =	vadd.f32 v37, v15;
	v9 =	vmul.f32 v14, v9  }
0x6f8: {  	v7 =	vld [tilespmem:s14+$0x9330];
	(erf) = vpow2.f32 v8  }
0x6f9: {  	v40 =	vpop (erf);
	v8 =	vld [tilespmem:s17+$0x4F70];
	v13 =	vadd.f32 v13, v15;
	[tilespmem:s13+$0x50] =	vst v9  }
0x6fa: {  	v9 =	vmul.f32 v40, v11;
	v41 =	vld [tilespmem:s10+$0x6F60];
	v11 =	vpop (erf)  }
0x6fb: {  	v13 =	vsub.f32 $0.0e+00, v13;
	v15 =	vld [tilespmem:s10+$0x8F60];
	v11 =	vadd.f32 $1.000000000e+00, v11  }
0x6fc: {  	[tilespmem:s15+$0xFFFFFFB0] =	vst v9;
	v9 =	vld [tilespmem:s10+$0x4F60]  }
0x6fd: {  	v10 =	vadd.f32 v34, v10;
	v13 =	vmul.f32 $1.442695020e+00, v13;
	v42 =	vld [tilespmem:s12+$0x6F40];
	(erf) = vrcp.f32 v11  }
0x6fe: {  	v11 =	vld [tilespmem:s12+$0x8F40];
	v43 =	vpop (erf)  }
0x6ff: {  	v46 =	vld [tilespmem:s16+$0x5310];
	v8 =	vadd.f32 v8, v10;
	v17 =	vadd.f32 $1.000000000e+00, v43  }
0x700: {  	v45 =	vld [tilespmem:s12+$0x4F40];
	v15 =	vadd.f32 v15, v41;
	(erf) = vpow2.f32 v13  }
0x701: {  	v7 =	vadd.f32 v7, v12;
	v12 =	vld [tilespmem:s16+$0x7310];
	v8 =	vsub.f32 $0.0e+00, v8;
	v13 =	vpop (erf);
	(erf) = vrcp.f32 v17  }
0x702: {  	v9 =	vadd.f32 v9, v15;
	v15 =	vld [tilespmem:s16+$0x9310];
	v13 =	vadd.f32 $1.000000000e+00, v13  }
0x703: {  	v47 =	vld [tilespmem:s11+$0x7360];
	v11 =	vadd.f32 v11, v42  }
0x704: {  	v48 =	vld [tilespmem:s11+$0x9360];
	v7 =	vadd.f32 v29, v7;
	v8 =	vmul.f32 $1.442695020e+00, v8  }
0x705: {  	v38 =	vld [tilespmem:s23+$0x7310];
	v9 =	vsub.f32 $0.0e+00, v9;
	(erf) = vrcp.f32 v13;
	v11 =	vadd.f32 v45, v11  }
0x706: {  	v39 =	vld [tilespmem:s23+$0x9310];
	(erf) = vpow2.f32 v8;
	v13 =	vpop (erf)  }
0x707: {  	v9 =	vmul.f32 $1.442695020e+00, v9;
	v12 =	vadd.f32 v15, v12;
	v7 =	vmul.f32 v13, v7;
	v13 =	vld [tilespmem:s11+$0x5360]  }
0x708: {  	v14 =	vld [tilespmem:s23+$0x5310]  }
0x709: {  	v44 =	vld [tilespmem:s10+$0x7360];
	(erf) = vpow2.f32 v9;
	v9 =	vsub.f32 $0.0e+00, v11;
	v11 =	vpop (erf);
	[tilespmem:s15+$0x30] =	vst v7;
	v7 =	vadd.f32 v46, v12  }
0x70a: {  	v10 =	vld [tilespmem:s10+$0x9360];
	v17 =	vadd.f32 v48, v47;
	v49 =	vpop (erf)  }
0x70b: {  	v59 =	vld [tilespmem:s12+$0x7340];
	v7 =	vmul.f32 v49, v7  }
0x70c: {  	v60 =	vld [tilespmem:s12+$0x9340];
	v9 =	vmul.f32 $1.442695020e+00, v9;
	v13 =	vadd.f32 v13, v17  }
0x70d: {  	v11 =	vadd.f32 $1.000000000e+00, v11;
	v12 =	vld [tilespmem:s14+$0x6F40]  }
0x70e: {  	v50 =	vld [tilespmem:s14+$0x8F40];
	(erf) = vpow2.f32 v9  }
0x70f: {  	v8 =	vld [tilespmem:s10+$0x5360];
	(erf) = vrcp.f32 v11;
	[tilespmem:s24+$0xFFFFFF90] =	vst v7;
	v7 =	vpop (erf)  }
0x710: {  	v51 =	vld [tilespmem:s14+$0x4F40];
	v7 =	vmul.f32 v7, v13;
	v13 =	vpop (erf)  }
0x711: {  	v9 =	vld [tilespmem:s14+$0x7340];
	v13 =	vadd.f32 $1.000000000e+00, v13  }
0x712: {  	v52 =	vld [tilespmem:s16+$0x6F20]  }
0x713: {  	v53 =	vld [tilespmem:s16+$0x8F20];
	v12 =	vadd.f32 v50, v12;
	(erf) = vrcp.f32 v13;
	v13 =	vadd.f32 v39, v38  }
0x714: {  	v3 =	vadd.f32 v4, v3;
	v54 =	vld [tilespmem:s16+$0x4F20];
	[tilespmem:s13+$0xFFFFFFE0] =	vst v7;
	v7 =	vpop (erf)  }
0x715: {  	v12 =	vadd.f32 v51, v12;
	v55 =	vld [tilespmem:s11+$0x6F70];
	v7 =	vadd.f32 $1.000000000e+00, v7  }
0x716: {  	v3 =	vadd.f32 v5, v3;
	v10 =	vadd.f32 v10, v44;
	v4 =	vld [tilespmem:s11+$0x8F70]  }
0x717: {  	v11 =	vld [tilespmem:s14+$0x9340];
	v12 =	vsub.f32 $0.0e+00, v12;
	(erf) = vrcp.f32 v7;
	v7 =	vadd.f32 v14, v13;
	v13 =	vpop (erf)  }
0x718: {  	v5 =	vadd.f32 v53, v52;
	v57 =	vld [tilespmem:s11+$0x4F70];
	v58 =	vpop (erf);
	v13 =	vadd.f32 $1.000000000e+00, v13  }
0x719: {  	v15 =	vld [tilespmem:s17+$0x7370];
	v16 =	vmul.f32 v58, v7;
	v7 =	vadd.f32 v8, v10;
	v8 =	vmul.f32 $1.442695020e+00, v12  }
0x71a: {  	v5 =	vadd.f32 v54, v5;
	v14 =	vld [tilespmem:s17+$0x9370];
	(erf) = vrcp.f32 v13  }
0x71b: {  	v56 =	vld [tilespmem:s14+$0x5340];
	v4 =	vadd.f32 v4, v55;
	(erf) = vpow2.f32 v8  }
0x71c: {  	v61 =	vmul.f32 v6, v3;
	v3 =	vld [tilespmem:s17+$0x5370];
	v5 =	vsub.f32 $0.0e+00, v5  }
0x71d: {  	v6 =	vadd.f32 v11, v9;
	v11 =	vld [tilespmem:s12+$0x5340];
	v9 =	vadd.f32 v57, v4;
	[tilespmem:s24+$0x10] =	vst v16  }
0x71e: {  	v62 =	vmul.f32 $1.442695020e+00, v5;
	v10 =	vld [tilespmem:s23+$0x6F20]  }
0x71f: {  	v5 =	vadd.f32 v14, v15;
	v4 =	vpop (erf);
	v12 =	vld [tilespmem:s23+$0x8F20];
	v13 =	vsub.f32 $0.0e+00, v9  }
0x720: {  	s18 =	simm.s32 $0x480;
	[tilespmem:s9+$0xFFFFFFF0] =	vst v61;
	v6 =	vadd.f32 v56, v6;
	s17 =	simm.s32 $0x6;
	v9 =	vld [tilespmem:s23+$0x4F20];
	(erf) = vpow2.f32 v62;
	v14 =	vadd.f32 v60, v59;
	v8 =	vpop (erf)  }
.LBB2_8:
0x721: {  	s19 =	sadd.s32 $0xFFFFFF80, s18;
	s21 =	sand.u32 $0x380, s18;
	v15 =	vld [tilespmem:s23+$0x7320];
	s8 =	sadd.s32 $0x200, s8;
	v13 =	vmul.f32 $1.442695020e+00, v13;
	v7 =	vmul.f32 v8, v7;
	v3 =	vadd.f32 v3, v5  }
0x722: {  	s22 =	sand.u32 $0x800, s8;
	s19 =	sand.u32 $0x300, s19;
	v5 =	vld [tilespmem:s23+$0x9320];
	v8 =	vadd.f32 v11, v14  }
0x723: {  	s20 =	sor.u32 s19, s22;
	s19 =	sor.u32 s22, s21;
	v11 =	vld [tilespmem:s23+$0x5320];
	v14 =	vpop (erf);
	[tilespmem:s13+$0x60] =	vst v7;
	(erf) = vpow2.f32 v13;
	v3 =	vmul.f32 v4, v3  }
0x724: {  	v4 =	vld [tilespmem:s20+$0x6F00];
	v7 =	vadd.f32 v12, v10;
	v8 =	vmul.f32 v14, v8;
	v10 =	vpop (erf)  }
0x725: {  	v12 =	vld [tilespmem:s20+$0x8F00];
	v10 =	vadd.f32 $1.000000000e+00, v10;
	[tilespmem:s9+$0x70] =	vst v3;
	s9 =	smov.u32 s13;
	s13 =	smov.u32 s15;
	s15 =	smov.u32 s24  }
0x726: {  	v3 =	vld [tilespmem:s20+$0x4F00];
	v7 =	vadd.f32 v9, v7;
	[tilespmem:s13+$0xFFFFFFC0] =	vst v8  }
0x727: {  	v5 =	vadd.f32 v5, v15;
	v8 =	vld [tilespmem:s12+$0x6F50];
	(erf) = vrcp.f32 v10  }
0x728: {  	v7 =	vsub.f32 $0.0e+00, v7;
	v9 =	vld [tilespmem:s12+$0x8F50]  }
0x729: {  	s17 =	sadd.s32 $0x2, s17;
	v10 =	vld [tilespmem:s19+$0x6F00];
	v5 =	vadd.f32 v11, v5;
	v11 =	vpop (erf)  }
0x72a: {  	p0 =	slt.u32 s17, $0xE;
	v4 =	vadd.f32 v12, v4;
	v14 =	vadd.f32 $1.000000000e+00, v11;
	v7 =	vmul.f32 $1.442695020e+00, v7;
	v12 =	vld [tilespmem:s12+$0x4F50]  }
0x72b: {  	v13 =	vld [tilespmem:s19+$0x8F00]  }
0x72c: {  	v3 =	vadd.f32 v3, v4;
	v4 =	vld [tilespmem:s16+$0x7320];
	(erf) = vrcp.f32 v14;
	v11 =	vpop (erf)  }
0x72d: {  	v14 =	vld [tilespmem:s16+$0x9320];
	(erf) = vpow2.f32 v7;
	v7 =	vadd.f32 v9, v8;
	v8 =	vadd.f32 $1.000000000e+00, v11  }
0x72e: {  	v3 =	vsub.f32 $0.0e+00, v3;
	v9 =	vld [tilespmem:s16+$0x5320]  }
0x72f: {  	v7 =	vadd.f32 v12, v7;
	v11 =	vld [tilespmem:s11+$0x7370];
	(erf) = vrcp.f32 v8  }
0x730: {  	v3 =	vmul.f32 $1.442695020e+00, v3;
	v8 =	vadd.f32 v13, v10;
	v10 =	vpop (erf);
	v12 =	vld [tilespmem:s11+$0x9370]  }
0x731: {  	v13 =	vld [tilespmem:s19+$0x4F00];
	v7 =	vsub.f32 $0.0e+00, v7;
	v6 =	vmul.f32 v10, v6  }
0x732: {  	(erf) = vpow2.f32 v3;
	v3 =	vadd.f32 v14, v4;
	v4 =	vld [tilespmem:s11+$0x5370];
	s11 =	smov.u32 s12;
	s12 =	smov.u32 s16;
	s16 =	smov.u32 s20  }
0x733: {  	v10 =	vld [tilespmem:s19+$0x7300];
	v7 =	vmul.f32 $1.442695020e+00, v7;
	[tilespmem:s13+$0x40] =	vst v6  }
0x734: {  	v6 =	vld [tilespmem:s19+$0x9300];
	v3 =	vadd.f32 v9, v3  }
0x735: {  	v9 =	vld [tilespmem:s19+$0x5300];
	v14 =	vpop (erf);
	(erf) = vpow2.f32 v7;
	v7 =	vadd.f32 v12, v11  }
0x736: {  	v15 =	vadd.f32 v13, v8;
	v3 =	vmul.f32 v14, v3;
	v11 =	vpop (erf);
	v12 =	vld [tilespmem:s14+$0x6F50]  }
0x737: {  	v11 =	vadd.f32 $1.000000000e+00, v11;
	v13 =	vld [tilespmem:s14+$0x8F50];
	v4 =	vadd.f32 v4, v7  }
0x738: {  	v7 =	vsub.f32 $0.0e+00, v15;
	[tilespmem:s24+$0xFFFFFFA0] =	vst v3;
	v3 =	vld [tilespmem:s14+$0x4F50];
	v8 =	vpop (erf)  }
0x739: {  	v6 =	vadd.f32 v6, v10;
	v10 =	vld [tilespmem:s12+$0x6F30];
	(erf) = vrcp.f32 v11;
	v4 =	vmul.f32 v8, v4  }
0x73a: {  	v7 =	vmul.f32 $1.442695020e+00, v7;
	v8 =	vld [tilespmem:s12+$0x8F30]  }
0x73b: {  	v6 =	vadd.f32 v9, v6;
	v9 =	vpop (erf);
	v11 =	vld [tilespmem:s14+$0x7350];
	[tilespmem:s9+$0xFFFFFFF0] =	vst v4  }
0x73c: {  	v14 =	vadd.f32 $1.000000000e+00, v9;
	(erf) = vpow2.f32 v7;
	v7 =	vld [tilespmem:s12+$0x4F30];
	v9 =	vadd.f32 v13, v12  }
0x73d: {  	v12 =	vld [tilespmem:s14+$0x9350]  }
0x73e: {  	v13 =	vld [tilespmem:s16+$0x7300];
	(erf) = vrcp.f32 v14;
	v3 =	vadd.f32 v3, v9;
	v4 =	vpop (erf)  }
0x73f: {  	v9 =	vld [tilespmem:s16+$0x9300];
	v8 =	vadd.f32 v8, v10;
	v14 =	vadd.f32 $1.000000000e+00, v4  }
0x740: {  	v10 =	vld [tilespmem:s16+$0x5300];
	v3 =	vsub.f32 $0.0e+00, v3  }
0x741: {  	v7 =	vadd.f32 v7, v8;
	v8 =	vld [tilespmem:s11+$0x7350];
	(erf) = vrcp.f32 v14  }
0x742: {  	v4 =	vpop (erf);
	v14 =	vld [tilespmem:s11+$0x9350];
	v11 =	vadd.f32 v12, v11;
	v15 =	vmul.f32 $1.442695020e+00, v3  }
0x743: {  	v7 =	vsub.f32 $0.0e+00, v7;
	v4 =	vmul.f32 v4, v5;
	v5 =	vld [tilespmem:s14+$0x5350]  }
0x744: {  	v9 =	vadd.f32 v9, v13;
	v12 =	vld [tilespmem:s11+$0x5350];
	(erf) = vpow2.f32 v15  }
0x745: {  	v3 =	vpop (erf);
	v7 =	vmul.f32 $1.442695020e+00, v7;
	[tilespmem:s24+$0x20] =	vst v4;
	v4 =	vld [tilespmem:s10+$0x6F70]  }
0x746: {  	v9 =	vadd.f32 v10, v9;
	v3 =	vadd.f32 $1.000000000e+00, v3;
	v10 =	vld [tilespmem:s23+$0x6F30]  }
0x747: {  	v13 =	vpop (erf);
	v15 =	vld [tilespmem:s23+$0x8F30];
	(erf) = vpow2.f32 v7;
	v7 =	vadd.f32 v14, v8  }
0x748: {  	v8 =	vmul.f32 v13, v9;
	(erf) = vrcp.f32 v3;
	v3 =	vld [tilespmem:s23+$0x4F30];
	v5 =	vadd.f32 v5, v11  }
0x749: {  	s24 =	sadd.s32 $0x100, s24;
	v9 =	vld [tilespmem:s23+$0x7330];
	v7 =	vadd.f32 v12, v7  }
0x74a: {  	[tilespmem:s24+$0xFFFFFF80] =	vst v8;
	v8 =	vld [tilespmem:s23+$0x9330];
	v11 =	vpop (erf)  }
0x74b: {  	v12 =	vld [tilespmem:s16+$0x6F10];
	v14 =	vmul.f32 v11, v7  }
0x74c: {  	v11 =	vld [tilespmem:s16+$0x8F10];
	v10 =	vadd.f32 v15, v10  }
0x74d: {  	v13 =	vld [tilespmem:s16+$0x4F10];
	[tilespmem:s13+$0xFFFFFFD0] =	vst v14;
	v7 =	vpop (erf)  }
0x74e: {  	v3 =	vadd.f32 v3, v10;
	v10 =	vld [tilespmem:s11+$0x6F60];
	v7 =	vadd.f32 $1.000000000e+00, v7  }
0x74f: {  	v8 =	vadd.f32 v8, v9;
	v9 =	vld [tilespmem:s11+$0x8F60]  }
0x750: {  	v14 =	vld [tilespmem:s23+$0x5330];
	v3 =	vsub.f32 $0.0e+00, v3;
	v15 =	vpop (erf);
	(erf) = vrcp.f32 v7  }
0x751: {  	v7 =	vadd.f32 v11, v12;
	v11 =	vpop (erf);
	v12 =	vadd.f32 $1.000000000e+00, v15;
	v15 =	vld [tilespmem:s11+$0x4F60]  }
0x752: {  	v6 =	vmul.f32 v11, v6;
	v3 =	vmul.f32 $1.442695020e+00, v3;
	v11 =	vld [tilespmem:s10+$0x8F70]  }
0x753: {  	v7 =	vadd.f32 v13, v7;
	v13 =	vld [tilespmem:s12+$0x7330];
	(erf) = vrcp.f32 v12  }
0x754: {  	[tilespmem:s24+$0x0] =	vst v6;
	v6 =	vld [tilespmem:s12+$0x9330];
	(erf) = vpow2.f32 v3;
	v3 =	vadd.f32 v9, v10  }
0x755: {  	v7 =	vsub.f32 $0.0e+00, v7;
	v9 =	vld [tilespmem:s19+$0x6F10];
	v8 =	vadd.f32 v14, v8  }
0x756: {  	v10 =	vld [tilespmem:s12+$0x5330];
	v3 =	vadd.f32 v15, v3  }
0x757: {  	v15 =	vmul.f32 $1.442695020e+00, v7;
	v12 =	vld [tilespmem:s19+$0x8F10];
	v4 =	vadd.f32 v11, v4  }
0x758: {  	v11 =	vld [tilespmem:s19+$0x4F10];
	v3 =	vsub.f32 $0.0e+00, v3  }
0x759: {  	v14 =	vld [tilespmem:s19+$0x7310];
	(erf) = vpow2.f32 v15;
	v6 =	vadd.f32 v6, v13;
	v7 =	vpop (erf)  }
0x75a: {  	v13 =	vld [tilespmem:s19+$0x9310];
	v3 =	vmul.f32 $1.442695020e+00, v3;
	v5 =	vmul.f32 v7, v5  }
0x75b: {  	v7 =	vld [tilespmem:s19+$0x5310];
	v15 =	vadd.f32 v10, v6  }
0x75c: {  	v9 =	vadd.f32 v12, v9;
	v10 =	vpop (erf);
	[tilespmem:s13+$0x50] =	vst v5;
	(erf) = vpow2.f32 v3;
	v3 =	vld [tilespmem:s10+$0x4F70]  }
0x75d: {  	v5 =	vmul.f32 v10, v15;
	v6 =	vpop (erf);
	v10 =	vld [tilespmem:s14+$0x6F60]  }
0x75e: {  	v9 =	vadd.f32 v11, v9;
	v6 =	vadd.f32 $1.000000000e+00, v6;
	v11 =	vld [tilespmem:s14+$0x8F60]  }
0x75f: {  	v12 =	vadd.f32 v13, v14;
	[tilespmem:s15+$0xFFFFFFB0] =	vst v5;
	v5 =	vld [tilespmem:s14+$0x4F60]  }
0x760: {  	v14 =	vsub.f32 $0.0e+00, v9;
	v13 =	vld [tilespmem:s12+$0x6F40];
	(erf) = vrcp.f32 v6  }
0x761: {  	v6 =	vadd.f32 v7, v12;
	v7 =	vld [tilespmem:s12+$0x8F40];
	v3 =	vadd.f32 v3, v4  }
0x762: {  	v4 =	vmul.f32 $1.442695020e+00, v14;
	v9 =	vpop (erf);
	v12 =	vld [tilespmem:s14+$0x7360]  }
0x763: {  	v15 =	vadd.f32 $1.000000000e+00, v9;
	v14 =	vld [tilespmem:s12+$0x4F40];
	v10 =	vadd.f32 v11, v10  }
0x764: {  	v3 =	vsub.f32 $0.0e+00, v3;
	(erf) = vpow2.f32 v4;
	v4 =	vld [tilespmem:s14+$0x9360]  }
0x765: {  	v11 =	vld [tilespmem:s16+$0x7310];
	(erf) = vrcp.f32 v15;
	v5 =	vadd.f32 v5, v10;
	v9 =	vpop (erf)  }
0x766: {  	v3 =	vmul.f32 $1.442695020e+00, v3;
	v10 =	vld [tilespmem:s16+$0x9310];
	v7 =	vadd.f32 v7, v13;
	v15 =	vadd.f32 $1.000000000e+00, v9  }
0x767: {  	v13 =	vld [tilespmem:s16+$0x5310];
	v5 =	vsub.f32 $0.0e+00, v5  }
0x768: {  	v7 =	vadd.f32 v14, v7;
	v14 =	vld [tilespmem:s11+$0x7360];
	(erf) = vrcp.f32 v15  }
0x769: {  	v9 =	vpop (erf);
	v15 =	vld [tilespmem:s11+$0x9360];
	v4 =	vadd.f32 v4, v12;
	v5 =	vmul.f32 $1.442695020e+00, v5;
	(erf) = vpow2.f32 v3  }
0x76a: {  	v3 =	vsub.f32 $0.0e+00, v7;
	v7 =	vmul.f32 v9, v8;
	v8 =	vld [tilespmem:s14+$0x5360]  }
0x76b: {  	v11 =	vadd.f32 v10, v11;
	v10 =	vld [tilespmem:s11+$0x5360];
	(erf) = vpow2.f32 v5  }
0x76c: {  	v3 =	vmul.f32 $1.442695020e+00, v3;
	[tilespmem:s15+$0x30] =	vst v7;
	v5 =	vld [tilespmem:s10+$0x7370]  }
0x76d: {  	v7 =	vadd.f32 v13, v11;
	v9 =	vpop (erf);
	v11 =	vld [tilespmem:s23+$0x6F40]  }
0x76e: {  	v16 =	vadd.f32 $1.000000000e+00, v9;
	v12 =	vpop (erf);
	v13 =	vld [tilespmem:s23+$0x8F40];
	(erf) = vpow2.f32 v3;
	v3 =	vadd.f32 v15, v14  }
0x76f: {  	v12 =	vmul.f32 v12, v7;
	v14 =	vld [tilespmem:s23+$0x4F40];
	v7 =	vadd.f32 v8, v4  }
0x770: {  	(erf) = vrcp.f32 v16;
	v4 =	vld [tilespmem:s23+$0x7340];
	v3 =	vadd.f32 v10, v3  }
0x771: {  	[tilespmem:s24+$0xFFFFFF90] =	vst v12;
	v8 =	vld [tilespmem:s23+$0x9340];
	v9 =	vpop (erf)  }
0x772: {  	v10 =	vld [tilespmem:s16+$0x6F20];
	v15 =	vmul.f32 v9, v3;
	v9 =	vpop (erf)  }
0x773: {  	v12 =	vld [tilespmem:s16+$0x8F20];
	v11 =	vadd.f32 v13, v11;
	v9 =	vadd.f32 $1.000000000e+00, v9  }
0x774: {  	v13 =	vld [tilespmem:s16+$0x4F20];
	[tilespmem:s13+$0xFFFFFFE0] =	vst v15;
	v3 =	vpop (erf)  }
0x775: {  	v11 =	vadd.f32 v14, v11;
	v14 =	vld [tilespmem:s11+$0x6F70];
	v3 =	vadd.f32 $1.000000000e+00, v3;
	(erf) = vrcp.f32 v9  }
0x776: {  	v4 =	vadd.f32 v8, v4;
	v8 =	vld [tilespmem:s11+$0x8F70]  }
0x777: {  	v9 =	vld [tilespmem:s23+$0x5340];
	v11 =	vsub.f32 $0.0e+00, v11;
	v15 =	vpop (erf);
	(erf) = vrcp.f32 v3  }
0x778: {  	v3 =	vadd.f32 v12, v10;
	v10 =	vadd.f32 $1.000000000e+00, v15;
	v12 =	vld [tilespmem:s11+$0x4F70]  }
0x779: {  	v15 =	vpop (erf);
	v11 =	vmul.f32 $1.442695020e+00, v11;
	v16 =	vld [tilespmem:s10+$0x9370]  }
0x77a: {  	v3 =	vadd.f32 v13, v3;
	v6 =	vmul.f32 v15, v6;
	v15 =	vld [tilespmem:s12+$0x7340];
	(erf) = vrcp.f32 v10  }
0x77b: {  	v17 =	vld [tilespmem:s12+$0x9340];
	(erf) = vpow2.f32 v11;
	v8 =	vadd.f32 v8, v14  }
.Ltmp3:
0x77c: {  	v10 =	vsub.f32 $0.0e+00, v3;
	[tilespmem:s24+$0x10] =	vst v6;
	v6 =	vadd.f32 v9, v4;
	v3 =	vld [tilespmem:s10+$0x5370];
	s10 =	smov.u32 s14;
	s14 =	smov.u32 s23;
	(pc) =	sbr.rel @p0 .LBB2_8-.Ltmp3, $4  }
0x77d: {  	s23 =	smov.u32 s19;
	v11 =	vld [tilespmem:s12+$0x5340];
	v18 =	vadd.f32 v12, v8  }
0x77e: {  	v14 =	vmul.f32 $1.442695020e+00, v10;
	v10 =	vld [tilespmem:s23+$0x6F20];
	v5 =	vadd.f32 v16, v5;
	v4 =	vpop (erf)  }
0x77f: {  	v12 =	vld [tilespmem:s23+$0x8F20];
	v13 =	vsub.f32 $0.0e+00, v18  }
0x780: {  	s18 =	sadd.s32 $0x100, s18;
	v9 =	vld [tilespmem:s23+$0x4F20];
	(erf) = vpow2.f32 v14;
	v14 =	vadd.f32 v17, v15;
	v8 =	vpop (erf)  }
0x781: {  	_ =	sdelay $0x2  }
0x782: {  	v11 =	vadd.f32 v11, v14  }
0x783: {  	v42 =	vpop (erf)  }
0x784: {  	v13 =	vmul.f32 $1.442695020e+00, v13;
	v11 =	vmul.f32 v42, v11;
	v10 =	vadd.f32 v12, v10;
	v43 =	vpop (erf)  }
0x785: {  	v12 =	vadd.f32 $1.000000000e+00, v43  }
0x786: {  	(erf) = vpow2.f32 v13;
	[tilespmem:s15+$0xFFFFFFC0] =	vst v11;
	v9 =	vadd.f32 v9, v10  }
0x787: {  	v44 =	vld [tilespmem:s12+$0x6F50];
	(erf) = vrcp.f32 v12;
	v45 =	vpop (erf)  }
0x788: {  	v11 =	vld [tilespmem:s12+$0x8F50];
	v9 =	vsub.f32 $0.0e+00, v9;
	v12 =	vadd.f32 $1.000000000e+00, v45  }
0x789: {  	v47 =	vld [tilespmem:s16+$0x7320]  }
0x78a: {  	v46 =	vld [tilespmem:s12+$0x4F50];
	v9 =	vmul.f32 $1.442695020e+00, v9;
	(erf) = vrcp.f32 v12  }
0x78b: {  	v48 =	vld [tilespmem:s16+$0x9320]  }
0x78c: {  	(erf) = vpow2.f32 v9  }
0x78d: {  	v50 =	vld [tilespmem:s16+$0x5320];
	v49 =	vadd.f32 v11, v44;
	_ =	sdelay $0x1  }
0x78e: {  	v51 =	vpop (erf);
	v9 =	vadd.f32 v46, v49  }
0x78f: {  	v12 =	vadd.f32 v48, v47;
	v52 =	vpop (erf)  }
0x790: {  	v9 =	vsub.f32 $0.0e+00, v9;
	v6 =	vmul.f32 v52, v6  }
0x791: {  	v11 =	vadd.f32 $1.000000000e+00, v51;
	v10 =	vadd.f32 v50, v12  }
0x792: {  	v53 =	vld [tilespmem:s23+$0x7320];
	v9 =	vmul.f32 $1.442695020e+00, v9;
	[tilespmem:s15+$0x40] =	vst v6;
	v54 =	vpop (erf)  }
0x793: {  	(erf) = vrcp.f32 v11;
	v55 =	vld [tilespmem:s14+$0x6F50];
	v6 =	vmul.f32 v54, v10  }
0x794: {  	(erf) = vpow2.f32 v9;
	v57 =	vld [tilespmem:s14+$0x8F50];
	v56 =	vpop (erf)  }
0x795: {  	v58 =	vld [tilespmem:s14+$0x4F50];
	v10 =	vadd.f32 $1.000000000e+00, v56;
	[tilespmem:s24+$0xFFFFFFA0] =	vst v6  }
0x796: {  	v59 =	vld [tilespmem:s16+$0x6F30]  }
0x797: {  	(erf) = vrcp.f32 v10;
	v60 =	vld [tilespmem:s16+$0x8F30]  }
0x798: {  	v15 =	vld [tilespmem:s23+$0x9320]  }
0x799: {  	v16 =	vld [tilespmem:s16+$0x4F30];
	v9 =	vadd.f32 v57, v55  }
0x79a: {  	v17 =	vld [tilespmem:s23+$0x5320]  }
0x79b: {  	v9 =	vadd.f32 v58, v9  }
0x79c: {  	v6 =	vpop (erf);
	v10 =	vadd.f32 v60, v59  }
0x79d: {  	v12 =	vadd.f32 v15, v53;
	v61 =	vpop (erf);
	v9 =	vsub.f32 $0.0e+00, v9  }
0x79e: {  	v11 =	vadd.f32 $1.000000000e+00, v61;
	v10 =	vadd.f32 v16, v10  }
0x79f: {  	v12 =	vadd.f32 v17, v12  }
0x7a0: {  	v62 =	vld [tilespmem:s12+$0x7350];
	v9 =	vmul.f32 $1.442695020e+00, v9;
	(erf) = vrcp.f32 v11;
	v16 =	vpop (erf);
	v10 =	vsub.f32 $0.0e+00, v10  }
0x7a1: {  	v17 =	vld [tilespmem:s12+$0x9350];
	v11 =	vmul.f32 v16, v12  }
0x7a2: {  	(erf) = vpow2.f32 v9;
	v18 =	vmul.f32 $1.442695020e+00, v10  }
0x7a3: {  	v19 =	vld [tilespmem:s12+$0x5350];
	[tilespmem:s24+$0x20] =	vst v11  }
0x7a4: {  	v11 =	vld [tilespmem:s23+$0x6F30];
	(erf) = vpow2.f32 v18  }
0x7a5: {  	v20 =	vld [tilespmem:s23+$0x8F30]  }
0x7a6: {  	v21 =	vadd.f32 v17, v62  }
0x7a7: {  	v22 =	vld [tilespmem:s23+$0x4F30]  }
0x7a8: {  	v10 =	vadd.f32 v19, v21  }
0x7a9: {  	v23 =	vpop (erf)  }
0x7aa: {  	v24 =	vld [tilespmem:s14+$0x7350];
	v10 =	vmul.f32 v23, v10;
	v9 =	vadd.f32 v20, v11  }
0x7ab: {  	v25 =	vld [tilespmem:s14+$0x9350];
	v26 =	vpop (erf)  }
0x7ac: {  	v27 =	vld [tilespmem:s14+$0x5350];
	v28 =	vadd.f32 $1.000000000e+00, v26;
	[tilespmem:s15+$0xFFFFFFD0] =	vst v10;
	v9 =	vadd.f32 v22, v9  }
0x7ad: {  	v29 =	vld [tilespmem:s12+$0x6F60];
	v30 =	vpop (erf)  }
0x7ae: {  	v31 =	vld [tilespmem:s12+$0x8F60];
	(erf) = vrcp.f32 v28;
	v9 =	vsub.f32 $0.0e+00, v9;
	v32 =	vadd.f32 $1.000000000e+00, v30  }
0x7af: {  	v34 =	vld [tilespmem:s16+$0x7330]  }
0x7b0: {  	v33 =	vld [tilespmem:s12+$0x4F60];
	v9 =	vmul.f32 $1.442695020e+00, v9;
	(erf) = vrcp.f32 v32  }
0x7b1: {  	v35 =	vld [tilespmem:s16+$0x9330]  }
0x7b2: {  	(erf) = vpow2.f32 v9  }
0x7b3: {  	v7 =	vmul.f32 v8, v7;
	v37 =	vld [tilespmem:s16+$0x5330];
	v36 =	vadd.f32 v31, v29  }
0x7b4: {  	v11 =	vadd.f32 v25, v24  }
0x7b5: {  	[tilespmem:s13+$0x60] =	vst v7;
	v38 =	vadd.f32 v33, v36  }
0x7b6: {  	v39 =	vld [tilespmem:s10+$0x6F70];
	v10 =	vadd.f32 v35, v34;
	v11 =	vadd.f32 v27, v11  }
0x7b7: {  	v43 =	vld [tilespmem:s10+$0x8F70];
	v7 =	vsub.f32 $0.0e+00, v38;
	v41 =	vpop (erf)  }
0x7b8: {  	v45 =	vld [tilespmem:s10+$0x4F70];
	v9 =	vadd.f32 v37, v10;
	v11 =	vmul.f32 v41, v11  }
0x7b9: {  	v40 =	vld [tilespmem:s23+$0x7330];
	v7 =	vmul.f32 $1.442695020e+00, v7;
	v44 =	vpop (erf)  }
0x7ba: {  	v42 =	vld [tilespmem:s23+$0x9330];
	[tilespmem:s15+$0x50] =	vst v11;
	v9 =	vmul.f32 v44, v9  }
0x7bb: {  	(erf) = vpow2.f32 v7;
	v47 =	vld [tilespmem:s14+$0x6F60];
	v46 =	vpop (erf)  }
0x7bc: {  	v48 =	vld [tilespmem:s14+$0x8F60];
	v7 =	vadd.f32 $1.000000000e+00, v46;
	[tilespmem:s24+$0xFFFFFFB0] =	vst v9  }
0x7bd: {  	v9 =	vld [tilespmem:s16+$0x6F40]  }
0x7be: {  	(erf) = vrcp.f32 v7;
	v49 =	vld [tilespmem:s16+$0x8F40]  }
0x7bf: {  	v8 =	vadd.f32 v43, v39;
	v50 =	vld [tilespmem:s14+$0x4F60]  }
0x7c0: {  	v51 =	vld [tilespmem:s16+$0x4F40]  }
0x7c1: {  	v8 =	vadd.f32 v45, v8;
	v52 =	vld [tilespmem:s23+$0x5330]  }
0x7c2: {  	v53 =	vadd.f32 v48, v47  }
0x7c3: {  	v8 =	vsub.f32 $0.0e+00, v8;
	v7 =	vadd.f32 v49, v9  }
0x7c4: {  	v12 =	vadd.f32 v42, v40;
	v54 =	vadd.f32 v50, v53;
	v55 =	vpop (erf)  }
0x7c5: {  	v11 =	vadd.f32 $1.000000000e+00, v55;
	v7 =	vadd.f32 v51, v7  }
0x7c6: {  	v56 =	vadd.f32 v52, v12;
	v9 =	vsub.f32 $0.0e+00, v54  }
0x7c7: {  	v8 =	vmul.f32 $1.442695020e+00, v8;
	(erf) = vrcp.f32 v11;
	v57 =	vpop (erf);
	v7 =	vsub.f32 $0.0e+00, v7  }
0x7c8: {  	v58 =	vld [tilespmem:s12+$0x7360];
	v9 =	vmul.f32 $1.442695020e+00, v9;
	v10 =	vmul.f32 v57, v56  }
0x7c9: {  	v59 =	vld [tilespmem:s12+$0x9360];
	(erf) = vpow2.f32 v8;
	v7 =	vmul.f32 $1.442695020e+00, v7  }
0x7ca: {  	v60 =	vld [tilespmem:s12+$0x5360];
	(erf) = vpow2.f32 v9;
	[tilespmem:s24+$0x30] =	vst v10  }
0x7cb: {  	v61 =	vld [tilespmem:s23+$0x6F40];
	(erf) = vpow2.f32 v7  }
0x7cc: {  	v62 =	vld [tilespmem:s23+$0x8F40];
	_ =	sdelay $0x1  }
0x7cd: {  	v14 =	vld [tilespmem:s23+$0x4F40]  }
0x7ce: {  	v13 =	vadd.f32 v59, v58;
	_ =	sdelay $0x1  }
0x7cf: {  	v8 =	vadd.f32 v60, v13;
	v15 =	vpop (erf);
	v7 =	vadd.f32 v62, v61  }
0x7d0: {  	v16 =	vpop (erf)  }
0x7d1: {  	v8 =	vmul.f32 v15, v8;
	v9 =	vadd.f32 $1.000000000e+00, v16;
	v17 =	vpop (erf);
	v7 =	vadd.f32 v14, v7  }
0x7d2: {  	v18 =	vadd.f32 $1.000000000e+00, v17;
	v19 =	vpop (erf)  }
0x7d3: {  	v23 =	vld [tilespmem:s16+$0x7340];
	[tilespmem:s15+$0xFFFFFFE0] =	vst v8;
	(erf) = vrcp.f32 v9;
	v7 =	vsub.f32 $0.0e+00, v7;
	v21 =	vadd.f32 $1.000000000e+00, v19  }
0x7d4: {  	v20 =	vld [tilespmem:s12+$0x6F70];
	(erf) = vrcp.f32 v18  }
0x7d5: {  	v22 =	vld [tilespmem:s12+$0x8F70];
	v7 =	vmul.f32 $1.442695020e+00, v7;
	(erf) = vrcp.f32 v21  }
0x7d6: {  	v24 =	vld [tilespmem:s16+$0x9340]  }
0x7d7: {  	v25 =	vld [tilespmem:s12+$0x4F70];
	(erf) = vpow2.f32 v7  }
0x7d8: {  	v26 =	vld [tilespmem:s16+$0x5340];
	_ =	sdelay $0x1  }
0x7d9: {  	v27 =	vadd.f32 v22, v20  }
0x7da: {  	v8 =	vadd.f32 v24, v23  }
0x7db: {  	v28 =	vadd.f32 v25, v27;
	v7 =	vpop (erf)  }
0x7dc: {  	v8 =	vadd.f32 v26, v8;
	v29 =	vpop (erf)  }
0x7dd: {  	v9 =	vsub.f32 $0.0e+00, v28;
	v30 =	vpop (erf)  }
0x7de: {  	v8 =	vmul.f32 v30, v8  }
0x7df: {  	v9 =	vmul.f32 $1.442695020e+00, v9;
	v31 =	vpop (erf)  }
0x7e0: {  	v32 =	vld [tilespmem:s23+$0x7340];
	v11 =	vadd.f32 $1.000000000e+00, v31;
	[tilespmem:s24+$0xFFFFFFC0] =	vst v8  }
0x7e1: {  	(erf) = vpow2.f32 v9;
	v8 =	vld [tilespmem:s16+$0x6F50]  }
0x7e2: {  	(erf) = vrcp.f32 v11;
	v33 =	vld [tilespmem:s16+$0x8F50]  }
0x7e3: {  	v34 =	vld [tilespmem:s23+$0x9340]  }
0x7e4: {  	v35 =	vld [tilespmem:s16+$0x4F50]  }
0x7e5: {  	v36 =	vld [tilespmem:s23+$0x5340];
	_ =	sdelay $0x1  }
0x7e6: {  	v8 =	vadd.f32 v33, v8  }
0x7e7: {  	v37 =	vadd.f32 v34, v32  }
0x7e8: {  	v8 =	vadd.f32 v35, v8  }
0x7e9: {  	v9 =	vadd.f32 v36, v37;
	v38 =	vpop (erf)  }
0x7ea: {  	v39 =	vpop (erf);
	v8 =	vsub.f32 $0.0e+00, v8  }
0x7eb: {  	v11 =	vadd.f32 $1.000000000e+00, v38;
	v9 =	vmul.f32 v39, v9  }
0x7ec: {  	v8 =	vmul.f32 $1.442695020e+00, v8  }
0x7ed: {  	(erf) = vrcp.f32 v11;
	[tilespmem:s24+$0x40] =	vst v9  }
0x7ee: {  	(erf) = vpow2.f32 v8;
	v40 =	vld [tilespmem:s23+$0x6F50]  }
0x7ef: {  	v9 =	vld [tilespmem:s23+$0x8F50];
	_ =	sdelay $0x1  }
0x7f0: {  	v41 =	vld [tilespmem:s23+$0x4F50];
	_ =	sdelay $0x2  }
0x7f1: {  	v9 =	vadd.f32 v9, v40;
	_ =	sdelay $0x1  }
0x7f2: {  	v8 =	vpop (erf);
	v9 =	vadd.f32 v41, v9  }
0x7f3: {  	v42 =	vpop (erf)  }
0x7f4: {  	v9 =	vsub.f32 $0.0e+00, v9;
	v11 =	vadd.f32 $1.000000000e+00, v42;
	_ =	sdelay $0x1  }
0x7f5: {  	v43 =	vld [tilespmem:s16+$0x7350];
	v9 =	vmul.f32 $1.442695020e+00, v9;
	(erf) = vrcp.f32 v11  }
0x7f6: {  	v44 =	vld [tilespmem:s16+$0x9350]  }
0x7f7: {  	(erf) = vpow2.f32 v9  }
0x7f8: {  	v45 =	vld [tilespmem:s16+$0x5350];
	_ =	sdelay $0x2  }
0x7f9: {  	v11 =	vadd.f32 v44, v43;
	_ =	sdelay $0x1  }
0x7fa: {  	v9 =	vadd.f32 v45, v11  }
0x7fb: {  	v46 =	vld [tilespmem:s14+$0x7360];
	v47 =	vpop (erf)  }
0x7fc: {  	v48 =	vld [tilespmem:s14+$0x9360];
	v9 =	vmul.f32 v47, v9  }
0x7fd: {  	v49 =	vld [tilespmem:s14+$0x5360];
	v50 =	vpop (erf)  }
0x7fe: {  	v51 =	vld [tilespmem:s23+$0x7350];
	v52 =	vadd.f32 $1.000000000e+00, v50;
	[tilespmem:s24+$0xFFFFFFD0] =	vst v9  }
0x7ff: {  	v53 =	vld [tilespmem:s16+$0x6F60]  }
0x800: {  	v54 =	vld [tilespmem:s16+$0x8F60];
	(erf) = vrcp.f32 v52  }
0x801: {  	v55 =	vld [tilespmem:s23+$0x9350]  }
0x802: {  	v56 =	vld [tilespmem:s16+$0x4F60]  }
0x803: {  	v18 =	vld [tilespmem:s23+$0x5350]  }
0x804: {  	v11 =	vadd.f32 v48, v46  }
0x805: {  	v57 =	vadd.f32 v54, v53  }
0x806: {  	v11 =	vadd.f32 v49, v11;
	v9 =	vadd.f32 v55, v51  }
0x807: {  	v58 =	vadd.f32 v56, v57  }
0x808: {  	v10 =	vmul.f32 v29, v11;
	v9 =	vadd.f32 v18, v9  }
0x809: {  	v59 =	vsub.f32 $0.0e+00, v58;
	v60 =	vpop (erf)  }
0x80a: {  	[tilespmem:s15+$0x60] =	vst v10;
	v9 =	vmul.f32 v60, v9  }
0x80b: {  	v10 =	vld [tilespmem:s14+$0x6F70];
	v11 =	vmul.f32 $1.442695020e+00, v59  }
0x80c: {  	v61 =	vld [tilespmem:s14+$0x8F70];
	[tilespmem:s24+$0x50] =	vst v9  }
0x80d: {  	(erf) = vpow2.f32 v11;
	v9 =	vld [tilespmem:s23+$0x6F60]  }
0x80e: {  	v62 =	vld [tilespmem:s23+$0x8F60]  }
0x80f: {  	v16 =	vld [tilespmem:s14+$0x4F70]  }
0x810: {  	v17 =	vld [tilespmem:s23+$0x4F60];
	_ =	sdelay $0x1  }
0x811: {  	v10 =	vadd.f32 v61, v10  }
0x812: {  	v9 =	vadd.f32 v62, v9  }
0x813: {  	v10 =	vadd.f32 v16, v10  }
0x814: {  	v9 =	vadd.f32 v17, v9  }
0x815: {  	v10 =	vsub.f32 $0.0e+00, v10;
	v18 =	vpop (erf)  }
0x816: {  	v9 =	vsub.f32 $0.0e+00, v9;
	v11 =	vadd.f32 $1.000000000e+00, v18  }
0x817: {  	v10 =	vmul.f32 $1.442695020e+00, v10  }
0x818: {  	v9 =	vmul.f32 $1.442695020e+00, v9;
	(erf) = vrcp.f32 v11  }
0x819: {  	v19 =	vld [tilespmem:s16+$0x7360];
	(erf) = vpow2.f32 v10  }
0x81a: {  	v20 =	vld [tilespmem:s16+$0x9360];
	(erf) = vpow2.f32 v9;
	_ =	sdelay $0x1  }
0x81b: {  	v21 =	vld [tilespmem:s16+$0x5360];
	_ =	sdelay $0x2  }
0x81c: {  	v10 =	vadd.f32 v20, v19;
	_ =	sdelay $0x1  }
0x81d: {  	v9 =	vadd.f32 v21, v10;
	v22 =	vpop (erf)  }
0x81e: {  	v23 =	vpop (erf)  }
0x81f: {  	v9 =	vmul.f32 v22, v9;
	v24 =	vadd.f32 $1.000000000e+00, v23;
	v25 =	vpop (erf)  }
0x820: {  	v26 =	vld [tilespmem:s23+$0x7360];
	v11 =	vadd.f32 $1.000000000e+00, v25  }
0x821: {  	v27 =	vld [tilespmem:s23+$0x9360];
	[tilespmem:s24+$0xFFFFFFE0] =	vst v9;
	(erf) = vrcp.f32 v24  }
0x822: {  	v9 =	vld [tilespmem:s16+$0x6F70];
	(erf) = vrcp.f32 v11  }
0x823: {  	v28 =	vld [tilespmem:s16+$0x8F70]  }
0x824: {  	v29 =	vld [tilespmem:s23+$0x5360]  }
0x825: {  	v30 =	vld [tilespmem:s16+$0x4F70];
	_ =	sdelay $0x2  }
0x826: {  	v12 =	vadd.f32 v27, v26;
	v9 =	vadd.f32 v28, v9;
	_ =	sdelay $0x1  }
0x827: {  	v31 =	vadd.f32 v29, v12;
	v9 =	vadd.f32 v30, v9;
	v32 =	vpop (erf)  }
0x828: {  	v33 =	vpop (erf)  }
0x829: {  	v9 =	vsub.f32 $0.0e+00, v9;
	v10 =	vmul.f32 v33, v31;
	_ =	sdelay $0x1  }
0x82a: {  	v9 =	vmul.f32 $1.442695020e+00, v9;
	[tilespmem:s24+$0x60] =	vst v10  }
0x82b: {  	v10 =	vld [tilespmem:s23+$0x6F70]  }
0x82c: {  	(erf) = vpow2.f32 v9;
	v34 =	vld [tilespmem:s23+$0x8F70];
	_ =	sdelay $0x1  }
0x82d: {  	v35 =	vld [tilespmem:s23+$0x4F70];
	_ =	sdelay $0x2  }
0x82e: {  	v9 =	vadd.f32 v34, v10;
	_ =	sdelay $0x1  }
0x82f: {  	v9 =	vadd.f32 v35, v9;
	_ =	sdelay $0x1  }
0x830: {  	v36 =	vpop (erf);
	v9 =	vsub.f32 $0.0e+00, v9  }
0x831: {  	v10 =	vadd.f32 $1.000000000e+00, v36  }
0x832: {  	v37 =	vld [tilespmem:s11+$0x7370];
	v9 =	vmul.f32 $1.442695020e+00, v9  }
0x833: {  	v38 =	vld [tilespmem:s11+$0x9370];
	(erf) = vrcp.f32 v10  }
0x834: {  	v39 =	vld [tilespmem:s11+$0x5370];
	(erf) = vpow2.f32 v9  }
0x835: {  	v40 =	vld [tilespmem:s10+$0x7370]  }
0x836: {  	v41 =	vld [tilespmem:s10+$0x9370]  }
0x837: {  	v42 =	vld [tilespmem:s10+$0x5370]  }
0x838: {  	v43 =	vld [tilespmem:s12+$0x7370]  }
0x839: {  	v44 =	vld [tilespmem:s12+$0x9370]  }
0x83a: {  	v45 =	vld [tilespmem:s12+$0x5370]  }
0x83b: {  	v19 =	vld [tilespmem:s14+$0x7370]  }
0x83c: {  	v20 =	vld [tilespmem:s14+$0x9370];
	v21 =	vpop (erf)  }
0x83d: {  	v22 =	vld [tilespmem:s14+$0x5370];
	v23 =	vpop (erf)  }
0x83e: {  	v24 =	vld [tilespmem:s16+$0x7370];
	v23 =	vadd.f32 $1.000000000e+00, v23  }
0x83f: {  	v25 =	vld [tilespmem:s16+$0x9370]  }
0x840: {  	v46 =	vld [tilespmem:s23+$0x7370];
	(erf) = vrcp.f32 v23  }
0x841: {  	v3 =	vadd.f32 v3, v5;
	v48 =	vadd.f32 v41, v40;
	v47 =	vld [tilespmem:s23+$0x9370]  }
0x842: {  	v50 =	vadd.f32 v44, v43;
	v49 =	vld [tilespmem:s16+$0x5370]  }
0x843: {  	v3 =	vmul.f32 v4, v3;
	v52 =	vadd.f32 v42, v48;
	v53 =	vadd.f32 v20, v19;
	v51 =	vld [tilespmem:s23+$0x5370]  }
0x844: {  	v54 =	vadd.f32 v45, v50;
	v12 =	vadd.f32 v38, v37  }
0x845: {  	[tilespmem:s9+$0x70] =	vst v3;
	v3 =	vmul.f32 v7, v52;
	v56 =	vadd.f32 v22, v53;
	v55 =	vadd.f32 v25, v24  }
0x846: {  	v58 =	vmul.f32 v8, v54;
	v57 =	vadd.f32 v47, v46;
	v10 =	vadd.f32 v39, v12  }
0x847: {  	[tilespmem:s13+$0x70] =	vst v3;
	v59 =	vadd.f32 v49, v55;
	v3 =	vmul.f32 v32, v56  }
0x848: {  	[tilespmem:s15+$0xFFFFFFF0] =	vst v58;
	v60 =	vadd.f32 v51, v57;
	v6 =	vmul.f32 v6, v10  }
0x849: {  	[tilespmem:s15+$0x70] =	vst v3;
	v61 =	vmul.f32 v21, v59;
	v62 =	vpop (erf)  }
0x84a: {  	[tilespmem:s13+$0xFFFFFFF0] =	vst v6;
	v3 =	vmul.f32 v62, v60  }
0x84b: {  	[tilespmem:s24+$0xFFFFFFF0] =	vst v61  }
0x84c: {  	[tilespmem:s24+$0x70] =	vst v3  }
0x84d: {  	v3 =	vld [tilespmem:$0x2700];
	_ =	sdelay $0x4  }
0x84e: {  	[tilespmem:$0xBF00] =	vst v3  }
0x84f: {  	[spmem:s2] =	stream.indirect.scatter.add.f32 [tilespmem:s0], [sflag:$0x3], $0x80, s31, s30, $0xb8;
	v63 =	vld [tilespmem:$0x0]  }
0x850: {  	_ =	swait.ge [sflag:s25], $0x800  }
0x851: {  	[sflag:s25] =	ssyncset.done $0x0  }
0x852: {  	s8 =	simm.s32 $0x4;
	[sflag:s25] =	ssyncadd.s32 $0xFFFFF800  }
0x853: {  	_ =	swait.ge [sflag:s8], $0x800  }
0x854: {  	[sflag:s8] =	ssyncset.done $0x0  }
0x855: {  	[sflag:s8] =	ssyncadd.s32 $0xFFFFF800  }
0x856: {  	[bflag:$0x0] =	sbarrier.arrive $0xFFFF  }
0x857: {  	s12 =	rddreg [dreg:$0x5]  }
0x858: {  	s25 =	rddreg [dreg:$0x9]  }
0x859: {  	s10 =	simm.s32 $0x5;
	s9 =	rddreg [dreg:$0xb]  }
0x85a: {  	[hbm:s25], [sflag:s12] =	dma.local [spmem:s9], $0x2800  }
0x85b: {  	_ =	swait.ge [sflag:s10], $0x2800  }
0x85c: {  	s26 =	rddreg [dreg:$0xc]  }
0x85d: {  	s28 =	rddreg [dreg:$0xa];
	s11 =	sadd.s32 $0x1, s26  }
0x85e: {  	p0 =	sne.s32 s11, s28  }
.Ltmp4:
0x85f: {  	_ = 	snop;
	(pc) =	sbr.rel @p0 .LBB2_1-.Ltmp4, $3  }
0x860: {  	_ =	sdelay $0x1  }
0x861: {  	[sflag:s10] =	ssyncset.done $0x0  }
0x862: {  	[sflag:s10] =	ssyncadd.s32 $0xFFFFD800  }
0x863: {  	_ =	sfence.sel $0x180000  }
0x864: {  	[bflag:$0x0] =	sbarrier.arrive $0xFFFF  }
0x865: {  	_ =	strace $0x9000004A  }
0x866: {  	s0 =	stileid.u32;
	[bflag:$0x2] =	sbarrier.arrive $0xFFFF  }
0x867: {  	p0 =	sne.s32 s0, $0x0;
	s0 =	rddreg [dreg:$0x3]  }
0x868: {  	s0 =	sadd.s32 @!p0 $0x100000, s0  }
0x869: {  	[sflag:s0] =	ssyncadd.tile.s32 @!p0 $0x1;
	_ =	shalt  }
.Lfunc_end2:
_tile_overlayer_lowered:
.L_overlay_start_2:
0x86a: {  	(tag) =	ssettag $0x2  }
0x86b: {  	s0 =	rddreg [dreg:$0x0];
	s2 =	stileid.u32  }
0x86c: {  	s1 =	rddreg [dreg:$0x1];
	p0 =	sne.s32 s2, $0x0  }
0x86d: {  	s3 =	rddreg [dreg:$0x2];
	[bflag:$0x3] =	sbarrier.arrive $0xFFFF;
	s2 =	simm.s32 @!p0 $0x1C05  }
0x86e: {  	[timem:s3], [sflag:s2] =	dma.local @!p0 [hbm:s0], s1  }
0x86f: {  	s0 =	simm.s32 @!p0 $0x5  }
0x870: {  	_ =	swait.ge @!p0 [sflag:s0], s1  }
0x871: {  	s1 =	ssub.s32 @!p0 $0x0, s1;
	[sflag:s0] =	ssyncset.done @!p0 $0x0  }
0x872: {  	[sflag:s0] =	ssyncadd.s32 @!p0 s1  }
0x873: {  	[bflag:$0x3] =	sbarrier.arrive $0xFFFF  }
0x874: {  	_ =	shalt  }

// kernel: kernel.7.cloned.1.call-start
scs
__scs_entry_jumppad:
0x0: {  	(pc) =	sbr.rel $0x88, $3  }
0x1: {  	(tag) =	ssettag $0x0;
	lr =	simm.s32 $0x1  }
0x2: {  	[smem:$0x3F92] =	sst lr;
	_ =	strace $0xD0000000  }
0x3: {  	_ = 	snop  }
0x4: {  	_ = 	snop  }
0x5: {  	_ = 	snop  }
0x6: {  	_ = 	snop  }
0x7: {  	_ = 	snop  }
__scs_overlays_trampoline_lowered:
0x8: {  	[smem:$0x3FA1] =	sst s0  }
0x9: {  	[smem:$0x3FA2] =	sst s1  }
0xa: {  	[smem:$0x3FA3] =	sst s2  }
0xb: {  	[smem:$0x3FA4] =	sst s3  }
0xc: {  	[smem:$0x3FA5] =	sst s4  }
0xd: {  	[smem:$0x3FA6] =	sst s5  }
0xe: {  	[smem:$0x3FA7] =	sst s6  }
0xf: {  	[smem:$0x3FA8] =	sst s7  }
0x10: {  	[smem:$0x3FA9] =	sst s8  }
0x11: {  	[smem:$0x3FAA] =	sst s9;
	s0 =	simm.s32 @!p0 $0x0  }
0x12: {  	s1 =	sld [smem:$0x3F90];
	s0 =	simm.s32 @p0 $0x1  }
0x13: {  	[smem:$0x3FAB] =	sst s0;
	s0 =	simm.s32 @!p1 $0x0  }
0x14: {  	s2 =	sld [smem:$0x3F8F];
	s0 =	simm.s32 @p1 $0x1  }
0x15: {  	[smem:$0x3FAC] =	sst s0;
	s0 =	simm.s32 @!p2 $0x0  }
0x16: {  	s3 =	sld [smem:$0x3FDB];
	s0 =	simm.s32 @p2 $0x1  }
0x17: {  	s4 =	simm.s32 $0x1BF5;
	[smem:$0x3FAE] =	sst s0  }
0x18: {  	s0 =	sld [smem:$0x3F91];
	_ =	swait.ge [sflag:s4], $0x0  }
0x19: {  	s7 =	sld [smem:$0x3F92]  }
0x1a: {  	s8 =	sadd.s32 $0xFFFFE003, lr  }
0x1b: {  	s9 =	sadd.s32 $0xFFFFFEF7, lr;
	s5 =	simm.s32 $0xFFFFFFFF;
	p2 =	slt.u32 s8, $0xFFFFF086  }
0x1c: {  	p1 =	slt.u32 s9, $0xF7A;
	s5 =	simm.s32 @!p2 $0x0  }
0x1d: {  	s5 =	simm.s32 @p1 $0x1;
	p0 =	seq.s32 s7, s2  }
0x1e: {  	s7 =	smul.u32 @!p0 $0xF7A, s2;
	p2 =	seq.s32 @!p0 s5, $0x0  }
0x1f: {  	s9 =	smul.u32 $0xF7A, s1;
	s8 =	simm.s32 @!p0 $0x1BF5;
	p2 =	por !p2, p0  }
0x20: {  	[sflag:s8] =	ssyncset.s32 @!p0 $0xFFFFF086;
	s6 =	sadd.s32 @!p0 s3, s7;
	s7 =	simm.s32 @!p0 $0x108  }
0x21: {  	s3 =	sadd.s32 s3, s9;
	s6 =	sadd.s32 @!p0 $0x88, s6;
	s7 =	simm.s32 @p2 $0x1082  }
0x22: {  	[simem:s7], [sflag:s8] =	dma.local @!p0 [hbm:s6], $0xF7A  }
0x23: {  	s9 =	sor.u32 $0xD0000000, s2;
	s6 =	simm.s32 $0x108;
	_ =	swait.ge @!p0 [sflag:s8], $0x0  }
0x24: {  	s3 =	sadd.s32 $0x88, s3;
	s6 =	simm.s32 @!p1 $0x1082;
	[sflag:s4] =	ssyncset.s32 $0xFFFFF086  }
0x25: {  	[simem:s6], [sflag:s4] =	dma.local [hbm:s3], $0xF7A  }
0x26: {  	[smem:$0x3F92] =	sst s1;
	(tag) =	ssettag s2;
	_ =	strace s9  }
0x27: {  	s1 =	sld [smem:$0x3FA2]  }
0x28: {  	s2 =	sld [smem:$0x3FA3]  }
0x29: {  	s4 =	sld [smem:$0x3FA5]  }
0x2a: {  	p0 =	seq.s32 s5, $0x0;
	s5 =	sld [smem:$0x3FA6]  }
0x2b: {  	s6 =	sld [smem:$0x3FA7]  }
0x2c: {  	s7 =	sld [smem:$0x3FA8]  }
0x2d: {  	s3 =	simm.s32 $0x108;
	s8 =	sld [smem:$0x3FA9]  }
0x2e: {  	s3 =	simm.s32 @!p0 $0x1082;
	s9 =	sld [smem:$0x3FAA]  }
0x2f: {  	lr =	sadd.s32 s0, s3;
	s0 =	sld [smem:$0x3FA1]  }
0x30: {  	s3 =	sld [smem:$0x3FA4]  }
0x31: {  	[smem:$0x3FAD] =	sst s10  }
0x32: {  	s10 =	sld [smem:$0x3FAB];
	_ =	sdelay $0x3  }
0x33: {  	p0 =	seq.s32 s10, $0x1;
	s10 =	sld [smem:$0x3FAD];
	_ =	sdelay $0x3  }
0x34: {  	[smem:$0x3FAD] =	sst s10  }
0x35: {  	s10 =	sld [smem:$0x3FAC];
	_ =	sdelay $0x3  }
0x36: {  	p1 =	seq.s32 s10, $0x1;
	s10 =	sld [smem:$0x3FAD];
	_ =	sdelay $0x3  }
0x37: {  	[smem:$0x3FAD] =	sst s10  }
0x38: {  	s10 =	sld [smem:$0x3FAE]  }
0x39: {  	_ = 	snop;
	(pc) =	sbr.ind lr, $3  }
0x3a: {  	_ = 	snop  }
0x3b: {  	_ = 	snop  }
0x3c: {  	p2 =	seq.s32 s10, $0x1;
	s10 =	sld [smem:$0x3FAD]  }
0x3d: {  	_ =	shalt  }
0x3e: {  	_ =	shalt  }
0x3f: {  	_ =	shalt  }
0x40: {  	_ =	shalt  }
0x41: {  	_ =	shalt  }
0x42: {  	_ =	shalt  }
0x43: {  	_ =	shalt  }
0x44: {  	_ =	shalt  }
0x45: {  	_ =	shalt  }
0x46: {  	_ =	shalt  }
0x47: {  	_ =	shalt  }
0x48: {  	_ =	shalt  }
0x49: {  	_ =	shalt  }
0x4a: {  	_ =	shalt  }
0x4b: {  	_ =	shalt  }
0x4c: {  	_ =	shalt  }
0x4d: {  	_ =	shalt  }
0x4e: {  	_ =	shalt  }
0x4f: {  	_ =	shalt  }
0x50: {  	_ =	shalt  }
0x51: {  	_ =	shalt  }
0x52: {  	_ =	shalt  }
0x53: {  	_ =	shalt  }
0x54: {  	_ =	shalt  }
0x55: {  	_ =	shalt  }
0x56: {  	_ =	shalt  }
0x57: {  	_ =	shalt  }
0x58: {  	_ =	shalt  }
0x59: {  	_ =	shalt  }
0x5a: {  	_ =	shalt  }
0x5b: {  	_ =	shalt  }
0x5c: {  	_ =	shalt  }
0x5d: {  	_ =	shalt  }
0x5e: {  	_ =	shalt  }
0x5f: {  	_ =	shalt  }
0x60: {  	_ =	shalt  }
0x61: {  	_ =	shalt  }
0x62: {  	_ =	shalt  }
0x63: {  	_ =	shalt  }
0x64: {  	_ =	shalt  }
0x65: {  	_ =	shalt  }
0x66: {  	_ =	shalt  }
0x67: {  	_ =	shalt  }
0x68: {  	_ =	shalt  }
0x69: {  	_ =	shalt  }
0x6a: {  	_ =	shalt  }
0x6b: {  	_ =	shalt  }
0x6c: {  	_ =	shalt  }
0x6d: {  	_ =	shalt  }
0x6e: {  	_ =	shalt  }
0x6f: {  	_ =	shalt  }
0x70: {  	_ =	shalt  }
0x71: {  	_ =	shalt  }
0x72: {  	_ =	shalt  }
0x73: {  	_ =	shalt  }
0x74: {  	_ =	shalt  }
0x75: {  	_ =	shalt  }
0x76: {  	_ =	shalt  }
0x77: {  	_ =	shalt  }
0x78: {  	_ =	shalt  }
0x79: {  	_ =	shalt  }
0x7a: {  	_ =	shalt  }
0x7b: {  	_ =	shalt  }
0x7c: {  	_ =	shalt  }
0x7d: {  	_ =	shalt  }
0x7e: {  	_ =	shalt  }
0x7f: {  	_ =	shalt  }
0x80: {  	_ =	shalt  }
0x81: {  	_ =	shalt  }
0x82: {  	_ =	shalt  }
0x83: {  	_ =	shalt  }
0x84: {  	_ =	shalt  }
0x85: {  	_ =	shalt  }
0x86: {  	_ =	shalt  }
0x87: {  	_ =	shalt  }
.Lfunc_end0:
.L_simem_size_0:
called_computation_lowered:
.L_overlay_start_0:
0x88: {  	s2 =	sld [smem:$0x3FD9]  }
0x89: {  	s3 =	sld [smem:$0x3FFE];
	_ =	sdelay $0x1  }
0x8a: {  	s1 =	srdreg.scid  }
0x8b: {  	s0 =	sand.u32 $0x1, s1  }
0x8c: {  	s16 =	sshll.u32 s0, $0xA;
	s2 =	sadd.s32 s3, s2  }
0x8d: {  	s2 =	sadd.s32 s2, s16  }
0x8e: {  	[smem:$0x3FB9] =	sst s2  }
0x8f: {  	_ = 	snop  }
0x90: {  	(tm) =	ssettm $0x1  }
0x91: {  	s17 =	sld [smem:$0x3FFB];
	_ =	sdelay $0x3  }
0x92: {  	_ =	strace s17  }
0x93: {  	s2 =	sld [smem:$0x3FFC];
	_ =	sdelay $0x3  }
0x94: {  	_ =	strace s2  }
0x95: {  	s2 =	sld [smem:$0x3FFD];
	_ =	sdelay $0x3  }
0x96: {  	_ =	strace s2  }
0x97: {  	_ =	strace $0x8FFFFFFF  }
0x98: {  	s18 =	sld [smem:$0x3FDB];
	_ =	sdelay $0x1  }
0x99: {  	s19 =	simm.s32 $_scs_section_size  }
0x9a: {  	s4 =	simm.s32 $_size__tile_overlayer_lowered;
	s5 =	simm.s32 $_tile_overlayer_lowered  }
0x9b: {  	s22 =	simm.s32 $0x1BFF;
	s21 =	sshll.u32 s5, $0x1;
	s2 =	sadd.s32 s19, s18  }
0x9c: {  	s6 =	simm.s32 $0x0;
	s20 =	sshll.u32 s4, $0x1;
	s4 =	sadd.s32 s21, s2  }
0x9d: {  	[timem:s6], [sflag:s22] =	dma.local [hbm:s4], s20  }
0x9e: {  	_ =	swait.ge [sflag:s22], s20  }
0x9f: {  	s3 =	ssub.s32 $0x0, s20;
	[sflag:s22] =	ssyncset.done $0x0  }
0xa0: {  	[sflag:s22] =	ssyncadd.s32 s3;
	_ =	sdelay $0x1  }
0xa1: {  	s23 =	simm.s32 $0x1B8B  }
0xa2: {  	_ =	swait.ge [sflag:s23], $0x1  }
0xa3: {  	[sflag:s23] =	ssyncset.done $0x0  }
0xa4: {  	s25 =	simm.s32 $0x1B8E;
	s24 =	sld [smem:$0x3FFE];
	[sflag:s23] =	ssyncadd.s32 $0xFFFFFFFF  }
0xa5: {  	s26 =	simm.s32 $execute0_lowered;
	[smem:$0x3FD2] =	sst s25  }
0xa6: {  	s4 =	sshll.u32 s26, $0x1;
	_ =	strace $0x80000046;
	[dreg:$0x1] =	wrdreg $0xFFFFFFFF  }
0xa7: {  	s28 =	simm.s32 $_size_execute0_lowered;
	s2 =	sadd.s32 s2, s4;
	[dreg:$0x0] =	wrdreg $0x0  }
0xa8: {  	s4 =	sshll.u32 s28, $0x1;
	[dreg:$0x2] =	wrdreg s2  }
0xa9: {  	[dreg:$0x3] =	wrdreg s4  }
0xaa: {  	[dreg:$0x4] =	wrdreg $0xC0  }
0xab: {  	_ =	task [dreg:s6], $0x5FFFF  }
0xac: {  	[dreg:$0x1] =	wrdreg $0xFFFFFFFF  }
0xad: {  	[dreg:$0x0] =	wrdreg $0x60  }
0xae: {  	[dreg:$0x2] =	wrdreg s24  }
0xaf: {  	[dreg:$0x3] =	wrdreg $0x38800  }
0xb0: {  	[dreg:$0x4] =	wrdreg $0x9  }
0xb1: {  	_ =	task.clear_ibuf [dreg:s6], $0x5FFFF;
	_ =	strace $0x90000046  }
0xb2: {  	s29 =	simm.s32 $0x9;
	_ =	strace $0x80000048  }
0xb3: {  	_ =	swait.ge [sflag:s29], $0x1  }
0xb4: {  	[sflag:s29] =	ssyncadd.s32 $0xFFFFFFFF  }
0xb5: {  	_ =	strace $0x90000048  }
0xb6: {  	_ =	sfence  }
0xb7: {  	s30 =	sld [smem:$0x0];
	_ =	sdelay $0x2  }
0xb8: {  	s31 =	sshll.u32 s1, $0xD;
	s1 =	sshrl.u32 s1, $0x2  }
0xb9: {  	s3 =	sand.u32 $0x4000, s31;
	s1 =	sadd.s32 s1, s30  }
0xba: {  	s0 =	sor.u32 s3, s0;
	s1 =	sshll.u32 s1, $0x11  }
0xbb: {  	s0 =	sor.u32 s1, s0  }
0xbc: {  	s0 =	sadd.s32 $0x8F2B, s0  }
0xbd: {  	[sflag:s0] =	ssyncadd.remote.s32 $0x1  }
0xbe: {  	_ =	sfence.sel $0xFFFF  }
0xbf: {  	[dreg:$0x0] =	wrdreg $0xFFFFFFFF;
	(pc) =	sbr.abs _section_cstart, $3  }
0xc0: {  	[dreg:$0x1] =	wrdreg $0xFFFFFFFF  }
0xc1: {  	_ =	task.clear_ibuf [dreg:s6], $0x2FFFF;
	_ =	strace $0x9FFFFFFF  }
0xc2: {  	(tm) =	ssettm $0x7FFFFFFF  }
0xc3: {  	_ =	shalt  }
tec
execute0_lowered:
.L_overlay_start_1:
0x0: {  	(tag) =	ssettag $0x1  }
0x1: {  	s1 =	srdreg.scid;
	s5 =	rddreg [dreg:$0x0]  }
0x2: {  	s0 =	stileid.u32;
	s2 =	rddreg [dreg:$0x1]  }
0x3: {  	s3 =	simm.s32 $0x0;
	s12 =	simm.s32 $0x3780;
	s13 =	simm.s32 $0x2780  }
0x4: {  	s14 =	simm.s32 $0x3800;
	s15 =	simm.s32 $0x2F80;
	s16 =	simm.s32 $0x1  }
0x5: {  	s17 =	simm.s32 $0x2;
	s18 =	simm.s32 $0x0;
	s7 =	smul.u32 $0x2800, s0  }
0x6: {  	s4 =	sand.u32 $0x1, s1;
	s26 =	sshll.u32 s0, $0x1;
	s9 =	smul.u32 $0x50000, s0  }
0x7: {  	[smem:$0x7FF] =	sst s3;
	s1 =	sor.u32 s4, s26;
	s8 =	smul.u32 $0x28000, s4  }
0x8: {  	s31 =	sshll.u32 s0, $0x6;
	s4 =	ssub.s32 $0x2, s4;
	s6 =	smul.u32 $0x4E2, s1  }
0x9: {  	s1 =	rddreg [dreg:$0x2];
	_ =	strace $0x80000047;
	s10 =	sadd.s32 s7, s5  }
0xa: {  	s28 =	sshrl.u32 s4, $0x1;
	s29 =	sshrl.u32 s9, $0x2;
	s7 =	sadd.s32 s7, s8  }
0xb: {  	s30 =	ssub.s32 s4, s28;
	s11 =	sadd.s32 s29, s2;
	s4 =	sadd.s32 $0xCA00, s10  }
0xc: {  	s10 =	simm.s32 $0x3;
	s6 =	sadd.s32 s6, s5;
	s7 =	sadd.s32 s7, s5  }
0xd: {  	s5 =	sor.u32 $0x1C03, s31;
	s8 =	smax.u32 s30, $0x1;
	s9 =	sshrl.u32 s11, $0x3  }
0xe: {  	v0 =	vimm.f32 $1.000000000e+00;
	s11 =	simm.s32 $0x10;
	s6 =	sadd.s32 $0x2C00, s6;
	s7 =	sadd.s32 $0x34A00, s7  }
.LBB2_1:
0xf: {  	[spmem:s9], [sflag:s5] =	dma.local [hbm:s4], $0x2800  }
0x10: {  	_ =	swait.ge [sflag:s10], $0x2800  }
0x11: {  	[sflag:s10] =	ssyncset.done $0x0  }
0x12: {  	[sflag:s10] =	ssyncadd.s32 $0xFFFFD800  }
0x13: {  	[tilespmem:s3], [sflag:$0x3] =	stream.linear.gather [hbm4b:s6+s3], $0x2710, $0x38;
	[tilespmem:$0x17880] =	vst v63  }
0x14: {  	_ =	swait.ge [sflag:s10], $0x2710  }
0x15: {  	[sflag:s10] =	ssyncset.done $0x0  }
0x16: {  	s19 =	simm.s32 $0x0;
	s20 =	simm.s32 $0x200;
	[sflag:s10] =	ssyncadd.s32 $0xFFFFD8F0  }
.LBB2_2:
0x17: {  	p0 =	sne.s32 s20, $0x1E00;
	[tilespmem:s19+$0x2FF0] =	vst v0  }
0x18: {  	[tilespmem:s19+$0x2780] =	vst v0  }
0x19: {  	[tilespmem:s19+$0x2F80] =	vst v0  }
0x1a: {  	[tilespmem:s19+$0x2790] =	vst v0  }
0x1b: {  	[tilespmem:s19+$0x2F90] =	vst v0  }
0x1c: {  	[tilespmem:s19+$0x27A0] =	vst v0  }
0x1d: {  	[tilespmem:s19+$0x2FA0] =	vst v0  }
0x1e: {  	[tilespmem:s19+$0x27B0] =	vst v0  }
0x1f: {  	[tilespmem:s19+$0x2FB0] =	vst v0  }
0x20: {  	[tilespmem:s19+$0x27C0] =	vst v0  }
0x21: {  	[tilespmem:s19+$0x2FC0] =	vst v0  }
.Ltmp0:
0x22: {  	[tilespmem:s19+$0x27D0] =	vst v0;
	(pc) =	sbr.rel @p0 .LBB2_2-.Ltmp0, $4  }
0x23: {  	[tilespmem:s19+$0x2FD0] =	vst v0  }
0x24: {  	[tilespmem:s19+$0x27E0] =	vst v0  }
0x25: {  	[tilespmem:s19+$0x2FE0] =	vst v0  }
0x26: {  	[tilespmem:s19+$0x27F0] =	vst v0;
	s19 =	sshra.s32 s20, $0x2;
	s20 =	sadd.s32 $0x200, s20  }
0x27: {  	[tilespmem:s19+$0x2FF0] =	vst v0  }
0x28: {  	[tilespmem:s19+$0x2780] =	vst v0  }
0x29: {  	[tilespmem:s19+$0x2F80] =	vst v0  }
0x2a: {  	[tilespmem:s19+$0x2790] =	vst v0  }
0x2b: {  	[tilespmem:s19+$0x2F90] =	vst v0  }
0x2c: {  	[tilespmem:s19+$0x27A0] =	vst v0  }
0x2d: {  	[tilespmem:s19+$0x2FA0] =	vst v0  }
0x2e: {  	[tilespmem:s19+$0x27B0] =	vst v0  }
0x2f: {  	[tilespmem:s19+$0x2FB0] =	vst v0  }
0x30: {  	[tilespmem:s19+$0x27C0] =	vst v0  }
0x31: {  	[tilespmem:s19+$0x2FC0] =	vst v0  }
0x32: {  	[tilespmem:s19+$0x27D0] =	vst v0  }
0x33: {  	[tilespmem:s19+$0x2FD0] =	vst v0  }
0x34: {  	[tilespmem:s19+$0x27E0] =	vst v0  }
0x35: {  	[tilespmem:s19+$0x2FE0] =	vst v0  }
0x36: {  	[tilespmem:s19+$0x27F0] =	vst v0  }
0x37: {  	[bflag:$0x0] =	sbarrier.arrive $0xFFFF  }
0x38: {  	v1 =	vld [tilespmem:$0x0];
	_ =	sdelay $0x4  }
0x39: {  	[tilespmem:$0x3780] =	vst v1  }
0x3a: {  	[spmem:s2] =	stream.indirect.scatter.add.f32 [tilespmem:s13], [sflag:$0x1], $0x80, s12, s11, $0xb8;
	[tilespmem:$0x17880] =	vst v63  }
0x3b: {  	v1 =	vld [tilespmem:$0x10];
	_ =	sdelay $0x4  }
0x3c: {  	[tilespmem:$0x3800] =	vst v1  }
0x3d: {  	[spmem:s2] =	stream.indirect.scatter.add.f32 [tilespmem:s15], [sflag:$0x2], $0x80, s14, s11, $0xb8;
	[tilespmem:$0x17880] =	vst v63  }
0x3e: {  	_ =	swait.ge [sflag:s16], $0x800  }
0x3f: {  	[sflag:s16] =	ssyncset.done $0x0  }
0x40: {  	[sflag:s16] =	ssyncadd.s32 $0xFFFFF800  }
0x41: {  	_ =	swait.ge [sflag:s17], $0x800  }
0x42: {  	[sflag:s17] =	ssyncset.done $0x0  }
0x43: {  	s31 =	simm.s32 $0x0;
	[sflag:s17] =	ssyncadd.s32 $0xFFFFF800  }
0x44: {  	v1 =	vld [tilespmem:s31+$0x20];
	_ =	sdelay $0x4  }
0x45: {  	[tilespmem:$0x3780] =	vst v1  }
0x46: {  	[spmem:s2] =	stream.indirect.scatter.add.f32 [tilespmem:s13], [sflag:$0x1], $0x80, s12, s11, $0xb8;
	[tilespmem:$0x17880] =	vst v63  }
0x47: {  	v1 =	vld [tilespmem:s31+$0x30];
	_ =	sdelay $0x4  }
0x48: {  	s19 =	simm.s32 $0x80;
	[tilespmem:$0x3800] =	vst v1  }
.LBB2_4:
0x49: {  	[spmem:s2] =	stream.indirect.scatter.add.f32 [tilespmem:s15], [sflag:$0x2], $0x80, s14, s11, $0xb8;
	[tilespmem:$0x17880] =	vst v63  }
0x4a: {  	s20 =	smov.u32 s19  }
0x4b: {  	p0 =	sne.s32 s19, $0x9B00;
	s19 =	sadd.s32 $0x80, s19;
	_ =	swait.ge [sflag:s16], $0x800  }
0x4c: {  	[sflag:s16] =	ssyncset.done $0x0  }
0x4d: {  	[sflag:s16] =	ssyncadd.s32 $0xFFFFF800  }
0x4e: {  	_ =	swait.ge [sflag:s17], $0x800  }
0x4f: {  	[sflag:s17] =	ssyncset.done $0x0  }
0x50: {  	s20 =	sshra.s32 s20, $0x2;
	[sflag:s17] =	ssyncadd.s32 $0xFFFFF800  }
0x51: {  	v1 =	vld [tilespmem:s20+$0x20];
	_ =	sdelay $0x4  }
0x52: {  	[tilespmem:$0x3780] =	vst v1  }
0x53: {  	[spmem:s2] =	stream.indirect.scatter.add.f32 [tilespmem:s13], [sflag:$0x1], $0x80, s12, s11, $0xb8;
	[tilespmem:$0x17880] =	vst v63  }
0x54: {  	v1 =	vld [tilespmem:s20+$0x30]  }
.Ltmp1:
0x55: {  	(pc) =	sbr.rel @p0 .LBB2_4-.Ltmp1, $2  }
0x56: {  	_ =	sdelay $0x2  }
0x57: {  	[tilespmem:$0x3800] =	vst v1  }
0x58: {  	[spmem:s2] =	stream.indirect.scatter.add.f32 [tilespmem:s15], [sflag:$0x2], $0x80, s14, s11, $0xb8;
	[tilespmem:$0x17880] =	vst v63  }
0x59: {  	_ =	swait.ge [sflag:s16], $0x800  }
0x5a: {  	[sflag:s16] =	ssyncset.done $0x0  }
0x5b: {  	[sflag:s16] =	ssyncadd.s32 $0xFFFFF800  }
0x5c: {  	v1 =	vld [tilespmem:$0x2700];
	_ =	sdelay $0x4  }
0x5d: {  	[tilespmem:$0x3780] =	vst v1  }
0x5e: {  	[spmem:s2] =	stream.indirect.scatter.add.f32 [tilespmem:s13], [sflag:$0x1], $0x80, s12, s11, $0xb8;
	[tilespmem:$0x17880] =	vst v63  }
0x5f: {  	_ =	swait.ge [sflag:s16], $0x800  }
0x60: {  	[sflag:s16] =	ssyncset.done $0x0  }
0x61: {  	[sflag:s16] =	ssyncadd.s32 $0xFFFFF800  }
0x62: {  	_ =	swait.ge [sflag:s17], $0x800  }
0x63: {  	s18 =	sadd.s32 $0x1, s18;
	[sflag:s17] =	ssyncset.done $0x0  }
0x64: {  	p0 =	sne.s32 s18, s8;
	[sflag:s17] =	ssyncadd.s32 $0xFFFFF800  }
.Ltmp2:
0x65: {  	[bflag:$0x0] =	sbarrier.arrive $0xFFFF;
	(pc) =	sbr.rel @p0 .LBB2_1-.Ltmp2, $4  }
0x66: {  	[hbm:s7], [sflag:s5] =	dma.local [spmem:s9], $0x2800  }
0x67: {  	_ =	swait.ge [sflag:s10], $0x2800  }
0x68: {  	[sflag:s10] =	ssyncset.done $0x0  }
0x69: {  	[sflag:s10] =	ssyncadd.s32 $0xFFFFD800  }
0x6a: {  	_ =	sfence.sel $0x180000  }
0x6b: {  	[bflag:$0x0] =	sbarrier.arrive $0xFFFF  }
0x6c: {  	p0 =	sne.s32 s0, $0x0;
	_ =	strace $0x90000047  }
0x6d: {  	s0 =	sadd.s32 @!p0 $0x100000, s1;
	[bflag:$0x2] =	sbarrier.arrive $0xFFFF  }
0x6e: {  	[sflag:s0] =	ssyncadd.tile.s32 @!p0 $0x1;
	_ =	shalt  }
.Lfunc_end2:
_tile_overlayer_lowered:
.L_overlay_start_2:
0x6f: {  	(tag) =	ssettag $0x2  }
0x70: {  	s0 =	rddreg [dreg:$0x0];
	s2 =	stileid.u32  }
0x71: {  	s1 =	rddreg [dreg:$0x1];
	p0 =	sne.s32 s2, $0x0  }
0x72: {  	s3 =	rddreg [dreg:$0x2];
	[bflag:$0x3] =	sbarrier.arrive $0xFFFF;
	s2 =	simm.s32 @!p0 $0x1C03  }
0x73: {  	[timem:s3], [sflag:s2] =	dma.local @!p0 [hbm:s0], s1  }
0x74: {  	s0 =	simm.s32 @!p0 $0x3  }
0x75: {  	_ =	swait.ge @!p0 [sflag:s0], s1  }
0x76: {  	s1 =	ssub.s32 @!p0 $0x0, s1;
	[sflag:s0] =	ssyncset.done @!p0 $0x0  }
0x77: {  	[sflag:s0] =	ssyncadd.s32 @!p0 s1  }
0x78: {  	[bflag:$0x3] =	sbarrier.arrive $0xFFFF  }
0x79: {  	_ =	shalt  }

</sc_bundles>
